<compile_context>
chip_gen: v7x
topology: tpu7x:2x2x1
jax: 0.10.2.dev20260603
libtpu: 0.0.44.dev20260713+nightly
codegen_flags: <defaults>
</compile_context>

<pallas_src>
import functools

import jax
import jax.numpy as jnp
from jax import lax
from jax.experimental import pallas as pl
from jax.experimental.pallas import tpu as pltpu
from jax.experimental.pallas import tpu_sc as plsc

N = 10000
NP = 10240
E = 160000
EP = 163840
D = 256
HD = 128
O = 10
G = 128
L = 4
EPS = 1e-5
RB = 512
NRB = NP // RB
RPT = NP // 16
EC = 128
ECS = 64
ECH = 80
_PREC = lax.Precision.HIGHEST

def _sc_scatter_body(hn_lo, hn_hi, src2d, dst2d, zeros_hbm, out_lo, out_hi,
                     src_v, dst_v, buf0, buf1, buf2,
                     acc, sem0, sem1, sem2):
    cid = lax.axis_index("c")
    sid = lax.axis_index("s")
    sl = pl.ds(sid * RPT, RPT)
    pltpu.sync_copy(zeros_hbm, acc.at[sl])
    plsc.subcore_barrier()
    bufs = (buf0, buf1, buf2)
    sems = (sem0, sem1, sem2)

    def run(hn_ref):
        @pl.loop(0, 2)
        def _(p):
            base = sid * (2 * ECH) + p * ECH
            pltpu.sync_copy(src2d.at[pl.ds(base, ECH)], src_v)
            pltpu.sync_copy(dst2d.at[pl.ds(base, ECH)], dst_v)
            for k in range(2):
                pltpu.async_copy(hn_ref.at[src_v.at[k]], bufs[k], sems[k])

            @pl.loop(0, (ECH - 2) // 3)
            def _(i):
                c0 = 3 * i

                def step(k):
                    c = c0 + k
                    pltpu.make_async_copy(
                        hn_ref.at[src_v.at[c]], bufs[k], sems[k]).wait()
                    kn = (k + 2) % 3
                    pltpu.async_copy(
                        hn_ref.at[src_v.at[c + 2]], bufs[kn], sems[kn])
                    pltpu.sync_copy(bufs[k], acc.at[dst_v.at[c]], add=True)

                for k in range(3):
                    step(k)

            for c, k in ((ECH - 2, 0), (ECH - 1, 1)):
                pltpu.make_async_copy(
                    hn_ref.at[src_v.at[c]], bufs[k], sems[k]).wait()
                pltpu.sync_copy(bufs[k], acc.at[dst_v.at[c]], add=True)

    @pl.when(cid == 0)
    def _():
        run(hn_lo)

    @pl.when(cid == 1)
    def _():
        run(hn_hi)

    plsc.subcore_barrier()

    @pl.when(cid == 0)
    def _():
        pltpu.sync_copy(acc.at[sl], out_lo.at[sl])

    @pl.when(cid == 1)
    def _():
        pltpu.sync_copy(acc.at[sl], out_hi.at[sl])


def _sc_deg_body(dst2d, ones_hbm, zeros_hbm, out0, out1, dst_v, ones_v, acc):
    cid = lax.axis_index("c")
    sid = lax.axis_index("s")
    sl = pl.ds(sid * RPT, RPT)
    pltpu.sync_copy(zeros_hbm, acc.at[sl])
    pltpu.sync_copy(dst2d.at[pl.ds((cid * 16 + sid) * 40, 40)], dst_v)
    pltpu.sync_copy(ones_hbm, ones_v)
    plsc.subcore_barrier()

    @pl.loop(0, 40)
    def _(j):
        pltpu.sync_copy(ones_v, acc.at[dst_v.at[j]], add=True)

    plsc.subcore_barrier()

    @pl.when(cid == 0)
    def _():
        pltpu.sync_copy(acc.at[sl], out0.at[sl])

    @pl.when(cid == 1)
    def _():
        pltpu.sync_copy(acc.at[sl], out1.at[sl])


@functools.cache
def _sc_kernels():
    mesh = plsc.VectorSubcoreMesh(core_axis_name="c", subcore_axis_name="s")
    sc_scatter = pl.kernel(
        _sc_scatter_body,
        out_type=(jax.ShapeDtypeStruct((NP, HD), jnp.float32),
                  jax.ShapeDtypeStruct((NP, HD), jnp.float32)),
        mesh=mesh,
        scratch_types=[
            pltpu.VMEM((ECH, ECS), jnp.int32),
            pltpu.VMEM((ECH, ECS), jnp.int32),
            pltpu.VMEM((ECS, HD), jnp.float32),
            pltpu.VMEM((ECS, HD), jnp.float32),
            pltpu.VMEM((ECS, HD), jnp.float32),
            pltpu.VMEM_SHARED((NP, HD), jnp.float32),
            pltpu.SemaphoreType.DMA,
            pltpu.SemaphoreType.DMA,
            pltpu.SemaphoreType.DMA,
        ],
    )
    sc_deg = pl.kernel(
        _sc_deg_body,
        out_type=(jax.ShapeDtypeStruct((NP, HD), jnp.float32),
                  jax.ShapeDtypeStruct((NP, HD), jnp.float32)),
        mesh=mesh,
        scratch_types=[
            pltpu.VMEM((40, EC), jnp.int32),
            pltpu.VMEM((EC, HD), jnp.float32),
            pltpu.VMEM_SHARED((NP, HD), jnp.float32),
        ],
    )
    return sc_deg, sc_scatter


def _dinv_body(deg0_ref, deg1_ref, dinv_ref):
    deg = (jnp.sum(deg0_ref[...], axis=1) + jnp.sum(deg1_ref[...], axis=1)) * (1.0 / HD)
    dinv_ref[...] = lax.rsqrt(1.0 + deg)


_t_dinv = pl.pallas_call(
    _dinv_body,
    out_shape=jax.ShapeDtypeStruct((NP,), jnp.float32),
)


def _ta_body(x_ref, w_ref, wf_ref, dinv_ref, hnlo_ref, hnhi_ref, z_ref):
    xb = x_ref[...]
    hn = jnp.dot(xb, w_ref[...], precision=_PREC) * dinv_ref[...][:, None]
    hnlo_ref[...] = hn[:, :HD]
    hnhi_ref[...] = hn[:, HD:]
    z_ref[...] = jnp.dot(xb, wf_ref[...], precision=_PREC)


_t_a = pl.pallas_call(
    _ta_body,
    grid=(NRB,),
    in_specs=[
        pl.BlockSpec((RB, D), lambda r: (r, 0)),
        pl.BlockSpec((D, D), lambda r: (0, 0)),
        pl.BlockSpec((D, O), lambda r: (0, 0)),
        pl.BlockSpec((RB,), lambda r: (r,)),
    ],
    out_specs=[
        pl.BlockSpec((RB, HD), lambda r: (r, 0)),
        pl.BlockSpec((RB, HD), lambda r: (r, 0)),
        pl.BlockSpec((RB, O), lambda r: (r, 0)),
    ],
    out_shape=[
        jax.ShapeDtypeStruct((NP, HD), jnp.float32),
        jax.ShapeDtypeStruct((NP, HD), jnp.float32),
        jax.ShapeDtypeStruct((NP, O), jnp.float32),
    ],
)


def _tb_body(acclo_ref, acchi_ref, hnlo_ref, hnhi_ref, dinv_ref, b_ref,
             y_ref, sums_ref):
    r = pl.program_id(0)
    a = jnp.concatenate(
        [acclo_ref[...] + hnlo_ref[...], acchi_ref[...] + hnhi_ref[...]], axis=1)
    y = a * dinv_ref[...][:, None] + b_ref[...][None, :]
    rowid = lax.broadcasted_iota(jnp.int32, (RB, 1), 0) + r * RB
    y = jnp.where(rowid < N, y, 0.0)
    y_ref[...] = y

    @pl.when(r == 0)
    def _():
        sums_ref[...] = jnp.zeros_like(sums_ref)

    sums_ref[...] += jnp.stack([jnp.sum(y, axis=0), jnp.sum(y * y, axis=0)])


_t_b = pl.pallas_call(
    _tb_body,
    grid=(NRB,),
    in_specs=[
        pl.BlockSpec((RB, HD), lambda r: (r, 0)),
        pl.BlockSpec((RB, HD), lambda r: (r, 0)),
        pl.BlockSpec((RB, HD), lambda r: (r, 0)),
        pl.BlockSpec((RB, HD), lambda r: (r, 0)),
        pl.BlockSpec((RB,), lambda r: (r,)),
        pl.BlockSpec((D,), lambda r: (0,)),
    ],
    out_specs=[
        pl.BlockSpec((RB, D), lambda r: (r, 0)),
        pl.BlockSpec((2, D), lambda r: (0, 0)),
    ],
    out_shape=[
        jax.ShapeDtypeStruct((NP, D), jnp.float32),
        jax.ShapeDtypeStruct((2, D), jnp.float32),
    ],
)


def _norm_relu(y, sums, g, be, r):
    m = sums[0] * (1.0 / N)
    var = sums[1] * (1.0 / N) - m * m
    rstd = lax.rsqrt(var + EPS)
    scale = g * rstd
    shift = be - m * scale
    h = jnp.maximum(y * scale[None, :] + shift[None, :], 0.0)
    rowid = lax.broadcasted_iota(jnp.int32, (RB, 1), 0) + r * RB
    return jnp.where(rowid < N, h, 0.0)


def _tcz_body(y_ref, sums_ref, g_ref, be_ref, w_ref, wf_ref, zin_ref, dinv_ref,
              hnlo_ref, hnhi_ref, z_ref):
    r = pl.program_id(0)
    h = _norm_relu(y_ref[...], sums_ref[...], g_ref[...], be_ref[...], r)
    hn = jnp.dot(h, w_ref[...], precision=_PREC) * dinv_ref[...][:, None]
    hnlo_ref[...] = hn[:, :HD]
    hnhi_ref[...] = hn[:, HD:]
    z_ref[...] = zin_ref[...] + jnp.dot(h, wf_ref[...], precision=_PREC)


_t_cz = pl.pallas_call(
    _tcz_body,
    grid=(NRB,),
    in_specs=[
        pl.BlockSpec((RB, D), lambda r: (r, 0)),
        pl.BlockSpec((2, D), lambda r: (0, 0)),
        pl.BlockSpec((D,), lambda r: (0,)),
        pl.BlockSpec((D,), lambda r: (0,)),
        pl.BlockSpec((D, D), lambda r: (0, 0)),
        pl.BlockSpec((D, O), lambda r: (0, 0)),
        pl.BlockSpec((RB, O), lambda r: (r, 0)),
        pl.BlockSpec((RB,), lambda r: (r,)),
    ],
    out_specs=[
        pl.BlockSpec((RB, HD), lambda r: (r, 0)),
        pl.BlockSpec((RB, HD), lambda r: (r, 0)),
        pl.BlockSpec((RB, O), lambda r: (r, 0)),
    ],
    out_shape=[
        jax.ShapeDtypeStruct((NP, HD), jnp.float32),
        jax.ShapeDtypeStruct((NP, HD), jnp.float32),
        jax.ShapeDtypeStruct((NP, O), jnp.float32),
    ],
)


def _tcf_body(y_ref, sums_ref, g_ref, be_ref, wf_ref, zin_ref, z_ref):
    r = pl.program_id(0)
    h = _norm_relu(y_ref[...], sums_ref[...], g_ref[...], be_ref[...], r)
    z_ref[...] = zin_ref[...] + jnp.dot(h, wf_ref[...], precision=_PREC)


_t_cf = pl.pallas_call(
    _tcf_body,
    grid=(NRB,),
    in_specs=[
        pl.BlockSpec((RB, D), lambda r: (r, 0)),
        pl.BlockSpec((2, D), lambda r: (0, 0)),
        pl.BlockSpec((D,), lambda r: (0,)),
        pl.BlockSpec((D,), lambda r: (0,)),
        pl.BlockSpec((D, O), lambda r: (0, 0)),
        pl.BlockSpec((RB, O), lambda r: (r, 0)),
    ],
    out_specs=pl.BlockSpec((RB, O), lambda r: (r, 0)),
    out_shape=jax.ShapeDtypeStruct((NP, O), jnp.float32),
)


def _tf_body(z_ref, batch_ref, bf_ref, out_ref):
    r = pl.program_id(0)
    gids = lax.broadcasted_iota(jnp.int32, (G, RB), 0)
    oh = (gids == batch_ref[...][None, :]).astype(jnp.float32)
    part = jnp.dot(oh, z_ref[...], precision=_PREC)

    @pl.when(r == 0)
    def _():
        out_ref[...] = jnp.zeros_like(out_ref)

    out_ref[...] += part

    @pl.when(r == NRB - 1)
    def _():
        t = out_ref[...] + jnp.sum(bf_ref[...], axis=0)[None, :]
        mx = jnp.max(t, axis=1, keepdims=True)
        lse = jnp.log(jnp.sum(jnp.exp(t - mx), axis=1, keepdims=True))
        out_ref[...] = t - mx - lse


_t_f = pl.pallas_call(
    _tf_body,
    grid=(NRB,),
    in_specs=[
        pl.BlockSpec((RB, O), lambda r: (r, 0)),
        pl.BlockSpec((RB,), lambda r: (r,)),
        pl.BlockSpec((L + 1, O), lambda r: (0, 0)),
    ],
    out_specs=pl.BlockSpec((G, O), lambda r: (0, 0)),
    out_shape=jax.ShapeDtypeStruct((G, O), jnp.float32),
)


def kernel(x, edge_index, batch, Wc, bc, gamma, beta, Wf, bf):
    f32 = jnp.float32
    src = edge_index[0]
    dst = edge_index[1]
    x_p = jnp.pad(x, ((0, NP - N), (0, 0)))
    batch_p = jnp.pad(batch, (0, NP - N), constant_values=G - 1)
    src_p = jnp.pad(src, (0, EP - E))
    dst_p = jnp.pad(dst, (0, EP - E), constant_values=NP - 1)
    dst2d = dst_p.reshape(EP // EC, EC)
    src64 = src_p.reshape(EP // ECS, ECS)
    dst64 = dst_p.reshape(EP // ECS, ECS)
    zeros_hd = jnp.zeros((RPT, HD), f32)
    ones_ec = jnp.ones((EC, HD), f32)

    sc_deg, sc_scatter = _sc_kernels()
    deg0, deg1 = sc_deg(dst2d, ones_ec, zeros_hd)
    dinv = _t_dinv(deg0, deg1)
    hn_lo, hn_hi, z = _t_a(x_p, Wc[0], Wf[0], dinv)
    for i in range(L):
        acc_lo, acc_hi = sc_scatter(hn_lo, hn_hi, src64, dst64, zeros_hd)
        y, sums = _t_b(acc_lo, acc_hi, hn_lo, hn_hi, dinv, bc[i])
        if i < L - 1:
            hn_lo, hn_hi, z = _t_cz(y, sums, gamma[i], beta[i], Wc[i + 1],
                                    Wf[i + 1], z, dinv)
        else:
            z = _t_cf(y, sums, gamma[i], beta[i], Wf[i + 1], z)
    return _t_f(z, batch_p, bf)

# --- scband reference (transcript-rebuilt; emitter-appended) ---
"""Pipeline reference for scband-gcn-79370995630763 (READ-ONLY COPY).

The authoritative reference and input builder live on the scoring server;
editing this copy changes nothing except your own understanding.
"""

import jax, jax.numpy as jnp
import numpy as np

N = 10000   # nodes
E = 160000  # edges
D = 256     # input_dim
H = 256     # hidden_dim
O = 10      # output_dim
G = 128     # graphs in batch
L = 4       # num_layers
EPS = 1e-5


def setup_inputs(seed: int = 0) -> dict:
    key = jax.random.key(seed)
    ks = jax.random.split(key, 8)
    x = jax.random.normal(ks[0], (N, D), dtype=jnp.float32)
    edge_index = jax.random.randint(ks[1], (2, E), 0, N, dtype=jnp.int32)
    batch = jnp.sort(jax.random.randint(ks[2], (N,), 0, G, dtype=jnp.int32))
    # learned params: conv weights (all layers D==H so stackable), bn affine, fc heads
    Wc = jax.random.normal(ks[3], (L, D, H), dtype=jnp.float32) * (1.0 / np.sqrt(D))
    bc = jnp.zeros((L, H), dtype=jnp.float32)
    gamma = jnp.ones((L, H), dtype=jnp.float32)
    beta = jnp.zeros((L, H), dtype=jnp.float32)
    Wf = jax.random.normal(ks[4], (L + 1, H, O), dtype=jnp.float32) * (1.0 / np.sqrt(H))
    bf = jnp.zeros((L + 1, O), dtype=jnp.float32)
    return {"x": x, "edge_index": edge_index, "batch": batch,
            "Wc": Wc, "bc": bc, "gamma": gamma, "beta": beta, "Wf": Wf, "bf": bf}


def _gcn_conv(h, W, b, src, dst):
    # PyG GCNConv: linear, add self-loops, sym-normalize, scatter-add, + bias
    h = h @ W
    loop = jnp.arange(N, dtype=src.dtype)
    s = jnp.concatenate([src, loop])
    d = jnp.concatenate([dst, loop])
    deg = jnp.zeros((N,), dtype=h.dtype).at[d].add(1.0)
    dinv = 1.0 / jnp.sqrt(jnp.clip(deg, 1.0))
    norm = dinv[s] * dinv[d]
    msg = h[s] * norm[:, None]
    out = jnp.zeros((N, h.shape[1]), dtype=h.dtype).at[d].add(msg)
    return out + b


def _bn(h, g, b):
    # BatchNorm1d in training mode: biased batch stats over the node dim
    m = jnp.mean(h, axis=0)
    v = jnp.var(h, axis=0)
    return (h - m) / jnp.sqrt(v + EPS) * g + b


def reference(x, edge_index, batch, Wc, bc, gamma, beta, Wf, bf):
    src, dst = edge_index[0], edge_index[1]
    outs = [x]
    h = x
    for i in range(L):
        h = _gcn_conv(h, Wc[i], bc[i], src, dst)
        h = _bn(h, gamma[i], beta[i])
        h = jax.nn.relu(h)
        outs.append(h)
    out = None
    for i, hi in enumerate(outs):
        pooled = jax.ops.segment_sum(hi, batch, num_segments=G)
        # dropout is identity in eval / deterministic reference
        y = pooled @ Wf[i] + bf[i]
        out = y if out is None else out + y
    return jax.nn.log_softmax(out, axis=-1)

if __name__ == "__main__":
    import jax
    _d = setup_inputs()
    print(jax.jit(kernel)(*tuple(_d.values())))

</pallas_src>

<mosaic_0001>
#map = affine_map<(d0, d1) -> (0, 0)>
module attributes {stable_mosaic.version = 14 : i64} {
  func.func @_sc_scatter_body(%arg0: i32, %arg1: i32, %arg2: memref<10240x128xf32, #tpu.memory_space<hbm>>, %arg3: memref<10240x128xf32, #tpu.memory_space<hbm>>, %arg4: memref<2560x64xi32, #tpu.memory_space<hbm>>, %arg5: memref<2560x64xi32, #tpu.memory_space<hbm>>, %arg6: memref<640x128xf32, #tpu.memory_space<hbm>>, %arg7: memref<10240x128xf32, #tpu.memory_space<hbm>>, %arg8: memref<10240x128xf32, #tpu.memory_space<hbm>>, %arg9: memref<80x64xi32, #tpu.memory_space<vmem>>, %arg10: memref<80x64xi32, #tpu.memory_space<vmem>>, %arg11: memref<64x128xf32, #tpu.memory_space<vmem>>, %arg12: memref<64x128xf32, #tpu.memory_space<vmem>>, %arg13: memref<64x128xf32, #tpu.memory_space<vmem>>, %arg14: memref<10240x128xf32, #tpu.memory_space<vmem_shared>>, %arg15: memref<!tpu.dma_semaphore, #tpu.memory_space<semaphore_mem>>, %arg16: memref<!tpu.dma_semaphore, #tpu.memory_space<semaphore_mem>>, %arg17: memref<!tpu.dma_semaphore, #tpu.memory_space<semaphore_mem>>) attributes {dimension_semantics = [#tpu.dimension_semantics<core_parallel>, #tpu.dimension_semantics<subcore_parallel>], iteration_bounds = array<i64: 2, 16>, scalar_prefetch = 0 : i64, scratch_operands = 9 : i64, tpu.core_type = #tpu.core_type<sc_vector_subcore>, window_params = [{transform_indices = #map}, {transform_indices = #map}, {transform_indices = #map}, {transform_indices = #map}, {transform_indices = #map}, {transform_indices = #map}, {transform_indices = #map}]} {
    %mul3A = arith.constant 640 : i32
    %mul3A_0 = arith.muli %arg1, %mul3A : i32
    "tpu.region"() ({
      %run_scoped3A = tpu.sem_alloc : memref<!tpu.dma_semaphore, #tpu.memory_space<semaphore_mem>>
      %dma_start3A = arith.constant 0 : i32
      %dma_start3A_19 = tpu.memref_slice %arg14[%mul3A_0, %dma_start3A] : memref<10240x128xf32, #tpu.memory_space<vmem_shared>> -> memref<640x128xf32, #tpu.memory_space<vmem_shared>>
      tpu.enqueue_dma source(%arg6 : memref<640x128xf32, #tpu.memory_space<hbm>>) target(%dma_start3A_19 : memref<640x128xf32, #tpu.memory_space<vmem_shared>>) target_semaphore(%run_scoped3A : memref<!tpu.dma_semaphore, #tpu.memory_space<semaphore_mem>>)
      %dma_wait3A = arith.constant 0 : i32
      %dma_wait3A_20 = tpu.memref_slice %arg14[%mul3A_0, %dma_wait3A] : memref<10240x128xf32, #tpu.memory_space<vmem_shared>> -> memref<640x128xf32, #tpu.memory_space<vmem_shared>>
      tpu.wait_dma2 semaphore(%run_scoped3A : memref<!tpu.dma_semaphore, #tpu.memory_space<semaphore_mem>>) src(%arg6 : memref<640x128xf32, #tpu.memory_space<hbm>>) dst(%dma_wait3A_20 : memref<640x128xf32, #tpu.memory_space<vmem_shared>>)
      tpu.yield
    }) : () -> ()
    %barrier3A = arith.constant 0 : index
    tpu.barrier barrier_id(%barrier3A)
    %eq3A = arith.constant 0 : i32
    %eq3A_1 = arith.cmpi eq, %arg0, %eq3A : i32
    %convert_element_type3A = arith.extui %eq3A_1 : i1 to i32
    %cond3A = arith.constant 0 : i32
    %cond3A_2 = arith.cmpi ne, %convert_element_type3A, %cond3A : i32
    scf.if %cond3A_2 {
      %scan3A = arith.constant 0 : i32
      %scan3A_19 = arith.constant 2 : i32
      %scan3A_20 = arith.addi %scan3A, %scan3A_19 : i32
      %scan3A_21 = arith.constant 1 : i32
      scf.for %scan3A_23 = %scan3A to %scan3A_20 step %scan3A_21  : i32 {
        %mul3A_24 = arith.constant 1 : i32
        %mul3A_25 = arith.muli %scan3A_23, %mul3A_24 : i32
        %add3A = arith.constant 0 : i32
        %add3A_26 = arith.addi %add3A, %mul3A_25 : i32
        %mul3A_27 = arith.constant 160 : i32
        %mul3A_28 = arith.muli %arg1, %mul3A_27 : i32
        %mul3A_29 = arith.constant 80 : i32
        %mul3A_30 = arith.muli %add3A_26, %mul3A_29 : i32
        %add3A_31 = arith.addi %mul3A_28, %mul3A_30 : i32
        "tpu.region"() ({
          %run_scoped3A_64 = tpu.sem_alloc : memref<!tpu.dma_semaphore, #tpu.memory_space<semaphore_mem>>
          %dma_start3A_65 = arith.constant 0 : i32
          %dma_start3A_66 = tpu.memref_slice %arg4[%add3A_31, %dma_start3A_65] : memref<2560x64xi32, #tpu.memory_space<hbm>> -> memref<80x64xi32, #tpu.memory_space<hbm>>
          %dma_start3A_67 = arith.constant 0 : i32
          %dma_start3A_68 = tpu.memref_slice %arg4[%add3A_31, %dma_start3A_67] : memref<2560x64xi32, #tpu.memory_space<hbm>> -> memref<80x64xi32, #tpu.memory_space<hbm>>
          tpu.enqueue_dma source(%dma_start3A_68 : memref<80x64xi32, #tpu.memory_space<hbm>>) target(%arg9 : memref<80x64xi32, #tpu.memory_space<vmem>>) target_semaphore(%run_scoped3A_64 : memref<!tpu.dma_semaphore, #tpu.memory_space<semaphore_mem>>)
          %dma_wait3A_69 = arith.constant 0 : i32
          %dma_wait3A_70 = tpu.memref_slice %arg4[%add3A_31, %dma_wait3A_69] : memref<2560x64xi32, #tpu.memory_space<hbm>> -> memref<80x64xi32, #tpu.memory_space<hbm>>
          %dma_wait3A_71 = arith.constant 0 : i32
          %dma_wait3A_72 = tpu.memref_slice %arg4[%add3A_31, %dma_wait3A_71] : memref<2560x64xi32, #tpu.memory_space<hbm>> -> memref<80x64xi32, #tpu.memory_space<hbm>>
          tpu.wait_dma2 semaphore(%run_scoped3A_64 : memref<!tpu.dma_semaphore, #tpu.memory_space<semaphore_mem>>) src(%dma_wait3A_72 : memref<80x64xi32, #tpu.memory_space<hbm>>) dst(%arg9 : memref<80x64xi32, #tpu.memory_space<vmem>>)
          tpu.yield
        }) : () -> ()
        "tpu.region"() ({
          %run_scoped3A_64 = tpu.sem_alloc : memref<!tpu.dma_semaphore, #tpu.memory_space<semaphore_mem>>
          %dma_start3A_65 = arith.constant 0 : i32
          %dma_start3A_66 = tpu.memref_slice %arg5[%add3A_31, %dma_start3A_65] : memref<2560x64xi32, #tpu.memory_space<hbm>> -> memref<80x64xi32, #tpu.memory_space<hbm>>
          %dma_start3A_67 = arith.constant 0 : i32
          %dma_start3A_68 = tpu.memref_slice %arg5[%add3A_31, %dma_start3A_67] : memref<2560x64xi32, #tpu.memory_space<hbm>> -> memref<80x64xi32, #tpu.memory_space<hbm>>
          tpu.enqueue_dma source(%dma_start3A_68 : memref<80x64xi32, #tpu.memory_space<hbm>>) target(%arg10 : memref<80x64xi32, #tpu.memory_space<vmem>>) target_semaphore(%run_scoped3A_64 : memref<!tpu.dma_semaphore, #tpu.memory_space<semaphore_mem>>)
          %dma_wait3A_69 = arith.constant 0 : i32
          %dma_wait3A_70 = tpu.memref_slice %arg5[%add3A_31, %dma_wait3A_69] : memref<2560x64xi32, #tpu.memory_space<hbm>> -> memref<80x64xi32, #tpu.memory_space<hbm>>
          %dma_wait3A_71 = arith.constant 0 : i32
          %dma_wait3A_72 = tpu.memref_slice %arg5[%add3A_31, %dma_wait3A_71] : memref<2560x64xi32, #tpu.memory_space<hbm>> -> memref<80x64xi32, #tpu.memory_space<hbm>>
          tpu.wait_dma2 semaphore(%run_scoped3A_64 : memref<!tpu.dma_semaphore, #tpu.memory_space<semaphore_mem>>) src(%dma_wait3A_72 : memref<80x64xi32, #tpu.memory_space<hbm>>) dst(%arg10 : memref<80x64xi32, #tpu.memory_space<vmem>>)
          tpu.yield
        }) : () -> ()
        %dma_start3A = arith.constant 0 : i32
        %dma_start3A_32 = arith.constant 0 : i32
        %dma_start3A_33 = tpu.memref_slice %arg9[%dma_start3A, %dma_start3A_32] : memref<80x64xi32, #tpu.memory_space<vmem>> -> memref<1x64xi32, #tpu.memory_space<vmem>>
        %dma_start3A_34 = tpu.memref_squeeze %dma_start3A_33 : memref<1x64xi32, #tpu.memory_space<vmem>> -> memref<64xi32, #tpu.memory_space<vmem>>
        %dma_start3A_35 = arith.constant 0 : i32
        %dma_start3A_36 = arith.constant 0 : i32
        %dma_start3A_37 = tpu.memref_slice %arg2[%dma_start3A_35, %dma_start3A_36] : memref<10240x128xf32, #tpu.memory_space<hbm>> -> memref<10240x128xf32, #tpu.memory_space<hbm>>
        tpu.enqueue_indirect_dma source(%dma_start3A_37 : memref<10240x128xf32, #tpu.memory_space<hbm>>) target(%arg11 : memref<64x128xf32, #tpu.memory_space<vmem>>) offsets(%dma_start3A_34 : memref<64xi32, #tpu.memory_space<vmem>>) semaphore(%arg15 : memref<!tpu.dma_semaphore, #tpu.memory_space<semaphore_mem>>)
        %dma_start3A_38 = arith.constant 1 : i32
        %dma_start3A_39 = arith.constant 0 : i32
        %dma_start3A_40 = tpu.memref_slice %arg9[%dma_start3A_38, %dma_start3A_39] : memref<80x64xi32, #tpu.memory_space<vmem>> -> memref<1x64xi32, #tpu.memory_space<vmem>>
        %dma_start3A_41 = tpu.memref_squeeze %dma_start3A_40 : memref<1x64xi32, #tpu.memory_space<vmem>> -> memref<64xi32, #tpu.memory_space<vmem>>
        %dma_start3A_42 = arith.constant 0 : i32
        %dma_start3A_43 = arith.constant 0 : i32
        %dma_start3A_44 = tpu.memref_slice %arg2[%dma_start3A_42, %dma_start3A_43] : memref<10240x128xf32, #tpu.memory_space<hbm>> -> memref<10240x128xf32, #tpu.memory_space<hbm>>
        tpu.enqueue_indirect_dma source(%dma_start3A_44 : memref<10240x128xf32, #tpu.memory_space<hbm>>) target(%arg12 : memref<64x128xf32, #tpu.memory_space<vmem>>) offsets(%dma_start3A_41 : memref<64xi32, #tpu.memory_space<vmem>>) semaphore(%arg16 : memref<!tpu.dma_semaphore, #tpu.memory_space<semaphore_mem>>)
        %scan3A_45 = arith.constant 0 : i32
        %scan3A_46 = arith.constant 26 : i32
        %scan3A_47 = arith.addi %scan3A_45, %scan3A_46 : i32
        %scan3A_48 = arith.constant 1 : i32
        scf.for %scan3A_64 = %scan3A_45 to %scan3A_47 step %scan3A_48  : i32 {
          %mul3A_65 = arith.constant 1 : i32
          %mul3A_66 = arith.muli %scan3A_64, %mul3A_65 : i32
          %add3A_67 = arith.constant 0 : i32
          %add3A_68 = arith.addi %add3A_67, %mul3A_66 : i32
          %mul3A_69 = arith.constant 3 : i32
          %mul3A_70 = arith.muli %mul3A_69, %add3A_68 : i32
          %add3A_71 = arith.constant 0 : i32
          %add3A_72 = arith.addi %mul3A_70, %add3A_71 : i32
          %dma_wait3A_73 = arith.constant 0 : i32
          %dma_wait3A_74 = tpu.memref_slice %arg9[%add3A_72, %dma_wait3A_73] : memref<80x64xi32, #tpu.memory_space<vmem>> -> memref<1x64xi32, #tpu.memory_space<vmem>>
          %dma_wait3A_75 = tpu.memref_squeeze %dma_wait3A_74 : memref<1x64xi32, #tpu.memory_space<vmem>> -> memref<64xi32, #tpu.memory_space<vmem>>
          %dma_wait3A_76 = arith.constant 0 : i32
          %dma_wait3A_77 = arith.constant 0 : i32
          %dma_wait3A_78 = tpu.memref_slice %arg2[%dma_wait3A_76, %dma_wait3A_77] : memref<10240x128xf32, #tpu.memory_space<hbm>> -> memref<10240x128xf32, #tpu.memory_space<hbm>>
          tpu.wait_indirect_dma semaphore(%arg15 : memref<!tpu.dma_semaphore, #tpu.memory_space<semaphore_mem>>) src(%dma_wait3A_78 : memref<10240x128xf32, #tpu.memory_space<hbm>>) dst(%arg11 : memref<64x128xf32, #tpu.memory_space<vmem>>)
          %add3A_79 = arith.constant 2 : i32
          %add3A_80 = arith.addi %add3A_72, %add3A_79 : i32
          %dma_start3A_81 = arith.constant 0 : i32
          %dma_start3A_82 = tpu.memref_slice %arg9[%add3A_80, %dma_start3A_81] : memref<80x64xi32, #tpu.memory_space<vmem>> -> memref<1x64xi32, #tpu.memory_space<vmem>>
          %dma_start3A_83 = tpu.memref_squeeze %dma_start3A_82 : memref<1x64xi32, #tpu.memory_space<vmem>> -> memref<64xi32, #tpu.memory_space<vmem>>
          %dma_start3A_84 = arith.constant 0 : i32
          %dma_start3A_85 = arith.constant 0 : i32
          %dma_start3A_86 = tpu.memref_slice %arg2[%dma_start3A_84, %dma_start3A_85] : memref<10240x128xf32, #tpu.memory_space<hbm>> -> memref<10240x128xf32, #tpu.memory_space<hbm>>
          tpu.enqueue_indirect_dma source(%dma_start3A_86 : memref<10240x128xf32, #tpu.memory_space<hbm>>) target(%arg13 : memref<64x128xf32, #tpu.memory_space<vmem>>) offsets(%dma_start3A_83 : memref<64xi32, #tpu.memory_space<vmem>>) semaphore(%arg17 : memref<!tpu.dma_semaphore, #tpu.memory_space<semaphore_mem>>)
          "tpu.region"() ({
            %run_scoped3A_119 = tpu.sem_alloc : memref<!tpu.dma_semaphore, #tpu.memory_space<semaphore_mem>>
            %dma_start3A_120 = arith.constant 0 : i32
            %dma_start3A_121 = tpu.memref_slice %arg10[%add3A_72, %dma_start3A_120] : memref<80x64xi32, #tpu.memory_space<vmem>> -> memref<1x64xi32, #tpu.memory_space<vmem>>
            %dma_start3A_122 = tpu.memref_squeeze %dma_start3A_121 : memref<1x64xi32, #tpu.memory_space<vmem>> -> memref<64xi32, #tpu.memory_space<vmem>>
            %dma_start3A_123 = arith.constant 0 : i32
            %dma_start3A_124 = arith.constant 0 : i32
            %dma_start3A_125 = tpu.memref_slice %arg14[%dma_start3A_123, %dma_start3A_124] : memref<10240x128xf32, #tpu.memory_space<vmem_shared>> -> memref<10240x128xf32, #tpu.memory_space<vmem_shared>>
            tpu.enqueue_indirect_dma source(%arg11 : memref<64x128xf32, #tpu.memory_space<vmem>>) target(%dma_start3A_125 : memref<10240x128xf32, #tpu.memory_space<vmem_shared>>) offsets(%dma_start3A_122 : memref<64xi32, #tpu.memory_space<vmem>>) semaphore(%run_scoped3A_119 : memref<!tpu.dma_semaphore, #tpu.memory_space<semaphore_mem>>) {add = true}
            %dma_wait3A_126 = arith.constant 0 : i32
            %dma_wait3A_127 = tpu.memref_slice %arg10[%add3A_72, %dma_wait3A_126] : memref<80x64xi32, #tpu.memory_space<vmem>> -> memref<1x64xi32, #tpu.memory_space<vmem>>
            %dma_wait3A_128 = tpu.memref_squeeze %dma_wait3A_127 : memref<1x64xi32, #tpu.memory_space<vmem>> -> memref<64xi32, #tpu.memory_space<vmem>>
            %dma_wait3A_129 = arith.constant 0 : i32
            %dma_wait3A_130 = arith.constant 0 : i32
            %dma_wait3A_131 = tpu.memref_slice %arg14[%dma_wait3A_129, %dma_wait3A_130] : memref<10240x128xf32, #tpu.memory_space<vmem_shared>> -> memref<10240x128xf32, #tpu.memory_space<vmem_shared>>
            tpu.wait_indirect_dma semaphore(%run_scoped3A_119 : memref<!tpu.dma_semaphore, #tpu.memory_space<semaphore_mem>>) src(%arg11 : memref<64x128xf32, #tpu.memory_space<vmem>>) dst(%dma_wait3A_131 : memref<10240x128xf32, #tpu.memory_space<vmem_shared>>)
            tpu.yield
          }) : () -> ()
          %add3A_87 = arith.constant 1 : i32
          %add3A_88 = arith.addi %mul3A_70, %add3A_87 : i32
          %dma_wait3A_89 = arith.constant 0 : i32
          %dma_wait3A_90 = tpu.memref_slice %arg9[%add3A_88, %dma_wait3A_89] : memref<80x64xi32, #tpu.memory_space<vmem>> -> memref<1x64xi32, #tpu.memory_space<vmem>>
          %dma_wait3A_91 = tpu.memref_squeeze %dma_wait3A_90 : memref<1x64xi32, #tpu.memory_space<vmem>> -> memref<64xi32, #tpu.memory_space<vmem>>
          %dma_wait3A_92 = arith.constant 0 : i32
          %dma_wait3A_93 = arith.constant 0 : i32
          %dma_wait3A_94 = tpu.memref_slice %arg2[%dma_wait3A_92, %dma_wait3A_93] : memref<10240x128xf32, #tpu.memory_space<hbm>> -> memref<10240x128xf32, #tpu.memory_space<hbm>>
          tpu.wait_indirect_dma semaphore(%arg16 : memref<!tpu.dma_semaphore, #tpu.memory_space<semaphore_mem>>) src(%dma_wait3A_94 : memref<10240x128xf32, #tpu.memory_space<hbm>>) dst(%arg12 : memref<64x128xf32, #tpu.memory_space<vmem>>)
          %add3A_95 = arith.constant 2 : i32
          %add3A_96 = arith.addi %add3A_88, %add3A_95 : i32
          %dma_start3A_97 = arith.constant 0 : i32
          %dma_start3A_98 = tpu.memref_slice %arg9[%add3A_96, %dma_start3A_97] : memref<80x64xi32, #tpu.memory_space<vmem>> -> memref<1x64xi32, #tpu.memory_space<vmem>>
          %dma_start3A_99 = tpu.memref_squeeze %dma_start3A_98 : memref<1x64xi32, #tpu.memory_space<vmem>> -> memref<64xi32, #tpu.memory_space<vmem>>
          %dma_start3A_100 = arith.constant 0 : i32
          %dma_start3A_101 = arith.constant 0 : i32
          %dma_start3A_102 = tpu.memref_slice %arg2[%dma_start3A_100, %dma_start3A_101] : memref<10240x128xf32, #tpu.memory_space<hbm>> -> memref<10240x128xf32, #tpu.memory_space<hbm>>
          tpu.enqueue_indirect_dma source(%dma_start3A_102 : memref<10240x128xf32, #tpu.memory_space<hbm>>) target(%arg11 : memref<64x128xf32, #tpu.memory_space<vmem>>) offsets(%dma_start3A_99 : memref<64xi32, #tpu.memory_space<vmem>>) semaphore(%arg15 : memref<!tpu.dma_semaphore, #tpu.memory_space<semaphore_mem>>)
          "tpu.region"() ({
            %run_scoped3A_119 = tpu.sem_alloc : memref<!tpu.dma_semaphore, #tpu.memory_space<semaphore_mem>>
            %dma_start3A_120 = arith.constant 0 : i32
            %dma_start3A_121 = tpu.memref_slice %arg10[%add3A_88, %dma_start3A_120] : memref<80x64xi32, #tpu.memory_space<vmem>> -> memref<1x64xi32, #tpu.memory_space<vmem>>
            %dma_start3A_122 = tpu.memref_squeeze %dma_start3A_121 : memref<1x64xi32, #tpu.memory_space<vmem>> -> memref<64xi32, #tpu.memory_space<vmem>>
            %dma_start3A_123 = arith.constant 0 : i32
            %dma_start3A_124 = arith.constant 0 : i32
            %dma_start3A_125 = tpu.memref_slice %arg14[%dma_start3A_123, %dma_start3A_124] : memref<10240x128xf32, #tpu.memory_space<vmem_shared>> -> memref<10240x128xf32, #tpu.memory_space<vmem_shared>>
            tpu.enqueue_indirect_dma source(%arg12 : memref<64x128xf32, #tpu.memory_space<vmem>>) target(%dma_start3A_125 : memref<10240x128xf32, #tpu.memory_space<vmem_shared>>) offsets(%dma_start3A_122 : memref<64xi32, #tpu.memory_space<vmem>>) semaphore(%run_scoped3A_119 : memref<!tpu.dma_semaphore, #tpu.memory_space<semaphore_mem>>) {add = true}
            %dma_wait3A_126 = arith.constant 0 : i32
            %dma_wait3A_127 = tpu.memref_slice %arg10[%add3A_88, %dma_wait3A_126] : memref<80x64xi32, #tpu.memory_space<vmem>> -> memref<1x64xi32, #tpu.memory_space<vmem>>
            %dma_wait3A_128 = tpu.memref_squeeze %dma_wait3A_127 : memref<1x64xi32, #tpu.memory_space<vmem>> -> memref<64xi32, #tpu.memory_space<vmem>>
            %dma_wait3A_129 = arith.constant 0 : i32
            %dma_wait3A_130 = arith.constant 0 : i32
            %dma_wait3A_131 = tpu.memref_slice %arg14[%dma_wait3A_129, %dma_wait3A_130] : memref<10240x128xf32, #tpu.memory_space<vmem_shared>> -> memref<10240x128xf32, #tpu.memory_space<vmem_shared>>
            tpu.wait_indirect_dma semaphore(%run_scoped3A_119 : memref<!tpu.dma_semaphore, #tpu.memory_space<semaphore_mem>>) src(%arg12 : memref<64x128xf32, #tpu.memory_space<vmem>>) dst(%dma_wait3A_131 : memref<10240x128xf32, #tpu.memory_space<vmem_shared>>)
            tpu.yield
          }) : () -> ()
          %add3A_103 = arith.constant 2 : i32
          %add3A_104 = arith.addi %mul3A_70, %add3A_103 : i32
          %dma_wait3A_105 = arith.constant 0 : i32
          %dma_wait3A_106 = tpu.memref_slice %arg9[%add3A_104, %dma_wait3A_105] : memref<80x64xi32, #tpu.memory_space<vmem>> -> memref<1x64xi32, #tpu.memory_space<vmem>>
          %dma_wait3A_107 = tpu.memref_squeeze %dma_wait3A_106 : memref<1x64xi32, #tpu.memory_space<vmem>> -> memref<64xi32, #tpu.memory_space<vmem>>
          %dma_wait3A_108 = arith.constant 0 : i32
          %dma_wait3A_109 = arith.constant 0 : i32
          %dma_wait3A_110 = tpu.memref_slice %arg2[%dma_wait3A_108, %dma_wait3A_109] : memref<10240x128xf32, #tpu.memory_space<hbm>> -> memref<10240x128xf32, #tpu.memory_space<hbm>>
          tpu.wait_indirect_dma semaphore(%arg17 : memref<!tpu.dma_semaphore, #tpu.memory_space<semaphore_mem>>) src(%dma_wait3A_110 : memref<10240x128xf32, #tpu.memory_space<hbm>>) dst(%arg13 : memref<64x128xf32, #tpu.memory_space<vmem>>)
          %add3A_111 = arith.constant 2 : i32
          %add3A_112 = arith.addi %add3A_104, %add3A_111 : i32
          %dma_start3A_113 = arith.constant 0 : i32
          %dma_start3A_114 = tpu.memref_slice %arg9[%add3A_112, %dma_start3A_113] : memref<80x64xi32, #tpu.memory_space<vmem>> -> memref<1x64xi32, #tpu.memory_space<vmem>>
          %dma_start3A_115 = tpu.memref_squeeze %dma_start3A_114 : memref<1x64xi32, #tpu.memory_space<vmem>> -> memref<64xi32, #tpu.memory_space<vmem>>
          %dma_start3A_116 = arith.constant 0 : i32
          %dma_start3A_117 = arith.constant 0 : i32
          %dma_start3A_118 = tpu.memref_slice %arg2[%dma_start3A_116, %dma_start3A_117] : memref<10240x128xf32, #tpu.memory_space<hbm>> -> memref<10240x128xf32, #tpu.memory_space<hbm>>
          tpu.enqueue_indirect_dma source(%dma_start3A_118 : memref<10240x128xf32, #tpu.memory_space<hbm>>) target(%arg12 : memref<64x128xf32, #tpu.memory_space<vmem>>) offsets(%dma_start3A_115 : memref<64xi32, #tpu.memory_space<vmem>>) semaphore(%arg16 : memref<!tpu.dma_semaphore, #tpu.memory_space<semaphore_mem>>)
          "tpu.region"() ({
            %run_scoped3A_119 = tpu.sem_alloc : memref<!tpu.dma_semaphore, #tpu.memory_space<semaphore_mem>>
            %dma_start3A_120 = arith.constant 0 : i32
            %dma_start3A_121 = tpu.memref_slice %arg10[%add3A_104, %dma_start3A_120] : memref<80x64xi32, #tpu.memory_space<vmem>> -> memref<1x64xi32, #tpu.memory_space<vmem>>
            %dma_start3A_122 = tpu.memref_squeeze %dma_start3A_121 : memref<1x64xi32, #tpu.memory_space<vmem>> -> memref<64xi32, #tpu.memory_space<vmem>>
            %dma_start3A_123 = arith.constant 0 : i32
            %dma_start3A_124 = arith.constant 0 : i32
            %dma_start3A_125 = tpu.memref_slice %arg14[%dma_start3A_123, %dma_start3A_124] : memref<10240x128xf32, #tpu.memory_space<vmem_shared>> -> memref<10240x128xf32, #tpu.memory_space<vmem_shared>>
            tpu.enqueue_indirect_dma source(%arg13 : memref<64x128xf32, #tpu.memory_space<vmem>>) target(%dma_start3A_125 : memref<10240x128xf32, #tpu.memory_space<vmem_shared>>) offsets(%dma_start3A_122 : memref<64xi32, #tpu.memory_space<vmem>>) semaphore(%run_scoped3A_119 : memref<!tpu.dma_semaphore, #tpu.memory_space<semaphore_mem>>) {add = true}
            %dma_wait3A_126 = arith.constant 0 : i32
            %dma_wait3A_127 = tpu.memref_slice %arg10[%add3A_104, %dma_wait3A_126] : memref<80x64xi32, #tpu.memory_space<vmem>> -> memref<1x64xi32, #tpu.memory_space<vmem>>
            %dma_wait3A_128 = tpu.memref_squeeze %dma_wait3A_127 : memref<1x64xi32, #tpu.memory_space<vmem>> -> memref<64xi32, #tpu.memory_space<vmem>>
            %dma_wait3A_129 = arith.constant 0 : i32
            %dma_wait3A_130 = arith.constant 0 : i32
            %dma_wait3A_131 = tpu.memref_slice %arg14[%dma_wait3A_129, %dma_wait3A_130] : memref<10240x128xf32, #tpu.memory_space<vmem_shared>> -> memref<10240x128xf32, #tpu.memory_space<vmem_shared>>
            tpu.wait_indirect_dma semaphore(%run_scoped3A_119 : memref<!tpu.dma_semaphore, #tpu.memory_space<semaphore_mem>>) src(%arg13 : memref<64x128xf32, #tpu.memory_space<vmem>>) dst(%dma_wait3A_131 : memref<10240x128xf32, #tpu.memory_space<vmem_shared>>)
            tpu.yield
          }) : () -> ()
        }
        %scan3A_49 = arith.constant 26 : i32
        %dma_wait3A = arith.constant 78 : i32
        %dma_wait3A_50 = arith.constant 0 : i32
        %dma_wait3A_51 = tpu.memref_slice %arg9[%dma_wait3A, %dma_wait3A_50] : memref<80x64xi32, #tpu.memory_space<vmem>> -> memref<1x64xi32, #tpu.memory_space<vmem>>
        %dma_wait3A_52 = tpu.memref_squeeze %dma_wait3A_51 : memref<1x64xi32, #tpu.memory_space<vmem>> -> memref<64xi32, #tpu.memory_space<vmem>>
        %dma_wait3A_53 = arith.constant 0 : i32
        %dma_wait3A_54 = arith.constant 0 : i32
        %dma_wait3A_55 = tpu.memref_slice %arg2[%dma_wait3A_53, %dma_wait3A_54] : memref<10240x128xf32, #tpu.memory_space<hbm>> -> memref<10240x128xf32, #tpu.memory_space<hbm>>
        tpu.wait_indirect_dma semaphore(%arg15 : memref<!tpu.dma_semaphore, #tpu.memory_space<semaphore_mem>>) src(%dma_wait3A_55 : memref<10240x128xf32, #tpu.memory_space<hbm>>) dst(%arg11 : memref<64x128xf32, #tpu.memory_space<vmem>>)
        %run_scoped3A = arith.constant 78 : i32
        "tpu.region"() ({
          %run_scoped3A_64 = tpu.sem_alloc : memref<!tpu.dma_semaphore, #tpu.memory_space<semaphore_mem>>
          %dma_start3A_65 = arith.constant 0 : i32
          %dma_start3A_66 = tpu.memref_slice %arg10[%run_scoped3A, %dma_start3A_65] : memref<80x64xi32, #tpu.memory_space<vmem>> -> memref<1x64xi32, #tpu.memory_space<vmem>>
          %dma_start3A_67 = tpu.memref_squeeze %dma_start3A_66 : memref<1x64xi32, #tpu.memory_space<vmem>> -> memref<64xi32, #tpu.memory_space<vmem>>
          %dma_start3A_68 = arith.constant 0 : i32
          %dma_start3A_69 = arith.constant 0 : i32
          %dma_start3A_70 = tpu.memref_slice %arg14[%dma_start3A_68, %dma_start3A_69] : memref<10240x128xf32, #tpu.memory_space<vmem_shared>> -> memref<10240x128xf32, #tpu.memory_space<vmem_shared>>
          tpu.enqueue_indirect_dma source(%arg11 : memref<64x128xf32, #tpu.memory_space<vmem>>) target(%dma_start3A_70 : memref<10240x128xf32, #tpu.memory_space<vmem_shared>>) offsets(%dma_start3A_67 : memref<64xi32, #tpu.memory_space<vmem>>) semaphore(%run_scoped3A_64 : memref<!tpu.dma_semaphore, #tpu.memory_space<semaphore_mem>>) {add = true}
          %dma_wait3A_71 = arith.constant 0 : i32
          %dma_wait3A_72 = tpu.memref_slice %arg10[%run_scoped3A, %dma_wait3A_71] : memref<80x64xi32, #tpu.memory_space<vmem>> -> memref<1x64xi32, #tpu.memory_space<vmem>>
          %dma_wait3A_73 = tpu.memref_squeeze %dma_wait3A_72 : memref<1x64xi32, #tpu.memory_space<vmem>> -> memref<64xi32, #tpu.memory_space<vmem>>
          %dma_wait3A_74 = arith.constant 0 : i32
          %dma_wait3A_75 = arith.constant 0 : i32
          %dma_wait3A_76 = tpu.memref_slice %arg14[%dma_wait3A_74, %dma_wait3A_75] : memref<10240x128xf32, #tpu.memory_space<vmem_shared>> -> memref<10240x128xf32, #tpu.memory_space<vmem_shared>>
          tpu.wait_indirect_dma semaphore(%run_scoped3A_64 : memref<!tpu.dma_semaphore, #tpu.memory_space<semaphore_mem>>) src(%arg11 : memref<64x128xf32, #tpu.memory_space<vmem>>) dst(%dma_wait3A_76 : memref<10240x128xf32, #tpu.memory_space<vmem_shared>>)
          tpu.yield
        }) : () -> ()
        %dma_wait3A_56 = arith.constant 79 : i32
        %dma_wait3A_57 = arith.constant 0 : i32
        %dma_wait3A_58 = tpu.memref_slice %arg9[%dma_wait3A_56, %dma_wait3A_57] : memref<80x64xi32, #tpu.memory_space<vmem>> -> memref<1x64xi32, #tpu.memory_space<vmem>>
        %dma_wait3A_59 = tpu.memref_squeeze %dma_wait3A_58 : memref<1x64xi32, #tpu.memory_space<vmem>> -> memref<64xi32, #tpu.memory_space<vmem>>
        %dma_wait3A_60 = arith.constant 0 : i32
        %dma_wait3A_61 = arith.constant 0 : i32
        %dma_wait3A_62 = tpu.memref_slice %arg2[%dma_wait3A_60, %dma_wait3A_61] : memref<10240x128xf32, #tpu.memory_space<hbm>> -> memref<10240x128xf32, #tpu.memory_space<hbm>>
        tpu.wait_indirect_dma semaphore(%arg16 : memref<!tpu.dma_semaphore, #tpu.memory_space<semaphore_mem>>) src(%dma_wait3A_62 : memref<10240x128xf32, #tpu.memory_space<hbm>>) dst(%arg12 : memref<64x128xf32, #tpu.memory_space<vmem>>)
        %run_scoped3A_63 = arith.constant 79 : i32
        "tpu.region"() ({
          %run_scoped3A_64 = tpu.sem_alloc : memref<!tpu.dma_semaphore, #tpu.memory_space<semaphore_mem>>
          %dma_start3A_65 = arith.constant 0 : i32
          %dma_start3A_66 = tpu.memref_slice %arg10[%run_scoped3A_63, %dma_start3A_65] : memref<80x64xi32, #tpu.memory_space<vmem>> -> memref<1x64xi32, #tpu.memory_space<vmem>>
          %dma_start3A_67 = tpu.memref_squeeze %dma_start3A_66 : memref<1x64xi32, #tpu.memory_space<vmem>> -> memref<64xi32, #tpu.memory_space<vmem>>
          %dma_start3A_68 = arith.constant 0 : i32
          %dma_start3A_69 = arith.constant 0 : i32
          %dma_start3A_70 = tpu.memref_slice %arg14[%dma_start3A_68, %dma_start3A_69] : memref<10240x128xf32, #tpu.memory_space<vmem_shared>> -> memref<10240x128xf32, #tpu.memory_space<vmem_shared>>
          tpu.enqueue_indirect_dma source(%arg12 : memref<64x128xf32, #tpu.memory_space<vmem>>) target(%dma_start3A_70 : memref<10240x128xf32, #tpu.memory_space<vmem_shared>>) offsets(%dma_start3A_67 : memref<64xi32, #tpu.memory_space<vmem>>) semaphore(%run_scoped3A_64 : memref<!tpu.dma_semaphore, #tpu.memory_space<semaphore_mem>>) {add = true}
          %dma_wait3A_71 = arith.constant 0 : i32
          %dma_wait3A_72 = tpu.memref_slice %arg10[%run_scoped3A_63, %dma_wait3A_71] : memref<80x64xi32, #tpu.memory_space<vmem>> -> memref<1x64xi32, #tpu.memory_space<vmem>>
          %dma_wait3A_73 = tpu.memref_squeeze %dma_wait3A_72 : memref<1x64xi32, #tpu.memory_space<vmem>> -> memref<64xi32, #tpu.memory_space<vmem>>
          %dma_wait3A_74 = arith.constant 0 : i32
          %dma_wait3A_75 = arith.constant 0 : i32
          %dma_wait3A_76 = tpu.memref_slice %arg14[%dma_wait3A_74, %dma_wait3A_75] : memref<10240x128xf32, #tpu.memory_space<vmem_shared>> -> memref<10240x128xf32, #tpu.memory_space<vmem_shared>>
          tpu.wait_indirect_dma semaphore(%run_scoped3A_64 : memref<!tpu.dma_semaphore, #tpu.memory_space<semaphore_mem>>) src(%arg12 : memref<64x128xf32, #tpu.memory_space<vmem>>) dst(%dma_wait3A_76 : memref<10240x128xf32, #tpu.memory_space<vmem_shared>>)
          tpu.yield
        }) : () -> ()
      }
      %scan3A_22 = arith.constant 2 : i32
    } else {
    }
    %eq3A_3 = arith.constant 1 : i32
    %eq3A_4 = arith.cmpi eq, %arg0, %eq3A_3 : i32
    %convert_element_type3A_5 = arith.extui %eq3A_4 : i1 to i32
    %cond3A_6 = arith.constant 0 : i32
    %cond3A_7 = arith.cmpi ne, %convert_element_type3A_5, %cond3A_6 : i32
    scf.if %cond3A_7 {
      %scan3A = arith.constant 0 : i32
      %scan3A_19 = arith.constant 2 : i32
      %scan3A_20 = arith.addi %scan3A, %scan3A_19 : i32
      %scan3A_21 = arith.constant 1 : i32
      scf.for %scan3A_23 = %scan3A to %scan3A_20 step %scan3A_21  : i32 {
        %mul3A_24 = arith.constant 1 : i32
        %mul3A_25 = arith.muli %scan3A_23, %mul3A_24 : i32
        %add3A = arith.constant 0 : i32
        %add3A_26 = arith.addi %add3A, %mul3A_25 : i32
        %mul3A_27 = arith.constant 160 : i32
        %mul3A_28 = arith.muli %arg1, %mul3A_27 : i32
        %mul3A_29 = arith.constant 80 : i32
        %mul3A_30 = arith.muli %add3A_26, %mul3A_29 : i32
        %add3A_31 = arith.addi %mul3A_28, %mul3A_30 : i32
        "tpu.region"() ({
          %run_scoped3A_64 = tpu.sem_alloc : memref<!tpu.dma_semaphore, #tpu.memory_space<semaphore_mem>>
          %dma_start3A_65 = arith.constant 0 : i32
          %dma_start3A_66 = tpu.memref_slice %arg4[%add3A_31, %dma_start3A_65] : memref<2560x64xi32, #tpu.memory_space<hbm>> -> memref<80x64xi32, #tpu.memory_space<hbm>>
          %dma_start3A_67 = arith.constant 0 : i32
          %dma_start3A_68 = tpu.memref_slice %arg4[%add3A_31, %dma_start3A_67] : memref<2560x64xi32, #tpu.memory_space<hbm>> -> memref<80x64xi32, #tpu.memory_space<hbm>>
          tpu.enqueue_dma source(%dma_start3A_68 : memref<80x64xi32, #tpu.memory_space<hbm>>) target(%arg9 : memref<80x64xi32, #tpu.memory_space<vmem>>) target_semaphore(%run_scoped3A_64 : memref<!tpu.dma_semaphore, #tpu.memory_space<semaphore_mem>>)
          %dma_wait3A_69 = arith.constant 0 : i32
          %dma_wait3A_70 = tpu.memref_slice %arg4[%add3A_31, %dma_wait3A_69] : memref<2560x64xi32, #tpu.memory_space<hbm>> -> memref<80x64xi32, #tpu.memory_space<hbm>>
          %dma_wait3A_71 = arith.constant 0 : i32
          %dma_wait3A_72 = tpu.memref_slice %arg4[%add3A_31, %dma_wait3A_71] : memref<2560x64xi32, #tpu.memory_space<hbm>> -> memref<80x64xi32, #tpu.memory_space<hbm>>
          tpu.wait_dma2 semaphore(%run_scoped3A_64 : memref<!tpu.dma_semaphore, #tpu.memory_space<semaphore_mem>>) src(%dma_wait3A_72 : memref<80x64xi32, #tpu.memory_space<hbm>>) dst(%arg9 : memref<80x64xi32, #tpu.memory_space<vmem>>)
          tpu.yield
        }) : () -> ()
        "tpu.region"() ({
          %run_scoped3A_64 = tpu.sem_alloc : memref<!tpu.dma_semaphore, #tpu.memory_space<semaphore_mem>>
          %dma_start3A_65 = arith.constant 0 : i32
          %dma_start3A_66 = tpu.memref_slice %arg5[%add3A_31, %dma_start3A_65] : memref<2560x64xi32, #tpu.memory_space<hbm>> -> memref<80x64xi32, #tpu.memory_space<hbm>>
          %dma_start3A_67 = arith.constant 0 : i32
          %dma_start3A_68 = tpu.memref_slice %arg5[%add3A_31, %dma_start3A_67] : memref<2560x64xi32, #tpu.memory_space<hbm>> -> memref<80x64xi32, #tpu.memory_space<hbm>>
          tpu.enqueue_dma source(%dma_start3A_68 : memref<80x64xi32, #tpu.memory_space<hbm>>) target(%arg10 : memref<80x64xi32, #tpu.memory_space<vmem>>) target_semaphore(%run_scoped3A_64 : memref<!tpu.dma_semaphore, #tpu.memory_space<semaphore_mem>>)
          %dma_wait3A_69 = arith.constant 0 : i32
          %dma_wait3A_70 = tpu.memref_slice %arg5[%add3A_31, %dma_wait3A_69] : memref<2560x64xi32, #tpu.memory_space<hbm>> -> memref<80x64xi32, #tpu.memory_space<hbm>>
          %dma_wait3A_71 = arith.constant 0 : i32
          %dma_wait3A_72 = tpu.memref_slice %arg5[%add3A_31, %dma_wait3A_71] : memref<2560x64xi32, #tpu.memory_space<hbm>> -> memref<80x64xi32, #tpu.memory_space<hbm>>
          tpu.wait_dma2 semaphore(%run_scoped3A_64 : memref<!tpu.dma_semaphore, #tpu.memory_space<semaphore_mem>>) src(%dma_wait3A_72 : memref<80x64xi32, #tpu.memory_space<hbm>>) dst(%arg10 : memref<80x64xi32, #tpu.memory_space<vmem>>)
          tpu.yield
        }) : () -> ()
        %dma_start3A = arith.constant 0 : i32
        %dma_start3A_32 = arith.constant 0 : i32
        %dma_start3A_33 = tpu.memref_slice %arg9[%dma_start3A, %dma_start3A_32] : memref<80x64xi32, #tpu.memory_space<vmem>> -> memref<1x64xi32, #tpu.memory_space<vmem>>
        %dma_start3A_34 = tpu.memref_squeeze %dma_start3A_33 : memref<1x64xi32, #tpu.memory_space<vmem>> -> memref<64xi32, #tpu.memory_space<vmem>>
        %dma_start3A_35 = arith.constant 0 : i32
        %dma_start3A_36 = arith.constant 0 : i32
        %dma_start3A_37 = tpu.memref_slice %arg3[%dma_start3A_35, %dma_start3A_36] : memref<10240x128xf32, #tpu.memory_space<hbm>> -> memref<10240x128xf32, #tpu.memory_space<hbm>>
        tpu.enqueue_indirect_dma source(%dma_start3A_37 : memref<10240x128xf32, #tpu.memory_space<hbm>>) target(%arg11 : memref<64x128xf32, #tpu.memory_space<vmem>>) offsets(%dma_start3A_34 : memref<64xi32, #tpu.memory_space<vmem>>) semaphore(%arg15 : memref<!tpu.dma_semaphore, #tpu.memory_space<semaphore_mem>>)
        %dma_start3A_38 = arith.constant 1 : i32
        %dma_start3A_39 = arith.constant 0 : i32
        %dma_start3A_40 = tpu.memref_slice %arg9[%dma_start3A_38, %dma_start3A_39] : memref<80x64xi32, #tpu.memory_space<vmem>> -> memref<1x64xi32, #tpu.memory_space<vmem>>
        %dma_start3A_41 = tpu.memref_squeeze %dma_start3A_40 : memref<1x64xi32, #tpu.memory_space<vmem>> -> memref<64xi32, #tpu.memory_space<vmem>>
        %dma_start3A_42 = arith.constant 0 : i32
        %dma_start3A_43 = arith.constant 0 : i32
        %dma_start3A_44 = tpu.memref_slice %arg3[%dma_start3A_42, %dma_start3A_43] : memref<10240x128xf32, #tpu.memory_space<hbm>> -> memref<10240x128xf32, #tpu.memory_space<hbm>>
        tpu.enqueue_indirect_dma source(%dma_start3A_44 : memref<10240x128xf32, #tpu.memory_space<hbm>>) target(%arg12 : memref<64x128xf32, #tpu.memory_space<vmem>>) offsets(%dma_start3A_41 : memref<64xi32, #tpu.memory_space<vmem>>) semaphore(%arg16 : memref<!tpu.dma_semaphore, #tpu.memory_space<semaphore_mem>>)
        %scan3A_45 = arith.constant 0 : i32
        %scan3A_46 = arith.constant 26 : i32
        %scan3A_47 = arith.addi %scan3A_45, %scan3A_46 : i32
        %scan3A_48 = arith.constant 1 : i32
        scf.for %scan3A_64 = %scan3A_45 to %scan3A_47 step %scan3A_48  : i32 {
          %mul3A_65 = arith.constant 1 : i32
          %mul3A_66 = arith.muli %scan3A_64, %mul3A_65 : i32
          %add3A_67 = arith.constant 0 : i32
          %add3A_68 = arith.addi %add3A_67, %mul3A_66 : i32
          %mul3A_69 = arith.constant 3 : i32
          %mul3A_70 = arith.muli %mul3A_69, %add3A_68 : i32
          %add3A_71 = arith.constant 0 : i32
          %add3A_72 = arith.addi %mul3A_70, %add3A_71 : i32
          %dma_wait3A_73 = arith.constant 0 : i32
          %dma_wait3A_74 = tpu.memref_slice %arg9[%add3A_72, %dma_wait3A_73] : memref<80x64xi32, #tpu.memory_space<vmem>> -> memref<1x64xi32, #tpu.memory_space<vmem>>
          %dma_wait3A_75 = tpu.memref_squeeze %dma_wait3A_74 : memref<1x64xi32, #tpu.memory_space<vmem>> -> memref<64xi32, #tpu.memory_space<vmem>>
          %dma_wait3A_76 = arith.constant 0 : i32
          %dma_wait3A_77 = arith.constant 0 : i32
          %dma_wait3A_78 = tpu.memref_slice %arg3[%dma_wait3A_76, %dma_wait3A_77] : memref<10240x128xf32, #tpu.memory_space<hbm>> -> memref<10240x128xf32, #tpu.memory_space<hbm>>
          tpu.wait_indirect_dma semaphore(%arg15 : memref<!tpu.dma_semaphore, #tpu.memory_space<semaphore_mem>>) src(%dma_wait3A_78 : memref<10240x128xf32, #tpu.memory_space<hbm>>) dst(%arg11 : memref<64x128xf32, #tpu.memory_space<vmem>>)
          %add3A_79 = arith.constant 2 : i32
          %add3A_80 = arith.addi %add3A_72, %add3A_79 : i32
          %dma_start3A_81 = arith.constant 0 : i32
          %dma_start3A_82 = tpu.memref_slice %arg9[%add3A_80, %dma_start3A_81] : memref<80x64xi32, #tpu.memory_space<vmem>> -> memref<1x64xi32, #tpu.memory_space<vmem>>
          %dma_start3A_83 = tpu.memref_squeeze %dma_start3A_82 : memref<1x64xi32, #tpu.memory_space<vmem>> -> memref<64xi32, #tpu.memory_space<vmem>>
          %dma_start3A_84 = arith.constant 0 : i32
          %dma_start3A_85 = arith.constant 0 : i32
          %dma_start3A_86 = tpu.memref_slice %arg3[%dma_start3A_84, %dma_start3A_85] : memref<10240x128xf32, #tpu.memory_space<hbm>> -> memref<10240x128xf32, #tpu.memory_space<hbm>>
          tpu.enqueue_indirect_dma source(%dma_start3A_86 : memref<10240x128xf32, #tpu.memory_space<hbm>>) target(%arg13 : memref<64x128xf32, #tpu.memory_space<vmem>>) offsets(%dma_start3A_83 : memref<64xi32, #tpu.memory_space<vmem>>) semaphore(%arg17 : memref<!tpu.dma_semaphore, #tpu.memory_space<semaphore_mem>>)
          "tpu.region"() ({
            %run_scoped3A_119 = tpu.sem_alloc : memref<!tpu.dma_semaphore, #tpu.memory_space<semaphore_mem>>
            %dma_start3A_120 = arith.constant 0 : i32
            %dma_start3A_121 = tpu.memref_slice %arg10[%add3A_72, %dma_start3A_120] : memref<80x64xi32, #tpu.memory_space<vmem>> -> memref<1x64xi32, #tpu.memory_space<vmem>>
            %dma_start3A_122 = tpu.memref_squeeze %dma_start3A_121 : memref<1x64xi32, #tpu.memory_space<vmem>> -> memref<64xi32, #tpu.memory_space<vmem>>
            %dma_start3A_123 = arith.constant 0 : i32
            %dma_start3A_124 = arith.constant 0 : i32
            %dma_start3A_125 = tpu.memref_slice %arg14[%dma_start3A_123, %dma_start3A_124] : memref<10240x128xf32, #tpu.memory_space<vmem_shared>> -> memref<10240x128xf32, #tpu.memory_space<vmem_shared>>
            tpu.enqueue_indirect_dma source(%arg11 : memref<64x128xf32, #tpu.memory_space<vmem>>) target(%dma_start3A_125 : memref<10240x128xf32, #tpu.memory_space<vmem_shared>>) offsets(%dma_start3A_122 : memref<64xi32, #tpu.memory_space<vmem>>) semaphore(%run_scoped3A_119 : memref<!tpu.dma_semaphore, #tpu.memory_space<semaphore_mem>>) {add = true}
            %dma_wait3A_126 = arith.constant 0 : i32
            %dma_wait3A_127 = tpu.memref_slice %arg10[%add3A_72, %dma_wait3A_126] : memref<80x64xi32, #tpu.memory_space<vmem>> -> memref<1x64xi32, #tpu.memory_space<vmem>>
            %dma_wait3A_128 = tpu.memref_squeeze %dma_wait3A_127 : memref<1x64xi32, #tpu.memory_space<vmem>> -> memref<64xi32, #tpu.memory_space<vmem>>
            %dma_wait3A_129 = arith.constant 0 : i32
            %dma_wait3A_130 = arith.constant 0 : i32
            %dma_wait3A_131 = tpu.memref_slice %arg14[%dma_wait3A_129, %dma_wait3A_130] : memref<10240x128xf32, #tpu.memory_space<vmem_shared>> -> memref<10240x128xf32, #tpu.memory_space<vmem_shared>>
            tpu.wait_indirect_dma semaphore(%run_scoped3A_119 : memref<!tpu.dma_semaphore, #tpu.memory_space<semaphore_mem>>) src(%arg11 : memref<64x128xf32, #tpu.memory_space<vmem>>) dst(%dma_wait3A_131 : memref<10240x128xf32, #tpu.memory_space<vmem_shared>>)
            tpu.yield
          }) : () -> ()
          %add3A_87 = arith.constant 1 : i32
          %add3A_88 = arith.addi %mul3A_70, %add3A_87 : i32
          %dma_wait3A_89 = arith.constant 0 : i32
          %dma_wait3A_90 = tpu.memref_slice %arg9[%add3A_88, %dma_wait3A_89] : memref<80x64xi32, #tpu.memory_space<vmem>> -> memref<1x64xi32, #tpu.memory_space<vmem>>
          %dma_wait3A_91 = tpu.memref_squeeze %dma_wait3A_90 : memref<1x64xi32, #tpu.memory_space<vmem>> -> memref<64xi32, #tpu.memory_space<vmem>>
          %dma_wait3A_92 = arith.constant 0 : i32
          %dma_wait3A_93 = arith.constant 0 : i32
          %dma_wait3A_94 = tpu.memref_slice %arg3[%dma_wait3A_92, %dma_wait3A_93] : memref<10240x128xf32, #tpu.memory_space<hbm>> -> memref<10240x128xf32, #tpu.memory_space<hbm>>
          tpu.wait_indirect_dma semaphore(%arg16 : memref<!tpu.dma_semaphore, #tpu.memory_space<semaphore_mem>>) src(%dma_wait3A_94 : memref<10240x128xf32, #tpu.memory_space<hbm>>) dst(%arg12 : memref<64x128xf32, #tpu.memory_space<vmem>>)
          %add3A_95 = arith.constant 2 : i32
          %add3A_96 = arith.addi %add3A_88, %add3A_95 : i32
          %dma_start3A_97 = arith.constant 0 : i32
          %dma_start3A_98 = tpu.memref_slice %arg9[%add3A_96, %dma_start3A_97] : memref<80x64xi32, #tpu.memory_space<vmem>> -> memref<1x64xi32, #tpu.memory_space<vmem>>
          %dma_start3A_99 = tpu.memref_squeeze %dma_start3A_98 : memref<1x64xi32, #tpu.memory_space<vmem>> -> memref<64xi32, #tpu.memory_space<vmem>>
          %dma_start3A_100 = arith.constant 0 : i32
          %dma_start3A_101 = arith.constant 0 : i32
          %dma_start3A_102 = tpu.memref_slice %arg3[%dma_start3A_100, %dma_start3A_101] : memref<10240x128xf32, #tpu.memory_space<hbm>> -> memref<10240x128xf32, #tpu.memory_space<hbm>>
          tpu.enqueue_indirect_dma source(%dma_start3A_102 : memref<10240x128xf32, #tpu.memory_space<hbm>>) target(%arg11 : memref<64x128xf32, #tpu.memory_space<vmem>>) offsets(%dma_start3A_99 : memref<64xi32, #tpu.memory_space<vmem>>) semaphore(%arg15 : memref<!tpu.dma_semaphore, #tpu.memory_space<semaphore_mem>>)
          "tpu.region"() ({
            %run_scoped3A_119 = tpu.sem_alloc : memref<!tpu.dma_semaphore, #tpu.memory_space<semaphore_mem>>
            %dma_start3A_120 = arith.constant 0 : i32
            %dma_start3A_121 = tpu.memref_slice %arg10[%add3A_88, %dma_start3A_120] : memref<80x64xi32, #tpu.memory_space<vmem>> -> memref<1x64xi32, #tpu.memory_space<vmem>>
            %dma_start3A_122 = tpu.memref_squeeze %dma_start3A_121 : memref<1x64xi32, #tpu.memory_space<vmem>> -> memref<64xi32, #tpu.memory_space<vmem>>
            %dma_start3A_123 = arith.constant 0 : i32
            %dma_start3A_124 = arith.constant 0 : i32
            %dma_start3A_125 = tpu.memref_slice %arg14[%dma_start3A_123, %dma_start3A_124] : memref<10240x128xf32, #tpu.memory_space<vmem_shared>> -> memref<10240x128xf32, #tpu.memory_space<vmem_shared>>
            tpu.enqueue_indirect_dma source(%arg12 : memref<64x128xf32, #tpu.memory_space<vmem>>) target(%dma_start3A_125 : memref<10240x128xf32, #tpu.memory_space<vmem_shared>>) offsets(%dma_start3A_122 : memref<64xi32, #tpu.memory_space<vmem>>) semaphore(%run_scoped3A_119 : memref<!tpu.dma_semaphore, #tpu.memory_space<semaphore_mem>>) {add = true}
            %dma_wait3A_126 = arith.constant 0 : i32
            %dma_wait3A_127 = tpu.memref_slice %arg10[%add3A_88, %dma_wait3A_126] : memref<80x64xi32, #tpu.memory_space<vmem>> -> memref<1x64xi32, #tpu.memory_space<vmem>>
            %dma_wait3A_128 = tpu.memref_squeeze %dma_wait3A_127 : memref<1x64xi32, #tpu.memory_space<vmem>> -> memref<64xi32, #tpu.memory_space<vmem>>
            %dma_wait3A_129 = arith.constant 0 : i32
            %dma_wait3A_130 = arith.constant 0 : i32
            %dma_wait3A_131 = tpu.memref_slice %arg14[%dma_wait3A_129, %dma_wait3A_130] : memref<10240x128xf32, #tpu.memory_space<vmem_shared>> -> memref<10240x128xf32, #tpu.memory_space<vmem_shared>>
            tpu.wait_indirect_dma semaphore(%run_scoped3A_119 : memref<!tpu.dma_semaphore, #tpu.memory_space<semaphore_mem>>) src(%arg12 : memref<64x128xf32, #tpu.memory_space<vmem>>) dst(%dma_wait3A_131 : memref<10240x128xf32, #tpu.memory_space<vmem_shared>>)
            tpu.yield
          }) : () -> ()
          %add3A_103 = arith.constant 2 : i32
          %add3A_104 = arith.addi %mul3A_70, %add3A_103 : i32
          %dma_wait3A_105 = arith.constant 0 : i32
          %dma_wait3A_106 = tpu.memref_slice %arg9[%add3A_104, %dma_wait3A_105] : memref<80x64xi32, #tpu.memory_space<vmem>> -> memref<1x64xi32, #tpu.memory_space<vmem>>
          %dma_wait3A_107 = tpu.memref_squeeze %dma_wait3A_106 : memref<1x64xi32, #tpu.memory_space<vmem>> -> memref<64xi32, #tpu.memory_space<vmem>>
          %dma_wait3A_108 = arith.constant 0 : i32
          %dma_wait3A_109 = arith.constant 0 : i32
          %dma_wait3A_110 = tpu.memref_slice %arg3[%dma_wait3A_108, %dma_wait3A_109] : memref<10240x128xf32, #tpu.memory_space<hbm>> -> memref<10240x128xf32, #tpu.memory_space<hbm>>
          tpu.wait_indirect_dma semaphore(%arg17 : memref<!tpu.dma_semaphore, #tpu.memory_space<semaphore_mem>>) src(%dma_wait3A_110 : memref<10240x128xf32, #tpu.memory_space<hbm>>) dst(%arg13 : memref<64x128xf32, #tpu.memory_space<vmem>>)
          %add3A_111 = arith.constant 2 : i32
          %add3A_112 = arith.addi %add3A_104, %add3A_111 : i32
          %dma_start3A_113 = arith.constant 0 : i32
          %dma_start3A_114 = tpu.memref_slice %arg9[%add3A_112, %dma_start3A_113] : memref<80x64xi32, #tpu.memory_space<vmem>> -> memref<1x64xi32, #tpu.memory_space<vmem>>
          %dma_start3A_115 = tpu.memref_squeeze %dma_start3A_114 : memref<1x64xi32, #tpu.memory_space<vmem>> -> memref<64xi32, #tpu.memory_space<vmem>>
          %dma_start3A_116 = arith.constant 0 : i32
          %dma_start3A_117 = arith.constant 0 : i32
          %dma_start3A_118 = tpu.memref_slice %arg3[%dma_start3A_116, %dma_start3A_117] : memref<10240x128xf32, #tpu.memory_space<hbm>> -> memref<10240x128xf32, #tpu.memory_space<hbm>>
          tpu.enqueue_indirect_dma source(%dma_start3A_118 : memref<10240x128xf32, #tpu.memory_space<hbm>>) target(%arg12 : memref<64x128xf32, #tpu.memory_space<vmem>>) offsets(%dma_start3A_115 : memref<64xi32, #tpu.memory_space<vmem>>) semaphore(%arg16 : memref<!tpu.dma_semaphore, #tpu.memory_space<semaphore_mem>>)
          "tpu.region"() ({
            %run_scoped3A_119 = tpu.sem_alloc : memref<!tpu.dma_semaphore, #tpu.memory_space<semaphore_mem>>
            %dma_start3A_120 = arith.constant 0 : i32
            %dma_start3A_121 = tpu.memref_slice %arg10[%add3A_104, %dma_start3A_120] : memref<80x64xi32, #tpu.memory_space<vmem>> -> memref<1x64xi32, #tpu.memory_space<vmem>>
            %dma_start3A_122 = tpu.memref_squeeze %dma_start3A_121 : memref<1x64xi32, #tpu.memory_space<vmem>> -> memref<64xi32, #tpu.memory_space<vmem>>
            %dma_start3A_123 = arith.constant 0 : i32
            %dma_start3A_124 = arith.constant 0 : i32
            %dma_start3A_125 = tpu.memref_slice %arg14[%dma_start3A_123, %dma_start3A_124] : memref<10240x128xf32, #tpu.memory_space<vmem_shared>> -> memref<10240x128xf32, #tpu.memory_space<vmem_shared>>
            tpu.enqueue_indirect_dma source(%arg13 : memref<64x128xf32, #tpu.memory_space<vmem>>) target(%dma_start3A_125 : memref<10240x128xf32, #tpu.memory_space<vmem_shared>>) offsets(%dma_start3A_122 : memref<64xi32, #tpu.memory_space<vmem>>) semaphore(%run_scoped3A_119 : memref<!tpu.dma_semaphore, #tpu.memory_space<semaphore_mem>>) {add = true}
            %dma_wait3A_126 = arith.constant 0 : i32
            %dma_wait3A_127 = tpu.memref_slice %arg10[%add3A_104, %dma_wait3A_126] : memref<80x64xi32, #tpu.memory_space<vmem>> -> memref<1x64xi32, #tpu.memory_space<vmem>>
            %dma_wait3A_128 = tpu.memref_squeeze %dma_wait3A_127 : memref<1x64xi32, #tpu.memory_space<vmem>> -> memref<64xi32, #tpu.memory_space<vmem>>
            %dma_wait3A_129 = arith.constant 0 : i32
            %dma_wait3A_130 = arith.constant 0 : i32
            %dma_wait3A_131 = tpu.memref_slice %arg14[%dma_wait3A_129, %dma_wait3A_130] : memref<10240x128xf32, #tpu.memory_space<vmem_shared>> -> memref<10240x128xf32, #tpu.memory_space<vmem_shared>>
            tpu.wait_indirect_dma semaphore(%run_scoped3A_119 : memref<!tpu.dma_semaphore, #tpu.memory_space<semaphore_mem>>) src(%arg13 : memref<64x128xf32, #tpu.memory_space<vmem>>) dst(%dma_wait3A_131 : memref<10240x128xf32, #tpu.memory_space<vmem_shared>>)
            tpu.yield
          }) : () -> ()
        }
        %scan3A_49 = arith.constant 26 : i32
        %dma_wait3A = arith.constant 78 : i32
        %dma_wait3A_50 = arith.constant 0 : i32
        %dma_wait3A_51 = tpu.memref_slice %arg9[%dma_wait3A, %dma_wait3A_50] : memref<80x64xi32, #tpu.memory_space<vmem>> -> memref<1x64xi32, #tpu.memory_space<vmem>>
        %dma_wait3A_52 = tpu.memref_squeeze %dma_wait3A_51 : memref<1x64xi32, #tpu.memory_space<vmem>> -> memref<64xi32, #tpu.memory_space<vmem>>
        %dma_wait3A_53 = arith.constant 0 : i32
        %dma_wait3A_54 = arith.constant 0 : i32
        %dma_wait3A_55 = tpu.memref_slice %arg3[%dma_wait3A_53, %dma_wait3A_54] : memref<10240x128xf32, #tpu.memory_space<hbm>> -> memref<10240x128xf32, #tpu.memory_space<hbm>>
        tpu.wait_indirect_dma semaphore(%arg15 : memref<!tpu.dma_semaphore, #tpu.memory_space<semaphore_mem>>) src(%dma_wait3A_55 : memref<10240x128xf32, #tpu.memory_space<hbm>>) dst(%arg11 : memref<64x128xf32, #tpu.memory_space<vmem>>)
        %run_scoped3A = arith.constant 78 : i32
        "tpu.region"() ({
          %run_scoped3A_64 = tpu.sem_alloc : memref<!tpu.dma_semaphore, #tpu.memory_space<semaphore_mem>>
          %dma_start3A_65 = arith.constant 0 : i32
          %dma_start3A_66 = tpu.memref_slice %arg10[%run_scoped3A, %dma_start3A_65] : memref<80x64xi32, #tpu.memory_space<vmem>> -> memref<1x64xi32, #tpu.memory_space<vmem>>
          %dma_start3A_67 = tpu.memref_squeeze %dma_start3A_66 : memref<1x64xi32, #tpu.memory_space<vmem>> -> memref<64xi32, #tpu.memory_space<vmem>>
          %dma_start3A_68 = arith.constant 0 : i32
          %dma_start3A_69 = arith.constant 0 : i32
          %dma_start3A_70 = tpu.memref_slice %arg14[%dma_start3A_68, %dma_start3A_69] : memref<10240x128xf32, #tpu.memory_space<vmem_shared>> -> memref<10240x128xf32, #tpu.memory_space<vmem_shared>>
          tpu.enqueue_indirect_dma source(%arg11 : memref<64x128xf32, #tpu.memory_space<vmem>>) target(%dma_start3A_70 : memref<10240x128xf32, #tpu.memory_space<vmem_shared>>) offsets(%dma_start3A_67 : memref<64xi32, #tpu.memory_space<vmem>>) semaphore(%run_scoped3A_64 : memref<!tpu.dma_semaphore, #tpu.memory_space<semaphore_mem>>) {add = true}
          %dma_wait3A_71 = arith.constant 0 : i32
          %dma_wait3A_72 = tpu.memref_slice %arg10[%run_scoped3A, %dma_wait3A_71] : memref<80x64xi32, #tpu.memory_space<vmem>> -> memref<1x64xi32, #tpu.memory_space<vmem>>
          %dma_wait3A_73 = tpu.memref_squeeze %dma_wait3A_72 : memref<1x64xi32, #tpu.memory_space<vmem>> -> memref<64xi32, #tpu.memory_space<vmem>>
          %dma_wait3A_74 = arith.constant 0 : i32
          %dma_wait3A_75 = arith.constant 0 : i32
          %dma_wait3A_76 = tpu.memref_slice %arg14[%dma_wait3A_74, %dma_wait3A_75] : memref<10240x128xf32, #tpu.memory_space<vmem_shared>> -> memref<10240x128xf32, #tpu.memory_space<vmem_shared>>
          tpu.wait_indirect_dma semaphore(%run_scoped3A_64 : memref<!tpu.dma_semaphore, #tpu.memory_space<semaphore_mem>>) src(%arg11 : memref<64x128xf32, #tpu.memory_space<vmem>>) dst(%dma_wait3A_76 : memref<10240x128xf32, #tpu.memory_space<vmem_shared>>)
          tpu.yield
        }) : () -> ()
        %dma_wait3A_56 = arith.constant 79 : i32
        %dma_wait3A_57 = arith.constant 0 : i32
        %dma_wait3A_58 = tpu.memref_slice %arg9[%dma_wait3A_56, %dma_wait3A_57] : memref<80x64xi32, #tpu.memory_space<vmem>> -> memref<1x64xi32, #tpu.memory_space<vmem>>
        %dma_wait3A_59 = tpu.memref_squeeze %dma_wait3A_58 : memref<1x64xi32, #tpu.memory_space<vmem>> -> memref<64xi32, #tpu.memory_space<vmem>>
        %dma_wait3A_60 = arith.constant 0 : i32
        %dma_wait3A_61 = arith.constant 0 : i32
        %dma_wait3A_62 = tpu.memref_slice %arg3[%dma_wait3A_60, %dma_wait3A_61] : memref<10240x128xf32, #tpu.memory_space<hbm>> -> memref<10240x128xf32, #tpu.memory_space<hbm>>
        tpu.wait_indirect_dma semaphore(%arg16 : memref<!tpu.dma_semaphore, #tpu.memory_space<semaphore_mem>>) src(%dma_wait3A_62 : memref<10240x128xf32, #tpu.memory_space<hbm>>) dst(%arg12 : memref<64x128xf32, #tpu.memory_space<vmem>>)
        %run_scoped3A_63 = arith.constant 79 : i32
        "tpu.region"() ({
          %run_scoped3A_64 = tpu.sem_alloc : memref<!tpu.dma_semaphore, #tpu.memory_space<semaphore_mem>>
          %dma_start3A_65 = arith.constant 0 : i32
          %dma_start3A_66 = tpu.memref_slice %arg10[%run_scoped3A_63, %dma_start3A_65] : memref<80x64xi32, #tpu.memory_space<vmem>> -> memref<1x64xi32, #tpu.memory_space<vmem>>
          %dma_start3A_67 = tpu.memref_squeeze %dma_start3A_66 : memref<1x64xi32, #tpu.memory_space<vmem>> -> memref<64xi32, #tpu.memory_space<vmem>>
          %dma_start3A_68 = arith.constant 0 : i32
          %dma_start3A_69 = arith.constant 0 : i32
          %dma_start3A_70 = tpu.memref_slice %arg14[%dma_start3A_68, %dma_start3A_69] : memref<10240x128xf32, #tpu.memory_space<vmem_shared>> -> memref<10240x128xf32, #tpu.memory_space<vmem_shared>>
          tpu.enqueue_indirect_dma source(%arg12 : memref<64x128xf32, #tpu.memory_space<vmem>>) target(%dma_start3A_70 : memref<10240x128xf32, #tpu.memory_space<vmem_shared>>) offsets(%dma_start3A_67 : memref<64xi32, #tpu.memory_space<vmem>>) semaphore(%run_scoped3A_64 : memref<!tpu.dma_semaphore, #tpu.memory_space<semaphore_mem>>) {add = true}
          %dma_wait3A_71 = arith.constant 0 : i32
          %dma_wait3A_72 = tpu.memref_slice %arg10[%run_scoped3A_63, %dma_wait3A_71] : memref<80x64xi32, #tpu.memory_space<vmem>> -> memref<1x64xi32, #tpu.memory_space<vmem>>
          %dma_wait3A_73 = tpu.memref_squeeze %dma_wait3A_72 : memref<1x64xi32, #tpu.memory_space<vmem>> -> memref<64xi32, #tpu.memory_space<vmem>>
          %dma_wait3A_74 = arith.constant 0 : i32
          %dma_wait3A_75 = arith.constant 0 : i32
          %dma_wait3A_76 = tpu.memref_slice %arg14[%dma_wait3A_74, %dma_wait3A_75] : memref<10240x128xf32, #tpu.memory_space<vmem_shared>> -> memref<10240x128xf32, #tpu.memory_space<vmem_shared>>
          tpu.wait_indirect_dma semaphore(%run_scoped3A_64 : memref<!tpu.dma_semaphore, #tpu.memory_space<semaphore_mem>>) src(%arg12 : memref<64x128xf32, #tpu.memory_space<vmem>>) dst(%dma_wait3A_76 : memref<10240x128xf32, #tpu.memory_space<vmem_shared>>)
          tpu.yield
        }) : () -> ()
      }
      %scan3A_22 = arith.constant 2 : i32
    } else {
    }
    %barrier3A_8 = arith.constant 0 : index
    tpu.barrier barrier_id(%barrier3A_8)
    %eq3A_9 = arith.constant 0 : i32
    %eq3A_10 = arith.cmpi eq, %arg0, %eq3A_9 : i32
    %convert_element_type3A_11 = arith.extui %eq3A_10 : i1 to i32
    %cond3A_12 = arith.constant 0 : i32
    %cond3A_13 = arith.cmpi ne, %convert_element_type3A_11, %cond3A_12 : i32
    scf.if %cond3A_13 {
      "tpu.region"() ({
        %run_scoped3A = tpu.sem_alloc : memref<!tpu.dma_semaphore, #tpu.memory_space<semaphore_mem>>
        %dma_start3A = arith.constant 0 : i32
        %dma_start3A_19 = tpu.memref_slice %arg7[%mul3A_0, %dma_start3A] : memref<10240x128xf32, #tpu.memory_space<hbm>> -> memref<640x128xf32, #tpu.memory_space<hbm>>
        %dma_start3A_20 = arith.constant 0 : i32
        %dma_start3A_21 = tpu.memref_slice %arg14[%mul3A_0, %dma_start3A_20] : memref<10240x128xf32, #tpu.memory_space<vmem_shared>> -> memref<640x128xf32, #tpu.memory_space<vmem_shared>>
        tpu.enqueue_dma source(%dma_start3A_21 : memref<640x128xf32, #tpu.memory_space<vmem_shared>>) target(%dma_start3A_19 : memref<640x128xf32, #tpu.memory_space<hbm>>) target_semaphore(%run_scoped3A : memref<!tpu.dma_semaphore, #tpu.memory_space<semaphore_mem>>)
        %dma_wait3A = arith.constant 0 : i32
        %dma_wait3A_22 = tpu.memref_slice %arg7[%mul3A_0, %dma_wait3A] : memref<10240x128xf32, #tpu.memory_space<hbm>> -> memref<640x128xf32, #tpu.memory_space<hbm>>
        %dma_wait3A_23 = arith.constant 0 : i32
        %dma_wait3A_24 = tpu.memref_slice %arg14[%mul3A_0, %dma_wait3A_23] : memref<10240x128xf32, #tpu.memory_space<vmem_shared>> -> memref<640x128xf32, #tpu.memory_space<vmem_shared>>
        tpu.wait_dma2 semaphore(%run_scoped3A : memref<!tpu.dma_semaphore, #tpu.memory_space<semaphore_mem>>) src(%dma_wait3A_24 : memref<640x128xf32, #tpu.memory_space<vmem_shared>>) dst(%dma_wait3A_22 : memref<640x128xf32, #tpu.memory_space<hbm>>)
        tpu.yield
      }) : () -> ()
    } else {
    }
    %eq3A_14 = arith.constant 1 : i32
    %eq3A_15 = arith.cmpi eq, %arg0, %eq3A_14 : i32
    %convert_element_type3A_16 = arith.extui %eq3A_15 : i1 to i32
    %cond3A_17 = arith.constant 0 : i32
    %cond3A_18 = arith.cmpi ne, %convert_element_type3A_16, %cond3A_17 : i32
    scf.if %cond3A_18 {
      "tpu.region"() ({
        %run_scoped3A = tpu.sem_alloc : memref<!tpu.dma_semaphore, #tpu.memory_space<semaphore_mem>>
        %dma_start3A = arith.constant 0 : i32
        %dma_start3A_19 = tpu.memref_slice %arg8[%mul3A_0, %dma_start3A] : memref<10240x128xf32, #tpu.memory_space<hbm>> -> memref<640x128xf32, #tpu.memory_space<hbm>>
        %dma_start3A_20 = arith.constant 0 : i32
        %dma_start3A_21 = tpu.memref_slice %arg14[%mul3A_0, %dma_start3A_20] : memref<10240x128xf32, #tpu.memory_space<vmem_shared>> -> memref<640x128xf32, #tpu.memory_space<vmem_shared>>
        tpu.enqueue_dma source(%dma_start3A_21 : memref<640x128xf32, #tpu.memory_space<vmem_shared>>) target(%dma_start3A_19 : memref<640x128xf32, #tpu.memory_space<hbm>>) target_semaphore(%run_scoped3A : memref<!tpu.dma_semaphore, #tpu.memory_space<semaphore_mem>>)
        %dma_wait3A = arith.constant 0 : i32
        %dma_wait3A_22 = tpu.memref_slice %arg8[%mul3A_0, %dma_wait3A] : memref<10240x128xf32, #tpu.memory_space<hbm>> -> memref<640x128xf32, #tpu.memory_space<hbm>>
        %dma_wait3A_23 = arith.constant 0 : i32
        %dma_wait3A_24 = tpu.memref_slice %arg14[%mul3A_0, %dma_wait3A_23] : memref<10240x128xf32, #tpu.memory_space<vmem_shared>> -> memref<640x128xf32, #tpu.memory_space<vmem_shared>>
        tpu.wait_dma2 semaphore(%run_scoped3A : memref<!tpu.dma_semaphore, #tpu.memory_space<semaphore_mem>>) src(%dma_wait3A_24 : memref<640x128xf32, #tpu.memory_space<vmem_shared>>) dst(%dma_wait3A_22 : memref<640x128xf32, #tpu.memory_space<hbm>>)
        tpu.yield
      }) : () -> ()
    } else {
    }
    return
  }
}

#map = affine_map<(d0, d1) -> (0, 0)>
module attributes {stable_mosaic.version = 14 : i64} {
  func.func @_sc_deg_body(%arg0: i32, %arg1: i32, %arg2: memref<1280x128xi32, #tpu.memory_space<hbm>>, %arg3: memref<128x128xf32, #tpu.memory_space<hbm>>, %arg4: memref<640x128xf32, #tpu.memory_space<hbm>>, %arg5: memref<10240x128xf32, #tpu.memory_space<hbm>>, %arg6: memref<10240x128xf32, #tpu.memory_space<hbm>>, %arg7: memref<40x128xi32, #tpu.memory_space<vmem>>, %arg8: memref<128x128xf32, #tpu.memory_space<vmem>>, %arg9: memref<10240x128xf32, #tpu.memory_space<vmem_shared>>) attributes {dimension_semantics = [#tpu.dimension_semantics<core_parallel>, #tpu.dimension_semantics<subcore_parallel>], iteration_bounds = array<i64: 2, 16>, scalar_prefetch = 0 : i64, scratch_operands = 3 : i64, tpu.core_type = #tpu.core_type<sc_vector_subcore>, window_params = [{transform_indices = #map}, {transform_indices = #map}, {transform_indices = #map}, {transform_indices = #map}, {transform_indices = #map}]} {
    %mul3A = arith.constant 640 : i32
    %mul3A_0 = arith.muli %arg1, %mul3A : i32
    "tpu.region"() ({
      %run_scoped3A = tpu.sem_alloc : memref<!tpu.dma_semaphore, #tpu.memory_space<semaphore_mem>>
      %dma_start3A = arith.constant 0 : i32
      %dma_start3A_17 = tpu.memref_slice %arg9[%mul3A_0, %dma_start3A] : memref<10240x128xf32, #tpu.memory_space<vmem_shared>> -> memref<640x128xf32, #tpu.memory_space<vmem_shared>>
      tpu.enqueue_dma source(%arg4 : memref<640x128xf32, #tpu.memory_space<hbm>>) target(%dma_start3A_17 : memref<640x128xf32, #tpu.memory_space<vmem_shared>>) target_semaphore(%run_scoped3A : memref<!tpu.dma_semaphore, #tpu.memory_space<semaphore_mem>>)
      %dma_wait3A = arith.constant 0 : i32
      %dma_wait3A_18 = tpu.memref_slice %arg9[%mul3A_0, %dma_wait3A] : memref<10240x128xf32, #tpu.memory_space<vmem_shared>> -> memref<640x128xf32, #tpu.memory_space<vmem_shared>>
      tpu.wait_dma2 semaphore(%run_scoped3A : memref<!tpu.dma_semaphore, #tpu.memory_space<semaphore_mem>>) src(%arg4 : memref<640x128xf32, #tpu.memory_space<hbm>>) dst(%dma_wait3A_18 : memref<640x128xf32, #tpu.memory_space<vmem_shared>>)
      tpu.yield
    }) : () -> ()
    %mul3A_1 = arith.constant 16 : i32
    %mul3A_2 = arith.muli %arg0, %mul3A_1 : i32
    %add3A = arith.addi %mul3A_2, %arg1 : i32
    %mul3A_3 = arith.constant 40 : i32
    %mul3A_4 = arith.muli %add3A, %mul3A_3 : i32
    "tpu.region"() ({
      %run_scoped3A = tpu.sem_alloc : memref<!tpu.dma_semaphore, #tpu.memory_space<semaphore_mem>>
      %dma_start3A = arith.constant 0 : i32
      %dma_start3A_17 = tpu.memref_slice %arg2[%mul3A_4, %dma_start3A] : memref<1280x128xi32, #tpu.memory_space<hbm>> -> memref<40x128xi32, #tpu.memory_space<hbm>>
      %dma_start3A_18 = arith.constant 0 : i32
      %dma_start3A_19 = tpu.memref_slice %arg2[%mul3A_4, %dma_start3A_18] : memref<1280x128xi32, #tpu.memory_space<hbm>> -> memref<40x128xi32, #tpu.memory_space<hbm>>
      tpu.enqueue_dma source(%dma_start3A_19 : memref<40x128xi32, #tpu.memory_space<hbm>>) target(%arg7 : memref<40x128xi32, #tpu.memory_space<vmem>>) target_semaphore(%run_scoped3A : memref<!tpu.dma_semaphore, #tpu.memory_space<semaphore_mem>>)
      %dma_wait3A = arith.constant 0 : i32
      %dma_wait3A_20 = tpu.memref_slice %arg2[%mul3A_4, %dma_wait3A] : memref<1280x128xi32, #tpu.memory_space<hbm>> -> memref<40x128xi32, #tpu.memory_space<hbm>>
      %dma_wait3A_21 = arith.constant 0 : i32
      %dma_wait3A_22 = tpu.memref_slice %arg2[%mul3A_4, %dma_wait3A_21] : memref<1280x128xi32, #tpu.memory_space<hbm>> -> memref<40x128xi32, #tpu.memory_space<hbm>>
      tpu.wait_dma2 semaphore(%run_scoped3A : memref<!tpu.dma_semaphore, #tpu.memory_space<semaphore_mem>>) src(%dma_wait3A_22 : memref<40x128xi32, #tpu.memory_space<hbm>>) dst(%arg7 : memref<40x128xi32, #tpu.memory_space<vmem>>)
      tpu.yield
    }) : () -> ()
    "tpu.region"() ({
      %run_scoped3A = tpu.sem_alloc : memref<!tpu.dma_semaphore, #tpu.memory_space<semaphore_mem>>
      tpu.enqueue_dma source(%arg3 : memref<128x128xf32, #tpu.memory_space<hbm>>) target(%arg8 : memref<128x128xf32, #tpu.memory_space<vmem>>) target_semaphore(%run_scoped3A : memref<!tpu.dma_semaphore, #tpu.memory_space<semaphore_mem>>)
      tpu.wait_dma2 semaphore(%run_scoped3A : memref<!tpu.dma_semaphore, #tpu.memory_space<semaphore_mem>>) src(%arg3 : memref<128x128xf32, #tpu.memory_space<hbm>>) dst(%arg8 : memref<128x128xf32, #tpu.memory_space<vmem>>)
      tpu.yield
    }) : () -> ()
    %barrier3A = arith.constant 0 : index
    tpu.barrier barrier_id(%barrier3A)
    %scan3A = arith.constant 0 : i32
    %scan3A_5 = arith.constant 40 : i32
    %scan3A_6 = arith.addi %scan3A, %scan3A_5 : i32
    %scan3A_7 = arith.constant 1 : i32
    scf.for %scan3A_17 = %scan3A to %scan3A_6 step %scan3A_7  : i32 {
      %mul3A_18 = arith.constant 1 : i32
      %mul3A_19 = arith.muli %scan3A_17, %mul3A_18 : i32
      %add3A_20 = arith.constant 0 : i32
      %add3A_21 = arith.addi %add3A_20, %mul3A_19 : i32
      "tpu.region"() ({
        %run_scoped3A = tpu.sem_alloc : memref<!tpu.dma_semaphore, #tpu.memory_space<semaphore_mem>>
        %dma_start3A = arith.constant 0 : i32
        %dma_start3A_22 = tpu.memref_slice %arg7[%add3A_21, %dma_start3A] : memref<40x128xi32, #tpu.memory_space<vmem>> -> memref<1x128xi32, #tpu.memory_space<vmem>>
        %dma_start3A_23 = tpu.memref_squeeze %dma_start3A_22 : memref<1x128xi32, #tpu.memory_space<vmem>> -> memref<128xi32, #tpu.memory_space<vmem>>
        %dma_start3A_24 = arith.constant 0 : i32
        %dma_start3A_25 = arith.constant 0 : i32
        %dma_start3A_26 = tpu.memref_slice %arg9[%dma_start3A_24, %dma_start3A_25] : memref<10240x128xf32, #tpu.memory_space<vmem_shared>> -> memref<10240x128xf32, #tpu.memory_space<vmem_shared>>
        tpu.enqueue_indirect_dma source(%arg8 : memref<128x128xf32, #tpu.memory_space<vmem>>) target(%dma_start3A_26 : memref<10240x128xf32, #tpu.memory_space<vmem_shared>>) offsets(%dma_start3A_23 : memref<128xi32, #tpu.memory_space<vmem>>) semaphore(%run_scoped3A : memref<!tpu.dma_semaphore, #tpu.memory_space<semaphore_mem>>) {add = true}
        %dma_wait3A = arith.constant 0 : i32
        %dma_wait3A_27 = tpu.memref_slice %arg7[%add3A_21, %dma_wait3A] : memref<40x128xi32, #tpu.memory_space<vmem>> -> memref<1x128xi32, #tpu.memory_space<vmem>>
        %dma_wait3A_28 = tpu.memref_squeeze %dma_wait3A_27 : memref<1x128xi32, #tpu.memory_space<vmem>> -> memref<128xi32, #tpu.memory_space<vmem>>
        %dma_wait3A_29 = arith.constant 0 : i32
        %dma_wait3A_30 = arith.constant 0 : i32
        %dma_wait3A_31 = tpu.memref_slice %arg9[%dma_wait3A_29, %dma_wait3A_30] : memref<10240x128xf32, #tpu.memory_space<vmem_shared>> -> memref<10240x128xf32, #tpu.memory_space<vmem_shared>>
        tpu.wait_indirect_dma semaphore(%run_scoped3A : memref<!tpu.dma_semaphore, #tpu.memory_space<semaphore_mem>>) src(%arg8 : memref<128x128xf32, #tpu.memory_space<vmem>>) dst(%dma_wait3A_31 : memref<10240x128xf32, #tpu.memory_space<vmem_shared>>)
        tpu.yield
      }) : () -> ()
    }
    %scan3A_8 = arith.constant 40 : i32
    %barrier3A_9 = arith.constant 0 : index
    tpu.barrier barrier_id(%barrier3A_9)
    %eq3A = arith.constant 0 : i32
    %eq3A_10 = arith.cmpi eq, %arg0, %eq3A : i32
    %convert_element_type3A = arith.extui %eq3A_10 : i1 to i32
    %cond3A = arith.constant 0 : i32
    %cond3A_11 = arith.cmpi ne, %convert_element_type3A, %cond3A : i32
    scf.if %cond3A_11 {
      "tpu.region"() ({
        %run_scoped3A = tpu.sem_alloc : memref<!tpu.dma_semaphore, #tpu.memory_space<semaphore_mem>>
        %dma_start3A = arith.constant 0 : i32
        %dma_start3A_17 = tpu.memref_slice %arg5[%mul3A_0, %dma_start3A] : memref<10240x128xf32, #tpu.memory_space<hbm>> -> memref<640x128xf32, #tpu.memory_space<hbm>>
        %dma_start3A_18 = arith.constant 0 : i32
        %dma_start3A_19 = tpu.memref_slice %arg9[%mul3A_0, %dma_start3A_18] : memref<10240x128xf32, #tpu.memory_space<vmem_shared>> -> memref<640x128xf32, #tpu.memory_space<vmem_shared>>
        tpu.enqueue_dma source(%dma_start3A_19 : memref<640x128xf32, #tpu.memory_space<vmem_shared>>) target(%dma_start3A_17 : memref<640x128xf32, #tpu.memory_space<hbm>>) target_semaphore(%run_scoped3A : memref<!tpu.dma_semaphore, #tpu.memory_space<semaphore_mem>>)
        %dma_wait3A = arith.constant 0 : i32
        %dma_wait3A_20 = tpu.memref_slice %arg5[%mul3A_0, %dma_wait3A] : memref<10240x128xf32, #tpu.memory_space<hbm>> -> memref<640x128xf32, #tpu.memory_space<hbm>>
        %dma_wait3A_21 = arith.constant 0 : i32
        %dma_wait3A_22 = tpu.memref_slice %arg9[%mul3A_0, %dma_wait3A_21] : memref<10240x128xf32, #tpu.memory_space<vmem_shared>> -> memref<640x128xf32, #tpu.memory_space<vmem_shared>>
        tpu.wait_dma2 semaphore(%run_scoped3A : memref<!tpu.dma_semaphore, #tpu.memory_space<semaphore_mem>>) src(%dma_wait3A_22 : memref<640x128xf32, #tpu.memory_space<vmem_shared>>) dst(%dma_wait3A_20 : memref<640x128xf32, #tpu.memory_space<hbm>>)
        tpu.yield
      }) : () -> ()
    } else {
    }
    %eq3A_12 = arith.constant 1 : i32
    %eq3A_13 = arith.cmpi eq, %arg0, %eq3A_12 : i32
    %convert_element_type3A_14 = arith.extui %eq3A_13 : i1 to i32
    %cond3A_15 = arith.constant 0 : i32
    %cond3A_16 = arith.cmpi ne, %convert_element_type3A_14, %cond3A_15 : i32
    scf.if %cond3A_16 {
      "tpu.region"() ({
        %run_scoped3A = tpu.sem_alloc : memref<!tpu.dma_semaphore, #tpu.memory_space<semaphore_mem>>
        %dma_start3A = arith.constant 0 : i32
        %dma_start3A_17 = tpu.memref_slice %arg6[%mul3A_0, %dma_start3A] : memref<10240x128xf32, #tpu.memory_space<hbm>> -> memref<640x128xf32, #tpu.memory_space<hbm>>
        %dma_start3A_18 = arith.constant 0 : i32
        %dma_start3A_19 = tpu.memref_slice %arg9[%mul3A_0, %dma_start3A_18] : memref<10240x128xf32, #tpu.memory_space<vmem_shared>> -> memref<640x128xf32, #tpu.memory_space<vmem_shared>>
        tpu.enqueue_dma source(%dma_start3A_19 : memref<640x128xf32, #tpu.memory_space<vmem_shared>>) target(%dma_start3A_17 : memref<640x128xf32, #tpu.memory_space<hbm>>) target_semaphore(%run_scoped3A : memref<!tpu.dma_semaphore, #tpu.memory_space<semaphore_mem>>)
        %dma_wait3A = arith.constant 0 : i32
        %dma_wait3A_20 = tpu.memref_slice %arg6[%mul3A_0, %dma_wait3A] : memref<10240x128xf32, #tpu.memory_space<hbm>> -> memref<640x128xf32, #tpu.memory_space<hbm>>
        %dma_wait3A_21 = arith.constant 0 : i32
        %dma_wait3A_22 = tpu.memref_slice %arg9[%mul3A_0, %dma_wait3A_21] : memref<10240x128xf32, #tpu.memory_space<vmem_shared>> -> memref<640x128xf32, #tpu.memory_space<vmem_shared>>
        tpu.wait_dma2 semaphore(%run_scoped3A : memref<!tpu.dma_semaphore, #tpu.memory_space<semaphore_mem>>) src(%dma_wait3A_22 : memref<640x128xf32, #tpu.memory_space<vmem_shared>>) dst(%dma_wait3A_20 : memref<640x128xf32, #tpu.memory_space<hbm>>)
        tpu.yield
      }) : () -> ()
    } else {
    }
    return
  }
}

#map = affine_map<(d0, d1) -> (0, 0)>
module attributes {stable_mosaic.version = 14 : i64} {
  func.func @_sc_scatter_body(%arg0: i32, %arg1: i32, %arg2: memref<10240x128xf32, #tpu.memory_space<hbm>>, %arg3: memref<10240x128xf32, #tpu.memory_space<hbm>>, %arg4: memref<2560x64xi32, #tpu.memory_space<hbm>>, %arg5: memref<2560x64xi32, #tpu.memory_space<hbm>>, %arg6: memref<640x128xf32, #tpu.memory_space<hbm>>, %arg7: memref<10240x128xf32, #tpu.memory_space<hbm>>, %arg8: memref<10240x128xf32, #tpu.memory_space<hbm>>, %arg9: memref<80x64xi32, #tpu.memory_space<vmem>>, %arg10: memref<80x64xi32, #tpu.memory_space<vmem>>, %arg11: memref<64x128xf32, #tpu.memory_space<vmem>>, %arg12: memref<64x128xf32, #tpu.memory_space<vmem>>, %arg13: memref<64x128xf32, #tpu.memory_space<vmem>>, %arg14: memref<10240x128xf32, #tpu.memory_space<vmem_shared>>, %arg15: memref<!tpu.dma_semaphore, #tpu.memory_space<semaphore_mem>>, %arg16: memref<!tpu.dma_semaphore, #tpu.memory_space<semaphore_mem>>, %arg17: memref<!tpu.dma_semaphore, #tpu.memory_space<semaphore_mem>>) attributes {dimension_semantics = [#tpu.dimension_semantics<core_parallel>, #tpu.dimension_semantics<subcore_parallel>], iteration_bounds = array<i64: 2, 16>, scalar_prefetch = 0 : i64, scratch_operands = 9 : i64, tpu.core_type = #tpu.core_type<sc_vector_subcore>, window_params = [{transform_indices = #map}, {transform_indices = #map}, {transform_indices = #map}, {transform_indices = #map}, {transform_indices = #map}, {transform_indices = #map}, {transform_indices = #map}]} {
    %mul3A = arith.constant 640 : i32
    %mul3A_0 = arith.muli %arg1, %mul3A : i32
    "tpu.region"() ({
      %run_scoped3A = tpu.sem_alloc : memref<!tpu.dma_semaphore, #tpu.memory_space<semaphore_mem>>
      %dma_start3A = arith.constant 0 : i32
      %dma_start3A_19 = tpu.memref_slice %arg14[%mul3A_0, %dma_start3A] : memref<10240x128xf32, #tpu.memory_space<vmem_shared>> -> memref<640x128xf32, #tpu.memory_space<vmem_shared>>
      tpu.enqueue_dma source(%arg6 : memref<640x128xf32, #tpu.memory_space<hbm>>) target(%dma_start3A_19 : memref<640x128xf32, #tpu.memory_space<vmem_shared>>) target_semaphore(%run_scoped3A : memref<!tpu.dma_semaphore, #tpu.memory_space<semaphore_mem>>)
      %dma_wait3A = arith.constant 0 : i32
      %dma_wait3A_20 = tpu.memref_slice %arg14[%mul3A_0, %dma_wait3A] : memref<10240x128xf32, #tpu.memory_space<vmem_shared>> -> memref<640x128xf32, #tpu.memory_space<vmem_shared>>
      tpu.wait_dma2 semaphore(%run_scoped3A : memref<!tpu.dma_semaphore, #tpu.memory_space<semaphore_mem>>) src(%arg6 : memref<640x128xf32, #tpu.memory_space<hbm>>) dst(%dma_wait3A_20 : memref<640x128xf32, #tpu.memory_space<vmem_shared>>)
      tpu.yield
    }) : () -> ()
    %barrier3A = arith.constant 0 : index
    tpu.barrier barrier_id(%barrier3A)
    %eq3A = arith.constant 0 : i32
    %eq3A_1 = arith.cmpi eq, %arg0, %eq3A : i32
    %convert_element_type3A = arith.extui %eq3A_1 : i1 to i32
    %cond3A = arith.constant 0 : i32
    %cond3A_2 = arith.cmpi ne, %convert_element_type3A, %cond3A : i32
    scf.if %cond3A_2 {
      %scan3A = arith.constant 0 : i32
      %scan3A_19 = arith.constant 2 : i32
      %scan3A_20 = arith.addi %scan3A, %scan3A_19 : i32
      %scan3A_21 = arith.constant 1 : i32
      scf.for %scan3A_23 = %scan3A to %scan3A_20 step %scan3A_21  : i32 {
        %mul3A_24 = arith.constant 1 : i32
        %mul3A_25 = arith.muli %scan3A_23, %mul3A_24 : i32
        %add3A = arith.constant 0 : i32
        %add3A_26 = arith.addi %add3A, %mul3A_25 : i32
        %mul3A_27 = arith.constant 160 : i32
        %mul3A_28 = arith.muli %arg1, %mul3A_27 : i32
        %mul3A_29 = arith.constant 80 : i32
        %mul3A_30 = arith.muli %add3A_26, %mul3A_29 : i32
        %add3A_31 = arith.addi %mul3A_28, %mul3A_30 : i32
        "tpu.region"() ({
          %run_scoped3A_64 = tpu.sem_alloc : memref<!tpu.dma_semaphore, #tpu.memory_space<semaphore_mem>>
          %dma_start3A_65 = arith.constant 0 : i32
          %dma_start3A_66 = tpu.memref_slice %arg4[%add3A_31, %dma_start3A_65] : memref<2560x64xi32, #tpu.memory_space<hbm>> -> memref<80x64xi32, #tpu.memory_space<hbm>>
          %dma_start3A_67 = arith.constant 0 : i32
          %dma_start3A_68 = tpu.memref_slice %arg4[%add3A_31, %dma_start3A_67] : memref<2560x64xi32, #tpu.memory_space<hbm>> -> memref<80x64xi32, #tpu.memory_space<hbm>>
          tpu.enqueue_dma source(%dma_start3A_68 : memref<80x64xi32, #tpu.memory_space<hbm>>) target(%arg9 : memref<80x64xi32, #tpu.memory_space<vmem>>) target_semaphore(%run_scoped3A_64 : memref<!tpu.dma_semaphore, #tpu.memory_space<semaphore_mem>>)
          %dma_wait3A_69 = arith.constant 0 : i32
          %dma_wait3A_70 = tpu.memref_slice %arg4[%add3A_31, %dma_wait3A_69] : memref<2560x64xi32, #tpu.memory_space<hbm>> -> memref<80x64xi32, #tpu.memory_space<hbm>>
          %dma_wait3A_71 = arith.constant 0 : i32
          %dma_wait3A_72 = tpu.memref_slice %arg4[%add3A_31, %dma_wait3A_71] : memref<2560x64xi32, #tpu.memory_space<hbm>> -> memref<80x64xi32, #tpu.memory_space<hbm>>
          tpu.wait_dma2 semaphore(%run_scoped3A_64 : memref<!tpu.dma_semaphore, #tpu.memory_space<semaphore_mem>>) src(%dma_wait3A_72 : memref<80x64xi32, #tpu.memory_space<hbm>>) dst(%arg9 : memref<80x64xi32, #tpu.memory_space<vmem>>)
          tpu.yield
        }) : () -> ()
        "tpu.region"() ({
          %run_scoped3A_64 = tpu.sem_alloc : memref<!tpu.dma_semaphore, #tpu.memory_space<semaphore_mem>>
          %dma_start3A_65 = arith.constant 0 : i32
          %dma_start3A_66 = tpu.memref_slice %arg5[%add3A_31, %dma_start3A_65] : memref<2560x64xi32, #tpu.memory_space<hbm>> -> memref<80x64xi32, #tpu.memory_space<hbm>>
          %dma_start3A_67 = arith.constant 0 : i32
          %dma_start3A_68 = tpu.memref_slice %arg5[%add3A_31, %dma_start3A_67] : memref<2560x64xi32, #tpu.memory_space<hbm>> -> memref<80x64xi32, #tpu.memory_space<hbm>>
          tpu.enqueue_dma source(%dma_start3A_68 : memref<80x64xi32, #tpu.memory_space<hbm>>) target(%arg10 : memref<80x64xi32, #tpu.memory_space<vmem>>) target_semaphore(%run_scoped3A_64 : memref<!tpu.dma_semaphore, #tpu.memory_space<semaphore_mem>>)
          %dma_wait3A_69 = arith.constant 0 : i32
          %dma_wait3A_70 = tpu.memref_slice %arg5[%add3A_31, %dma_wait3A_69] : memref<2560x64xi32, #tpu.memory_space<hbm>> -> memref<80x64xi32, #tpu.memory_space<hbm>>
          %dma_wait3A_71 = arith.constant 0 : i32
          %dma_wait3A_72 = tpu.memref_slice %arg5[%add3A_31, %dma_wait3A_71] : memref<2560x64xi32, #tpu.memory_space<hbm>> -> memref<80x64xi32, #tpu.memory_space<hbm>>
          tpu.wait_dma2 semaphore(%run_scoped3A_64 : memref<!tpu.dma_semaphore, #tpu.memory_space<semaphore_mem>>) src(%dma_wait3A_72 : memref<80x64xi32, #tpu.memory_space<hbm>>) dst(%arg10 : memref<80x64xi32, #tpu.memory_space<vmem>>)
          tpu.yield
        }) : () -> ()
        %dma_start3A = arith.constant 0 : i32
        %dma_start3A_32 = arith.constant 0 : i32
        %dma_start3A_33 = tpu.memref_slice %arg9[%dma_start3A, %dma_start3A_32] : memref<80x64xi32, #tpu.memory_space<vmem>> -> memref<1x64xi32, #tpu.memory_space<vmem>>
        %dma_start3A_34 = tpu.memref_squeeze %dma_start3A_33 : memref<1x64xi32, #tpu.memory_space<vmem>> -> memref<64xi32, #tpu.memory_space<vmem>>
        %dma_start3A_35 = arith.constant 0 : i32
        %dma_start3A_36 = arith.constant 0 : i32
        %dma_start3A_37 = tpu.memref_slice %arg2[%dma_start3A_35, %dma_start3A_36] : memref<10240x128xf32, #tpu.memory_space<hbm>> -> memref<10240x128xf32, #tpu.memory_space<hbm>>
        tpu.enqueue_indirect_dma source(%dma_start3A_37 : memref<10240x128xf32, #tpu.memory_space<hbm>>) target(%arg11 : memref<64x128xf32, #tpu.memory_space<vmem>>) offsets(%dma_start3A_34 : memref<64xi32, #tpu.memory_space<vmem>>) semaphore(%arg15 : memref<!tpu.dma_semaphore, #tpu.memory_space<semaphore_mem>>)
        %dma_start3A_38 = arith.constant 1 : i32
        %dma_start3A_39 = arith.constant 0 : i32
        %dma_start3A_40 = tpu.memref_slice %arg9[%dma_start3A_38, %dma_start3A_39] : memref<80x64xi32, #tpu.memory_space<vmem>> -> memref<1x64xi32, #tpu.memory_space<vmem>>
        %dma_start3A_41 = tpu.memref_squeeze %dma_start3A_40 : memref<1x64xi32, #tpu.memory_space<vmem>> -> memref<64xi32, #tpu.memory_space<vmem>>
        %dma_start3A_42 = arith.constant 0 : i32
        %dma_start3A_43 = arith.constant 0 : i32
        %dma_start3A_44 = tpu.memref_slice %arg2[%dma_start3A_42, %dma_start3A_43] : memref<10240x128xf32, #tpu.memory_space<hbm>> -> memref<10240x128xf32, #tpu.memory_space<hbm>>
        tpu.enqueue_indirect_dma source(%dma_start3A_44 : memref<10240x128xf32, #tpu.memory_space<hbm>>) target(%arg12 : memref<64x128xf32, #tpu.memory_space<vmem>>) offsets(%dma_start3A_41 : memref<64xi32, #tpu.memory_space<vmem>>) semaphore(%arg16 : memref<!tpu.dma_semaphore, #tpu.memory_space<semaphore_mem>>)
        %scan3A_45 = arith.constant 0 : i32
        %scan3A_46 = arith.constant 26 : i32
        %scan3A_47 = arith.addi %scan3A_45, %scan3A_46 : i32
        %scan3A_48 = arith.constant 1 : i32
        scf.for %scan3A_64 = %scan3A_45 to %scan3A_47 step %scan3A_48  : i32 {
          %mul3A_65 = arith.constant 1 : i32
          %mul3A_66 = arith.muli %scan3A_64, %mul3A_65 : i32
          %add3A_67 = arith.constant 0 : i32
          %add3A_68 = arith.addi %add3A_67, %mul3A_66 : i32
          %mul3A_69 = arith.constant 3 : i32
          %mul3A_70 = arith.muli %mul3A_69, %add3A_68 : i32
          %add3A_71 = arith.constant 0 : i32
          %add3A_72 = arith.addi %mul3A_70, %add3A_71 : i32
          %dma_wait3A_73 = arith.constant 0 : i32
          %dma_wait3A_74 = tpu.memref_slice %arg9[%add3A_72, %dma_wait3A_73] : memref<80x64xi32, #tpu.memory_space<vmem>> -> memref<1x64xi32, #tpu.memory_space<vmem>>
          %dma_wait3A_75 = tpu.memref_squeeze %dma_wait3A_74 : memref<1x64xi32, #tpu.memory_space<vmem>> -> memref<64xi32, #tpu.memory_space<vmem>>
          %dma_wait3A_76 = arith.constant 0 : i32
          %dma_wait3A_77 = arith.constant 0 : i32
          %dma_wait3A_78 = tpu.memref_slice %arg2[%dma_wait3A_76, %dma_wait3A_77] : memref<10240x128xf32, #tpu.memory_space<hbm>> -> memref<10240x128xf32, #tpu.memory_space<hbm>>
          tpu.wait_indirect_dma semaphore(%arg15 : memref<!tpu.dma_semaphore, #tpu.memory_space<semaphore_mem>>) src(%dma_wait3A_78 : memref<10240x128xf32, #tpu.memory_space<hbm>>) dst(%arg11 : memref<64x128xf32, #tpu.memory_space<vmem>>)
          %add3A_79 = arith.constant 2 : i32
          %add3A_80 = arith.addi %add3A_72, %add3A_79 : i32
          %dma_start3A_81 = arith.constant 0 : i32
          %dma_start3A_82 = tpu.memref_slice %arg9[%add3A_80, %dma_start3A_81] : memref<80x64xi32, #tpu.memory_space<vmem>> -> memref<1x64xi32, #tpu.memory_space<vmem>>
          %dma_start3A_83 = tpu.memref_squeeze %dma_start3A_82 : memref<1x64xi32, #tpu.memory_space<vmem>> -> memref<64xi32, #tpu.memory_space<vmem>>
          %dma_start3A_84 = arith.constant 0 : i32
          %dma_start3A_85 = arith.constant 0 : i32
          %dma_start3A_86 = tpu.memref_slice %arg2[%dma_start3A_84, %dma_start3A_85] : memref<10240x128xf32, #tpu.memory_space<hbm>> -> memref<10240x128xf32, #tpu.memory_space<hbm>>
          tpu.enqueue_indirect_dma source(%dma_start3A_86 : memref<10240x128xf32, #tpu.memory_space<hbm>>) target(%arg13 : memref<64x128xf32, #tpu.memory_space<vmem>>) offsets(%dma_start3A_83 : memref<64xi32, #tpu.memory_space<vmem>>) semaphore(%arg17 : memref<!tpu.dma_semaphore, #tpu.memory_space<semaphore_mem>>)
          "tpu.region"() ({
            %run_scoped3A_119 = tpu.sem_alloc : memref<!tpu.dma_semaphore, #tpu.memory_space<semaphore_mem>>
            %dma_start3A_120 = arith.constant 0 : i32
            %dma_start3A_121 = tpu.memref_slice %arg10[%add3A_72, %dma_start3A_120] : memref<80x64xi32, #tpu.memory_space<vmem>> -> memref<1x64xi32, #tpu.memory_space<vmem>>
            %dma_start3A_122 = tpu.memref_squeeze %dma_start3A_121 : memref<1x64xi32, #tpu.memory_space<vmem>> -> memref<64xi32, #tpu.memory_space<vmem>>
            %dma_start3A_123 = arith.constant 0 : i32
            %dma_start3A_124 = arith.constant 0 : i32
            %dma_start3A_125 = tpu.memref_slice %arg14[%dma_start3A_123, %dma_start3A_124] : memref<10240x128xf32, #tpu.memory_space<vmem_shared>> -> memref<10240x128xf32, #tpu.memory_space<vmem_shared>>
            tpu.enqueue_indirect_dma source(%arg11 : memref<64x128xf32, #tpu.memory_space<vmem>>) target(%dma_start3A_125 : memref<10240x128xf32, #tpu.memory_space<vmem_shared>>) offsets(%dma_start3A_122 : memref<64xi32, #tpu.memory_space<vmem>>) semaphore(%run_scoped3A_119 : memref<!tpu.dma_semaphore, #tpu.memory_space<semaphore_mem>>) {add = true}
            %dma_wait3A_126 = arith.constant 0 : i32
            %dma_wait3A_127 = tpu.memref_slice %arg10[%add3A_72, %dma_wait3A_126] : memref<80x64xi32, #tpu.memory_space<vmem>> -> memref<1x64xi32, #tpu.memory_space<vmem>>
            %dma_wait3A_128 = tpu.memref_squeeze %dma_wait3A_127 : memref<1x64xi32, #tpu.memory_space<vmem>> -> memref<64xi32, #tpu.memory_space<vmem>>
            %dma_wait3A_129 = arith.constant 0 : i32
            %dma_wait3A_130 = arith.constant 0 : i32
            %dma_wait3A_131 = tpu.memref_slice %arg14[%dma_wait3A_129, %dma_wait3A_130] : memref<10240x128xf32, #tpu.memory_space<vmem_shared>> -> memref<10240x128xf32, #tpu.memory_space<vmem_shared>>
            tpu.wait_indirect_dma semaphore(%run_scoped3A_119 : memref<!tpu.dma_semaphore, #tpu.memory_space<semaphore_mem>>) src(%arg11 : memref<64x128xf32, #tpu.memory_space<vmem>>) dst(%dma_wait3A_131 : memref<10240x128xf32, #tpu.memory_space<vmem_shared>>)
            tpu.yield
          }) : () -> ()
          %add3A_87 = arith.constant 1 : i32
          %add3A_88 = arith.addi %mul3A_70, %add3A_87 : i32
          %dma_wait3A_89 = arith.constant 0 : i32
          %dma_wait3A_90 = tpu.memref_slice %arg9[%add3A_88, %dma_wait3A_89] : memref<80x64xi32, #tpu.memory_space<vmem>> -> memref<1x64xi32, #tpu.memory_space<vmem>>
          %dma_wait3A_91 = tpu.memref_squeeze %dma_wait3A_90 : memref<1x64xi32, #tpu.memory_space<vmem>> -> memref<64xi32, #tpu.memory_space<vmem>>
          %dma_wait3A_92 = arith.constant 0 : i32
          %dma_wait3A_93 = arith.constant 0 : i32
          %dma_wait3A_94 = tpu.memref_slice %arg2[%dma_wait3A_92, %dma_wait3A_93] : memref<10240x128xf32, #tpu.memory_space<hbm>> -> memref<10240x128xf32, #tpu.memory_space<hbm>>
          tpu.wait_indirect_dma semaphore(%arg16 : memref<!tpu.dma_semaphore, #tpu.memory_space<semaphore_mem>>) src(%dma_wait3A_94 : memref<10240x128xf32, #tpu.memory_space<hbm>>) dst(%arg12 : memref<64x128xf32, #tpu.memory_space<vmem>>)
          %add3A_95 = arith.constant 2 : i32
          %add3A_96 = arith.addi %add3A_88, %add3A_95 : i32
          %dma_start3A_97 = arith.constant 0 : i32
          %dma_start3A_98 = tpu.memref_slice %arg9[%add3A_96, %dma_start3A_97] : memref<80x64xi32, #tpu.memory_space<vmem>> -> memref<1x64xi32, #tpu.memory_space<vmem>>
          %dma_start3A_99 = tpu.memref_squeeze %dma_start3A_98 : memref<1x64xi32, #tpu.memory_space<vmem>> -> memref<64xi32, #tpu.memory_space<vmem>>
          %dma_start3A_100 = arith.constant 0 : i32
          %dma_start3A_101 = arith.constant 0 : i32
          %dma_start3A_102 = tpu.memref_slice %arg2[%dma_start3A_100, %dma_start3A_101] : memref<10240x128xf32, #tpu.memory_space<hbm>> -> memref<10240x128xf32, #tpu.memory_space<hbm>>
          tpu.enqueue_indirect_dma source(%dma_start3A_102 : memref<10240x128xf32, #tpu.memory_space<hbm>>) target(%arg11 : memref<64x128xf32, #tpu.memory_space<vmem>>) offsets(%dma_start3A_99 : memref<64xi32, #tpu.memory_space<vmem>>) semaphore(%arg15 : memref<!tpu.dma_semaphore, #tpu.memory_space<semaphore_mem>>)
          "tpu.region"() ({
            %run_scoped3A_119 = tpu.sem_alloc : memref<!tpu.dma_semaphore, #tpu.memory_space<semaphore_mem>>
            %dma_start3A_120 = arith.constant 0 : i32
            %dma_start3A_121 = tpu.memref_slice %arg10[%add3A_88, %dma_start3A_120] : memref<80x64xi32, #tpu.memory_space<vmem>> -> memref<1x64xi32, #tpu.memory_space<vmem>>
            %dma_start3A_122 = tpu.memref_squeeze %dma_start3A_121 : memref<1x64xi32, #tpu.memory_space<vmem>> -> memref<64xi32, #tpu.memory_space<vmem>>
            %dma_start3A_123 = arith.constant 0 : i32
            %dma_start3A_124 = arith.constant 0 : i32
            %dma_start3A_125 = tpu.memref_slice %arg14[%dma_start3A_123, %dma_start3A_124] : memref<10240x128xf32, #tpu.memory_space<vmem_shared>> -> memref<10240x128xf32, #tpu.memory_space<vmem_shared>>
            tpu.enqueue_indirect_dma source(%arg12 : memref<64x128xf32, #tpu.memory_space<vmem>>) target(%dma_start3A_125 : memref<10240x128xf32, #tpu.memory_space<vmem_shared>>) offsets(%dma_start3A_122 : memref<64xi32, #tpu.memory_space<vmem>>) semaphore(%run_scoped3A_119 : memref<!tpu.dma_semaphore, #tpu.memory_space<semaphore_mem>>) {add = true}
            %dma_wait3A_126 = arith.constant 0 : i32
            %dma_wait3A_127 = tpu.memref_slice %arg10[%add3A_88, %dma_wait3A_126] : memref<80x64xi32, #tpu.memory_space<vmem>> -> memref<1x64xi32, #tpu.memory_space<vmem>>
            %dma_wait3A_128 = tpu.memref_squeeze %dma_wait3A_127 : memref<1x64xi32, #tpu.memory_space<vmem>> -> memref<64xi32, #tpu.memory_space<vmem>>
            %dma_wait3A_129 = arith.constant 0 : i32
            %dma_wait3A_130 = arith.constant 0 : i32
            %dma_wait3A_131 = tpu.memref_slice %arg14[%dma_wait3A_129, %dma_wait3A_130] : memref<10240x128xf32, #tpu.memory_space<vmem_shared>> -> memref<10240x128xf32, #tpu.memory_space<vmem_shared>>
            tpu.wait_indirect_dma semaphore(%run_scoped3A_119 : memref<!tpu.dma_semaphore, #tpu.memory_space<semaphore_mem>>) src(%arg12 : memref<64x128xf32, #tpu.memory_space<vmem>>) dst(%dma_wait3A_131 : memref<10240x128xf32, #tpu.memory_space<vmem_shared>>)
            tpu.yield
          }) : () -> ()
          %add3A_103 = arith.constant 2 : i32
          %add3A_104 = arith.addi %mul3A_70, %add3A_103 : i32
          %dma_wait3A_105 = arith.constant 0 : i32
          %dma_wait3A_106 = tpu.memref_slice %arg9[%add3A_104, %dma_wait3A_105] : memref<80x64xi32, #tpu.memory_space<vmem>> -> memref<1x64xi32, #tpu.memory_space<vmem>>
          %dma_wait3A_107 = tpu.memref_squeeze %dma_wait3A_106 : memref<1x64xi32, #tpu.memory_space<vmem>> -> memref<64xi32, #tpu.memory_space<vmem>>
          %dma_wait3A_108 = arith.constant 0 : i32
          %dma_wait3A_109 = arith.constant 0 : i32
          %dma_wait3A_110 = tpu.memref_slice %arg2[%dma_wait3A_108, %dma_wait3A_109] : memref<10240x128xf32, #tpu.memory_space<hbm>> -> memref<10240x128xf32, #tpu.memory_space<hbm>>
          tpu.wait_indirect_dma semaphore(%arg17 : memref<!tpu.dma_semaphore, #tpu.memory_space<semaphore_mem>>) src(%dma_wait3A_110 : memref<10240x128xf32, #tpu.memory_space<hbm>>) dst(%arg13 : memref<64x128xf32, #tpu.memory_space<vmem>>)
          %add3A_111 = arith.constant 2 : i32
          %add3A_112 = arith.addi %add3A_104, %add3A_111 : i32
          %dma_start3A_113 = arith.constant 0 : i32
          %dma_start3A_114 = tpu.memref_slice %arg9[%add3A_112, %dma_start3A_113] : memref<80x64xi32, #tpu.memory_space<vmem>> -> memref<1x64xi32, #tpu.memory_space<vmem>>
          %dma_start3A_115 = tpu.memref_squeeze %dma_start3A_114 : memref<1x64xi32, #tpu.memory_space<vmem>> -> memref<64xi32, #tpu.memory_space<vmem>>
          %dma_start3A_116 = arith.constant 0 : i32
          %dma_start3A_117 = arith.constant 0 : i32
          %dma_start3A_118 = tpu.memref_slice %arg2[%dma_start3A_116, %dma_start3A_117] : memref<10240x128xf32, #tpu.memory_space<hbm>> -> memref<10240x128xf32, #tpu.memory_space<hbm>>
          tpu.enqueue_indirect_dma source(%dma_start3A_118 : memref<10240x128xf32, #tpu.memory_space<hbm>>) target(%arg12 : memref<64x128xf32, #tpu.memory_space<vmem>>) offsets(%dma_start3A_115 : memref<64xi32, #tpu.memory_space<vmem>>) semaphore(%arg16 : memref<!tpu.dma_semaphore, #tpu.memory_space<semaphore_mem>>)
          "tpu.region"() ({
            %run_scoped3A_119 = tpu.sem_alloc : memref<!tpu.dma_semaphore, #tpu.memory_space<semaphore_mem>>
            %dma_start3A_120 = arith.constant 0 : i32
            %dma_start3A_121 = tpu.memref_slice %arg10[%add3A_104, %dma_start3A_120] : memref<80x64xi32, #tpu.memory_space<vmem>> -> memref<1x64xi32, #tpu.memory_space<vmem>>
            %dma_start3A_122 = tpu.memref_squeeze %dma_start3A_121 : memref<1x64xi32, #tpu.memory_space<vmem>> -> memref<64xi32, #tpu.memory_space<vmem>>
            %dma_start3A_123 = arith.constant 0 : i32
            %dma_start3A_124 = arith.constant 0 : i32
            %dma_start3A_125 = tpu.memref_slice %arg14[%dma_start3A_123, %dma_start3A_124] : memref<10240x128xf32, #tpu.memory_space<vmem_shared>> -> memref<10240x128xf32, #tpu.memory_space<vmem_shared>>
            tpu.enqueue_indirect_dma source(%arg13 : memref<64x128xf32, #tpu.memory_space<vmem>>) target(%dma_start3A_125 : memref<10240x128xf32, #tpu.memory_space<vmem_shared>>) offsets(%dma_start3A_122 : memref<64xi32, #tpu.memory_space<vmem>>) semaphore(%run_scoped3A_119 : memref<!tpu.dma_semaphore, #tpu.memory_space<semaphore_mem>>) {add = true}
            %dma_wait3A_126 = arith.constant 0 : i32
            %dma_wait3A_127 = tpu.memref_slice %arg10[%add3A_104, %dma_wait3A_126] : memref<80x64xi32, #tpu.memory_space<vmem>> -> memref<1x64xi32, #tpu.memory_space<vmem>>
            %dma_wait3A_128 = tpu.memref_squeeze %dma_wait3A_127 : memref<1x64xi32, #tpu.memory_space<vmem>> -> memref<64xi32, #tpu.memory_space<vmem>>
            %dma_wait3A_129 = arith.constant 0 : i32
            %dma_wait3A_130 = arith.constant 0 : i32
            %dma_wait3A_131 = tpu.memref_slice %arg14[%dma_wait3A_129, %dma_wait3A_130] : memref<10240x128xf32, #tpu.memory_space<vmem_shared>> -> memref<10240x128xf32, #tpu.memory_space<vmem_shared>>
            tpu.wait_indirect_dma semaphore(%run_scoped3A_119 : memref<!tpu.dma_semaphore, #tpu.memory_space<semaphore_mem>>) src(%arg13 : memref<64x128xf32, #tpu.memory_space<vmem>>) dst(%dma_wait3A_131 : memref<10240x128xf32, #tpu.memory_space<vmem_shared>>)
            tpu.yield
          }) : () -> ()
        }
        %scan3A_49 = arith.constant 26 : i32
        %dma_wait3A = arith.constant 78 : i32
        %dma_wait3A_50 = arith.constant 0 : i32
        %dma_wait3A_51 = tpu.memref_slice %arg9[%dma_wait3A, %dma_wait3A_50] : memref<80x64xi32, #tpu.memory_space<vmem>> -> memref<1x64xi32, #tpu.memory_space<vmem>>
        %dma_wait3A_52 = tpu.memref_squeeze %dma_wait3A_51 : memref<1x64xi32, #tpu.memory_space<vmem>> -> memref<64xi32, #tpu.memory_space<vmem>>
        %dma_wait3A_53 = arith.constant 0 : i32
        %dma_wait3A_54 = arith.constant 0 : i32
        %dma_wait3A_55 = tpu.memref_slice %arg2[%dma_wait3A_53, %dma_wait3A_54] : memref<10240x128xf32, #tpu.memory_space<hbm>> -> memref<10240x128xf32, #tpu.memory_space<hbm>>
        tpu.wait_indirect_dma semaphore(%arg15 : memref<!tpu.dma_semaphore, #tpu.memory_space<semaphore_mem>>) src(%dma_wait3A_55 : memref<10240x128xf32, #tpu.memory_space<hbm>>) dst(%arg11 : memref<64x128xf32, #tpu.memory_space<vmem>>)
        %run_scoped3A = arith.constant 78 : i32
        "tpu.region"() ({
          %run_scoped3A_64 = tpu.sem_alloc : memref<!tpu.dma_semaphore, #tpu.memory_space<semaphore_mem>>
          %dma_start3A_65 = arith.constant 0 : i32
          %dma_start3A_66 = tpu.memref_slice %arg10[%run_scoped3A, %dma_start3A_65] : memref<80x64xi32, #tpu.memory_space<vmem>> -> memref<1x64xi32, #tpu.memory_space<vmem>>
          %dma_start3A_67 = tpu.memref_squeeze %dma_start3A_66 : memref<1x64xi32, #tpu.memory_space<vmem>> -> memref<64xi32, #tpu.memory_space<vmem>>
          %dma_start3A_68 = arith.constant 0 : i32
          %dma_start3A_69 = arith.constant 0 : i32
          %dma_start3A_70 = tpu.memref_slice %arg14[%dma_start3A_68, %dma_start3A_69] : memref<10240x128xf32, #tpu.memory_space<vmem_shared>> -> memref<10240x128xf32, #tpu.memory_space<vmem_shared>>
          tpu.enqueue_indirect_dma source(%arg11 : memref<64x128xf32, #tpu.memory_space<vmem>>) target(%dma_start3A_70 : memref<10240x128xf32, #tpu.memory_space<vmem_shared>>) offsets(%dma_start3A_67 : memref<64xi32, #tpu.memory_space<vmem>>) semaphore(%run_scoped3A_64 : memref<!tpu.dma_semaphore, #tpu.memory_space<semaphore_mem>>) {add = true}
          %dma_wait3A_71 = arith.constant 0 : i32
          %dma_wait3A_72 = tpu.memref_slice %arg10[%run_scoped3A, %dma_wait3A_71] : memref<80x64xi32, #tpu.memory_space<vmem>> -> memref<1x64xi32, #tpu.memory_space<vmem>>
          %dma_wait3A_73 = tpu.memref_squeeze %dma_wait3A_72 : memref<1x64xi32, #tpu.memory_space<vmem>> -> memref<64xi32, #tpu.memory_space<vmem>>
          %dma_wait3A_74 = arith.constant 0 : i32
          %dma_wait3A_75 = arith.constant 0 : i32
          %dma_wait3A_76 = tpu.memref_slice %arg14[%dma_wait3A_74, %dma_wait3A_75] : memref<10240x128xf32, #tpu.memory_space<vmem_shared>> -> memref<10240x128xf32, #tpu.memory_space<vmem_shared>>
          tpu.wait_indirect_dma semaphore(%run_scoped3A_64 : memref<!tpu.dma_semaphore, #tpu.memory_space<semaphore_mem>>) src(%arg11 : memref<64x128xf32, #tpu.memory_space<vmem>>) dst(%dma_wait3A_76 : memref<10240x128xf32, #tpu.memory_space<vmem_shared>>)
          tpu.yield
        }) : () -> ()
        %dma_wait3A_56 = arith.constant 79 : i32
        %dma_wait3A_57 = arith.constant 0 : i32
        %dma_wait3A_58 = tpu.memref_slice %arg9[%dma_wait3A_56, %dma_wait3A_57] : memref<80x64xi32, #tpu.memory_space<vmem>> -> memref<1x64xi32, #tpu.memory_space<vmem>>
        %dma_wait3A_59 = tpu.memref_squeeze %dma_wait3A_58 : memref<1x64xi32, #tpu.memory_space<vmem>> -> memref<64xi32, #tpu.memory_space<vmem>>
        %dma_wait3A_60 = arith.constant 0 : i32
        %dma_wait3A_61 = arith.constant 0 : i32
        %dma_wait3A_62 = tpu.memref_slice %arg2[%dma_wait3A_60, %dma_wait3A_61] : memref<10240x128xf32, #tpu.memory_space<hbm>> -> memref<10240x128xf32, #tpu.memory_space<hbm>>
        tpu.wait_indirect_dma semaphore(%arg16 : memref<!tpu.dma_semaphore, #tpu.memory_space<semaphore_mem>>) src(%dma_wait3A_62 : memref<10240x128xf32, #tpu.memory_space<hbm>>) dst(%arg12 : memref<64x128xf32, #tpu.memory_space<vmem>>)
        %run_scoped3A_63 = arith.constant 79 : i32
        "tpu.region"() ({
          %run_scoped3A_64 = tpu.sem_alloc : memref<!tpu.dma_semaphore, #tpu.memory_space<semaphore_mem>>
          %dma_start3A_65 = arith.constant 0 : i32
          %dma_start3A_66 = tpu.memref_slice %arg10[%run_scoped3A_63, %dma_start3A_65] : memref<80x64xi32, #tpu.memory_space<vmem>> -> memref<1x64xi32, #tpu.memory_space<vmem>>
          %dma_start3A_67 = tpu.memref_squeeze %dma_start3A_66 : memref<1x64xi32, #tpu.memory_space<vmem>> -> memref<64xi32, #tpu.memory_space<vmem>>
          %dma_start3A_68 = arith.constant 0 : i32
          %dma_start3A_69 = arith.constant 0 : i32
          %dma_start3A_70 = tpu.memref_slice %arg14[%dma_start3A_68, %dma_start3A_69] : memref<10240x128xf32, #tpu.memory_space<vmem_shared>> -> memref<10240x128xf32, #tpu.memory_space<vmem_shared>>
          tpu.enqueue_indirect_dma source(%arg12 : memref<64x128xf32, #tpu.memory_space<vmem>>) target(%dma_start3A_70 : memref<10240x128xf32, #tpu.memory_space<vmem_shared>>) offsets(%dma_start3A_67 : memref<64xi32, #tpu.memory_space<vmem>>) semaphore(%run_scoped3A_64 : memref<!tpu.dma_semaphore, #tpu.memory_space<semaphore_mem>>) {add = true}
          %dma_wait3A_71 = arith.constant 0 : i32
          %dma_wait3A_72 = tpu.memref_slice %arg10[%run_scoped3A_63, %dma_wait3A_71] : memref<80x64xi32, #tpu.memory_space<vmem>> -> memref<1x64xi32, #tpu.memory_space<vmem>>
          %dma_wait3A_73 = tpu.memref_squeeze %dma_wait3A_72 : memref<1x64xi32, #tpu.memory_space<vmem>> -> memref<64xi32, #tpu.memory_space<vmem>>
          %dma_wait3A_74 = arith.constant 0 : i32
          %dma_wait3A_75 = arith.constant 0 : i32
          %dma_wait3A_76 = tpu.memref_slice %arg14[%dma_wait3A_74, %dma_wait3A_75] : memref<10240x128xf32, #tpu.memory_space<vmem_shared>> -> memref<10240x128xf32, #tpu.memory_space<vmem_shared>>
          tpu.wait_indirect_dma semaphore(%run_scoped3A_64 : memref<!tpu.dma_semaphore, #tpu.memory_space<semaphore_mem>>) src(%arg12 : memref<64x128xf32, #tpu.memory_space<vmem>>) dst(%dma_wait3A_76 : memref<10240x128xf32, #tpu.memory_space<vmem_shared>>)
          tpu.yield
        }) : () -> ()
      }
      %scan3A_22 = arith.constant 2 : i32
    } else {
    }
    %eq3A_3 = arith.constant 1 : i32
    %eq3A_4 = arith.cmpi eq, %arg0, %eq3A_3 : i32
    %convert_element_type3A_5 = arith.extui %eq3A_4 : i1 to i32
    %cond3A_6 = arith.constant 0 : i32
    %cond3A_7 = arith.cmpi ne, %convert_element_type3A_5, %cond3A_6 : i32
    scf.if %cond3A_7 {
      %scan3A = arith.constant 0 : i32
      %scan3A_19 = arith.constant 2 : i32
      %scan3A_20 = arith.addi %scan3A, %scan3A_19 : i32
      %scan3A_21 = arith.constant 1 : i32
      scf.for %scan3A_23 = %scan3A to %scan3A_20 step %scan3A_21  : i32 {
        %mul3A_24 = arith.constant 1 : i32
        %mul3A_25 = arith.muli %scan3A_23, %mul3A_24 : i32
        %add3A = arith.constant 0 : i32
        %add3A_26 = arith.addi %add3A, %mul3A_25 : i32
        %mul3A_27 = arith.constant 160 : i32
        %mul3A_28 = arith.muli %arg1, %mul3A_27 : i32
        %mul3A_29 = arith.constant 80 : i32
        %mul3A_30 = arith.muli %add3A_26, %mul3A_29 : i32
        %add3A_31 = arith.addi %mul3A_28, %mul3A_30 : i32
        "tpu.region"() ({
          %run_scoped3A_64 = tpu.sem_alloc : memref<!tpu.dma_semaphore, #tpu.memory_space<semaphore_mem>>
          %dma_start3A_65 = arith.constant 0 : i32
          %dma_start3A_66 = tpu.memref_slice %arg4[%add3A_31, %dma_start3A_65] : memref<2560x64xi32, #tpu.memory_space<hbm>> -> memref<80x64xi32, #tpu.memory_space<hbm>>
          %dma_start3A_67 = arith.constant 0 : i32
          %dma_start3A_68 = tpu.memref_slice %arg4[%add3A_31, %dma_start3A_67] : memref<2560x64xi32, #tpu.memory_space<hbm>> -> memref<80x64xi32, #tpu.memory_space<hbm>>
          tpu.enqueue_dma source(%dma_start3A_68 : memref<80x64xi32, #tpu.memory_space<hbm>>) target(%arg9 : memref<80x64xi32, #tpu.memory_space<vmem>>) target_semaphore(%run_scoped3A_64 : memref<!tpu.dma_semaphore, #tpu.memory_space<semaphore_mem>>)
          %dma_wait3A_69 = arith.constant 0 : i32
          %dma_wait3A_70 = tpu.memref_slice %arg4[%add3A_31, %dma_wait3A_69] : memref<2560x64xi32, #tpu.memory_space<hbm>> -> memref<80x64xi32, #tpu.memory_space<hbm>>
          %dma_wait3A_71 = arith.constant 0 : i32
          %dma_wait3A_72 = tpu.memref_slice %arg4[%add3A_31, %dma_wait3A_71] : memref<2560x64xi32, #tpu.memory_space<hbm>> -> memref<80x64xi32, #tpu.memory_space<hbm>>
          tpu.wait_dma2 semaphore(%run_scoped3A_64 : memref<!tpu.dma_semaphore, #tpu.memory_space<semaphore_mem>>) src(%dma_wait3A_72 : memref<80x64xi32, #tpu.memory_space<hbm>>) dst(%arg9 : memref<80x64xi32, #tpu.memory_space<vmem>>)
          tpu.yield
        }) : () -> ()
        "tpu.region"() ({
          %run_scoped3A_64 = tpu.sem_alloc : memref<!tpu.dma_semaphore, #tpu.memory_space<semaphore_mem>>
          %dma_start3A_65 = arith.constant 0 : i32
          %dma_start3A_66 = tpu.memref_slice %arg5[%add3A_31, %dma_start3A_65] : memref<2560x64xi32, #tpu.memory_space<hbm>> -> memref<80x64xi32, #tpu.memory_space<hbm>>
          %dma_start3A_67 = arith.constant 0 : i32
          %dma_start3A_68 = tpu.memref_slice %arg5[%add3A_31, %dma_start3A_67] : memref<2560x64xi32, #tpu.memory_space<hbm>> -> memref<80x64xi32, #tpu.memory_space<hbm>>
          tpu.enqueue_dma source(%dma_start3A_68 : memref<80x64xi32, #tpu.memory_space<hbm>>) target(%arg10 : memref<80x64xi32, #tpu.memory_space<vmem>>) target_semaphore(%run_scoped3A_64 : memref<!tpu.dma_semaphore, #tpu.memory_space<semaphore_mem>>)
          %dma_wait3A_69 = arith.constant 0 : i32
          %dma_wait3A_70 = tpu.memref_slice %arg5[%add3A_31, %dma_wait3A_69] : memref<2560x64xi32, #tpu.memory_space<hbm>> -> memref<80x64xi32, #tpu.memory_space<hbm>>
          %dma_wait3A_71 = arith.constant 0 : i32
          %dma_wait3A_72 = tpu.memref_slice %arg5[%add3A_31, %dma_wait3A_71] : memref<2560x64xi32, #tpu.memory_space<hbm>> -> memref<80x64xi32, #tpu.memory_space<hbm>>
          tpu.wait_dma2 semaphore(%run_scoped3A_64 : memref<!tpu.dma_semaphore, #tpu.memory_space<semaphore_mem>>) src(%dma_wait3A_72 : memref<80x64xi32, #tpu.memory_space<hbm>>) dst(%arg10 : memref<80x64xi32, #tpu.memory_space<vmem>>)
          tpu.yield
        }) : () -> ()
        %dma_start3A = arith.constant 0 : i32
        %dma_start3A_32 = arith.constant 0 : i32
        %dma_start3A_33 = tpu.memref_slice %arg9[%dma_start3A, %dma_start3A_32] : memref<80x64xi32, #tpu.memory_space<vmem>> -> memref<1x64xi32, #tpu.memory_space<vmem>>
        %dma_start3A_34 = tpu.memref_squeeze %dma_start3A_33 : memref<1x64xi32, #tpu.memory_space<vmem>> -> memref<64xi32, #tpu.memory_space<vmem>>
        %dma_start3A_35 = arith.constant 0 : i32
        %dma_start3A_36 = arith.constant 0 : i32
        %dma_start3A_37 = tpu.memref_slice %arg3[%dma_start3A_35, %dma_start3A_36] : memref<10240x128xf32, #tpu.memory_space<hbm>> -> memref<10240x128xf32, #tpu.memory_space<hbm>>
        tpu.enqueue_indirect_dma source(%dma_start3A_37 : memref<10240x128xf32, #tpu.memory_space<hbm>>) target(%arg11 : memref<64x128xf32, #tpu.memory_space<vmem>>) offsets(%dma_start3A_34 : memref<64xi32, #tpu.memory_space<vmem>>) semaphore(%arg15 : memref<!tpu.dma_semaphore, #tpu.memory_space<semaphore_mem>>)
        %dma_start3A_38 = arith.constant 1 : i32
        %dma_start3A_39 = arith.constant 0 : i32
        %dma_start3A_40 = tpu.memref_slice %arg9[%dma_start3A_38, %dma_start3A_39] : memref<80x64xi32, #tpu.memory_space<vmem>> -> memref<1x64xi32, #tpu.memory_space<vmem>>
        %dma_start3A_41 = tpu.memref_squeeze %dma_start3A_40 : memref<1x64xi32, #tpu.memory_space<vmem>> -> memref<64xi32, #tpu.memory_space<vmem>>
        %dma_start3A_42 = arith.constant 0 : i32
        %dma_start3A_43 = arith.constant 0 : i32
        %dma_start3A_44 = tpu.memref_slice %arg3[%dma_start3A_42, %dma_start3A_43] : memref<10240x128xf32, #tpu.memory_space<hbm>> -> memref<10240x128xf32, #tpu.memory_space<hbm>>
        tpu.enqueue_indirect_dma source(%dma_start3A_44 : memref<10240x128xf32, #tpu.memory_space<hbm>>) target(%arg12 : memref<64x128xf32, #tpu.memory_space<vmem>>) offsets(%dma_start3A_41 : memref<64xi32, #tpu.memory_space<vmem>>) semaphore(%arg16 : memref<!tpu.dma_semaphore, #tpu.memory_space<semaphore_mem>>)
        %scan3A_45 = arith.constant 0 : i32
        %scan3A_46 = arith.constant 26 : i32
        %scan3A_47 = arith.addi %scan3A_45, %scan3A_46 : i32
        %scan3A_48 = arith.constant 1 : i32
        scf.for %scan3A_64 = %scan3A_45 to %scan3A_47 step %scan3A_48  : i32 {
          %mul3A_65 = arith.constant 1 : i32
          %mul3A_66 = arith.muli %scan3A_64, %mul3A_65 : i32
          %add3A_67 = arith.constant 0 : i32
          %add3A_68 = arith.addi %add3A_67, %mul3A_66 : i32
          %mul3A_69 = arith.constant 3 : i32
          %mul3A_70 = arith.muli %mul3A_69, %add3A_68 : i32
          %add3A_71 = arith.constant 0 : i32
          %add3A_72 = arith.addi %mul3A_70, %add3A_71 : i32
          %dma_wait3A_73 = arith.constant 0 : i32
          %dma_wait3A_74 = tpu.memref_slice %arg9[%add3A_72, %dma_wait3A_73] : memref<80x64xi32, #tpu.memory_space<vmem>> -> memref<1x64xi32, #tpu.memory_space<vmem>>
          %dma_wait3A_75 = tpu.memref_squeeze %dma_wait3A_74 : memref<1x64xi32, #tpu.memory_space<vmem>> -> memref<64xi32, #tpu.memory_space<vmem>>
          %dma_wait3A_76 = arith.constant 0 : i32
          %dma_wait3A_77 = arith.constant 0 : i32
          %dma_wait3A_78 = tpu.memref_slice %arg3[%dma_wait3A_76, %dma_wait3A_77] : memref<10240x128xf32, #tpu.memory_space<hbm>> -> memref<10240x128xf32, #tpu.memory_space<hbm>>
          tpu.wait_indirect_dma semaphore(%arg15 : memref<!tpu.dma_semaphore, #tpu.memory_space<semaphore_mem>>) src(%dma_wait3A_78 : memref<10240x128xf32, #tpu.memory_space<hbm>>) dst(%arg11 : memref<64x128xf32, #tpu.memory_space<vmem>>)
          %add3A_79 = arith.constant 2 : i32
          %add3A_80 = arith.addi %add3A_72, %add3A_79 : i32
          %dma_start3A_81 = arith.constant 0 : i32
          %dma_start3A_82 = tpu.memref_slice %arg9[%add3A_80, %dma_start3A_81] : memref<80x64xi32, #tpu.memory_space<vmem>> -> memref<1x64xi32, #tpu.memory_space<vmem>>
          %dma_start3A_83 = tpu.memref_squeeze %dma_start3A_82 : memref<1x64xi32, #tpu.memory_space<vmem>> -> memref<64xi32, #tpu.memory_space<vmem>>
          %dma_start3A_84 = arith.constant 0 : i32
          %dma_start3A_85 = arith.constant 0 : i32
          %dma_start3A_86 = tpu.memref_slice %arg3[%dma_start3A_84, %dma_start3A_85] : memref<10240x128xf32, #tpu.memory_space<hbm>> -> memref<10240x128xf32, #tpu.memory_space<hbm>>
          tpu.enqueue_indirect_dma source(%dma_start3A_86 : memref<10240x128xf32, #tpu.memory_space<hbm>>) target(%arg13 : memref<64x128xf32, #tpu.memory_space<vmem>>) offsets(%dma_start3A_83 : memref<64xi32, #tpu.memory_space<vmem>>) semaphore(%arg17 : memref<!tpu.dma_semaphore, #tpu.memory_space<semaphore_mem>>)
          "tpu.region"() ({
            %run_scoped3A_119 = tpu.sem_alloc : memref<!tpu.dma_semaphore, #tpu.memory_space<semaphore_mem>>
            %dma_start3A_120 = arith.constant 0 : i32
            %dma_start3A_121 = tpu.memref_slice %arg10[%add3A_72, %dma_start3A_120] : memref<80x64xi32, #tpu.memory_space<vmem>> -> memref<1x64xi32, #tpu.memory_space<vmem>>
            %dma_start3A_122 = tpu.memref_squeeze %dma_start3A_121 : memref<1x64xi32, #tpu.memory_space<vmem>> -> memref<64xi32, #tpu.memory_space<vmem>>
            %dma_start3A_123 = arith.constant 0 : i32
            %dma_start3A_124 = arith.constant 0 : i32
            %dma_start3A_125 = tpu.memref_slice %arg14[%dma_start3A_123, %dma_start3A_124] : memref<10240x128xf32, #tpu.memory_space<vmem_shared>> -> memref<10240x128xf32, #tpu.memory_space<vmem_shared>>
            tpu.enqueue_indirect_dma source(%arg11 : memref<64x128xf32, #tpu.memory_space<vmem>>) target(%dma_start3A_125 : memref<10240x128xf32, #tpu.memory_space<vmem_shared>>) offsets(%dma_start3A_122 : memref<64xi32, #tpu.memory_space<vmem>>) semaphore(%run_scoped3A_119 : memref<!tpu.dma_semaphore, #tpu.memory_space<semaphore_mem>>) {add = true}
            %dma_wait3A_126 = arith.constant 0 : i32
            %dma_wait3A_127 = tpu.memref_slice %arg10[%add3A_72, %dma_wait3A_126] : memref<80x64xi32, #tpu.memory_space<vmem>> -> memref<1x64xi32, #tpu.memory_space<vmem>>
            %dma_wait3A_128 = tpu.memref_squeeze %dma_wait3A_127 : memref<1x64xi32, #tpu.memory_space<vmem>> -> memref<64xi32, #tpu.memory_space<vmem>>
            %dma_wait3A_129 = arith.constant 0 : i32
            %dma_wait3A_130 = arith.constant 0 : i32
            %dma_wait3A_131 = tpu.memref_slice %arg14[%dma_wait3A_129, %dma_wait3A_130] : memref<10240x128xf32, #tpu.memory_space<vmem_shared>> -> memref<10240x128xf32, #tpu.memory_space<vmem_shared>>
            tpu.wait_indirect_dma semaphore(%run_scoped3A_119 : memref<!tpu.dma_semaphore, #tpu.memory_space<semaphore_mem>>) src(%arg11 : memref<64x128xf32, #tpu.memory_space<vmem>>) dst(%dma_wait3A_131 : memref<10240x128xf32, #tpu.memory_space<vmem_shared>>)
            tpu.yield
          }) : () -> ()
          %add3A_87 = arith.constant 1 : i32
          %add3A_88 = arith.addi %mul3A_70, %add3A_87 : i32
          %dma_wait3A_89 = arith.constant 0 : i32
          %dma_wait3A_90 = tpu.memref_slice %arg9[%add3A_88, %dma_wait3A_89] : memref<80x64xi32, #tpu.memory_space<vmem>> -> memref<1x64xi32, #tpu.memory_space<vmem>>
          %dma_wait3A_91 = tpu.memref_squeeze %dma_wait3A_90 : memref<1x64xi32, #tpu.memory_space<vmem>> -> memref<64xi32, #tpu.memory_space<vmem>>
          %dma_wait3A_92 = arith.constant 0 : i32
          %dma_wait3A_93 = arith.constant 0 : i32
          %dma_wait3A_94 = tpu.memref_slice %arg3[%dma_wait3A_92, %dma_wait3A_93] : memref<10240x128xf32, #tpu.memory_space<hbm>> -> memref<10240x128xf32, #tpu.memory_space<hbm>>
          tpu.wait_indirect_dma semaphore(%arg16 : memref<!tpu.dma_semaphore, #tpu.memory_space<semaphore_mem>>) src(%dma_wait3A_94 : memref<10240x128xf32, #tpu.memory_space<hbm>>) dst(%arg12 : memref<64x128xf32, #tpu.memory_space<vmem>>)
          %add3A_95 = arith.constant 2 : i32
          %add3A_96 = arith.addi %add3A_88, %add3A_95 : i32
          %dma_start3A_97 = arith.constant 0 : i32
          %dma_start3A_98 = tpu.memref_slice %arg9[%add3A_96, %dma_start3A_97] : memref<80x64xi32, #tpu.memory_space<vmem>> -> memref<1x64xi32, #tpu.memory_space<vmem>>
          %dma_start3A_99 = tpu.memref_squeeze %dma_start3A_98 : memref<1x64xi32, #tpu.memory_space<vmem>> -> memref<64xi32, #tpu.memory_space<vmem>>
          %dma_start3A_100 = arith.constant 0 : i32
          %dma_start3A_101 = arith.constant 0 : i32
          %dma_start3A_102 = tpu.memref_slice %arg3[%dma_start3A_100, %dma_start3A_101] : memref<10240x128xf32, #tpu.memory_space<hbm>> -> memref<10240x128xf32, #tpu.memory_space<hbm>>
          tpu.enqueue_indirect_dma source(%dma_start3A_102 : memref<10240x128xf32, #tpu.memory_space<hbm>>) target(%arg11 : memref<64x128xf32, #tpu.memory_space<vmem>>) offsets(%dma_start3A_99 : memref<64xi32, #tpu.memory_space<vmem>>) semaphore(%arg15 : memref<!tpu.dma_semaphore, #tpu.memory_space<semaphore_mem>>)
          "tpu.region"() ({
            %run_scoped3A_119 = tpu.sem_alloc : memref<!tpu.dma_semaphore, #tpu.memory_space<semaphore_mem>>
            %dma_start3A_120 = arith.constant 0 : i32
            %dma_start3A_121 = tpu.memref_slice %arg10[%add3A_88, %dma_start3A_120] : memref<80x64xi32, #tpu.memory_space<vmem>> -> memref<1x64xi32, #tpu.memory_space<vmem>>
            %dma_start3A_122 = tpu.memref_squeeze %dma_start3A_121 : memref<1x64xi32, #tpu.memory_space<vmem>> -> memref<64xi32, #tpu.memory_space<vmem>>
            %dma_start3A_123 = arith.constant 0 : i32
            %dma_start3A_124 = arith.constant 0 : i32
            %dma_start3A_125 = tpu.memref_slice %arg14[%dma_start3A_123, %dma_start3A_124] : memref<10240x128xf32, #tpu.memory_space<vmem_shared>> -> memref<10240x128xf32, #tpu.memory_space<vmem_shared>>
            tpu.enqueue_indirect_dma source(%arg12 : memref<64x128xf32, #tpu.memory_space<vmem>>) target(%dma_start3A_125 : memref<10240x128xf32, #tpu.memory_space<vmem_shared>>) offsets(%dma_start3A_122 : memref<64xi32, #tpu.memory_space<vmem>>) semaphore(%run_scoped3A_119 : memref<!tpu.dma_semaphore, #tpu.memory_space<semaphore_mem>>) {add = true}
            %dma_wait3A_126 = arith.constant 0 : i32
            %dma_wait3A_127 = tpu.memref_slice %arg10[%add3A_88, %dma_wait3A_126] : memref<80x64xi32, #tpu.memory_space<vmem>> -> memref<1x64xi32, #tpu.memory_space<vmem>>
            %dma_wait3A_128 = tpu.memref_squeeze %dma_wait3A_127 : memref<1x64xi32, #tpu.memory_space<vmem>> -> memref<64xi32, #tpu.memory_space<vmem>>
            %dma_wait3A_129 = arith.constant 0 : i32
            %dma_wait3A_130 = arith.constant 0 : i32
            %dma_wait3A_131 = tpu.memref_slice %arg14[%dma_wait3A_129, %dma_wait3A_130] : memref<10240x128xf32, #tpu.memory_space<vmem_shared>> -> memref<10240x128xf32, #tpu.memory_space<vmem_shared>>
            tpu.wait_indirect_dma semaphore(%run_scoped3A_119 : memref<!tpu.dma_semaphore, #tpu.memory_space<semaphore_mem>>) src(%arg12 : memref<64x128xf32, #tpu.memory_space<vmem>>) dst(%dma_wait3A_131 : memref<10240x128xf32, #tpu.memory_space<vmem_shared>>)
            tpu.yield
          }) : () -> ()
          %add3A_103 = arith.constant 2 : i32
          %add3A_104 = arith.addi %mul3A_70, %add3A_103 : i32
          %dma_wait3A_105 = arith.constant 0 : i32
          %dma_wait3A_106 = tpu.memref_slice %arg9[%add3A_104, %dma_wait3A_105] : memref<80x64xi32, #tpu.memory_space<vmem>> -> memref<1x64xi32, #tpu.memory_space<vmem>>
          %dma_wait3A_107 = tpu.memref_squeeze %dma_wait3A_106 : memref<1x64xi32, #tpu.memory_space<vmem>> -> memref<64xi32, #tpu.memory_space<vmem>>
          %dma_wait3A_108 = arith.constant 0 : i32
          %dma_wait3A_109 = arith.constant 0 : i32
          %dma_wait3A_110 = tpu.memref_slice %arg3[%dma_wait3A_108, %dma_wait3A_109] : memref<10240x128xf32, #tpu.memory_space<hbm>> -> memref<10240x128xf32, #tpu.memory_space<hbm>>
          tpu.wait_indirect_dma semaphore(%arg17 : memref<!tpu.dma_semaphore, #tpu.memory_space<semaphore_mem>>) src(%dma_wait3A_110 : memref<10240x128xf32, #tpu.memory_space<hbm>>) dst(%arg13 : memref<64x128xf32, #tpu.memory_space<vmem>>)
          %add3A_111 = arith.constant 2 : i32
          %add3A_112 = arith.addi %add3A_104, %add3A_111 : i32
          %dma_start3A_113 = arith.constant 0 : i32
          %dma_start3A_114 = tpu.memref_slice %arg9[%add3A_112, %dma_start3A_113] : memref<80x64xi32, #tpu.memory_space<vmem>> -> memref<1x64xi32, #tpu.memory_space<vmem>>
          %dma_start3A_115 = tpu.memref_squeeze %dma_start3A_114 : memref<1x64xi32, #tpu.memory_space<vmem>> -> memref<64xi32, #tpu.memory_space<vmem>>
          %dma_start3A_116 = arith.constant 0 : i32
          %dma_start3A_117 = arith.constant 0 : i32
          %dma_start3A_118 = tpu.memref_slice %arg3[%dma_start3A_116, %dma_start3A_117] : memref<10240x128xf32, #tpu.memory_space<hbm>> -> memref<10240x128xf32, #tpu.memory_space<hbm>>
          tpu.enqueue_indirect_dma source(%dma_start3A_118 : memref<10240x128xf32, #tpu.memory_space<hbm>>) target(%arg12 : memref<64x128xf32, #tpu.memory_space<vmem>>) offsets(%dma_start3A_115 : memref<64xi32, #tpu.memory_space<vmem>>) semaphore(%arg16 : memref<!tpu.dma_semaphore, #tpu.memory_space<semaphore_mem>>)
          "tpu.region"() ({
            %run_scoped3A_119 = tpu.sem_alloc : memref<!tpu.dma_semaphore, #tpu.memory_space<semaphore_mem>>
            %dma_start3A_120 = arith.constant 0 : i32
            %dma_start3A_121 = tpu.memref_slice %arg10[%add3A_104, %dma_start3A_120] : memref<80x64xi32, #tpu.memory_space<vmem>> -> memref<1x64xi32, #tpu.memory_space<vmem>>
            %dma_start3A_122 = tpu.memref_squeeze %dma_start3A_121 : memref<1x64xi32, #tpu.memory_space<vmem>> -> memref<64xi32, #tpu.memory_space<vmem>>
            %dma_start3A_123 = arith.constant 0 : i32
            %dma_start3A_124 = arith.constant 0 : i32
            %dma_start3A_125 = tpu.memref_slice %arg14[%dma_start3A_123, %dma_start3A_124] : memref<10240x128xf32, #tpu.memory_space<vmem_shared>> -> memref<10240x128xf32, #tpu.memory_space<vmem_shared>>
            tpu.enqueue_indirect_dma source(%arg13 : memref<64x128xf32, #tpu.memory_space<vmem>>) target(%dma_start3A_125 : memref<10240x128xf32, #tpu.memory_space<vmem_shared>>) offsets(%dma_start3A_122 : memref<64xi32, #tpu.memory_space<vmem>>) semaphore(%run_scoped3A_119 : memref<!tpu.dma_semaphore, #tpu.memory_space<semaphore_mem>>) {add = true}
            %dma_wait3A_126 = arith.constant 0 : i32
            %dma_wait3A_127 = tpu.memref_slice %arg10[%add3A_104, %dma_wait3A_126] : memref<80x64xi32, #tpu.memory_space<vmem>> -> memref<1x64xi32, #tpu.memory_space<vmem>>
            %dma_wait3A_128 = tpu.memref_squeeze %dma_wait3A_127 : memref<1x64xi32, #tpu.memory_space<vmem>> -> memref<64xi32, #tpu.memory_space<vmem>>
            %dma_wait3A_129 = arith.constant 0 : i32
            %dma_wait3A_130 = arith.constant 0 : i32
            %dma_wait3A_131 = tpu.memref_slice %arg14[%dma_wait3A_129, %dma_wait3A_130] : memref<10240x128xf32, #tpu.memory_space<vmem_shared>> -> memref<10240x128xf32, #tpu.memory_space<vmem_shared>>
            tpu.wait_indirect_dma semaphore(%run_scoped3A_119 : memref<!tpu.dma_semaphore, #tpu.memory_space<semaphore_mem>>) src(%arg13 : memref<64x128xf32, #tpu.memory_space<vmem>>) dst(%dma_wait3A_131 : memref<10240x128xf32, #tpu.memory_space<vmem_shared>>)
            tpu.yield
          }) : () -> ()
        }
        %scan3A_49 = arith.constant 26 : i32
        %dma_wait3A = arith.constant 78 : i32
        %dma_wait3A_50 = arith.constant 0 : i32
        %dma_wait3A_51 = tpu.memref_slice %arg9[%dma_wait3A, %dma_wait3A_50] : memref<80x64xi32, #tpu.memory_space<vmem>> -> memref<1x64xi32, #tpu.memory_space<vmem>>
        %dma_wait3A_52 = tpu.memref_squeeze %dma_wait3A_51 : memref<1x64xi32, #tpu.memory_space<vmem>> -> memref<64xi32, #tpu.memory_space<vmem>>
        %dma_wait3A_53 = arith.constant 0 : i32
        %dma_wait3A_54 = arith.constant 0 : i32
        %dma_wait3A_55 = tpu.memref_slice %arg3[%dma_wait3A_53, %dma_wait3A_54] : memref<10240x128xf32, #tpu.memory_space<hbm>> -> memref<10240x128xf32, #tpu.memory_space<hbm>>
        tpu.wait_indirect_dma semaphore(%arg15 : memref<!tpu.dma_semaphore, #tpu.memory_space<semaphore_mem>>) src(%dma_wait3A_55 : memref<10240x128xf32, #tpu.memory_space<hbm>>) dst(%arg11 : memref<64x128xf32, #tpu.memory_space<vmem>>)
        %run_scoped3A = arith.constant 78 : i32
        "tpu.region"() ({
          %run_scoped3A_64 = tpu.sem_alloc : memref<!tpu.dma_semaphore, #tpu.memory_space<semaphore_mem>>
          %dma_start3A_65 = arith.constant 0 : i32
          %dma_start3A_66 = tpu.memref_slice %arg10[%run_scoped3A, %dma_start3A_65] : memref<80x64xi32, #tpu.memory_space<vmem>> -> memref<1x64xi32, #tpu.memory_space<vmem>>
          %dma_start3A_67 = tpu.memref_squeeze %dma_start3A_66 : memref<1x64xi32, #tpu.memory_space<vmem>> -> memref<64xi32, #tpu.memory_space<vmem>>
          %dma_start3A_68 = arith.constant 0 : i32
          %dma_start3A_69 = arith.constant 0 : i32
          %dma_start3A_70 = tpu.memref_slice %arg14[%dma_start3A_68, %dma_start3A_69] : memref<10240x128xf32, #tpu.memory_space<vmem_shared>> -> memref<10240x128xf32, #tpu.memory_space<vmem_shared>>
          tpu.enqueue_indirect_dma source(%arg11 : memref<64x128xf32, #tpu.memory_space<vmem>>) target(%dma_start3A_70 : memref<10240x128xf32, #tpu.memory_space<vmem_shared>>) offsets(%dma_start3A_67 : memref<64xi32, #tpu.memory_space<vmem>>) semaphore(%run_scoped3A_64 : memref<!tpu.dma_semaphore, #tpu.memory_space<semaphore_mem>>) {add = true}
          %dma_wait3A_71 = arith.constant 0 : i32
          %dma_wait3A_72 = tpu.memref_slice %arg10[%run_scoped3A, %dma_wait3A_71] : memref<80x64xi32, #tpu.memory_space<vmem>> -> memref<1x64xi32, #tpu.memory_space<vmem>>
          %dma_wait3A_73 = tpu.memref_squeeze %dma_wait3A_72 : memref<1x64xi32, #tpu.memory_space<vmem>> -> memref<64xi32, #tpu.memory_space<vmem>>
          %dma_wait3A_74 = arith.constant 0 : i32
          %dma_wait3A_75 = arith.constant 0 : i32
          %dma_wait3A_76 = tpu.memref_slice %arg14[%dma_wait3A_74, %dma_wait3A_75] : memref<10240x128xf32, #tpu.memory_space<vmem_shared>> -> memref<10240x128xf32, #tpu.memory_space<vmem_shared>>
          tpu.wait_indirect_dma semaphore(%run_scoped3A_64 : memref<!tpu.dma_semaphore, #tpu.memory_space<semaphore_mem>>) src(%arg11 : memref<64x128xf32, #tpu.memory_space<vmem>>) dst(%dma_wait3A_76 : memref<10240x128xf32, #tpu.memory_space<vmem_shared>>)
          tpu.yield
        }) : () -> ()
        %dma_wait3A_56 = arith.constant 79 : i32
        %dma_wait3A_57 = arith.constant 0 : i32
        %dma_wait3A_58 = tpu.memref_slice %arg9[%dma_wait3A_56, %dma_wait3A_57] : memref<80x64xi32, #tpu.memory_space<vmem>> -> memref<1x64xi32, #tpu.memory_space<vmem>>
        %dma_wait3A_59 = tpu.memref_squeeze %dma_wait3A_58 : memref<1x64xi32, #tpu.memory_space<vmem>> -> memref<64xi32, #tpu.memory_space<vmem>>
        %dma_wait3A_60 = arith.constant 0 : i32
        %dma_wait3A_61 = arith.constant 0 : i32
        %dma_wait3A_62 = tpu.memref_slice %arg3[%dma_wait3A_60, %dma_wait3A_61] : memref<10240x128xf32, #tpu.memory_space<hbm>> -> memref<10240x128xf32, #tpu.memory_space<hbm>>
        tpu.wait_indirect_dma semaphore(%arg16 : memref<!tpu.dma_semaphore, #tpu.memory_space<semaphore_mem>>) src(%dma_wait3A_62 : memref<10240x128xf32, #tpu.memory_space<hbm>>) dst(%arg12 : memref<64x128xf32, #tpu.memory_space<vmem>>)
        %run_scoped3A_63 = arith.constant 79 : i32
        "tpu.region"() ({
          %run_scoped3A_64 = tpu.sem_alloc : memref<!tpu.dma_semaphore, #tpu.memory_space<semaphore_mem>>
          %dma_start3A_65 = arith.constant 0 : i32
          %dma_start3A_66 = tpu.memref_slice %arg10[%run_scoped3A_63, %dma_start3A_65] : memref<80x64xi32, #tpu.memory_space<vmem>> -> memref<1x64xi32, #tpu.memory_space<vmem>>
          %dma_start3A_67 = tpu.memref_squeeze %dma_start3A_66 : memref<1x64xi32, #tpu.memory_space<vmem>> -> memref<64xi32, #tpu.memory_space<vmem>>
          %dma_start3A_68 = arith.constant 0 : i32
          %dma_start3A_69 = arith.constant 0 : i32
          %dma_start3A_70 = tpu.memref_slice %arg14[%dma_start3A_68, %dma_start3A_69] : memref<10240x128xf32, #tpu.memory_space<vmem_shared>> -> memref<10240x128xf32, #tpu.memory_space<vmem_shared>>
          tpu.enqueue_indirect_dma source(%arg12 : memref<64x128xf32, #tpu.memory_space<vmem>>) target(%dma_start3A_70 : memref<10240x128xf32, #tpu.memory_space<vmem_shared>>) offsets(%dma_start3A_67 : memref<64xi32, #tpu.memory_space<vmem>>) semaphore(%run_scoped3A_64 : memref<!tpu.dma_semaphore, #tpu.memory_space<semaphore_mem>>) {add = true}
          %dma_wait3A_71 = arith.constant 0 : i32
          %dma_wait3A_72 = tpu.memref_slice %arg10[%run_scoped3A_63, %dma_wait3A_71] : memref<80x64xi32, #tpu.memory_space<vmem>> -> memref<1x64xi32, #tpu.memory_space<vmem>>
          %dma_wait3A_73 = tpu.memref_squeeze %dma_wait3A_72 : memref<1x64xi32, #tpu.memory_space<vmem>> -> memref<64xi32, #tpu.memory_space<vmem>>
          %dma_wait3A_74 = arith.constant 0 : i32
          %dma_wait3A_75 = arith.constant 0 : i32
          %dma_wait3A_76 = tpu.memref_slice %arg14[%dma_wait3A_74, %dma_wait3A_75] : memref<10240x128xf32, #tpu.memory_space<vmem_shared>> -> memref<10240x128xf32, #tpu.memory_space<vmem_shared>>
          tpu.wait_indirect_dma semaphore(%run_scoped3A_64 : memref<!tpu.dma_semaphore, #tpu.memory_space<semaphore_mem>>) src(%arg12 : memref<64x128xf32, #tpu.memory_space<vmem>>) dst(%dma_wait3A_76 : memref<10240x128xf32, #tpu.memory_space<vmem_shared>>)
          tpu.yield
        }) : () -> ()
      }
      %scan3A_22 = arith.constant 2 : i32
    } else {
    }
    %barrier3A_8 = arith.constant 0 : index
    tpu.barrier barrier_id(%barrier3A_8)
    %eq3A_9 = arith.constant 0 : i32
    %eq3A_10 = arith.cmpi eq, %arg0, %eq3A_9 : i32
    %convert_element_type3A_11 = arith.extui %eq3A_10 : i1 to i32
    %cond3A_12 = arith.constant 0 : i32
    %cond3A_13 = arith.cmpi ne, %convert_element_type3A_11, %cond3A_12 : i32
    scf.if %cond3A_13 {
      "tpu.region"() ({
        %run_scoped3A = tpu.sem_alloc : memref<!tpu.dma_semaphore, #tpu.memory_space<semaphore_mem>>
        %dma_start3A = arith.constant 0 : i32
        %dma_start3A_19 = tpu.memref_slice %arg7[%mul3A_0, %dma_start3A] : memref<10240x128xf32, #tpu.memory_space<hbm>> -> memref<640x128xf32, #tpu.memory_space<hbm>>
        %dma_start3A_20 = arith.constant 0 : i32
        %dma_start3A_21 = tpu.memref_slice %arg14[%mul3A_0, %dma_start3A_20] : memref<10240x128xf32, #tpu.memory_space<vmem_shared>> -> memref<640x128xf32, #tpu.memory_space<vmem_shared>>
        tpu.enqueue_dma source(%dma_start3A_21 : memref<640x128xf32, #tpu.memory_space<vmem_shared>>) target(%dma_start3A_19 : memref<640x128xf32, #tpu.memory_space<hbm>>) target_semaphore(%run_scoped3A : memref<!tpu.dma_semaphore, #tpu.memory_space<semaphore_mem>>)
        %dma_wait3A = arith.constant 0 : i32
        %dma_wait3A_22 = tpu.memref_slice %arg7[%mul3A_0, %dma_wait3A] : memref<10240x128xf32, #tpu.memory_space<hbm>> -> memref<640x128xf32, #tpu.memory_space<hbm>>
        %dma_wait3A_23 = arith.constant 0 : i32
        %dma_wait3A_24 = tpu.memref_slice %arg14[%mul3A_0, %dma_wait3A_23] : memref<10240x128xf32, #tpu.memory_space<vmem_shared>> -> memref<640x128xf32, #tpu.memory_space<vmem_shared>>
        tpu.wait_dma2 semaphore(%run_scoped3A : memref<!tpu.dma_semaphore, #tpu.memory_space<semaphore_mem>>) src(%dma_wait3A_24 : memref<640x128xf32, #tpu.memory_space<vmem_shared>>) dst(%dma_wait3A_22 : memref<640x128xf32, #tpu.memory_space<hbm>>)
        tpu.yield
      }) : () -> ()
    } else {
    }
    %eq3A_14 = arith.constant 1 : i32
    %eq3A_15 = arith.cmpi eq, %arg0, %eq3A_14 : i32
    %convert_element_type3A_16 = arith.extui %eq3A_15 : i1 to i32
    %cond3A_17 = arith.constant 0 : i32
    %cond3A_18 = arith.cmpi ne, %convert_element_type3A_16, %cond3A_17 : i32
    scf.if %cond3A_18 {
      "tpu.region"() ({
        %run_scoped3A = tpu.sem_alloc : memref<!tpu.dma_semaphore, #tpu.memory_space<semaphore_mem>>
        %dma_start3A = arith.constant 0 : i32
        %dma_start3A_19 = tpu.memref_slice %arg8[%mul3A_0, %dma_start3A] : memref<10240x128xf32, #tpu.memory_space<hbm>> -> memref<640x128xf32, #tpu.memory_space<hbm>>
        %dma_start3A_20 = arith.constant 0 : i32
        %dma_start3A_21 = tpu.memref_slice %arg14[%mul3A_0, %dma_start3A_20] : memref<10240x128xf32, #tpu.memory_space<vmem_shared>> -> memref<640x128xf32, #tpu.memory_space<vmem_shared>>
        tpu.enqueue_dma source(%dma_start3A_21 : memref<640x128xf32, #tpu.memory_space<vmem_shared>>) target(%dma_start3A_19 : memref<640x128xf32, #tpu.memory_space<hbm>>) target_semaphore(%run_scoped3A : memref<!tpu.dma_semaphore, #tpu.memory_space<semaphore_mem>>)
        %dma_wait3A = arith.constant 0 : i32
        %dma_wait3A_22 = tpu.memref_slice %arg8[%mul3A_0, %dma_wait3A] : memref<10240x128xf32, #tpu.memory_space<hbm>> -> memref<640x128xf32, #tpu.memory_space<hbm>>
        %dma_wait3A_23 = arith.constant 0 : i32
        %dma_wait3A_24 = tpu.memref_slice %arg14[%mul3A_0, %dma_wait3A_23] : memref<10240x128xf32, #tpu.memory_space<vmem_shared>> -> memref<640x128xf32, #tpu.memory_space<vmem_shared>>
        tpu.wait_dma2 semaphore(%run_scoped3A : memref<!tpu.dma_semaphore, #tpu.memory_space<semaphore_mem>>) src(%dma_wait3A_24 : memref<640x128xf32, #tpu.memory_space<vmem_shared>>) dst(%dma_wait3A_22 : memref<640x128xf32, #tpu.memory_space<hbm>>)
        tpu.yield
      }) : () -> ()
    } else {
    }
    return
  }
}

#map = affine_map<(d0, d1) -> (0, 0)>
module attributes {stable_mosaic.version = 14 : i64} {
  func.func @_sc_scatter_body(%arg0: i32, %arg1: i32, %arg2: memref<10240x128xf32, #tpu.memory_space<hbm>>, %arg3: memref<10240x128xf32, #tpu.memory_space<hbm>>, %arg4: memref<2560x64xi32, #tpu.memory_space<hbm>>, %arg5: memref<2560x64xi32, #tpu.memory_space<hbm>>, %arg6: memref<640x128xf32, #tpu.memory_space<hbm>>, %arg7: memref<10240x128xf32, #tpu.memory_space<hbm>>, %arg8: memref<10240x128xf32, #tpu.memory_space<hbm>>, %arg9: memref<80x64xi32, #tpu.memory_space<vmem>>, %arg10: memref<80x64xi32, #tpu.memory_space<vmem>>, %arg11: memref<64x128xf32, #tpu.memory_space<vmem>>, %arg12: memref<64x128xf32, #tpu.memory_space<vmem>>, %arg13: memref<64x128xf32, #tpu.memory_space<vmem>>, %arg14: memref<10240x128xf32, #tpu.memory_space<vmem_shared>>, %arg15: memref<!tpu.dma_semaphore, #tpu.memory_space<semaphore_mem>>, %arg16: memref<!tpu.dma_semaphore, #tpu.memory_space<semaphore_mem>>, %arg17: memref<!tpu.dma_semaphore, #tpu.memory_space<semaphore_mem>>) attributes {dimension_semantics = [#tpu.dimension_semantics<core_parallel>, #tpu.dimension_semantics<subcore_parallel>], iteration_bounds = array<i64: 2, 16>, scalar_prefetch = 0 : i64, scratch_operands = 9 : i64, tpu.core_type = #tpu.core_type<sc_vector_subcore>, window_params = [{transform_indices = #map}, {transform_indices = #map}, {transform_indices = #map}, {transform_indices = #map}, {transform_indices = #map}, {transform_indices = #map}, {transform_indices = #map}]} {
    %mul3A = arith.constant 640 : i32
    %mul3A_0 = arith.muli %arg1, %mul3A : i32
    "tpu.region"() ({
      %run_scoped3A = tpu.sem_alloc : memref<!tpu.dma_semaphore, #tpu.memory_space<semaphore_mem>>
      %dma_start3A = arith.constant 0 : i32
      %dma_start3A_19 = tpu.memref_slice %arg14[%mul3A_0, %dma_start3A] : memref<10240x128xf32, #tpu.memory_space<vmem_shared>> -> memref<640x128xf32, #tpu.memory_space<vmem_shared>>
      tpu.enqueue_dma source(%arg6 : memref<640x128xf32, #tpu.memory_space<hbm>>) target(%dma_start3A_19 : memref<640x128xf32, #tpu.memory_space<vmem_shared>>) target_semaphore(%run_scoped3A : memref<!tpu.dma_semaphore, #tpu.memory_space<semaphore_mem>>)
      %dma_wait3A = arith.constant 0 : i32
      %dma_wait3A_20 = tpu.memref_slice %arg14[%mul3A_0, %dma_wait3A] : memref<10240x128xf32, #tpu.memory_space<vmem_shared>> -> memref<640x128xf32, #tpu.memory_space<vmem_shared>>
      tpu.wait_dma2 semaphore(%run_scoped3A : memref<!tpu.dma_semaphore, #tpu.memory_space<semaphore_mem>>) src(%arg6 : memref<640x128xf32, #tpu.memory_space<hbm>>) dst(%dma_wait3A_20 : memref<640x128xf32, #tpu.memory_space<vmem_shared>>)
      tpu.yield
    }) : () -> ()
    %barrier3A = arith.constant 0 : index
    tpu.barrier barrier_id(%barrier3A)
    %eq3A = arith.constant 0 : i32
    %eq3A_1 = arith.cmpi eq, %arg0, %eq3A : i32
    %convert_element_type3A = arith.extui %eq3A_1 : i1 to i32
    %cond3A = arith.constant 0 : i32
    %cond3A_2 = arith.cmpi ne, %convert_element_type3A, %cond3A : i32
    scf.if %cond3A_2 {
      %scan3A = arith.constant 0 : i32
      %scan3A_19 = arith.constant 2 : i32
      %scan3A_20 = arith.addi %scan3A, %scan3A_19 : i32
      %scan3A_21 = arith.constant 1 : i32
      scf.for %scan3A_23 = %scan3A to %scan3A_20 step %scan3A_21  : i32 {
        %mul3A_24 = arith.constant 1 : i32
        %mul3A_25 = arith.muli %scan3A_23, %mul3A_24 : i32
        %add3A = arith.constant 0 : i32
        %add3A_26 = arith.addi %add3A, %mul3A_25 : i32
        %mul3A_27 = arith.constant 160 : i32
        %mul3A_28 = arith.muli %arg1, %mul3A_27 : i32
        %mul3A_29 = arith.constant 80 : i32
        %mul3A_30 = arith.muli %add3A_26, %mul3A_29 : i32
        %add3A_31 = arith.addi %mul3A_28, %mul3A_30 : i32
        "tpu.region"() ({
          %run_scoped3A_64 = tpu.sem_alloc : memref<!tpu.dma_semaphore, #tpu.memory_space<semaphore_mem>>
          %dma_start3A_65 = arith.constant 0 : i32
          %dma_start3A_66 = tpu.memref_slice %arg4[%add3A_31, %dma_start3A_65] : memref<2560x64xi32, #tpu.memory_space<hbm>> -> memref<80x64xi32, #tpu.memory_space<hbm>>
          %dma_start3A_67 = arith.constant 0 : i32
          %dma_start3A_68 = tpu.memref_slice %arg4[%add3A_31, %dma_start3A_67] : memref<2560x64xi32, #tpu.memory_space<hbm>> -> memref<80x64xi32, #tpu.memory_space<hbm>>
          tpu.enqueue_dma source(%dma_start3A_68 : memref<80x64xi32, #tpu.memory_space<hbm>>) target(%arg9 : memref<80x64xi32, #tpu.memory_space<vmem>>) target_semaphore(%run_scoped3A_64 : memref<!tpu.dma_semaphore, #tpu.memory_space<semaphore_mem>>)
          %dma_wait3A_69 = arith.constant 0 : i32
          %dma_wait3A_70 = tpu.memref_slice %arg4[%add3A_31, %dma_wait3A_69] : memref<2560x64xi32, #tpu.memory_space<hbm>> -> memref<80x64xi32, #tpu.memory_space<hbm>>
          %dma_wait3A_71 = arith.constant 0 : i32
          %dma_wait3A_72 = tpu.memref_slice %arg4[%add3A_31, %dma_wait3A_71] : memref<2560x64xi32, #tpu.memory_space<hbm>> -> memref<80x64xi32, #tpu.memory_space<hbm>>
          tpu.wait_dma2 semaphore(%run_scoped3A_64 : memref<!tpu.dma_semaphore, #tpu.memory_space<semaphore_mem>>) src(%dma_wait3A_72 : memref<80x64xi32, #tpu.memory_space<hbm>>) dst(%arg9 : memref<80x64xi32, #tpu.memory_space<vmem>>)
          tpu.yield
        }) : () -> ()
        "tpu.region"() ({
          %run_scoped3A_64 = tpu.sem_alloc : memref<!tpu.dma_semaphore, #tpu.memory_space<semaphore_mem>>
          %dma_start3A_65 = arith.constant 0 : i32
          %dma_start3A_66 = tpu.memref_slice %arg5[%add3A_31, %dma_start3A_65] : memref<2560x64xi32, #tpu.memory_space<hbm>> -> memref<80x64xi32, #tpu.memory_space<hbm>>
          %dma_start3A_67 = arith.constant 0 : i32
          %dma_start3A_68 = tpu.memref_slice %arg5[%add3A_31, %dma_start3A_67] : memref<2560x64xi32, #tpu.memory_space<hbm>> -> memref<80x64xi32, #tpu.memory_space<hbm>>
          tpu.enqueue_dma source(%dma_start3A_68 : memref<80x64xi32, #tpu.memory_space<hbm>>) target(%arg10 : memref<80x64xi32, #tpu.memory_space<vmem>>) target_semaphore(%run_scoped3A_64 : memref<!tpu.dma_semaphore, #tpu.memory_space<semaphore_mem>>)
          %dma_wait3A_69 = arith.constant 0 : i32
          %dma_wait3A_70 = tpu.memref_slice %arg5[%add3A_31, %dma_wait3A_69] : memref<2560x64xi32, #tpu.memory_space<hbm>> -> memref<80x64xi32, #tpu.memory_space<hbm>>
          %dma_wait3A_71 = arith.constant 0 : i32
          %dma_wait3A_72 = tpu.memref_slice %arg5[%add3A_31, %dma_wait3A_71] : memref<2560x64xi32, #tpu.memory_space<hbm>> -> memref<80x64xi32, #tpu.memory_space<hbm>>
          tpu.wait_dma2 semaphore(%run_scoped3A_64 : memref<!tpu.dma_semaphore, #tpu.memory_space<semaphore_mem>>) src(%dma_wait3A_72 : memref<80x64xi32, #tpu.memory_space<hbm>>) dst(%arg10 : memref<80x64xi32, #tpu.memory_space<vmem>>)
          tpu.yield
        }) : () -> ()
        %dma_start3A = arith.constant 0 : i32
        %dma_start3A_32 = arith.constant 0 : i32
        %dma_start3A_33 = tpu.memref_slice %arg9[%dma_start3A, %dma_start3A_32] : memref<80x64xi32, #tpu.memory_space<vmem>> -> memref<1x64xi32, #tpu.memory_space<vmem>>
        %dma_start3A_34 = tpu.memref_squeeze %dma_start3A_33 : memref<1x64xi32, #tpu.memory_space<vmem>> -> memref<64xi32, #tpu.memory_space<vmem>>
        %dma_start3A_35 = arith.constant 0 : i32
        %dma_start3A_36 = arith.constant 0 : i32
        %dma_start3A_37 = tpu.memref_slice %arg2[%dma_start3A_35, %dma_start3A_36] : memref<10240x128xf32, #tpu.memory_space<hbm>> -> memref<10240x128xf32, #tpu.memory_space<hbm>>
        tpu.enqueue_indirect_dma source(%dma_start3A_37 : memref<10240x128xf32, #tpu.memory_space<hbm>>) target(%arg11 : memref<64x128xf32, #tpu.memory_space<vmem>>) offsets(%dma_start3A_34 : memref<64xi32, #tpu.memory_space<vmem>>) semaphore(%arg15 : memref<!tpu.dma_semaphore, #tpu.memory_space<semaphore_mem>>)
        %dma_start3A_38 = arith.constant 1 : i32
        %dma_start3A_39 = arith.constant 0 : i32
        %dma_start3A_40 = tpu.memref_slice %arg9[%dma_start3A_38, %dma_start3A_39] : memref<80x64xi32, #tpu.memory_space<vmem>> -> memref<1x64xi32, #tpu.memory_space<vmem>>
        %dma_start3A_41 = tpu.memref_squeeze %dma_start3A_40 : memref<1x64xi32, #tpu.memory_space<vmem>> -> memref<64xi32, #tpu.memory_space<vmem>>
        %dma_start3A_42 = arith.constant 0 : i32
        %dma_start3A_43 = arith.constant 0 : i32
        %dma_start3A_44 = tpu.memref_slice %arg2[%dma_start3A_42, %dma_start3A_43] : memref<10240x128xf32, #tpu.memory_space<hbm>> -> memref<10240x128xf32, #tpu.memory_space<hbm>>
        tpu.enqueue_indirect_dma source(%dma_start3A_44 : memref<10240x128xf32, #tpu.memory_space<hbm>>) target(%arg12 : memref<64x128xf32, #tpu.memory_space<vmem>>) offsets(%dma_start3A_41 : memref<64xi32, #tpu.memory_space<vmem>>) semaphore(%arg16 : memref<!tpu.dma_semaphore, #tpu.memory_space<semaphore_mem>>)
        %scan3A_45 = arith.constant 0 : i32
        %scan3A_46 = arith.constant 26 : i32
        %scan3A_47 = arith.addi %scan3A_45, %scan3A_46 : i32
        %scan3A_48 = arith.constant 1 : i32
        scf.for %scan3A_64 = %scan3A_45 to %scan3A_47 step %scan3A_48  : i32 {
          %mul3A_65 = arith.constant 1 : i32
          %mul3A_66 = arith.muli %scan3A_64, %mul3A_65 : i32
          %add3A_67 = arith.constant 0 : i32
          %add3A_68 = arith.addi %add3A_67, %mul3A_66 : i32
          %mul3A_69 = arith.constant 3 : i32
          %mul3A_70 = arith.muli %mul3A_69, %add3A_68 : i32
          %add3A_71 = arith.constant 0 : i32
          %add3A_72 = arith.addi %mul3A_70, %add3A_71 : i32
          %dma_wait3A_73 = arith.constant 0 : i32
          %dma_wait3A_74 = tpu.memref_slice %arg9[%add3A_72, %dma_wait3A_73] : memref<80x64xi32, #tpu.memory_space<vmem>> -> memref<1x64xi32, #tpu.memory_space<vmem>>
          %dma_wait3A_75 = tpu.memref_squeeze %dma_wait3A_74 : memref<1x64xi32, #tpu.memory_space<vmem>> -> memref<64xi32, #tpu.memory_space<vmem>>
          %dma_wait3A_76 = arith.constant 0 : i32
          %dma_wait3A_77 = arith.constant 0 : i32
          %dma_wait3A_78 = tpu.memref_slice %arg2[%dma_wait3A_76, %dma_wait3A_77] : memref<10240x128xf32, #tpu.memory_space<hbm>> -> memref<10240x128xf32, #tpu.memory_space<hbm>>
          tpu.wait_indirect_dma semaphore(%arg15 : memref<!tpu.dma_semaphore, #tpu.memory_space<semaphore_mem>>) src(%dma_wait3A_78 : memref<10240x128xf32, #tpu.memory_space<hbm>>) dst(%arg11 : memref<64x128xf32, #tpu.memory_space<vmem>>)
          %add3A_79 = arith.constant 2 : i32
          %add3A_80 = arith.addi %add3A_72, %add3A_79 : i32
          %dma_start3A_81 = arith.constant 0 : i32
          %dma_start3A_82 = tpu.memref_slice %arg9[%add3A_80, %dma_start3A_81] : memref<80x64xi32, #tpu.memory_space<vmem>> -> memref<1x64xi32, #tpu.memory_space<vmem>>
          %dma_start3A_83 = tpu.memref_squeeze %dma_start3A_82 : memref<1x64xi32, #tpu.memory_space<vmem>> -> memref<64xi32, #tpu.memory_space<vmem>>
          %dma_start3A_84 = arith.constant 0 : i32
          %dma_start3A_85 = arith.constant 0 : i32
          %dma_start3A_86 = tpu.memref_slice %arg2[%dma_start3A_84, %dma_start3A_85] : memref<10240x128xf32, #tpu.memory_space<hbm>> -> memref<10240x128xf32, #tpu.memory_space<hbm>>
          tpu.enqueue_indirect_dma source(%dma_start3A_86 : memref<10240x128xf32, #tpu.memory_space<hbm>>) target(%arg13 : memref<64x128xf32, #tpu.memory_space<vmem>>) offsets(%dma_start3A_83 : memref<64xi32, #tpu.memory_space<vmem>>) semaphore(%arg17 : memref<!tpu.dma_semaphore, #tpu.memory_space<semaphore_mem>>)
          "tpu.region"() ({
            %run_scoped3A_119 = tpu.sem_alloc : memref<!tpu.dma_semaphore, #tpu.memory_space<semaphore_mem>>
            %dma_start3A_120 = arith.constant 0 : i32
            %dma_start3A_121 = tpu.memref_slice %arg10[%add3A_72, %dma_start3A_120] : memref<80x64xi32, #tpu.memory_space<vmem>> -> memref<1x64xi32, #tpu.memory_space<vmem>>
            %dma_start3A_122 = tpu.memref_squeeze %dma_start3A_121 : memref<1x64xi32, #tpu.memory_space<vmem>> -> memref<64xi32, #tpu.memory_space<vmem>>
            %dma_start3A_123 = arith.constant 0 : i32
            %dma_start3A_124 = arith.constant 0 : i32
            %dma_start3A_125 = tpu.memref_slice %arg14[%dma_start3A_123, %dma_start3A_124] : memref<10240x128xf32, #tpu.memory_space<vmem_shared>> -> memref<10240x128xf32, #tpu.memory_space<vmem_shared>>
            tpu.enqueue_indirect_dma source(%arg11 : memref<64x128xf32, #tpu.memory_space<vmem>>) target(%dma_start3A_125 : memref<10240x128xf32, #tpu.memory_space<vmem_shared>>) offsets(%dma_start3A_122 : memref<64xi32, #tpu.memory_space<vmem>>) semaphore(%run_scoped3A_119 : memref<!tpu.dma_semaphore, #tpu.memory_space<semaphore_mem>>) {add = true}
            %dma_wait3A_126 = arith.constant 0 : i32
            %dma_wait3A_127 = tpu.memref_slice %arg10[%add3A_72, %dma_wait3A_126] : memref<80x64xi32, #tpu.memory_space<vmem>> -> memref<1x64xi32, #tpu.memory_space<vmem>>
            %dma_wait3A_128 = tpu.memref_squeeze %dma_wait3A_127 : memref<1x64xi32, #tpu.memory_space<vmem>> -> memref<64xi32, #tpu.memory_space<vmem>>
            %dma_wait3A_129 = arith.constant 0 : i32
            %dma_wait3A_130 = arith.constant 0 : i32
            %dma_wait3A_131 = tpu.memref_slice %arg14[%dma_wait3A_129, %dma_wait3A_130] : memref<10240x128xf32, #tpu.memory_space<vmem_shared>> -> memref<10240x128xf32, #tpu.memory_space<vmem_shared>>
            tpu.wait_indirect_dma semaphore(%run_scoped3A_119 : memref<!tpu.dma_semaphore, #tpu.memory_space<semaphore_mem>>) src(%arg11 : memref<64x128xf32, #tpu.memory_space<vmem>>) dst(%dma_wait3A_131 : memref<10240x128xf32, #tpu.memory_space<vmem_shared>>)
            tpu.yield
          }) : () -> ()
          %add3A_87 = arith.constant 1 : i32
          %add3A_88 = arith.addi %mul3A_70, %add3A_87 : i32
          %dma_wait3A_89 = arith.constant 0 : i32
          %dma_wait3A_90 = tpu.memref_slice %arg9[%add3A_88, %dma_wait3A_89] : memref<80x64xi32, #tpu.memory_space<vmem>> -> memref<1x64xi32, #tpu.memory_space<vmem>>
          %dma_wait3A_91 = tpu.memref_squeeze %dma_wait3A_90 : memref<1x64xi32, #tpu.memory_space<vmem>> -> memref<64xi32, #tpu.memory_space<vmem>>
          %dma_wait3A_92 = arith.constant 0 : i32
          %dma_wait3A_93 = arith.constant 0 : i32
          %dma_wait3A_94 = tpu.memref_slice %arg2[%dma_wait3A_92, %dma_wait3A_93] : memref<10240x128xf32, #tpu.memory_space<hbm>> -> memref<10240x128xf32, #tpu.memory_space<hbm>>
          tpu.wait_indirect_dma semaphore(%arg16 : memref<!tpu.dma_semaphore, #tpu.memory_space<semaphore_mem>>) src(%dma_wait3A_94 : memref<10240x128xf32, #tpu.memory_space<hbm>>) dst(%arg12 : memref<64x128xf32, #tpu.memory_space<vmem>>)
          %add3A_95 = arith.constant 2 : i32
          %add3A_96 = arith.addi %add3A_88, %add3A_95 : i32
          %dma_start3A_97 = arith.constant 0 : i32
          %dma_start3A_98 = tpu.memref_slice %arg9[%add3A_96, %dma_start3A_97] : memref<80x64xi32, #tpu.memory_space<vmem>> -> memref<1x64xi32, #tpu.memory_space<vmem>>
          %dma_start3A_99 = tpu.memref_squeeze %dma_start3A_98 : memref<1x64xi32, #tpu.memory_space<vmem>> -> memref<64xi32, #tpu.memory_space<vmem>>
          %dma_start3A_100 = arith.constant 0 : i32
          %dma_start3A_101 = arith.constant 0 : i32
          %dma_start3A_102 = tpu.memref_slice %arg2[%dma_start3A_100, %dma_start3A_101] : memref<10240x128xf32, #tpu.memory_space<hbm>> -> memref<10240x128xf32, #tpu.memory_space<hbm>>
          tpu.enqueue_indirect_dma source(%dma_start3A_102 : memref<10240x128xf32, #tpu.memory_space<hbm>>) target(%arg11 : memref<64x128xf32, #tpu.memory_space<vmem>>) offsets(%dma_start3A_99 : memref<64xi32, #tpu.memory_space<vmem>>) semaphore(%arg15 : memref<!tpu.dma_semaphore, #tpu.memory_space<semaphore_mem>>)
          "tpu.region"() ({
            %run_scoped3A_119 = tpu.sem_alloc : memref<!tpu.dma_semaphore, #tpu.memory_space<semaphore_mem>>
            %dma_start3A_120 = arith.constant 0 : i32
            %dma_start3A_121 = tpu.memref_slice %arg10[%add3A_88, %dma_start3A_120] : memref<80x64xi32, #tpu.memory_space<vmem>> -> memref<1x64xi32, #tpu.memory_space<vmem>>
            %dma_start3A_122 = tpu.memref_squeeze %dma_start3A_121 : memref<1x64xi32, #tpu.memory_space<vmem>> -> memref<64xi32, #tpu.memory_space<vmem>>
            %dma_start3A_123 = arith.constant 0 : i32
            %dma_start3A_124 = arith.constant 0 : i32
            %dma_start3A_125 = tpu.memref_slice %arg14[%dma_start3A_123, %dma_start3A_124] : memref<10240x128xf32, #tpu.memory_space<vmem_shared>> -> memref<10240x128xf32, #tpu.memory_space<vmem_shared>>
            tpu.enqueue_indirect_dma source(%arg12 : memref<64x128xf32, #tpu.memory_space<vmem>>) target(%dma_start3A_125 : memref<10240x128xf32, #tpu.memory_space<vmem_shared>>) offsets(%dma_start3A_122 : memref<64xi32, #tpu.memory_space<vmem>>) semaphore(%run_scoped3A_119 : memref<!tpu.dma_semaphore, #tpu.memory_space<semaphore_mem>>) {add = true}
            %dma_wait3A_126 = arith.constant 0 : i32
            %dma_wait3A_127 = tpu.memref_slice %arg10[%add3A_88, %dma_wait3A_126] : memref<80x64xi32, #tpu.memory_space<vmem>> -> memref<1x64xi32, #tpu.memory_space<vmem>>
            %dma_wait3A_128 = tpu.memref_squeeze %dma_wait3A_127 : memref<1x64xi32, #tpu.memory_space<vmem>> -> memref<64xi32, #tpu.memory_space<vmem>>
            %dma_wait3A_129 = arith.constant 0 : i32
            %dma_wait3A_130 = arith.constant 0 : i32
            %dma_wait3A_131 = tpu.memref_slice %arg14[%dma_wait3A_129, %dma_wait3A_130] : memref<10240x128xf32, #tpu.memory_space<vmem_shared>> -> memref<10240x128xf32, #tpu.memory_space<vmem_shared>>
            tpu.wait_indirect_dma semaphore(%run_scoped3A_119 : memref<!tpu.dma_semaphore, #tpu.memory_space<semaphore_mem>>) src(%arg12 : memref<64x128xf32, #tpu.memory_space<vmem>>) dst(%dma_wait3A_131 : memref<10240x128xf32, #tpu.memory_space<vmem_shared>>)
            tpu.yield
          }) : () -> ()
          %add3A_103 = arith.constant 2 : i32
          %add3A_104 = arith.addi %mul3A_70, %add3A_103 : i32
          %dma_wait3A_105 = arith.constant 0 : i32
          %dma_wait3A_106 = tpu.memref_slice %arg9[%add3A_104, %dma_wait3A_105] : memref<80x64xi32, #tpu.memory_space<vmem>> -> memref<1x64xi32, #tpu.memory_space<vmem>>
          %dma_wait3A_107 = tpu.memref_squeeze %dma_wait3A_106 : memref<1x64xi32, #tpu.memory_space<vmem>> -> memref<64xi32, #tpu.memory_space<vmem>>
          %dma_wait3A_108 = arith.constant 0 : i32
          %dma_wait3A_109 = arith.constant 0 : i32
          %dma_wait3A_110 = tpu.memref_slice %arg2[%dma_wait3A_108, %dma_wait3A_109] : memref<10240x128xf32, #tpu.memory_space<hbm>> -> memref<10240x128xf32, #tpu.memory_space<hbm>>
          tpu.wait_indirect_dma semaphore(%arg17 : memref<!tpu.dma_semaphore, #tpu.memory_space<semaphore_mem>>) src(%dma_wait3A_110 : memref<10240x128xf32, #tpu.memory_space<hbm>>) dst(%arg13 : memref<64x128xf32, #tpu.memory_space<vmem>>)
          %add3A_111 = arith.constant 2 : i32
          %add3A_112 = arith.addi %add3A_104, %add3A_111 : i32
          %dma_start3A_113 = arith.constant 0 : i32
          %dma_start3A_114 = tpu.memref_slice %arg9[%add3A_112, %dma_start3A_113] : memref<80x64xi32, #tpu.memory_space<vmem>> -> memref<1x64xi32, #tpu.memory_space<vmem>>
          %dma_start3A_115 = tpu.memref_squeeze %dma_start3A_114 : memref<1x64xi32, #tpu.memory_space<vmem>> -> memref<64xi32, #tpu.memory_space<vmem>>
          %dma_start3A_116 = arith.constant 0 : i32
          %dma_start3A_117 = arith.constant 0 : i32
          %dma_start3A_118 = tpu.memref_slice %arg2[%dma_start3A_116, %dma_start3A_117] : memref<10240x128xf32, #tpu.memory_space<hbm>> -> memref<10240x128xf32, #tpu.memory_space<hbm>>
          tpu.enqueue_indirect_dma source(%dma_start3A_118 : memref<10240x128xf32, #tpu.memory_space<hbm>>) target(%arg12 : memref<64x128xf32, #tpu.memory_space<vmem>>) offsets(%dma_start3A_115 : memref<64xi32, #tpu.memory_space<vmem>>) semaphore(%arg16 : memref<!tpu.dma_semaphore, #tpu.memory_space<semaphore_mem>>)
          "tpu.region"() ({
            %run_scoped3A_119 = tpu.sem_alloc : memref<!tpu.dma_semaphore, #tpu.memory_space<semaphore_mem>>
            %dma_start3A_120 = arith.constant 0 : i32
            %dma_start3A_121 = tpu.memref_slice %arg10[%add3A_104, %dma_start3A_120] : memref<80x64xi32, #tpu.memory_space<vmem>> -> memref<1x64xi32, #tpu.memory_space<vmem>>
            %dma_start3A_122 = tpu.memref_squeeze %dma_start3A_121 : memref<1x64xi32, #tpu.memory_space<vmem>> -> memref<64xi32, #tpu.memory_space<vmem>>
            %dma_start3A_123 = arith.constant 0 : i32
            %dma_start3A_124 = arith.constant 0 : i32
            %dma_start3A_125 = tpu.memref_slice %arg14[%dma_start3A_123, %dma_start3A_124] : memref<10240x128xf32, #tpu.memory_space<vmem_shared>> -> memref<10240x128xf32, #tpu.memory_space<vmem_shared>>
            tpu.enqueue_indirect_dma source(%arg13 : memref<64x128xf32, #tpu.memory_space<vmem>>) target(%dma_start3A_125 : memref<10240x128xf32, #tpu.memory_space<vmem_shared>>) offsets(%dma_start3A_122 : memref<64xi32, #tpu.memory_space<vmem>>) semaphore(%run_scoped3A_119 : memref<!tpu.dma_semaphore, #tpu.memory_space<semaphore_mem>>) {add = true}
            %dma_wait3A_126 = arith.constant 0 : i32
            %dma_wait3A_127 = tpu.memref_slice %arg10[%add3A_104, %dma_wait3A_126] : memref<80x64xi32, #tpu.memory_space<vmem>> -> memref<1x64xi32, #tpu.memory_space<vmem>>
            %dma_wait3A_128 = tpu.memref_squeeze %dma_wait3A_127 : memref<1x64xi32, #tpu.memory_space<vmem>> -> memref<64xi32, #tpu.memory_space<vmem>>
            %dma_wait3A_129 = arith.constant 0 : i32
            %dma_wait3A_130 = arith.constant 0 : i32
            %dma_wait3A_131 = tpu.memref_slice %arg14[%dma_wait3A_129, %dma_wait3A_130] : memref<10240x128xf32, #tpu.memory_space<vmem_shared>> -> memref<10240x128xf32, #tpu.memory_space<vmem_shared>>
            tpu.wait_indirect_dma semaphore(%run_scoped3A_119 : memref<!tpu.dma_semaphore, #tpu.memory_space<semaphore_mem>>) src(%arg13 : memref<64x128xf32, #tpu.memory_space<vmem>>) dst(%dma_wait3A_131 : memref<10240x128xf32, #tpu.memory_space<vmem_shared>>)
            tpu.yield
          }) : () -> ()
        }
        %scan3A_49 = arith.constant 26 : i32
        %dma_wait3A = arith.constant 78 : i32
        %dma_wait3A_50 = arith.constant 0 : i32
        %dma_wait3A_51 = tpu.memref_slice %arg9[%dma_wait3A, %dma_wait3A_50] : memref<80x64xi32, #tpu.memory_space<vmem>> -> memref<1x64xi32, #tpu.memory_space<vmem>>
        %dma_wait3A_52 = tpu.memref_squeeze %dma_wait3A_51 : memref<1x64xi32, #tpu.memory_space<vmem>> -> memref<64xi32, #tpu.memory_space<vmem>>
        %dma_wait3A_53 = arith.constant 0 : i32
        %dma_wait3A_54 = arith.constant 0 : i32
        %dma_wait3A_55 = tpu.memref_slice %arg2[%dma_wait3A_53, %dma_wait3A_54] : memref<10240x128xf32, #tpu.memory_space<hbm>> -> memref<10240x128xf32, #tpu.memory_space<hbm>>
        tpu.wait_indirect_dma semaphore(%arg15 : memref<!tpu.dma_semaphore, #tpu.memory_space<semaphore_mem>>) src(%dma_wait3A_55 : memref<10240x128xf32, #tpu.memory_space<hbm>>) dst(%arg11 : memref<64x128xf32, #tpu.memory_space<vmem>>)
        %run_scoped3A = arith.constant 78 : i32
        "tpu.region"() ({
          %run_scoped3A_64 = tpu.sem_alloc : memref<!tpu.dma_semaphore, #tpu.memory_space<semaphore_mem>>
          %dma_start3A_65 = arith.constant 0 : i32
          %dma_start3A_66 = tpu.memref_slice %arg10[%run_scoped3A, %dma_start3A_65] : memref<80x64xi32, #tpu.memory_space<vmem>> -> memref<1x64xi32, #tpu.memory_space<vmem>>
          %dma_start3A_67 = tpu.memref_squeeze %dma_start3A_66 : memref<1x64xi32, #tpu.memory_space<vmem>> -> memref<64xi32, #tpu.memory_space<vmem>>
          %dma_start3A_68 = arith.constant 0 : i32
          %dma_start3A_69 = arith.constant 0 : i32
          %dma_start3A_70 = tpu.memref_slice %arg14[%dma_start3A_68, %dma_start3A_69] : memref<10240x128xf32, #tpu.memory_space<vmem_shared>> -> memref<10240x128xf32, #tpu.memory_space<vmem_shared>>
          tpu.enqueue_indirect_dma source(%arg11 : memref<64x128xf32, #tpu.memory_space<vmem>>) target(%dma_start3A_70 : memref<10240x128xf32, #tpu.memory_space<vmem_shared>>) offsets(%dma_start3A_67 : memref<64xi32, #tpu.memory_space<vmem>>) semaphore(%run_scoped3A_64 : memref<!tpu.dma_semaphore, #tpu.memory_space<semaphore_mem>>) {add = true}
          %dma_wait3A_71 = arith.constant 0 : i32
          %dma_wait3A_72 = tpu.memref_slice %arg10[%run_scoped3A, %dma_wait3A_71] : memref<80x64xi32, #tpu.memory_space<vmem>> -> memref<1x64xi32, #tpu.memory_space<vmem>>
          %dma_wait3A_73 = tpu.memref_squeeze %dma_wait3A_72 : memref<1x64xi32, #tpu.memory_space<vmem>> -> memref<64xi32, #tpu.memory_space<vmem>>
          %dma_wait3A_74 = arith.constant 0 : i32
          %dma_wait3A_75 = arith.constant 0 : i32
          %dma_wait3A_76 = tpu.memref_slice %arg14[%dma_wait3A_74, %dma_wait3A_75] : memref<10240x128xf32, #tpu.memory_space<vmem_shared>> -> memref<10240x128xf32, #tpu.memory_space<vmem_shared>>
          tpu.wait_indirect_dma semaphore(%run_scoped3A_64 : memref<!tpu.dma_semaphore, #tpu.memory_space<semaphore_mem>>) src(%arg11 : memref<64x128xf32, #tpu.memory_space<vmem>>) dst(%dma_wait3A_76 : memref<10240x128xf32, #tpu.memory_space<vmem_shared>>)
          tpu.yield
        }) : () -> ()
        %dma_wait3A_56 = arith.constant 79 : i32
        %dma_wait3A_57 = arith.constant 0 : i32
        %dma_wait3A_58 = tpu.memref_slice %arg9[%dma_wait3A_56, %dma_wait3A_57] : memref<80x64xi32, #tpu.memory_space<vmem>> -> memref<1x64xi32, #tpu.memory_space<vmem>>
        %dma_wait3A_59 = tpu.memref_squeeze %dma_wait3A_58 : memref<1x64xi32, #tpu.memory_space<vmem>> -> memref<64xi32, #tpu.memory_space<vmem>>
        %dma_wait3A_60 = arith.constant 0 : i32
        %dma_wait3A_61 = arith.constant 0 : i32
        %dma_wait3A_62 = tpu.memref_slice %arg2[%dma_wait3A_60, %dma_wait3A_61] : memref<10240x128xf32, #tpu.memory_space<hbm>> -> memref<10240x128xf32, #tpu.memory_space<hbm>>
        tpu.wait_indirect_dma semaphore(%arg16 : memref<!tpu.dma_semaphore, #tpu.memory_space<semaphore_mem>>) src(%dma_wait3A_62 : memref<10240x128xf32, #tpu.memory_space<hbm>>) dst(%arg12 : memref<64x128xf32, #tpu.memory_space<vmem>>)
        %run_scoped3A_63 = arith.constant 79 : i32
        "tpu.region"() ({
          %run_scoped3A_64 = tpu.sem_alloc : memref<!tpu.dma_semaphore, #tpu.memory_space<semaphore_mem>>
          %dma_start3A_65 = arith.constant 0 : i32
          %dma_start3A_66 = tpu.memref_slice %arg10[%run_scoped3A_63, %dma_start3A_65] : memref<80x64xi32, #tpu.memory_space<vmem>> -> memref<1x64xi32, #tpu.memory_space<vmem>>
          %dma_start3A_67 = tpu.memref_squeeze %dma_start3A_66 : memref<1x64xi32, #tpu.memory_space<vmem>> -> memref<64xi32, #tpu.memory_space<vmem>>
          %dma_start3A_68 = arith.constant 0 : i32
          %dma_start3A_69 = arith.constant 0 : i32
          %dma_start3A_70 = tpu.memref_slice %arg14[%dma_start3A_68, %dma_start3A_69] : memref<10240x128xf32, #tpu.memory_space<vmem_shared>> -> memref<10240x128xf32, #tpu.memory_space<vmem_shared>>
          tpu.enqueue_indirect_dma source(%arg12 : memref<64x128xf32, #tpu.memory_space<vmem>>) target(%dma_start3A_70 : memref<10240x128xf32, #tpu.memory_space<vmem_shared>>) offsets(%dma_start3A_67 : memref<64xi32, #tpu.memory_space<vmem>>) semaphore(%run_scoped3A_64 : memref<!tpu.dma_semaphore, #tpu.memory_space<semaphore_mem>>) {add = true}
          %dma_wait3A_71 = arith.constant 0 : i32
          %dma_wait3A_72 = tpu.memref_slice %arg10[%run_scoped3A_63, %dma_wait3A_71] : memref<80x64xi32, #tpu.memory_space<vmem>> -> memref<1x64xi32, #tpu.memory_space<vmem>>
          %dma_wait3A_73 = tpu.memref_squeeze %dma_wait3A_72 : memref<1x64xi32, #tpu.memory_space<vmem>> -> memref<64xi32, #tpu.memory_space<vmem>>
          %dma_wait3A_74 = arith.constant 0 : i32
          %dma_wait3A_75 = arith.constant 0 : i32
          %dma_wait3A_76 = tpu.memref_slice %arg14[%dma_wait3A_74, %dma_wait3A_75] : memref<10240x128xf32, #tpu.memory_space<vmem_shared>> -> memref<10240x128xf32, #tpu.memory_space<vmem_shared>>
          tpu.wait_indirect_dma semaphore(%run_scoped3A_64 : memref<!tpu.dma_semaphore, #tpu.memory_space<semaphore_mem>>) src(%arg12 : memref<64x128xf32, #tpu.memory_space<vmem>>) dst(%dma_wait3A_76 : memref<10240x128xf32, #tpu.memory_space<vmem_shared>>)
          tpu.yield
        }) : () -> ()
      }
      %scan3A_22 = arith.constant 2 : i32
    } else {
    }
    %eq3A_3 = arith.constant 1 : i32
    %eq3A_4 = arith.cmpi eq, %arg0, %eq3A_3 : i32
    %convert_element_type3A_5 = arith.extui %eq3A_4 : i1 to i32
    %cond3A_6 = arith.constant 0 : i32
    %cond3A_7 = arith.cmpi ne, %convert_element_type3A_5, %cond3A_6 : i32
    scf.if %cond3A_7 {
      %scan3A = arith.constant 0 : i32
      %scan3A_19 = arith.constant 2 : i32
      %scan3A_20 = arith.addi %scan3A, %scan3A_19 : i32
      %scan3A_21 = arith.constant 1 : i32
      scf.for %scan3A_23 = %scan3A to %scan3A_20 step %scan3A_21  : i32 {
        %mul3A_24 = arith.constant 1 : i32
        %mul3A_25 = arith.muli %scan3A_23, %mul3A_24 : i32
        %add3A = arith.constant 0 : i32
        %add3A_26 = arith.addi %add3A, %mul3A_25 : i32
        %mul3A_27 = arith.constant 160 : i32
        %mul3A_28 = arith.muli %arg1, %mul3A_27 : i32
        %mul3A_29 = arith.constant 80 : i32
        %mul3A_30 = arith.muli %add3A_26, %mul3A_29 : i32
        %add3A_31 = arith.addi %mul3A_28, %mul3A_30 : i32
        "tpu.region"() ({
          %run_scoped3A_64 = tpu.sem_alloc : memref<!tpu.dma_semaphore, #tpu.memory_space<semaphore_mem>>
          %dma_start3A_65 = arith.constant 0 : i32
          %dma_start3A_66 = tpu.memref_slice %arg4[%add3A_31, %dma_start3A_65] : memref<2560x64xi32, #tpu.memory_space<hbm>> -> memref<80x64xi32, #tpu.memory_space<hbm>>
          %dma_start3A_67 = arith.constant 0 : i32
          %dma_start3A_68 = tpu.memref_slice %arg4[%add3A_31, %dma_start3A_67] : memref<2560x64xi32, #tpu.memory_space<hbm>> -> memref<80x64xi32, #tpu.memory_space<hbm>>
          tpu.enqueue_dma source(%dma_start3A_68 : memref<80x64xi32, #tpu.memory_space<hbm>>) target(%arg9 : memref<80x64xi32, #tpu.memory_space<vmem>>) target_semaphore(%run_scoped3A_64 : memref<!tpu.dma_semaphore, #tpu.memory_space<semaphore_mem>>)
          %dma_wait3A_69 = arith.constant 0 : i32
          %dma_wait3A_70 = tpu.memref_slice %arg4[%add3A_31, %dma_wait3A_69] : memref<2560x64xi32, #tpu.memory_space<hbm>> -> memref<80x64xi32, #tpu.memory_space<hbm>>
          %dma_wait3A_71 = arith.constant 0 : i32
          %dma_wait3A_72 = tpu.memref_slice %arg4[%add3A_31, %dma_wait3A_71] : memref<2560x64xi32, #tpu.memory_space<hbm>> -> memref<80x64xi32, #tpu.memory_space<hbm>>
          tpu.wait_dma2 semaphore(%run_scoped3A_64 : memref<!tpu.dma_semaphore, #tpu.memory_space<semaphore_mem>>) src(%dma_wait3A_72 : memref<80x64xi32, #tpu.memory_space<hbm>>) dst(%arg9 : memref<80x64xi32, #tpu.memory_space<vmem>>)
          tpu.yield
        }) : () -> ()
        "tpu.region"() ({
          %run_scoped3A_64 = tpu.sem_alloc : memref<!tpu.dma_semaphore, #tpu.memory_space<semaphore_mem>>
          %dma_start3A_65 = arith.constant 0 : i32
          %dma_start3A_66 = tpu.memref_slice %arg5[%add3A_31, %dma_start3A_65] : memref<2560x64xi32, #tpu.memory_space<hbm>> -> memref<80x64xi32, #tpu.memory_space<hbm>>
          %dma_start3A_67 = arith.constant 0 : i32
          %dma_start3A_68 = tpu.memref_slice %arg5[%add3A_31, %dma_start3A_67] : memref<2560x64xi32, #tpu.memory_space<hbm>> -> memref<80x64xi32, #tpu.memory_space<hbm>>
          tpu.enqueue_dma source(%dma_start3A_68 : memref<80x64xi32, #tpu.memory_space<hbm>>) target(%arg10 : memref<80x64xi32, #tpu.memory_space<vmem>>) target_semaphore(%run_scoped3A_64 : memref<!tpu.dma_semaphore, #tpu.memory_space<semaphore_mem>>)
          %dma_wait3A_69 = arith.constant 0 : i32
          %dma_wait3A_70 = tpu.memref_slice %arg5[%add3A_31, %dma_wait3A_69] : memref<2560x64xi32, #tpu.memory_space<hbm>> -> memref<80x64xi32, #tpu.memory_space<hbm>>
          %dma_wait3A_71 = arith.constant 0 : i32
          %dma_wait3A_72 = tpu.memref_slice %arg5[%add3A_31, %dma_wait3A_71] : memref<2560x64xi32, #tpu.memory_space<hbm>> -> memref<80x64xi32, #tpu.memory_space<hbm>>
          tpu.wait_dma2 semaphore(%run_scoped3A_64 : memref<!tpu.dma_semaphore, #tpu.memory_space<semaphore_mem>>) src(%dma_wait3A_72 : memref<80x64xi32, #tpu.memory_space<hbm>>) dst(%arg10 : memref<80x64xi32, #tpu.memory_space<vmem>>)
          tpu.yield
        }) : () -> ()
        %dma_start3A = arith.constant 0 : i32
        %dma_start3A_32 = arith.constant 0 : i32
        %dma_start3A_33 = tpu.memref_slice %arg9[%dma_start3A, %dma_start3A_32] : memref<80x64xi32, #tpu.memory_space<vmem>> -> memref<1x64xi32, #tpu.memory_space<vmem>>
        %dma_start3A_34 = tpu.memref_squeeze %dma_start3A_33 : memref<1x64xi32, #tpu.memory_space<vmem>> -> memref<64xi32, #tpu.memory_space<vmem>>
        %dma_start3A_35 = arith.constant 0 : i32
        %dma_start3A_36 = arith.constant 0 : i32
        %dma_start3A_37 = tpu.memref_slice %arg3[%dma_start3A_35, %dma_start3A_36] : memref<10240x128xf32, #tpu.memory_space<hbm>> -> memref<10240x128xf32, #tpu.memory_space<hbm>>
        tpu.enqueue_indirect_dma source(%dma_start3A_37 : memref<10240x128xf32, #tpu.memory_space<hbm>>) target(%arg11 : memref<64x128xf32, #tpu.memory_space<vmem>>) offsets(%dma_start3A_34 : memref<64xi32, #tpu.memory_space<vmem>>) semaphore(%arg15 : memref<!tpu.dma_semaphore, #tpu.memory_space<semaphore_mem>>)
        %dma_start3A_38 = arith.constant 1 : i32
        %dma_start3A_39 = arith.constant 0 : i32
        %dma_start3A_40 = tpu.memref_slice %arg9[%dma_start3A_38, %dma_start3A_39] : memref<80x64xi32, #tpu.memory_space<vmem>> -> memref<1x64xi32, #tpu.memory_space<vmem>>
        %dma_start3A_41 = tpu.memref_squeeze %dma_start3A_40 : memref<1x64xi32, #tpu.memory_space<vmem>> -> memref<64xi32, #tpu.memory_space<vmem>>
        %dma_start3A_42 = arith.constant 0 : i32
        %dma_start3A_43 = arith.constant 0 : i32
        %dma_start3A_44 = tpu.memref_slice %arg3[%dma_start3A_42, %dma_start3A_43] : memref<10240x128xf32, #tpu.memory_space<hbm>> -> memref<10240x128xf32, #tpu.memory_space<hbm>>
        tpu.enqueue_indirect_dma source(%dma_start3A_44 : memref<10240x128xf32, #tpu.memory_space<hbm>>) target(%arg12 : memref<64x128xf32, #tpu.memory_space<vmem>>) offsets(%dma_start3A_41 : memref<64xi32, #tpu.memory_space<vmem>>) semaphore(%arg16 : memref<!tpu.dma_semaphore, #tpu.memory_space<semaphore_mem>>)
        %scan3A_45 = arith.constant 0 : i32
        %scan3A_46 = arith.constant 26 : i32
        %scan3A_47 = arith.addi %scan3A_45, %scan3A_46 : i32
        %scan3A_48 = arith.constant 1 : i32
        scf.for %scan3A_64 = %scan3A_45 to %scan3A_47 step %scan3A_48  : i32 {
          %mul3A_65 = arith.constant 1 : i32
          %mul3A_66 = arith.muli %scan3A_64, %mul3A_65 : i32
          %add3A_67 = arith.constant 0 : i32
          %add3A_68 = arith.addi %add3A_67, %mul3A_66 : i32
          %mul3A_69 = arith.constant 3 : i32
          %mul3A_70 = arith.muli %mul3A_69, %add3A_68 : i32
          %add3A_71 = arith.constant 0 : i32
          %add3A_72 = arith.addi %mul3A_70, %add3A_71 : i32
          %dma_wait3A_73 = arith.constant 0 : i32
          %dma_wait3A_74 = tpu.memref_slice %arg9[%add3A_72, %dma_wait3A_73] : memref<80x64xi32, #tpu.memory_space<vmem>> -> memref<1x64xi32, #tpu.memory_space<vmem>>
          %dma_wait3A_75 = tpu.memref_squeeze %dma_wait3A_74 : memref<1x64xi32, #tpu.memory_space<vmem>> -> memref<64xi32, #tpu.memory_space<vmem>>
          %dma_wait3A_76 = arith.constant 0 : i32
          %dma_wait3A_77 = arith.constant 0 : i32
          %dma_wait3A_78 = tpu.memref_slice %arg3[%dma_wait3A_76, %dma_wait3A_77] : memref<10240x128xf32, #tpu.memory_space<hbm>> -> memref<10240x128xf32, #tpu.memory_space<hbm>>
          tpu.wait_indirect_dma semaphore(%arg15 : memref<!tpu.dma_semaphore, #tpu.memory_space<semaphore_mem>>) src(%dma_wait3A_78 : memref<10240x128xf32, #tpu.memory_space<hbm>>) dst(%arg11 : memref<64x128xf32, #tpu.memory_space<vmem>>)
          %add3A_79 = arith.constant 2 : i32
          %add3A_80 = arith.addi %add3A_72, %add3A_79 : i32
          %dma_start3A_81 = arith.constant 0 : i32
          %dma_start3A_82 = tpu.memref_slice %arg9[%add3A_80, %dma_start3A_81] : memref<80x64xi32, #tpu.memory_space<vmem>> -> memref<1x64xi32, #tpu.memory_space<vmem>>
          %dma_start3A_83 = tpu.memref_squeeze %dma_start3A_82 : memref<1x64xi32, #tpu.memory_space<vmem>> -> memref<64xi32, #tpu.memory_space<vmem>>
          %dma_start3A_84 = arith.constant 0 : i32
          %dma_start3A_85 = arith.constant 0 : i32
          %dma_start3A_86 = tpu.memref_slice %arg3[%dma_start3A_84, %dma_start3A_85] : memref<10240x128xf32, #tpu.memory_space<hbm>> -> memref<10240x128xf32, #tpu.memory_space<hbm>>
          tpu.enqueue_indirect_dma source(%dma_start3A_86 : memref<10240x128xf32, #tpu.memory_space<hbm>>) target(%arg13 : memref<64x128xf32, #tpu.memory_space<vmem>>) offsets(%dma_start3A_83 : memref<64xi32, #tpu.memory_space<vmem>>) semaphore(%arg17 : memref<!tpu.dma_semaphore, #tpu.memory_space<semaphore_mem>>)
          "tpu.region"() ({
            %run_scoped3A_119 = tpu.sem_alloc : memref<!tpu.dma_semaphore, #tpu.memory_space<semaphore_mem>>
            %dma_start3A_120 = arith.constant 0 : i32
            %dma_start3A_121 = tpu.memref_slice %arg10[%add3A_72, %dma_start3A_120] : memref<80x64xi32, #tpu.memory_space<vmem>> -> memref<1x64xi32, #tpu.memory_space<vmem>>
            %dma_start3A_122 = tpu.memref_squeeze %dma_start3A_121 : memref<1x64xi32, #tpu.memory_space<vmem>> -> memref<64xi32, #tpu.memory_space<vmem>>
            %dma_start3A_123 = arith.constant 0 : i32
            %dma_start3A_124 = arith.constant 0 : i32
            %dma_start3A_125 = tpu.memref_slice %arg14[%dma_start3A_123, %dma_start3A_124] : memref<10240x128xf32, #tpu.memory_space<vmem_shared>> -> memref<10240x128xf32, #tpu.memory_space<vmem_shared>>
            tpu.enqueue_indirect_dma source(%arg11 : memref<64x128xf32, #tpu.memory_space<vmem>>) target(%dma_start3A_125 : memref<10240x128xf32, #tpu.memory_space<vmem_shared>>) offsets(%dma_start3A_122 : memref<64xi32, #tpu.memory_space<vmem>>) semaphore(%run_scoped3A_119 : memref<!tpu.dma_semaphore, #tpu.memory_space<semaphore_mem>>) {add = true}
            %dma_wait3A_126 = arith.constant 0 : i32
            %dma_wait3A_127 = tpu.memref_slice %arg10[%add3A_72, %dma_wait3A_126] : memref<80x64xi32, #tpu.memory_space<vmem>> -> memref<1x64xi32, #tpu.memory_space<vmem>>
            %dma_wait3A_128 = tpu.memref_squeeze %dma_wait3A_127 : memref<1x64xi32, #tpu.memory_space<vmem>> -> memref<64xi32, #tpu.memory_space<vmem>>
            %dma_wait3A_129 = arith.constant 0 : i32
            %dma_wait3A_130 = arith.constant 0 : i32
            %dma_wait3A_131 = tpu.memref_slice %arg14[%dma_wait3A_129, %dma_wait3A_130] : memref<10240x128xf32, #tpu.memory_space<vmem_shared>> -> memref<10240x128xf32, #tpu.memory_space<vmem_shared>>
            tpu.wait_indirect_dma semaphore(%run_scoped3A_119 : memref<!tpu.dma_semaphore, #tpu.memory_space<semaphore_mem>>) src(%arg11 : memref<64x128xf32, #tpu.memory_space<vmem>>) dst(%dma_wait3A_131 : memref<10240x128xf32, #tpu.memory_space<vmem_shared>>)
            tpu.yield
          }) : () -> ()
          %add3A_87 = arith.constant 1 : i32
          %add3A_88 = arith.addi %mul3A_70, %add3A_87 : i32
          %dma_wait3A_89 = arith.constant 0 : i32
          %dma_wait3A_90 = tpu.memref_slice %arg9[%add3A_88, %dma_wait3A_89] : memref<80x64xi32, #tpu.memory_space<vmem>> -> memref<1x64xi32, #tpu.memory_space<vmem>>
          %dma_wait3A_91 = tpu.memref_squeeze %dma_wait3A_90 : memref<1x64xi32, #tpu.memory_space<vmem>> -> memref<64xi32, #tpu.memory_space<vmem>>
          %dma_wait3A_92 = arith.constant 0 : i32
          %dma_wait3A_93 = arith.constant 0 : i32
          %dma_wait3A_94 = tpu.memref_slice %arg3[%dma_wait3A_92, %dma_wait3A_93] : memref<10240x128xf32, #tpu.memory_space<hbm>> -> memref<10240x128xf32, #tpu.memory_space<hbm>>
          tpu.wait_indirect_dma semaphore(%arg16 : memref<!tpu.dma_semaphore, #tpu.memory_space<semaphore_mem>>) src(%dma_wait3A_94 : memref<10240x128xf32, #tpu.memory_space<hbm>>) dst(%arg12 : memref<64x128xf32, #tpu.memory_space<vmem>>)
          %add3A_95 = arith.constant 2 : i32
          %add3A_96 = arith.addi %add3A_88, %add3A_95 : i32
          %dma_start3A_97 = arith.constant 0 : i32
          %dma_start3A_98 = tpu.memref_slice %arg9[%add3A_96, %dma_start3A_97] : memref<80x64xi32, #tpu.memory_space<vmem>> -> memref<1x64xi32, #tpu.memory_space<vmem>>
          %dma_start3A_99 = tpu.memref_squeeze %dma_start3A_98 : memref<1x64xi32, #tpu.memory_space<vmem>> -> memref<64xi32, #tpu.memory_space<vmem>>
          %dma_start3A_100 = arith.constant 0 : i32
          %dma_start3A_101 = arith.constant 0 : i32
          %dma_start3A_102 = tpu.memref_slice %arg3[%dma_start3A_100, %dma_start3A_101] : memref<10240x128xf32, #tpu.memory_space<hbm>> -> memref<10240x128xf32, #tpu.memory_space<hbm>>
          tpu.enqueue_indirect_dma source(%dma_start3A_102 : memref<10240x128xf32, #tpu.memory_space<hbm>>) target(%arg11 : memref<64x128xf32, #tpu.memory_space<vmem>>) offsets(%dma_start3A_99 : memref<64xi32, #tpu.memory_space<vmem>>) semaphore(%arg15 : memref<!tpu.dma_semaphore, #tpu.memory_space<semaphore_mem>>)
          "tpu.region"() ({
            %run_scoped3A_119 = tpu.sem_alloc : memref<!tpu.dma_semaphore, #tpu.memory_space<semaphore_mem>>
            %dma_start3A_120 = arith.constant 0 : i32
            %dma_start3A_121 = tpu.memref_slice %arg10[%add3A_88, %dma_start3A_120] : memref<80x64xi32, #tpu.memory_space<vmem>> -> memref<1x64xi32, #tpu.memory_space<vmem>>
            %dma_start3A_122 = tpu.memref_squeeze %dma_start3A_121 : memref<1x64xi32, #tpu.memory_space<vmem>> -> memref<64xi32, #tpu.memory_space<vmem>>
            %dma_start3A_123 = arith.constant 0 : i32
            %dma_start3A_124 = arith.constant 0 : i32
            %dma_start3A_125 = tpu.memref_slice %arg14[%dma_start3A_123, %dma_start3A_124] : memref<10240x128xf32, #tpu.memory_space<vmem_shared>> -> memref<10240x128xf32, #tpu.memory_space<vmem_shared>>
            tpu.enqueue_indirect_dma source(%arg12 : memref<64x128xf32, #tpu.memory_space<vmem>>) target(%dma_start3A_125 : memref<10240x128xf32, #tpu.memory_space<vmem_shared>>) offsets(%dma_start3A_122 : memref<64xi32, #tpu.memory_space<vmem>>) semaphore(%run_scoped3A_119 : memref<!tpu.dma_semaphore, #tpu.memory_space<semaphore_mem>>) {add = true}
            %dma_wait3A_126 = arith.constant 0 : i32
            %dma_wait3A_127 = tpu.memref_slice %arg10[%add3A_88, %dma_wait3A_126] : memref<80x64xi32, #tpu.memory_space<vmem>> -> memref<1x64xi32, #tpu.memory_space<vmem>>
            %dma_wait3A_128 = tpu.memref_squeeze %dma_wait3A_127 : memref<1x64xi32, #tpu.memory_space<vmem>> -> memref<64xi32, #tpu.memory_space<vmem>>
            %dma_wait3A_129 = arith.constant 0 : i32
            %dma_wait3A_130 = arith.constant 0 : i32
            %dma_wait3A_131 = tpu.memref_slice %arg14[%dma_wait3A_129, %dma_wait3A_130] : memref<10240x128xf32, #tpu.memory_space<vmem_shared>> -> memref<10240x128xf32, #tpu.memory_space<vmem_shared>>
            tpu.wait_indirect_dma semaphore(%run_scoped3A_119 : memref<!tpu.dma_semaphore, #tpu.memory_space<semaphore_mem>>) src(%arg12 : memref<64x128xf32, #tpu.memory_space<vmem>>) dst(%dma_wait3A_131 : memref<10240x128xf32, #tpu.memory_space<vmem_shared>>)
            tpu.yield
          }) : () -> ()
          %add3A_103 = arith.constant 2 : i32
          %add3A_104 = arith.addi %mul3A_70, %add3A_103 : i32
          %dma_wait3A_105 = arith.constant 0 : i32
          %dma_wait3A_106 = tpu.memref_slice %arg9[%add3A_104, %dma_wait3A_105] : memref<80x64xi32, #tpu.memory_space<vmem>> -> memref<1x64xi32, #tpu.memory_space<vmem>>
          %dma_wait3A_107 = tpu.memref_squeeze %dma_wait3A_106 : memref<1x64xi32, #tpu.memory_space<vmem>> -> memref<64xi32, #tpu.memory_space<vmem>>
          %dma_wait3A_108 = arith.constant 0 : i32
          %dma_wait3A_109 = arith.constant 0 : i32
          %dma_wait3A_110 = tpu.memref_slice %arg3[%dma_wait3A_108, %dma_wait3A_109] : memref<10240x128xf32, #tpu.memory_space<hbm>> -> memref<10240x128xf32, #tpu.memory_space<hbm>>
          tpu.wait_indirect_dma semaphore(%arg17 : memref<!tpu.dma_semaphore, #tpu.memory_space<semaphore_mem>>) src(%dma_wait3A_110 : memref<10240x128xf32, #tpu.memory_space<hbm>>) dst(%arg13 : memref<64x128xf32, #tpu.memory_space<vmem>>)
          %add3A_111 = arith.constant 2 : i32
          %add3A_112 = arith.addi %add3A_104, %add3A_111 : i32
          %dma_start3A_113 = arith.constant 0 : i32
          %dma_start3A_114 = tpu.memref_slice %arg9[%add3A_112, %dma_start3A_113] : memref<80x64xi32, #tpu.memory_space<vmem>> -> memref<1x64xi32, #tpu.memory_space<vmem>>
          %dma_start3A_115 = tpu.memref_squeeze %dma_start3A_114 : memref<1x64xi32, #tpu.memory_space<vmem>> -> memref<64xi32, #tpu.memory_space<vmem>>
          %dma_start3A_116 = arith.constant 0 : i32
          %dma_start3A_117 = arith.constant 0 : i32
          %dma_start3A_118 = tpu.memref_slice %arg3[%dma_start3A_116, %dma_start3A_117] : memref<10240x128xf32, #tpu.memory_space<hbm>> -> memref<10240x128xf32, #tpu.memory_space<hbm>>
          tpu.enqueue_indirect_dma source(%dma_start3A_118 : memref<10240x128xf32, #tpu.memory_space<hbm>>) target(%arg12 : memref<64x128xf32, #tpu.memory_space<vmem>>) offsets(%dma_start3A_115 : memref<64xi32, #tpu.memory_space<vmem>>) semaphore(%arg16 : memref<!tpu.dma_semaphore, #tpu.memory_space<semaphore_mem>>)
          "tpu.region"() ({
            %run_scoped3A_119 = tpu.sem_alloc : memref<!tpu.dma_semaphore, #tpu.memory_space<semaphore_mem>>
            %dma_start3A_120 = arith.constant 0 : i32
            %dma_start3A_121 = tpu.memref_slice %arg10[%add3A_104, %dma_start3A_120] : memref<80x64xi32, #tpu.memory_space<vmem>> -> memref<1x64xi32, #tpu.memory_space<vmem>>
            %dma_start3A_122 = tpu.memref_squeeze %dma_start3A_121 : memref<1x64xi32, #tpu.memory_space<vmem>> -> memref<64xi32, #tpu.memory_space<vmem>>
            %dma_start3A_123 = arith.constant 0 : i32
            %dma_start3A_124 = arith.constant 0 : i32
            %dma_start3A_125 = tpu.memref_slice %arg14[%dma_start3A_123, %dma_start3A_124] : memref<10240x128xf32, #tpu.memory_space<vmem_shared>> -> memref<10240x128xf32, #tpu.memory_space<vmem_shared>>
            tpu.enqueue_indirect_dma source(%arg13 : memref<64x128xf32, #tpu.memory_space<vmem>>) target(%dma_start3A_125 : memref<10240x128xf32, #tpu.memory_space<vmem_shared>>) offsets(%dma_start3A_122 : memref<64xi32, #tpu.memory_space<vmem>>) semaphore(%run_scoped3A_119 : memref<!tpu.dma_semaphore, #tpu.memory_space<semaphore_mem>>) {add = true}
            %dma_wait3A_126 = arith.constant 0 : i32
            %dma_wait3A_127 = tpu.memref_slice %arg10[%add3A_104, %dma_wait3A_126] : memref<80x64xi32, #tpu.memory_space<vmem>> -> memref<1x64xi32, #tpu.memory_space<vmem>>
            %dma_wait3A_128 = tpu.memref_squeeze %dma_wait3A_127 : memref<1x64xi32, #tpu.memory_space<vmem>> -> memref<64xi32, #tpu.memory_space<vmem>>
            %dma_wait3A_129 = arith.constant 0 : i32
            %dma_wait3A_130 = arith.constant 0 : i32
            %dma_wait3A_131 = tpu.memref_slice %arg14[%dma_wait3A_129, %dma_wait3A_130] : memref<10240x128xf32, #tpu.memory_space<vmem_shared>> -> memref<10240x128xf32, #tpu.memory_space<vmem_shared>>
            tpu.wait_indirect_dma semaphore(%run_scoped3A_119 : memref<!tpu.dma_semaphore, #tpu.memory_space<semaphore_mem>>) src(%arg13 : memref<64x128xf32, #tpu.memory_space<vmem>>) dst(%dma_wait3A_131 : memref<10240x128xf32, #tpu.memory_space<vmem_shared>>)
            tpu.yield
          }) : () -> ()
        }
        %scan3A_49 = arith.constant 26 : i32
        %dma_wait3A = arith.constant 78 : i32
        %dma_wait3A_50 = arith.constant 0 : i32
        %dma_wait3A_51 = tpu.memref_slice %arg9[%dma_wait3A, %dma_wait3A_50] : memref<80x64xi32, #tpu.memory_space<vmem>> -> memref<1x64xi32, #tpu.memory_space<vmem>>
        %dma_wait3A_52 = tpu.memref_squeeze %dma_wait3A_51 : memref<1x64xi32, #tpu.memory_space<vmem>> -> memref<64xi32, #tpu.memory_space<vmem>>
        %dma_wait3A_53 = arith.constant 0 : i32
        %dma_wait3A_54 = arith.constant 0 : i32
        %dma_wait3A_55 = tpu.memref_slice %arg3[%dma_wait3A_53, %dma_wait3A_54] : memref<10240x128xf32, #tpu.memory_space<hbm>> -> memref<10240x128xf32, #tpu.memory_space<hbm>>
        tpu.wait_indirect_dma semaphore(%arg15 : memref<!tpu.dma_semaphore, #tpu.memory_space<semaphore_mem>>) src(%dma_wait3A_55 : memref<10240x128xf32, #tpu.memory_space<hbm>>) dst(%arg11 : memref<64x128xf32, #tpu.memory_space<vmem>>)
        %run_scoped3A = arith.constant 78 : i32
        "tpu.region"() ({
          %run_scoped3A_64 = tpu.sem_alloc : memref<!tpu.dma_semaphore, #tpu.memory_space<semaphore_mem>>
          %dma_start3A_65 = arith.constant 0 : i32
          %dma_start3A_66 = tpu.memref_slice %arg10[%run_scoped3A, %dma_start3A_65] : memref<80x64xi32, #tpu.memory_space<vmem>> -> memref<1x64xi32, #tpu.memory_space<vmem>>
          %dma_start3A_67 = tpu.memref_squeeze %dma_start3A_66 : memref<1x64xi32, #tpu.memory_space<vmem>> -> memref<64xi32, #tpu.memory_space<vmem>>
          %dma_start3A_68 = arith.constant 0 : i32
          %dma_start3A_69 = arith.constant 0 : i32
          %dma_start3A_70 = tpu.memref_slice %arg14[%dma_start3A_68, %dma_start3A_69] : memref<10240x128xf32, #tpu.memory_space<vmem_shared>> -> memref<10240x128xf32, #tpu.memory_space<vmem_shared>>
          tpu.enqueue_indirect_dma source(%arg11 : memref<64x128xf32, #tpu.memory_space<vmem>>) target(%dma_start3A_70 : memref<10240x128xf32, #tpu.memory_space<vmem_shared>>) offsets(%dma_start3A_67 : memref<64xi32, #tpu.memory_space<vmem>>) semaphore(%run_scoped3A_64 : memref<!tpu.dma_semaphore, #tpu.memory_space<semaphore_mem>>) {add = true}
          %dma_wait3A_71 = arith.constant 0 : i32
          %dma_wait3A_72 = tpu.memref_slice %arg10[%run_scoped3A, %dma_wait3A_71] : memref<80x64xi32, #tpu.memory_space<vmem>> -> memref<1x64xi32, #tpu.memory_space<vmem>>
          %dma_wait3A_73 = tpu.memref_squeeze %dma_wait3A_72 : memref<1x64xi32, #tpu.memory_space<vmem>> -> memref<64xi32, #tpu.memory_space<vmem>>
          %dma_wait3A_74 = arith.constant 0 : i32
          %dma_wait3A_75 = arith.constant 0 : i32
          %dma_wait3A_76 = tpu.memref_slice %arg14[%dma_wait3A_74, %dma_wait3A_75] : memref<10240x128xf32, #tpu.memory_space<vmem_shared>> -> memref<10240x128xf32, #tpu.memory_space<vmem_shared>>
          tpu.wait_indirect_dma semaphore(%run_scoped3A_64 : memref<!tpu.dma_semaphore, #tpu.memory_space<semaphore_mem>>) src(%arg11 : memref<64x128xf32, #tpu.memory_space<vmem>>) dst(%dma_wait3A_76 : memref<10240x128xf32, #tpu.memory_space<vmem_shared>>)
          tpu.yield
        }) : () -> ()
        %dma_wait3A_56 = arith.constant 79 : i32
        %dma_wait3A_57 = arith.constant 0 : i32
        %dma_wait3A_58 = tpu.memref_slice %arg9[%dma_wait3A_56, %dma_wait3A_57] : memref<80x64xi32, #tpu.memory_space<vmem>> -> memref<1x64xi32, #tpu.memory_space<vmem>>
        %dma_wait3A_59 = tpu.memref_squeeze %dma_wait3A_58 : memref<1x64xi32, #tpu.memory_space<vmem>> -> memref<64xi32, #tpu.memory_space<vmem>>
        %dma_wait3A_60 = arith.constant 0 : i32
        %dma_wait3A_61 = arith.constant 0 : i32
        %dma_wait3A_62 = tpu.memref_slice %arg3[%dma_wait3A_60, %dma_wait3A_61] : memref<10240x128xf32, #tpu.memory_space<hbm>> -> memref<10240x128xf32, #tpu.memory_space<hbm>>
        tpu.wait_indirect_dma semaphore(%arg16 : memref<!tpu.dma_semaphore, #tpu.memory_space<semaphore_mem>>) src(%dma_wait3A_62 : memref<10240x128xf32, #tpu.memory_space<hbm>>) dst(%arg12 : memref<64x128xf32, #tpu.memory_space<vmem>>)
        %run_scoped3A_63 = arith.constant 79 : i32
        "tpu.region"() ({
          %run_scoped3A_64 = tpu.sem_alloc : memref<!tpu.dma_semaphore, #tpu.memory_space<semaphore_mem>>
          %dma_start3A_65 = arith.constant 0 : i32
          %dma_start3A_66 = tpu.memref_slice %arg10[%run_scoped3A_63, %dma_start3A_65] : memref<80x64xi32, #tpu.memory_space<vmem>> -> memref<1x64xi32, #tpu.memory_space<vmem>>
          %dma_start3A_67 = tpu.memref_squeeze %dma_start3A_66 : memref<1x64xi32, #tpu.memory_space<vmem>> -> memref<64xi32, #tpu.memory_space<vmem>>
          %dma_start3A_68 = arith.constant 0 : i32
          %dma_start3A_69 = arith.constant 0 : i32
          %dma_start3A_70 = tpu.memref_slice %arg14[%dma_start3A_68, %dma_start3A_69] : memref<10240x128xf32, #tpu.memory_space<vmem_shared>> -> memref<10240x128xf32, #tpu.memory_space<vmem_shared>>
          tpu.enqueue_indirect_dma source(%arg12 : memref<64x128xf32, #tpu.memory_space<vmem>>) target(%dma_start3A_70 : memref<10240x128xf32, #tpu.memory_space<vmem_shared>>) offsets(%dma_start3A_67 : memref<64xi32, #tpu.memory_space<vmem>>) semaphore(%run_scoped3A_64 : memref<!tpu.dma_semaphore, #tpu.memory_space<semaphore_mem>>) {add = true}
          %dma_wait3A_71 = arith.constant 0 : i32
          %dma_wait3A_72 = tpu.memref_slice %arg10[%run_scoped3A_63, %dma_wait3A_71] : memref<80x64xi32, #tpu.memory_space<vmem>> -> memref<1x64xi32, #tpu.memory_space<vmem>>
          %dma_wait3A_73 = tpu.memref_squeeze %dma_wait3A_72 : memref<1x64xi32, #tpu.memory_space<vmem>> -> memref<64xi32, #tpu.memory_space<vmem>>
          %dma_wait3A_74 = arith.constant 0 : i32
          %dma_wait3A_75 = arith.constant 0 : i32
          %dma_wait3A_76 = tpu.memref_slice %arg14[%dma_wait3A_74, %dma_wait3A_75] : memref<10240x128xf32, #tpu.memory_space<vmem_shared>> -> memref<10240x128xf32, #tpu.memory_space<vmem_shared>>
          tpu.wait_indirect_dma semaphore(%run_scoped3A_64 : memref<!tpu.dma_semaphore, #tpu.memory_space<semaphore_mem>>) src(%arg12 : memref<64x128xf32, #tpu.memory_space<vmem>>) dst(%dma_wait3A_76 : memref<10240x128xf32, #tpu.memory_space<vmem_shared>>)
          tpu.yield
        }) : () -> ()
      }
      %scan3A_22 = arith.constant 2 : i32
    } else {
    }
    %barrier3A_8 = arith.constant 0 : index
    tpu.barrier barrier_id(%barrier3A_8)
    %eq3A_9 = arith.constant 0 : i32
    %eq3A_10 = arith.cmpi eq, %arg0, %eq3A_9 : i32
    %convert_element_type3A_11 = arith.extui %eq3A_10 : i1 to i32
    %cond3A_12 = arith.constant 0 : i32
    %cond3A_13 = arith.cmpi ne, %convert_element_type3A_11, %cond3A_12 : i32
    scf.if %cond3A_13 {
      "tpu.region"() ({
        %run_scoped3A = tpu.sem_alloc : memref<!tpu.dma_semaphore, #tpu.memory_space<semaphore_mem>>
        %dma_start3A = arith.constant 0 : i32
        %dma_start3A_19 = tpu.memref_slice %arg7[%mul3A_0, %dma_start3A] : memref<10240x128xf32, #tpu.memory_space<hbm>> -> memref<640x128xf32, #tpu.memory_space<hbm>>
        %dma_start3A_20 = arith.constant 0 : i32
        %dma_start3A_21 = tpu.memref_slice %arg14[%mul3A_0, %dma_start3A_20] : memref<10240x128xf32, #tpu.memory_space<vmem_shared>> -> memref<640x128xf32, #tpu.memory_space<vmem_shared>>
        tpu.enqueue_dma source(%dma_start3A_21 : memref<640x128xf32, #tpu.memory_space<vmem_shared>>) target(%dma_start3A_19 : memref<640x128xf32, #tpu.memory_space<hbm>>) target_semaphore(%run_scoped3A : memref<!tpu.dma_semaphore, #tpu.memory_space<semaphore_mem>>)
        %dma_wait3A = arith.constant 0 : i32
        %dma_wait3A_22 = tpu.memref_slice %arg7[%mul3A_0, %dma_wait3A] : memref<10240x128xf32, #tpu.memory_space<hbm>> -> memref<640x128xf32, #tpu.memory_space<hbm>>
        %dma_wait3A_23 = arith.constant 0 : i32
        %dma_wait3A_24 = tpu.memref_slice %arg14[%mul3A_0, %dma_wait3A_23] : memref<10240x128xf32, #tpu.memory_space<vmem_shared>> -> memref<640x128xf32, #tpu.memory_space<vmem_shared>>
        tpu.wait_dma2 semaphore(%run_scoped3A : memref<!tpu.dma_semaphore, #tpu.memory_space<semaphore_mem>>) src(%dma_wait3A_24 : memref<640x128xf32, #tpu.memory_space<vmem_shared>>) dst(%dma_wait3A_22 : memref<640x128xf32, #tpu.memory_space<hbm>>)
        tpu.yield
      }) : () -> ()
    } else {
    }
    %eq3A_14 = arith.constant 1 : i32
    %eq3A_15 = arith.cmpi eq, %arg0, %eq3A_14 : i32
    %convert_element_type3A_16 = arith.extui %eq3A_15 : i1 to i32
    %cond3A_17 = arith.constant 0 : i32
    %cond3A_18 = arith.cmpi ne, %convert_element_type3A_16, %cond3A_17 : i32
    scf.if %cond3A_18 {
      "tpu.region"() ({
        %run_scoped3A = tpu.sem_alloc : memref<!tpu.dma_semaphore, #tpu.memory_space<semaphore_mem>>
        %dma_start3A = arith.constant 0 : i32
        %dma_start3A_19 = tpu.memref_slice %arg8[%mul3A_0, %dma_start3A] : memref<10240x128xf32, #tpu.memory_space<hbm>> -> memref<640x128xf32, #tpu.memory_space<hbm>>
        %dma_start3A_20 = arith.constant 0 : i32
        %dma_start3A_21 = tpu.memref_slice %arg14[%mul3A_0, %dma_start3A_20] : memref<10240x128xf32, #tpu.memory_space<vmem_shared>> -> memref<640x128xf32, #tpu.memory_space<vmem_shared>>
        tpu.enqueue_dma source(%dma_start3A_21 : memref<640x128xf32, #tpu.memory_space<vmem_shared>>) target(%dma_start3A_19 : memref<640x128xf32, #tpu.memory_space<hbm>>) target_semaphore(%run_scoped3A : memref<!tpu.dma_semaphore, #tpu.memory_space<semaphore_mem>>)
        %dma_wait3A = arith.constant 0 : i32
        %dma_wait3A_22 = tpu.memref_slice %arg8[%mul3A_0, %dma_wait3A] : memref<10240x128xf32, #tpu.memory_space<hbm>> -> memref<640x128xf32, #tpu.memory_space<hbm>>
        %dma_wait3A_23 = arith.constant 0 : i32
        %dma_wait3A_24 = tpu.memref_slice %arg14[%mul3A_0, %dma_wait3A_23] : memref<10240x128xf32, #tpu.memory_space<vmem_shared>> -> memref<640x128xf32, #tpu.memory_space<vmem_shared>>
        tpu.wait_dma2 semaphore(%run_scoped3A : memref<!tpu.dma_semaphore, #tpu.memory_space<semaphore_mem>>) src(%dma_wait3A_24 : memref<640x128xf32, #tpu.memory_space<vmem_shared>>) dst(%dma_wait3A_22 : memref<640x128xf32, #tpu.memory_space<hbm>>)
        tpu.yield
      }) : () -> ()
    } else {
    }
    return
  }
}

#map = affine_map<(d0, d1) -> (0, 0)>
module attributes {stable_mosaic.version = 14 : i64} {
  func.func @_sc_scatter_body(%arg0: i32, %arg1: i32, %arg2: memref<10240x128xf32, #tpu.memory_space<hbm>>, %arg3: memref<10240x128xf32, #tpu.memory_space<hbm>>, %arg4: memref<2560x64xi32, #tpu.memory_space<hbm>>, %arg5: memref<2560x64xi32, #tpu.memory_space<hbm>>, %arg6: memref<640x128xf32, #tpu.memory_space<hbm>>, %arg7: memref<10240x128xf32, #tpu.memory_space<hbm>>, %arg8: memref<10240x128xf32, #tpu.memory_space<hbm>>, %arg9: memref<80x64xi32, #tpu.memory_space<vmem>>, %arg10: memref<80x64xi32, #tpu.memory_space<vmem>>, %arg11: memref<64x128xf32, #tpu.memory_space<vmem>>, %arg12: memref<64x128xf32, #tpu.memory_space<vmem>>, %arg13: memref<64x128xf32, #tpu.memory_space<vmem>>, %arg14: memref<10240x128xf32, #tpu.memory_space<vmem_shared>>, %arg15: memref<!tpu.dma_semaphore, #tpu.memory_space<semaphore_mem>>, %arg16: memref<!tpu.dma_semaphore, #tpu.memory_space<semaphore_mem>>, %arg17: memref<!tpu.dma_semaphore, #tpu.memory_space<semaphore_mem>>) attributes {dimension_semantics = [#tpu.dimension_semantics<core_parallel>, #tpu.dimension_semantics<subcore_parallel>], iteration_bounds = array<i64: 2, 16>, scalar_prefetch = 0 : i64, scratch_operands = 9 : i64, tpu.core_type = #tpu.core_type<sc_vector_subcore>, window_params = [{transform_indices = #map}, {transform_indices = #map}, {transform_indices = #map}, {transform_indices = #map}, {transform_indices = #map}, {transform_indices = #map}, {transform_indices = #map}]} {
    %mul3A = arith.constant 640 : i32
    %mul3A_0 = arith.muli %arg1, %mul3A : i32
    "tpu.region"() ({
      %run_scoped3A = tpu.sem_alloc : memref<!tpu.dma_semaphore, #tpu.memory_space<semaphore_mem>>
      %dma_start3A = arith.constant 0 : i32
      %dma_start3A_19 = tpu.memref_slice %arg14[%mul3A_0, %dma_start3A] : memref<10240x128xf32, #tpu.memory_space<vmem_shared>> -> memref<640x128xf32, #tpu.memory_space<vmem_shared>>
      tpu.enqueue_dma source(%arg6 : memref<640x128xf32, #tpu.memory_space<hbm>>) target(%dma_start3A_19 : memref<640x128xf32, #tpu.memory_space<vmem_shared>>) target_semaphore(%run_scoped3A : memref<!tpu.dma_semaphore, #tpu.memory_space<semaphore_mem>>)
      %dma_wait3A = arith.constant 0 : i32
      %dma_wait3A_20 = tpu.memref_slice %arg14[%mul3A_0, %dma_wait3A] : memref<10240x128xf32, #tpu.memory_space<vmem_shared>> -> memref<640x128xf32, #tpu.memory_space<vmem_shared>>
      tpu.wait_dma2 semaphore(%run_scoped3A : memref<!tpu.dma_semaphore, #tpu.memory_space<semaphore_mem>>) src(%arg6 : memref<640x128xf32, #tpu.memory_space<hbm>>) dst(%dma_wait3A_20 : memref<640x128xf32, #tpu.memory_space<vmem_shared>>)
      tpu.yield
    }) : () -> ()
    %barrier3A = arith.constant 0 : index
    tpu.barrier barrier_id(%barrier3A)
    %eq3A = arith.constant 0 : i32
    %eq3A_1 = arith.cmpi eq, %arg0, %eq3A : i32
    %convert_element_type3A = arith.extui %eq3A_1 : i1 to i32
    %cond3A = arith.constant 0 : i32
    %cond3A_2 = arith.cmpi ne, %convert_element_type3A, %cond3A : i32
    scf.if %cond3A_2 {
      %scan3A = arith.constant 0 : i32
      %scan3A_19 = arith.constant 2 : i32
      %scan3A_20 = arith.addi %scan3A, %scan3A_19 : i32
      %scan3A_21 = arith.constant 1 : i32
      scf.for %scan3A_23 = %scan3A to %scan3A_20 step %scan3A_21  : i32 {
        %mul3A_24 = arith.constant 1 : i32
        %mul3A_25 = arith.muli %scan3A_23, %mul3A_24 : i32
        %add3A = arith.constant 0 : i32
        %add3A_26 = arith.addi %add3A, %mul3A_25 : i32
        %mul3A_27 = arith.constant 160 : i32
        %mul3A_28 = arith.muli %arg1, %mul3A_27 : i32
        %mul3A_29 = arith.constant 80 : i32
        %mul3A_30 = arith.muli %add3A_26, %mul3A_29 : i32
        %add3A_31 = arith.addi %mul3A_28, %mul3A_30 : i32
        "tpu.region"() ({
          %run_scoped3A_64 = tpu.sem_alloc : memref<!tpu.dma_semaphore, #tpu.memory_space<semaphore_mem>>
          %dma_start3A_65 = arith.constant 0 : i32
          %dma_start3A_66 = tpu.memref_slice %arg4[%add3A_31, %dma_start3A_65] : memref<2560x64xi32, #tpu.memory_space<hbm>> -> memref<80x64xi32, #tpu.memory_space<hbm>>
          %dma_start3A_67 = arith.constant 0 : i32
          %dma_start3A_68 = tpu.memref_slice %arg4[%add3A_31, %dma_start3A_67] : memref<2560x64xi32, #tpu.memory_space<hbm>> -> memref<80x64xi32, #tpu.memory_space<hbm>>
          tpu.enqueue_dma source(%dma_start3A_68 : memref<80x64xi32, #tpu.memory_space<hbm>>) target(%arg9 : memref<80x64xi32, #tpu.memory_space<vmem>>) target_semaphore(%run_scoped3A_64 : memref<!tpu.dma_semaphore, #tpu.memory_space<semaphore_mem>>)
          %dma_wait3A_69 = arith.constant 0 : i32
          %dma_wait3A_70 = tpu.memref_slice %arg4[%add3A_31, %dma_wait3A_69] : memref<2560x64xi32, #tpu.memory_space<hbm>> -> memref<80x64xi32, #tpu.memory_space<hbm>>
          %dma_wait3A_71 = arith.constant 0 : i32
          %dma_wait3A_72 = tpu.memref_slice %arg4[%add3A_31, %dma_wait3A_71] : memref<2560x64xi32, #tpu.memory_space<hbm>> -> memref<80x64xi32, #tpu.memory_space<hbm>>
          tpu.wait_dma2 semaphore(%run_scoped3A_64 : memref<!tpu.dma_semaphore, #tpu.memory_space<semaphore_mem>>) src(%dma_wait3A_72 : memref<80x64xi32, #tpu.memory_space<hbm>>) dst(%arg9 : memref<80x64xi32, #tpu.memory_space<vmem>>)
          tpu.yield
        }) : () -> ()
        "tpu.region"() ({
          %run_scoped3A_64 = tpu.sem_alloc : memref<!tpu.dma_semaphore, #tpu.memory_space<semaphore_mem>>
          %dma_start3A_65 = arith.constant 0 : i32
          %dma_start3A_66 = tpu.memref_slice %arg5[%add3A_31, %dma_start3A_65] : memref<2560x64xi32, #tpu.memory_space<hbm>> -> memref<80x64xi32, #tpu.memory_space<hbm>>
          %dma_start3A_67 = arith.constant 0 : i32
          %dma_start3A_68 = tpu.memref_slice %arg5[%add3A_31, %dma_start3A_67] : memref<2560x64xi32, #tpu.memory_space<hbm>> -> memref<80x64xi32, #tpu.memory_space<hbm>>
          tpu.enqueue_dma source(%dma_start3A_68 : memref<80x64xi32, #tpu.memory_space<hbm>>) target(%arg10 : memref<80x64xi32, #tpu.memory_space<vmem>>) target_semaphore(%run_scoped3A_64 : memref<!tpu.dma_semaphore, #tpu.memory_space<semaphore_mem>>)
          %dma_wait3A_69 = arith.constant 0 : i32
          %dma_wait3A_70 = tpu.memref_slice %arg5[%add3A_31, %dma_wait3A_69] : memref<2560x64xi32, #tpu.memory_space<hbm>> -> memref<80x64xi32, #tpu.memory_space<hbm>>
          %dma_wait3A_71 = arith.constant 0 : i32
          %dma_wait3A_72 = tpu.memref_slice %arg5[%add3A_31, %dma_wait3A_71] : memref<2560x64xi32, #tpu.memory_space<hbm>> -> memref<80x64xi32, #tpu.memory_space<hbm>>
          tpu.wait_dma2 semaphore(%run_scoped3A_64 : memref<!tpu.dma_semaphore, #tpu.memory_space<semaphore_mem>>) src(%dma_wait3A_72 : memref<80x64xi32, #tpu.memory_space<hbm>>) dst(%arg10 : memref<80x64xi32, #tpu.memory_space<vmem>>)
          tpu.yield
        }) : () -> ()
        %dma_start3A = arith.constant 0 : i32
        %dma_start3A_32 = arith.constant 0 : i32
        %dma_start3A_33 = tpu.memref_slice %arg9[%dma_start3A, %dma_start3A_32] : memref<80x64xi32, #tpu.memory_space<vmem>> -> memref<1x64xi32, #tpu.memory_space<vmem>>
        %dma_start3A_34 = tpu.memref_squeeze %dma_start3A_33 : memref<1x64xi32, #tpu.memory_space<vmem>> -> memref<64xi32, #tpu.memory_space<vmem>>
        %dma_start3A_35 = arith.constant 0 : i32
        %dma_start3A_36 = arith.constant 0 : i32
        %dma_start3A_37 = tpu.memref_slice %arg2[%dma_start3A_35, %dma_start3A_36] : memref<10240x128xf32, #tpu.memory_space<hbm>> -> memref<10240x128xf32, #tpu.memory_space<hbm>>
        tpu.enqueue_indirect_dma source(%dma_start3A_37 : memref<10240x128xf32, #tpu.memory_space<hbm>>) target(%arg11 : memref<64x128xf32, #tpu.memory_space<vmem>>) offsets(%dma_start3A_34 : memref<64xi32, #tpu.memory_space<vmem>>) semaphore(%arg15 : memref<!tpu.dma_semaphore, #tpu.memory_space<semaphore_mem>>)
        %dma_start3A_38 = arith.constant 1 : i32
        %dma_start3A_39 = arith.constant 0 : i32
        %dma_start3A_40 = tpu.memref_slice %arg9[%dma_start3A_38, %dma_start3A_39] : memref<80x64xi32, #tpu.memory_space<vmem>> -> memref<1x64xi32, #tpu.memory_space<vmem>>
        %dma_start3A_41 = tpu.memref_squeeze %dma_start3A_40 : memref<1x64xi32, #tpu.memory_space<vmem>> -> memref<64xi32, #tpu.memory_space<vmem>>
        %dma_start3A_42 = arith.constant 0 : i32
        %dma_start3A_43 = arith.constant 0 : i32
        %dma_start3A_44 = tpu.memref_slice %arg2[%dma_start3A_42, %dma_start3A_43] : memref<10240x128xf32, #tpu.memory_space<hbm>> -> memref<10240x128xf32, #tpu.memory_space<hbm>>
        tpu.enqueue_indirect_dma source(%dma_start3A_44 : memref<10240x128xf32, #tpu.memory_space<hbm>>) target(%arg12 : memref<64x128xf32, #tpu.memory_space<vmem>>) offsets(%dma_start3A_41 : memref<64xi32, #tpu.memory_space<vmem>>) semaphore(%arg16 : memref<!tpu.dma_semaphore, #tpu.memory_space<semaphore_mem>>)
        %scan3A_45 = arith.constant 0 : i32
        %scan3A_46 = arith.constant 26 : i32
        %scan3A_47 = arith.addi %scan3A_45, %scan3A_46 : i32
        %scan3A_48 = arith.constant 1 : i32
        scf.for %scan3A_64 = %scan3A_45 to %scan3A_47 step %scan3A_48  : i32 {
          %mul3A_65 = arith.constant 1 : i32
          %mul3A_66 = arith.muli %scan3A_64, %mul3A_65 : i32
          %add3A_67 = arith.constant 0 : i32
          %add3A_68 = arith.addi %add3A_67, %mul3A_66 : i32
          %mul3A_69 = arith.constant 3 : i32
          %mul3A_70 = arith.muli %mul3A_69, %add3A_68 : i32
          %add3A_71 = arith.constant 0 : i32
          %add3A_72 = arith.addi %mul3A_70, %add3A_71 : i32
          %dma_wait3A_73 = arith.constant 0 : i32
          %dma_wait3A_74 = tpu.memref_slice %arg9[%add3A_72, %dma_wait3A_73] : memref<80x64xi32, #tpu.memory_space<vmem>> -> memref<1x64xi32, #tpu.memory_space<vmem>>
          %dma_wait3A_75 = tpu.memref_squeeze %dma_wait3A_74 : memref<1x64xi32, #tpu.memory_space<vmem>> -> memref<64xi32, #tpu.memory_space<vmem>>
          %dma_wait3A_76 = arith.constant 0 : i32
          %dma_wait3A_77 = arith.constant 0 : i32
          %dma_wait3A_78 = tpu.memref_slice %arg2[%dma_wait3A_76, %dma_wait3A_77] : memref<10240x128xf32, #tpu.memory_space<hbm>> -> memref<10240x128xf32, #tpu.memory_space<hbm>>
          tpu.wait_indirect_dma semaphore(%arg15 : memref<!tpu.dma_semaphore, #tpu.memory_space<semaphore_mem>>) src(%dma_wait3A_78 : memref<10240x128xf32, #tpu.memory_space<hbm>>) dst(%arg11 : memref<64x128xf32, #tpu.memory_space<vmem>>)
          %add3A_79 = arith.constant 2 : i32
          %add3A_80 = arith.addi %add3A_72, %add3A_79 : i32
          %dma_start3A_81 = arith.constant 0 : i32
          %dma_start3A_82 = tpu.memref_slice %arg9[%add3A_80, %dma_start3A_81] : memref<80x64xi32, #tpu.memory_space<vmem>> -> memref<1x64xi32, #tpu.memory_space<vmem>>
          %dma_start3A_83 = tpu.memref_squeeze %dma_start3A_82 : memref<1x64xi32, #tpu.memory_space<vmem>> -> memref<64xi32, #tpu.memory_space<vmem>>
          %dma_start3A_84 = arith.constant 0 : i32
          %dma_start3A_85 = arith.constant 0 : i32
          %dma_start3A_86 = tpu.memref_slice %arg2[%dma_start3A_84, %dma_start3A_85] : memref<10240x128xf32, #tpu.memory_space<hbm>> -> memref<10240x128xf32, #tpu.memory_space<hbm>>
          tpu.enqueue_indirect_dma source(%dma_start3A_86 : memref<10240x128xf32, #tpu.memory_space<hbm>>) target(%arg13 : memref<64x128xf32, #tpu.memory_space<vmem>>) offsets(%dma_start3A_83 : memref<64xi32, #tpu.memory_space<vmem>>) semaphore(%arg17 : memref<!tpu.dma_semaphore, #tpu.memory_space<semaphore_mem>>)
          "tpu.region"() ({
            %run_scoped3A_119 = tpu.sem_alloc : memref<!tpu.dma_semaphore, #tpu.memory_space<semaphore_mem>>
            %dma_start3A_120 = arith.constant 0 : i32
            %dma_start3A_121 = tpu.memref_slice %arg10[%add3A_72, %dma_start3A_120] : memref<80x64xi32, #tpu.memory_space<vmem>> -> memref<1x64xi32, #tpu.memory_space<vmem>>
            %dma_start3A_122 = tpu.memref_squeeze %dma_start3A_121 : memref<1x64xi32, #tpu.memory_space<vmem>> -> memref<64xi32, #tpu.memory_space<vmem>>
            %dma_start3A_123 = arith.constant 0 : i32
            %dma_start3A_124 = arith.constant 0 : i32
            %dma_start3A_125 = tpu.memref_slice %arg14[%dma_start3A_123, %dma_start3A_124] : memref<10240x128xf32, #tpu.memory_space<vmem_shared>> -> memref<10240x128xf32, #tpu.memory_space<vmem_shared>>
            tpu.enqueue_indirect_dma source(%arg11 : memref<64x128xf32, #tpu.memory_space<vmem>>) target(%dma_start3A_125 : memref<10240x128xf32, #tpu.memory_space<vmem_shared>>) offsets(%dma_start3A_122 : memref<64xi32, #tpu.memory_space<vmem>>) semaphore(%run_scoped3A_119 : memref<!tpu.dma_semaphore, #tpu.memory_space<semaphore_mem>>) {add = true}
            %dma_wait3A_126 = arith.constant 0 : i32
            %dma_wait3A_127 = tpu.memref_slice %arg10[%add3A_72, %dma_wait3A_126] : memref<80x64xi32, #tpu.memory_space<vmem>> -> memref<1x64xi32, #tpu.memory_space<vmem>>
            %dma_wait3A_128 = tpu.memref_squeeze %dma_wait3A_127 : memref<1x64xi32, #tpu.memory_space<vmem>> -> memref<64xi32, #tpu.memory_space<vmem>>
            %dma_wait3A_129 = arith.constant 0 : i32
            %dma_wait3A_130 = arith.constant 0 : i32
            %dma_wait3A_131 = tpu.memref_slice %arg14[%dma_wait3A_129, %dma_wait3A_130] : memref<10240x128xf32, #tpu.memory_space<vmem_shared>> -> memref<10240x128xf32, #tpu.memory_space<vmem_shared>>
            tpu.wait_indirect_dma semaphore(%run_scoped3A_119 : memref<!tpu.dma_semaphore, #tpu.memory_space<semaphore_mem>>) src(%arg11 : memref<64x128xf32, #tpu.memory_space<vmem>>) dst(%dma_wait3A_131 : memref<10240x128xf32, #tpu.memory_space<vmem_shared>>)
            tpu.yield
          }) : () -> ()
          %add3A_87 = arith.constant 1 : i32
          %add3A_88 = arith.addi %mul3A_70, %add3A_87 : i32
          %dma_wait3A_89 = arith.constant 0 : i32
          %dma_wait3A_90 = tpu.memref_slice %arg9[%add3A_88, %dma_wait3A_89] : memref<80x64xi32, #tpu.memory_space<vmem>> -> memref<1x64xi32, #tpu.memory_space<vmem>>
          %dma_wait3A_91 = tpu.memref_squeeze %dma_wait3A_90 : memref<1x64xi32, #tpu.memory_space<vmem>> -> memref<64xi32, #tpu.memory_space<vmem>>
          %dma_wait3A_92 = arith.constant 0 : i32
          %dma_wait3A_93 = arith.constant 0 : i32
          %dma_wait3A_94 = tpu.memref_slice %arg2[%dma_wait3A_92, %dma_wait3A_93] : memref<10240x128xf32, #tpu.memory_space<hbm>> -> memref<10240x128xf32, #tpu.memory_space<hbm>>
          tpu.wait_indirect_dma semaphore(%arg16 : memref<!tpu.dma_semaphore, #tpu.memory_space<semaphore_mem>>) src(%dma_wait3A_94 : memref<10240x128xf32, #tpu.memory_space<hbm>>) dst(%arg12 : memref<64x128xf32, #tpu.memory_space<vmem>>)
          %add3A_95 = arith.constant 2 : i32
          %add3A_96 = arith.addi %add3A_88, %add3A_95 : i32
          %dma_start3A_97 = arith.constant 0 : i32
          %dma_start3A_98 = tpu.memref_slice %arg9[%add3A_96, %dma_start3A_97] : memref<80x64xi32, #tpu.memory_space<vmem>> -> memref<1x64xi32, #tpu.memory_space<vmem>>
          %dma_start3A_99 = tpu.memref_squeeze %dma_start3A_98 : memref<1x64xi32, #tpu.memory_space<vmem>> -> memref<64xi32, #tpu.memory_space<vmem>>
          %dma_start3A_100 = arith.constant 0 : i32
          %dma_start3A_101 = arith.constant 0 : i32
          %dma_start3A_102 = tpu.memref_slice %arg2[%dma_start3A_100, %dma_start3A_101] : memref<10240x128xf32, #tpu.memory_space<hbm>> -> memref<10240x128xf32, #tpu.memory_space<hbm>>
          tpu.enqueue_indirect_dma source(%dma_start3A_102 : memref<10240x128xf32, #tpu.memory_space<hbm>>) target(%arg11 : memref<64x128xf32, #tpu.memory_space<vmem>>) offsets(%dma_start3A_99 : memref<64xi32, #tpu.memory_space<vmem>>) semaphore(%arg15 : memref<!tpu.dma_semaphore, #tpu.memory_space<semaphore_mem>>)
          "tpu.region"() ({
            %run_scoped3A_119 = tpu.sem_alloc : memref<!tpu.dma_semaphore, #tpu.memory_space<semaphore_mem>>
            %dma_start3A_120 = arith.constant 0 : i32
            %dma_start3A_121 = tpu.memref_slice %arg10[%add3A_88, %dma_start3A_120] : memref<80x64xi32, #tpu.memory_space<vmem>> -> memref<1x64xi32, #tpu.memory_space<vmem>>
            %dma_start3A_122 = tpu.memref_squeeze %dma_start3A_121 : memref<1x64xi32, #tpu.memory_space<vmem>> -> memref<64xi32, #tpu.memory_space<vmem>>
            %dma_start3A_123 = arith.constant 0 : i32
            %dma_start3A_124 = arith.constant 0 : i32
            %dma_start3A_125 = tpu.memref_slice %arg14[%dma_start3A_123, %dma_start3A_124] : memref<10240x128xf32, #tpu.memory_space<vmem_shared>> -> memref<10240x128xf32, #tpu.memory_space<vmem_shared>>
            tpu.enqueue_indirect_dma source(%arg12 : memref<64x128xf32, #tpu.memory_space<vmem>>) target(%dma_start3A_125 : memref<10240x128xf32, #tpu.memory_space<vmem_shared>>) offsets(%dma_start3A_122 : memref<64xi32, #tpu.memory_space<vmem>>) semaphore(%run_scoped3A_119 : memref<!tpu.dma_semaphore, #tpu.memory_space<semaphore_mem>>) {add = true}
            %dma_wait3A_126 = arith.constant 0 : i32
            %dma_wait3A_127 = tpu.memref_slice %arg10[%add3A_88, %dma_wait3A_126] : memref<80x64xi32, #tpu.memory_space<vmem>> -> memref<1x64xi32, #tpu.memory_space<vmem>>
            %dma_wait3A_128 = tpu.memref_squeeze %dma_wait3A_127 : memref<1x64xi32, #tpu.memory_space<vmem>> -> memref<64xi32, #tpu.memory_space<vmem>>
            %dma_wait3A_129 = arith.constant 0 : i32
            %dma_wait3A_130 = arith.constant 0 : i32
            %dma_wait3A_131 = tpu.memref_slice %arg14[%dma_wait3A_129, %dma_wait3A_130] : memref<10240x128xf32, #tpu.memory_space<vmem_shared>> -> memref<10240x128xf32, #tpu.memory_space<vmem_shared>>
            tpu.wait_indirect_dma semaphore(%run_scoped3A_119 : memref<!tpu.dma_semaphore, #tpu.memory_space<semaphore_mem>>) src(%arg12 : memref<64x128xf32, #tpu.memory_space<vmem>>) dst(%dma_wait3A_131 : memref<10240x128xf32, #tpu.memory_space<vmem_shared>>)
            tpu.yield
          }) : () -> ()
          %add3A_103 = arith.constant 2 : i32
          %add3A_104 = arith.addi %mul3A_70, %add3A_103 : i32
          %dma_wait3A_105 = arith.constant 0 : i32
          %dma_wait3A_106 = tpu.memref_slice %arg9[%add3A_104, %dma_wait3A_105] : memref<80x64xi32, #tpu.memory_space<vmem>> -> memref<1x64xi32, #tpu.memory_space<vmem>>
          %dma_wait3A_107 = tpu.memref_squeeze %dma_wait3A_106 : memref<1x64xi32, #tpu.memory_space<vmem>> -> memref<64xi32, #tpu.memory_space<vmem>>
          %dma_wait3A_108 = arith.constant 0 : i32
          %dma_wait3A_109 = arith.constant 0 : i32
          %dma_wait3A_110 = tpu.memref_slice %arg2[%dma_wait3A_108, %dma_wait3A_109] : memref<10240x128xf32, #tpu.memory_space<hbm>> -> memref<10240x128xf32, #tpu.memory_space<hbm>>
          tpu.wait_indirect_dma semaphore(%arg17 : memref<!tpu.dma_semaphore, #tpu.memory_space<semaphore_mem>>) src(%dma_wait3A_110 : memref<10240x128xf32, #tpu.memory_space<hbm>>) dst(%arg13 : memref<64x128xf32, #tpu.memory_space<vmem>>)
          %add3A_111 = arith.constant 2 : i32
          %add3A_112 = arith.addi %add3A_104, %add3A_111 : i32
          %dma_start3A_113 = arith.constant 0 : i32
          %dma_start3A_114 = tpu.memref_slice %arg9[%add3A_112, %dma_start3A_113] : memref<80x64xi32, #tpu.memory_space<vmem>> -> memref<1x64xi32, #tpu.memory_space<vmem>>
          %dma_start3A_115 = tpu.memref_squeeze %dma_start3A_114 : memref<1x64xi32, #tpu.memory_space<vmem>> -> memref<64xi32, #tpu.memory_space<vmem>>
          %dma_start3A_116 = arith.constant 0 : i32
          %dma_start3A_117 = arith.constant 0 : i32
          %dma_start3A_118 = tpu.memref_slice %arg2[%dma_start3A_116, %dma_start3A_117] : memref<10240x128xf32, #tpu.memory_space<hbm>> -> memref<10240x128xf32, #tpu.memory_space<hbm>>
          tpu.enqueue_indirect_dma source(%dma_start3A_118 : memref<10240x128xf32, #tpu.memory_space<hbm>>) target(%arg12 : memref<64x128xf32, #tpu.memory_space<vmem>>) offsets(%dma_start3A_115 : memref<64xi32, #tpu.memory_space<vmem>>) semaphore(%arg16 : memref<!tpu.dma_semaphore, #tpu.memory_space<semaphore_mem>>)
          "tpu.region"() ({
            %run_scoped3A_119 = tpu.sem_alloc : memref<!tpu.dma_semaphore, #tpu.memory_space<semaphore_mem>>
            %dma_start3A_120 = arith.constant 0 : i32
            %dma_start3A_121 = tpu.memref_slice %arg10[%add3A_104, %dma_start3A_120] : memref<80x64xi32, #tpu.memory_space<vmem>> -> memref<1x64xi32, #tpu.memory_space<vmem>>
            %dma_start3A_122 = tpu.memref_squeeze %dma_start3A_121 : memref<1x64xi32, #tpu.memory_space<vmem>> -> memref<64xi32, #tpu.memory_space<vmem>>
            %dma_start3A_123 = arith.constant 0 : i32
            %dma_start3A_124 = arith.constant 0 : i32
            %dma_start3A_125 = tpu.memref_slice %arg14[%dma_start3A_123, %dma_start3A_124] : memref<10240x128xf32, #tpu.memory_space<vmem_shared>> -> memref<10240x128xf32, #tpu.memory_space<vmem_shared>>
            tpu.enqueue_indirect_dma source(%arg13 : memref<64x128xf32, #tpu.memory_space<vmem>>) target(%dma_start3A_125 : memref<10240x128xf32, #tpu.memory_space<vmem_shared>>) offsets(%dma_start3A_122 : memref<64xi32, #tpu.memory_space<vmem>>) semaphore(%run_scoped3A_119 : memref<!tpu.dma_semaphore, #tpu.memory_space<semaphore_mem>>) {add = true}
            %dma_wait3A_126 = arith.constant 0 : i32
            %dma_wait3A_127 = tpu.memref_slice %arg10[%add3A_104, %dma_wait3A_126] : memref<80x64xi32, #tpu.memory_space<vmem>> -> memref<1x64xi32, #tpu.memory_space<vmem>>
            %dma_wait3A_128 = tpu.memref_squeeze %dma_wait3A_127 : memref<1x64xi32, #tpu.memory_space<vmem>> -> memref<64xi32, #tpu.memory_space<vmem>>
            %dma_wait3A_129 = arith.constant 0 : i32
            %dma_wait3A_130 = arith.constant 0 : i32
            %dma_wait3A_131 = tpu.memref_slice %arg14[%dma_wait3A_129, %dma_wait3A_130] : memref<10240x128xf32, #tpu.memory_space<vmem_shared>> -> memref<10240x128xf32, #tpu.memory_space<vmem_shared>>
            tpu.wait_indirect_dma semaphore(%run_scoped3A_119 : memref<!tpu.dma_semaphore, #tpu.memory_space<semaphore_mem>>) src(%arg13 : memref<64x128xf32, #tpu.memory_space<vmem>>) dst(%dma_wait3A_131 : memref<10240x128xf32, #tpu.memory_space<vmem_shared>>)
            tpu.yield
          }) : () -> ()
        }
        %scan3A_49 = arith.constant 26 : i32
        %dma_wait3A = arith.constant 78 : i32
        %dma_wait3A_50 = arith.constant 0 : i32
        %dma_wait3A_51 = tpu.memref_slice %arg9[%dma_wait3A, %dma_wait3A_50] : memref<80x64xi32, #tpu.memory_space<vmem>> -> memref<1x64xi32, #tpu.memory_space<vmem>>
        %dma_wait3A_52 = tpu.memref_squeeze %dma_wait3A_51 : memref<1x64xi32, #tpu.memory_space<vmem>> -> memref<64xi32, #tpu.memory_space<vmem>>
        %dma_wait3A_53 = arith.constant 0 : i32
        %dma_wait3A_54 = arith.constant 0 : i32
        %dma_wait3A_55 = tpu.memref_slice %arg2[%dma_wait3A_53, %dma_wait3A_54] : memref<10240x128xf32, #tpu.memory_space<hbm>> -> memref<10240x128xf32, #tpu.memory_space<hbm>>
        tpu.wait_indirect_dma semaphore(%arg15 : memref<!tpu.dma_semaphore, #tpu.memory_space<semaphore_mem>>) src(%dma_wait3A_55 : memref<10240x128xf32, #tpu.memory_space<hbm>>) dst(%arg11 : memref<64x128xf32, #tpu.memory_space<vmem>>)
        %run_scoped3A = arith.constant 78 : i32
        "tpu.region"() ({
          %run_scoped3A_64 = tpu.sem_alloc : memref<!tpu.dma_semaphore, #tpu.memory_space<semaphore_mem>>
          %dma_start3A_65 = arith.constant 0 : i32
          %dma_start3A_66 = tpu.memref_slice %arg10[%run_scoped3A, %dma_start3A_65] : memref<80x64xi32, #tpu.memory_space<vmem>> -> memref<1x64xi32, #tpu.memory_space<vmem>>
          %dma_start3A_67 = tpu.memref_squeeze %dma_start3A_66 : memref<1x64xi32, #tpu.memory_space<vmem>> -> memref<64xi32, #tpu.memory_space<vmem>>
          %dma_start3A_68 = arith.constant 0 : i32
          %dma_start3A_69 = arith.constant 0 : i32
          %dma_start3A_70 = tpu.memref_slice %arg14[%dma_start3A_68, %dma_start3A_69] : memref<10240x128xf32, #tpu.memory_space<vmem_shared>> -> memref<10240x128xf32, #tpu.memory_space<vmem_shared>>
          tpu.enqueue_indirect_dma source(%arg11 : memref<64x128xf32, #tpu.memory_space<vmem>>) target(%dma_start3A_70 : memref<10240x128xf32, #tpu.memory_space<vmem_shared>>) offsets(%dma_start3A_67 : memref<64xi32, #tpu.memory_space<vmem>>) semaphore(%run_scoped3A_64 : memref<!tpu.dma_semaphore, #tpu.memory_space<semaphore_mem>>) {add = true}
          %dma_wait3A_71 = arith.constant 0 : i32
          %dma_wait3A_72 = tpu.memref_slice %arg10[%run_scoped3A, %dma_wait3A_71] : memref<80x64xi32, #tpu.memory_space<vmem>> -> memref<1x64xi32, #tpu.memory_space<vmem>>
          %dma_wait3A_73 = tpu.memref_squeeze %dma_wait3A_72 : memref<1x64xi32, #tpu.memory_space<vmem>> -> memref<64xi32, #tpu.memory_space<vmem>>
          %dma_wait3A_74 = arith.constant 0 : i32
          %dma_wait3A_75 = arith.constant 0 : i32
          %dma_wait3A_76 = tpu.memref_slice %arg14[%dma_wait3A_74, %dma_wait3A_75] : memref<10240x128xf32, #tpu.memory_space<vmem_shared>> -> memref<10240x128xf32, #tpu.memory_space<vmem_shared>>
          tpu.wait_indirect_dma semaphore(%run_scoped3A_64 : memref<!tpu.dma_semaphore, #tpu.memory_space<semaphore_mem>>) src(%arg11 : memref<64x128xf32, #tpu.memory_space<vmem>>) dst(%dma_wait3A_76 : memref<10240x128xf32, #tpu.memory_space<vmem_shared>>)
          tpu.yield
        }) : () -> ()
        %dma_wait3A_56 = arith.constant 79 : i32
        %dma_wait3A_57 = arith.constant 0 : i32
        %dma_wait3A_58 = tpu.memref_slice %arg9[%dma_wait3A_56, %dma_wait3A_57] : memref<80x64xi32, #tpu.memory_space<vmem>> -> memref<1x64xi32, #tpu.memory_space<vmem>>
        %dma_wait3A_59 = tpu.memref_squeeze %dma_wait3A_58 : memref<1x64xi32, #tpu.memory_space<vmem>> -> memref<64xi32, #tpu.memory_space<vmem>>
        %dma_wait3A_60 = arith.constant 0 : i32
        %dma_wait3A_61 = arith.constant 0 : i32
        %dma_wait3A_62 = tpu.memref_slice %arg2[%dma_wait3A_60, %dma_wait3A_61] : memref<10240x128xf32, #tpu.memory_space<hbm>> -> memref<10240x128xf32, #tpu.memory_space<hbm>>
        tpu.wait_indirect_dma semaphore(%arg16 : memref<!tpu.dma_semaphore, #tpu.memory_space<semaphore_mem>>) src(%dma_wait3A_62 : memref<10240x128xf32, #tpu.memory_space<hbm>>) dst(%arg12 : memref<64x128xf32, #tpu.memory_space<vmem>>)
        %run_scoped3A_63 = arith.constant 79 : i32
        "tpu.region"() ({
          %run_scoped3A_64 = tpu.sem_alloc : memref<!tpu.dma_semaphore, #tpu.memory_space<semaphore_mem>>
          %dma_start3A_65 = arith.constant 0 : i32
          %dma_start3A_66 = tpu.memref_slice %arg10[%run_scoped3A_63, %dma_start3A_65] : memref<80x64xi32, #tpu.memory_space<vmem>> -> memref<1x64xi32, #tpu.memory_space<vmem>>
          %dma_start3A_67 = tpu.memref_squeeze %dma_start3A_66 : memref<1x64xi32, #tpu.memory_space<vmem>> -> memref<64xi32, #tpu.memory_space<vmem>>
          %dma_start3A_68 = arith.constant 0 : i32
          %dma_start3A_69 = arith.constant 0 : i32
          %dma_start3A_70 = tpu.memref_slice %arg14[%dma_start3A_68, %dma_start3A_69] : memref<10240x128xf32, #tpu.memory_space<vmem_shared>> -> memref<10240x128xf32, #tpu.memory_space<vmem_shared>>
          tpu.enqueue_indirect_dma source(%arg12 : memref<64x128xf32, #tpu.memory_space<vmem>>) target(%dma_start3A_70 : memref<10240x128xf32, #tpu.memory_space<vmem_shared>>) offsets(%dma_start3A_67 : memref<64xi32, #tpu.memory_space<vmem>>) semaphore(%run_scoped3A_64 : memref<!tpu.dma_semaphore, #tpu.memory_space<semaphore_mem>>) {add = true}
          %dma_wait3A_71 = arith.constant 0 : i32
          %dma_wait3A_72 = tpu.memref_slice %arg10[%run_scoped3A_63, %dma_wait3A_71] : memref<80x64xi32, #tpu.memory_space<vmem>> -> memref<1x64xi32, #tpu.memory_space<vmem>>
          %dma_wait3A_73 = tpu.memref_squeeze %dma_wait3A_72 : memref<1x64xi32, #tpu.memory_space<vmem>> -> memref<64xi32, #tpu.memory_space<vmem>>
          %dma_wait3A_74 = arith.constant 0 : i32
          %dma_wait3A_75 = arith.constant 0 : i32
          %dma_wait3A_76 = tpu.memref_slice %arg14[%dma_wait3A_74, %dma_wait3A_75] : memref<10240x128xf32, #tpu.memory_space<vmem_shared>> -> memref<10240x128xf32, #tpu.memory_space<vmem_shared>>
          tpu.wait_indirect_dma semaphore(%run_scoped3A_64 : memref<!tpu.dma_semaphore, #tpu.memory_space<semaphore_mem>>) src(%arg12 : memref<64x128xf32, #tpu.memory_space<vmem>>) dst(%dma_wait3A_76 : memref<10240x128xf32, #tpu.memory_space<vmem_shared>>)
          tpu.yield
        }) : () -> ()
      }
      %scan3A_22 = arith.constant 2 : i32
    } else {
    }
    %eq3A_3 = arith.constant 1 : i32
    %eq3A_4 = arith.cmpi eq, %arg0, %eq3A_3 : i32
    %convert_element_type3A_5 = arith.extui %eq3A_4 : i1 to i32
    %cond3A_6 = arith.constant 0 : i32
    %cond3A_7 = arith.cmpi ne, %convert_element_type3A_5, %cond3A_6 : i32
    scf.if %cond3A_7 {
      %scan3A = arith.constant 0 : i32
      %scan3A_19 = arith.constant 2 : i32
      %scan3A_20 = arith.addi %scan3A, %scan3A_19 : i32
      %scan3A_21 = arith.constant 1 : i32
      scf.for %scan3A_23 = %scan3A to %scan3A_20 step %scan3A_21  : i32 {
        %mul3A_24 = arith.constant 1 : i32
        %mul3A_25 = arith.muli %scan3A_23, %mul3A_24 : i32
        %add3A = arith.constant 0 : i32
        %add3A_26 = arith.addi %add3A, %mul3A_25 : i32
        %mul3A_27 = arith.constant 160 : i32
        %mul3A_28 = arith.muli %arg1, %mul3A_27 : i32
        %mul3A_29 = arith.constant 80 : i32
        %mul3A_30 = arith.muli %add3A_26, %mul3A_29 : i32
        %add3A_31 = arith.addi %mul3A_28, %mul3A_30 : i32
        "tpu.region"() ({
          %run_scoped3A_64 = tpu.sem_alloc : memref<!tpu.dma_semaphore, #tpu.memory_space<semaphore_mem>>
          %dma_start3A_65 = arith.constant 0 : i32
          %dma_start3A_66 = tpu.memref_slice %arg4[%add3A_31, %dma_start3A_65] : memref<2560x64xi32, #tpu.memory_space<hbm>> -> memref<80x64xi32, #tpu.memory_space<hbm>>
          %dma_start3A_67 = arith.constant 0 : i32
          %dma_start3A_68 = tpu.memref_slice %arg4[%add3A_31, %dma_start3A_67] : memref<2560x64xi32, #tpu.memory_space<hbm>> -> memref<80x64xi32, #tpu.memory_space<hbm>>
          tpu.enqueue_dma source(%dma_start3A_68 : memref<80x64xi32, #tpu.memory_space<hbm>>) target(%arg9 : memref<80x64xi32, #tpu.memory_space<vmem>>) target_semaphore(%run_scoped3A_64 : memref<!tpu.dma_semaphore, #tpu.memory_space<semaphore_mem>>)
          %dma_wait3A_69 = arith.constant 0 : i32
          %dma_wait3A_70 = tpu.memref_slice %arg4[%add3A_31, %dma_wait3A_69] : memref<2560x64xi32, #tpu.memory_space<hbm>> -> memref<80x64xi32, #tpu.memory_space<hbm>>
          %dma_wait3A_71 = arith.constant 0 : i32
          %dma_wait3A_72 = tpu.memref_slice %arg4[%add3A_31, %dma_wait3A_71] : memref<2560x64xi32, #tpu.memory_space<hbm>> -> memref<80x64xi32, #tpu.memory_space<hbm>>
          tpu.wait_dma2 semaphore(%run_scoped3A_64 : memref<!tpu.dma_semaphore, #tpu.memory_space<semaphore_mem>>) src(%dma_wait3A_72 : memref<80x64xi32, #tpu.memory_space<hbm>>) dst(%arg9 : memref<80x64xi32, #tpu.memory_space<vmem>>)
          tpu.yield
        }) : () -> ()
        "tpu.region"() ({
          %run_scoped3A_64 = tpu.sem_alloc : memref<!tpu.dma_semaphore, #tpu.memory_space<semaphore_mem>>
          %dma_start3A_65 = arith.constant 0 : i32
          %dma_start3A_66 = tpu.memref_slice %arg5[%add3A_31, %dma_start3A_65] : memref<2560x64xi32, #tpu.memory_space<hbm>> -> memref<80x64xi32, #tpu.memory_space<hbm>>
          %dma_start3A_67 = arith.constant 0 : i32
          %dma_start3A_68 = tpu.memref_slice %arg5[%add3A_31, %dma_start3A_67] : memref<2560x64xi32, #tpu.memory_space<hbm>> -> memref<80x64xi32, #tpu.memory_space<hbm>>
          tpu.enqueue_dma source(%dma_start3A_68 : memref<80x64xi32, #tpu.memory_space<hbm>>) target(%arg10 : memref<80x64xi32, #tpu.memory_space<vmem>>) target_semaphore(%run_scoped3A_64 : memref<!tpu.dma_semaphore, #tpu.memory_space<semaphore_mem>>)
          %dma_wait3A_69 = arith.constant 0 : i32
          %dma_wait3A_70 = tpu.memref_slice %arg5[%add3A_31, %dma_wait3A_69] : memref<2560x64xi32, #tpu.memory_space<hbm>> -> memref<80x64xi32, #tpu.memory_space<hbm>>
          %dma_wait3A_71 = arith.constant 0 : i32
          %dma_wait3A_72 = tpu.memref_slice %arg5[%add3A_31, %dma_wait3A_71] : memref<2560x64xi32, #tpu.memory_space<hbm>> -> memref<80x64xi32, #tpu.memory_space<hbm>>
          tpu.wait_dma2 semaphore(%run_scoped3A_64 : memref<!tpu.dma_semaphore, #tpu.memory_space<semaphore_mem>>) src(%dma_wait3A_72 : memref<80x64xi32, #tpu.memory_space<hbm>>) dst(%arg10 : memref<80x64xi32, #tpu.memory_space<vmem>>)
          tpu.yield
        }) : () -> ()
        %dma_start3A = arith.constant 0 : i32
        %dma_start3A_32 = arith.constant 0 : i32
        %dma_start3A_33 = tpu.memref_slice %arg9[%dma_start3A, %dma_start3A_32] : memref<80x64xi32, #tpu.memory_space<vmem>> -> memref<1x64xi32, #tpu.memory_space<vmem>>
        %dma_start3A_34 = tpu.memref_squeeze %dma_start3A_33 : memref<1x64xi32, #tpu.memory_space<vmem>> -> memref<64xi32, #tpu.memory_space<vmem>>
        %dma_start3A_35 = arith.constant 0 : i32
        %dma_start3A_36 = arith.constant 0 : i32
        %dma_start3A_37 = tpu.memref_slice %arg3[%dma_start3A_35, %dma_start3A_36] : memref<10240x128xf32, #tpu.memory_space<hbm>> -> memref<10240x128xf32, #tpu.memory_space<hbm>>
        tpu.enqueue_indirect_dma source(%dma_start3A_37 : memref<10240x128xf32, #tpu.memory_space<hbm>>) target(%arg11 : memref<64x128xf32, #tpu.memory_space<vmem>>) offsets(%dma_start3A_34 : memref<64xi32, #tpu.memory_space<vmem>>) semaphore(%arg15 : memref<!tpu.dma_semaphore, #tpu.memory_space<semaphore_mem>>)
        %dma_start3A_38 = arith.constant 1 : i32
        %dma_start3A_39 = arith.constant 0 : i32
        %dma_start3A_40 = tpu.memref_slice %arg9[%dma_start3A_38, %dma_start3A_39] : memref<80x64xi32, #tpu.memory_space<vmem>> -> memref<1x64xi32, #tpu.memory_space<vmem>>
        %dma_start3A_41 = tpu.memref_squeeze %dma_start3A_40 : memref<1x64xi32, #tpu.memory_space<vmem>> -> memref<64xi32, #tpu.memory_space<vmem>>
        %dma_start3A_42 = arith.constant 0 : i32
        %dma_start3A_43 = arith.constant 0 : i32
        %dma_start3A_44 = tpu.memref_slice %arg3[%dma_start3A_42, %dma_start3A_43] : memref<10240x128xf32, #tpu.memory_space<hbm>> -> memref<10240x128xf32, #tpu.memory_space<hbm>>
        tpu.enqueue_indirect_dma source(%dma_start3A_44 : memref<10240x128xf32, #tpu.memory_space<hbm>>) target(%arg12 : memref<64x128xf32, #tpu.memory_space<vmem>>) offsets(%dma_start3A_41 : memref<64xi32, #tpu.memory_space<vmem>>) semaphore(%arg16 : memref<!tpu.dma_semaphore, #tpu.memory_space<semaphore_mem>>)
        %scan3A_45 = arith.constant 0 : i32
        %scan3A_46 = arith.constant 26 : i32
        %scan3A_47 = arith.addi %scan3A_45, %scan3A_46 : i32
        %scan3A_48 = arith.constant 1 : i32
        scf.for %scan3A_64 = %scan3A_45 to %scan3A_47 step %scan3A_48  : i32 {
          %mul3A_65 = arith.constant 1 : i32
          %mul3A_66 = arith.muli %scan3A_64, %mul3A_65 : i32
          %add3A_67 = arith.constant 0 : i32
          %add3A_68 = arith.addi %add3A_67, %mul3A_66 : i32
          %mul3A_69 = arith.constant 3 : i32
          %mul3A_70 = arith.muli %mul3A_69, %add3A_68 : i32
          %add3A_71 = arith.constant 0 : i32
          %add3A_72 = arith.addi %mul3A_70, %add3A_71 : i32
          %dma_wait3A_73 = arith.constant 0 : i32
          %dma_wait3A_74 = tpu.memref_slice %arg9[%add3A_72, %dma_wait3A_73] : memref<80x64xi32, #tpu.memory_space<vmem>> -> memref<1x64xi32, #tpu.memory_space<vmem>>
          %dma_wait3A_75 = tpu.memref_squeeze %dma_wait3A_74 : memref<1x64xi32, #tpu.memory_space<vmem>> -> memref<64xi32, #tpu.memory_space<vmem>>
          %dma_wait3A_76 = arith.constant 0 : i32
          %dma_wait3A_77 = arith.constant 0 : i32
          %dma_wait3A_78 = tpu.memref_slice %arg3[%dma_wait3A_76, %dma_wait3A_77] : memref<10240x128xf32, #tpu.memory_space<hbm>> -> memref<10240x128xf32, #tpu.memory_space<hbm>>
          tpu.wait_indirect_dma semaphore(%arg15 : memref<!tpu.dma_semaphore, #tpu.memory_space<semaphore_mem>>) src(%dma_wait3A_78 : memref<10240x128xf32, #tpu.memory_space<hbm>>) dst(%arg11 : memref<64x128xf32, #tpu.memory_space<vmem>>)
          %add3A_79 = arith.constant 2 : i32
          %add3A_80 = arith.addi %add3A_72, %add3A_79 : i32
          %dma_start3A_81 = arith.constant 0 : i32
          %dma_start3A_82 = tpu.memref_slice %arg9[%add3A_80, %dma_start3A_81] : memref<80x64xi32, #tpu.memory_space<vmem>> -> memref<1x64xi32, #tpu.memory_space<vmem>>
          %dma_start3A_83 = tpu.memref_squeeze %dma_start3A_82 : memref<1x64xi32, #tpu.memory_space<vmem>> -> memref<64xi32, #tpu.memory_space<vmem>>
          %dma_start3A_84 = arith.constant 0 : i32
          %dma_start3A_85 = arith.constant 0 : i32
          %dma_start3A_86 = tpu.memref_slice %arg3[%dma_start3A_84, %dma_start3A_85] : memref<10240x128xf32, #tpu.memory_space<hbm>> -> memref<10240x128xf32, #tpu.memory_space<hbm>>
          tpu.enqueue_indirect_dma source(%dma_start3A_86 : memref<10240x128xf32, #tpu.memory_space<hbm>>) target(%arg13 : memref<64x128xf32, #tpu.memory_space<vmem>>) offsets(%dma_start3A_83 : memref<64xi32, #tpu.memory_space<vmem>>) semaphore(%arg17 : memref<!tpu.dma_semaphore, #tpu.memory_space<semaphore_mem>>)
          "tpu.region"() ({
            %run_scoped3A_119 = tpu.sem_alloc : memref<!tpu.dma_semaphore, #tpu.memory_space<semaphore_mem>>
            %dma_start3A_120 = arith.constant 0 : i32
            %dma_start3A_121 = tpu.memref_slice %arg10[%add3A_72, %dma_start3A_120] : memref<80x64xi32, #tpu.memory_space<vmem>> -> memref<1x64xi32, #tpu.memory_space<vmem>>
            %dma_start3A_122 = tpu.memref_squeeze %dma_start3A_121 : memref<1x64xi32, #tpu.memory_space<vmem>> -> memref<64xi32, #tpu.memory_space<vmem>>
            %dma_start3A_123 = arith.constant 0 : i32
            %dma_start3A_124 = arith.constant 0 : i32
            %dma_start3A_125 = tpu.memref_slice %arg14[%dma_start3A_123, %dma_start3A_124] : memref<10240x128xf32, #tpu.memory_space<vmem_shared>> -> memref<10240x128xf32, #tpu.memory_space<vmem_shared>>
            tpu.enqueue_indirect_dma source(%arg11 : memref<64x128xf32, #tpu.memory_space<vmem>>) target(%dma_start3A_125 : memref<10240x128xf32, #tpu.memory_space<vmem_shared>>) offsets(%dma_start3A_122 : memref<64xi32, #tpu.memory_space<vmem>>) semaphore(%run_scoped3A_119 : memref<!tpu.dma_semaphore, #tpu.memory_space<semaphore_mem>>) {add = true}
            %dma_wait3A_126 = arith.constant 0 : i32
            %dma_wait3A_127 = tpu.memref_slice %arg10[%add3A_72, %dma_wait3A_126] : memref<80x64xi32, #tpu.memory_space<vmem>> -> memref<1x64xi32, #tpu.memory_space<vmem>>
            %dma_wait3A_128 = tpu.memref_squeeze %dma_wait3A_127 : memref<1x64xi32, #tpu.memory_space<vmem>> -> memref<64xi32, #tpu.memory_space<vmem>>
            %dma_wait3A_129 = arith.constant 0 : i32
            %dma_wait3A_130 = arith.constant 0 : i32
            %dma_wait3A_131 = tpu.memref_slice %arg14[%dma_wait3A_129, %dma_wait3A_130] : memref<10240x128xf32, #tpu.memory_space<vmem_shared>> -> memref<10240x128xf32, #tpu.memory_space<vmem_shared>>
            tpu.wait_indirect_dma semaphore(%run_scoped3A_119 : memref<!tpu.dma_semaphore, #tpu.memory_space<semaphore_mem>>) src(%arg11 : memref<64x128xf32, #tpu.memory_space<vmem>>) dst(%dma_wait3A_131 : memref<10240x128xf32, #tpu.memory_space<vmem_shared>>)
            tpu.yield
          }) : () -> ()
          %add3A_87 = arith.constant 1 : i32
          %add3A_88 = arith.addi %mul3A_70, %add3A_87 : i32
          %dma_wait3A_89 = arith.constant 0 : i32
          %dma_wait3A_90 = tpu.memref_slice %arg9[%add3A_88, %dma_wait3A_89] : memref<80x64xi32, #tpu.memory_space<vmem>> -> memref<1x64xi32, #tpu.memory_space<vmem>>
          %dma_wait3A_91 = tpu.memref_squeeze %dma_wait3A_90 : memref<1x64xi32, #tpu.memory_space<vmem>> -> memref<64xi32, #tpu.memory_space<vmem>>
          %dma_wait3A_92 = arith.constant 0 : i32
          %dma_wait3A_93 = arith.constant 0 : i32
          %dma_wait3A_94 = tpu.memref_slice %arg3[%dma_wait3A_92, %dma_wait3A_93] : memref<10240x128xf32, #tpu.memory_space<hbm>> -> memref<10240x128xf32, #tpu.memory_space<hbm>>
          tpu.wait_indirect_dma semaphore(%arg16 : memref<!tpu.dma_semaphore, #tpu.memory_space<semaphore_mem>>) src(%dma_wait3A_94 : memref<10240x128xf32, #tpu.memory_space<hbm>>) dst(%arg12 : memref<64x128xf32, #tpu.memory_space<vmem>>)
          %add3A_95 = arith.constant 2 : i32
          %add3A_96 = arith.addi %add3A_88, %add3A_95 : i32
          %dma_start3A_97 = arith.constant 0 : i32
          %dma_start3A_98 = tpu.memref_slice %arg9[%add3A_96, %dma_start3A_97] : memref<80x64xi32, #tpu.memory_space<vmem>> -> memref<1x64xi32, #tpu.memory_space<vmem>>
          %dma_start3A_99 = tpu.memref_squeeze %dma_start3A_98 : memref<1x64xi32, #tpu.memory_space<vmem>> -> memref<64xi32, #tpu.memory_space<vmem>>
          %dma_start3A_100 = arith.constant 0 : i32
          %dma_start3A_101 = arith.constant 0 : i32
          %dma_start3A_102 = tpu.memref_slice %arg3[%dma_start3A_100, %dma_start3A_101] : memref<10240x128xf32, #tpu.memory_space<hbm>> -> memref<10240x128xf32, #tpu.memory_space<hbm>>
          tpu.enqueue_indirect_dma source(%dma_start3A_102 : memref<10240x128xf32, #tpu.memory_space<hbm>>) target(%arg11 : memref<64x128xf32, #tpu.memory_space<vmem>>) offsets(%dma_start3A_99 : memref<64xi32, #tpu.memory_space<vmem>>) semaphore(%arg15 : memref<!tpu.dma_semaphore, #tpu.memory_space<semaphore_mem>>)
          "tpu.region"() ({
            %run_scoped3A_119 = tpu.sem_alloc : memref<!tpu.dma_semaphore, #tpu.memory_space<semaphore_mem>>
            %dma_start3A_120 = arith.constant 0 : i32
            %dma_start3A_121 = tpu.memref_slice %arg10[%add3A_88, %dma_start3A_120] : memref<80x64xi32, #tpu.memory_space<vmem>> -> memref<1x64xi32, #tpu.memory_space<vmem>>
            %dma_start3A_122 = tpu.memref_squeeze %dma_start3A_121 : memref<1x64xi32, #tpu.memory_space<vmem>> -> memref<64xi32, #tpu.memory_space<vmem>>
            %dma_start3A_123 = arith.constant 0 : i32
            %dma_start3A_124 = arith.constant 0 : i32
            %dma_start3A_125 = tpu.memref_slice %arg14[%dma_start3A_123, %dma_start3A_124] : memref<10240x128xf32, #tpu.memory_space<vmem_shared>> -> memref<10240x128xf32, #tpu.memory_space<vmem_shared>>
            tpu.enqueue_indirect_dma source(%arg12 : memref<64x128xf32, #tpu.memory_space<vmem>>) target(%dma_start3A_125 : memref<10240x128xf32, #tpu.memory_space<vmem_shared>>) offsets(%dma_start3A_122 : memref<64xi32, #tpu.memory_space<vmem>>) semaphore(%run_scoped3A_119 : memref<!tpu.dma_semaphore, #tpu.memory_space<semaphore_mem>>) {add = true}
            %dma_wait3A_126 = arith.constant 0 : i32
            %dma_wait3A_127 = tpu.memref_slice %arg10[%add3A_88, %dma_wait3A_126] : memref<80x64xi32, #tpu.memory_space<vmem>> -> memref<1x64xi32, #tpu.memory_space<vmem>>
            %dma_wait3A_128 = tpu.memref_squeeze %dma_wait3A_127 : memref<1x64xi32, #tpu.memory_space<vmem>> -> memref<64xi32, #tpu.memory_space<vmem>>
            %dma_wait3A_129 = arith.constant 0 : i32
            %dma_wait3A_130 = arith.constant 0 : i32
            %dma_wait3A_131 = tpu.memref_slice %arg14[%dma_wait3A_129, %dma_wait3A_130] : memref<10240x128xf32, #tpu.memory_space<vmem_shared>> -> memref<10240x128xf32, #tpu.memory_space<vmem_shared>>
            tpu.wait_indirect_dma semaphore(%run_scoped3A_119 : memref<!tpu.dma_semaphore, #tpu.memory_space<semaphore_mem>>) src(%arg12 : memref<64x128xf32, #tpu.memory_space<vmem>>) dst(%dma_wait3A_131 : memref<10240x128xf32, #tpu.memory_space<vmem_shared>>)
            tpu.yield
          }) : () -> ()
          %add3A_103 = arith.constant 2 : i32
          %add3A_104 = arith.addi %mul3A_70, %add3A_103 : i32
          %dma_wait3A_105 = arith.constant 0 : i32
          %dma_wait3A_106 = tpu.memref_slice %arg9[%add3A_104, %dma_wait3A_105] : memref<80x64xi32, #tpu.memory_space<vmem>> -> memref<1x64xi32, #tpu.memory_space<vmem>>
          %dma_wait3A_107 = tpu.memref_squeeze %dma_wait3A_106 : memref<1x64xi32, #tpu.memory_space<vmem>> -> memref<64xi32, #tpu.memory_space<vmem>>
          %dma_wait3A_108 = arith.constant 0 : i32
          %dma_wait3A_109 = arith.constant 0 : i32
          %dma_wait3A_110 = tpu.memref_slice %arg3[%dma_wait3A_108, %dma_wait3A_109] : memref<10240x128xf32, #tpu.memory_space<hbm>> -> memref<10240x128xf32, #tpu.memory_space<hbm>>
          tpu.wait_indirect_dma semaphore(%arg17 : memref<!tpu.dma_semaphore, #tpu.memory_space<semaphore_mem>>) src(%dma_wait3A_110 : memref<10240x128xf32, #tpu.memory_space<hbm>>) dst(%arg13 : memref<64x128xf32, #tpu.memory_space<vmem>>)
          %add3A_111 = arith.constant 2 : i32
          %add3A_112 = arith.addi %add3A_104, %add3A_111 : i32
          %dma_start3A_113 = arith.constant 0 : i32
          %dma_start3A_114 = tpu.memref_slice %arg9[%add3A_112, %dma_start3A_113] : memref<80x64xi32, #tpu.memory_space<vmem>> -> memref<1x64xi32, #tpu.memory_space<vmem>>
          %dma_start3A_115 = tpu.memref_squeeze %dma_start3A_114 : memref<1x64xi32, #tpu.memory_space<vmem>> -> memref<64xi32, #tpu.memory_space<vmem>>
          %dma_start3A_116 = arith.constant 0 : i32
          %dma_start3A_117 = arith.constant 0 : i32
          %dma_start3A_118 = tpu.memref_slice %arg3[%dma_start3A_116, %dma_start3A_117] : memref<10240x128xf32, #tpu.memory_space<hbm>> -> memref<10240x128xf32, #tpu.memory_space<hbm>>
          tpu.enqueue_indirect_dma source(%dma_start3A_118 : memref<10240x128xf32, #tpu.memory_space<hbm>>) target(%arg12 : memref<64x128xf32, #tpu.memory_space<vmem>>) offsets(%dma_start3A_115 : memref<64xi32, #tpu.memory_space<vmem>>) semaphore(%arg16 : memref<!tpu.dma_semaphore, #tpu.memory_space<semaphore_mem>>)
          "tpu.region"() ({
            %run_scoped3A_119 = tpu.sem_alloc : memref<!tpu.dma_semaphore, #tpu.memory_space<semaphore_mem>>
            %dma_start3A_120 = arith.constant 0 : i32
            %dma_start3A_121 = tpu.memref_slice %arg10[%add3A_104, %dma_start3A_120] : memref<80x64xi32, #tpu.memory_space<vmem>> -> memref<1x64xi32, #tpu.memory_space<vmem>>
            %dma_start3A_122 = tpu.memref_squeeze %dma_start3A_121 : memref<1x64xi32, #tpu.memory_space<vmem>> -> memref<64xi32, #tpu.memory_space<vmem>>
            %dma_start3A_123 = arith.constant 0 : i32
            %dma_start3A_124 = arith.constant 0 : i32
            %dma_start3A_125 = tpu.memref_slice %arg14[%dma_start3A_123, %dma_start3A_124] : memref<10240x128xf32, #tpu.memory_space<vmem_shared>> -> memref<10240x128xf32, #tpu.memory_space<vmem_shared>>
            tpu.enqueue_indirect_dma source(%arg13 : memref<64x128xf32, #tpu.memory_space<vmem>>) target(%dma_start3A_125 : memref<10240x128xf32, #tpu.memory_space<vmem_shared>>) offsets(%dma_start3A_122 : memref<64xi32, #tpu.memory_space<vmem>>) semaphore(%run_scoped3A_119 : memref<!tpu.dma_semaphore, #tpu.memory_space<semaphore_mem>>) {add = true}
            %dma_wait3A_126 = arith.constant 0 : i32
            %dma_wait3A_127 = tpu.memref_slice %arg10[%add3A_104, %dma_wait3A_126] : memref<80x64xi32, #tpu.memory_space<vmem>> -> memref<1x64xi32, #tpu.memory_space<vmem>>
            %dma_wait3A_128 = tpu.memref_squeeze %dma_wait3A_127 : memref<1x64xi32, #tpu.memory_space<vmem>> -> memref<64xi32, #tpu.memory_space<vmem>>
            %dma_wait3A_129 = arith.constant 0 : i32
            %dma_wait3A_130 = arith.constant 0 : i32
            %dma_wait3A_131 = tpu.memref_slice %arg14[%dma_wait3A_129, %dma_wait3A_130] : memref<10240x128xf32, #tpu.memory_space<vmem_shared>> -> memref<10240x128xf32, #tpu.memory_space<vmem_shared>>
            tpu.wait_indirect_dma semaphore(%run_scoped3A_119 : memref<!tpu.dma_semaphore, #tpu.memory_space<semaphore_mem>>) src(%arg13 : memref<64x128xf32, #tpu.memory_space<vmem>>) dst(%dma_wait3A_131 : memref<10240x128xf32, #tpu.memory_space<vmem_shared>>)
            tpu.yield
          }) : () -> ()
        }
        %scan3A_49 = arith.constant 26 : i32
        %dma_wait3A = arith.constant 78 : i32
        %dma_wait3A_50 = arith.constant 0 : i32
        %dma_wait3A_51 = tpu.memref_slice %arg9[%dma_wait3A, %dma_wait3A_50] : memref<80x64xi32, #tpu.memory_space<vmem>> -> memref<1x64xi32, #tpu.memory_space<vmem>>
        %dma_wait3A_52 = tpu.memref_squeeze %dma_wait3A_51 : memref<1x64xi32, #tpu.memory_space<vmem>> -> memref<64xi32, #tpu.memory_space<vmem>>
        %dma_wait3A_53 = arith.constant 0 : i32
        %dma_wait3A_54 = arith.constant 0 : i32
        %dma_wait3A_55 = tpu.memref_slice %arg3[%dma_wait3A_53, %dma_wait3A_54] : memref<10240x128xf32, #tpu.memory_space<hbm>> -> memref<10240x128xf32, #tpu.memory_space<hbm>>
        tpu.wait_indirect_dma semaphore(%arg15 : memref<!tpu.dma_semaphore, #tpu.memory_space<semaphore_mem>>) src(%dma_wait3A_55 : memref<10240x128xf32, #tpu.memory_space<hbm>>) dst(%arg11 : memref<64x128xf32, #tpu.memory_space<vmem>>)
        %run_scoped3A = arith.constant 78 : i32
        "tpu.region"() ({
          %run_scoped3A_64 = tpu.sem_alloc : memref<!tpu.dma_semaphore, #tpu.memory_space<semaphore_mem>>
          %dma_start3A_65 = arith.constant 0 : i32
          %dma_start3A_66 = tpu.memref_slice %arg10[%run_scoped3A, %dma_start3A_65] : memref<80x64xi32, #tpu.memory_space<vmem>> -> memref<1x64xi32, #tpu.memory_space<vmem>>
          %dma_start3A_67 = tpu.memref_squeeze %dma_start3A_66 : memref<1x64xi32, #tpu.memory_space<vmem>> -> memref<64xi32, #tpu.memory_space<vmem>>
          %dma_start3A_68 = arith.constant 0 : i32
          %dma_start3A_69 = arith.constant 0 : i32
          %dma_start3A_70 = tpu.memref_slice %arg14[%dma_start3A_68, %dma_start3A_69] : memref<10240x128xf32, #tpu.memory_space<vmem_shared>> -> memref<10240x128xf32, #tpu.memory_space<vmem_shared>>
          tpu.enqueue_indirect_dma source(%arg11 : memref<64x128xf32, #tpu.memory_space<vmem>>) target(%dma_start3A_70 : memref<10240x128xf32, #tpu.memory_space<vmem_shared>>) offsets(%dma_start3A_67 : memref<64xi32, #tpu.memory_space<vmem>>) semaphore(%run_scoped3A_64 : memref<!tpu.dma_semaphore, #tpu.memory_space<semaphore_mem>>) {add = true}
          %dma_wait3A_71 = arith.constant 0 : i32
          %dma_wait3A_72 = tpu.memref_slice %arg10[%run_scoped3A, %dma_wait3A_71] : memref<80x64xi32, #tpu.memory_space<vmem>> -> memref<1x64xi32, #tpu.memory_space<vmem>>
          %dma_wait3A_73 = tpu.memref_squeeze %dma_wait3A_72 : memref<1x64xi32, #tpu.memory_space<vmem>> -> memref<64xi32, #tpu.memory_space<vmem>>
          %dma_wait3A_74 = arith.constant 0 : i32
          %dma_wait3A_75 = arith.constant 0 : i32
          %dma_wait3A_76 = tpu.memref_slice %arg14[%dma_wait3A_74, %dma_wait3A_75] : memref<10240x128xf32, #tpu.memory_space<vmem_shared>> -> memref<10240x128xf32, #tpu.memory_space<vmem_shared>>
          tpu.wait_indirect_dma semaphore(%run_scoped3A_64 : memref<!tpu.dma_semaphore, #tpu.memory_space<semaphore_mem>>) src(%arg11 : memref<64x128xf32, #tpu.memory_space<vmem>>) dst(%dma_wait3A_76 : memref<10240x128xf32, #tpu.memory_space<vmem_shared>>)
          tpu.yield
        }) : () -> ()
        %dma_wait3A_56 = arith.constant 79 : i32
        %dma_wait3A_57 = arith.constant 0 : i32
        %dma_wait3A_58 = tpu.memref_slice %arg9[%dma_wait3A_56, %dma_wait3A_57] : memref<80x64xi32, #tpu.memory_space<vmem>> -> memref<1x64xi32, #tpu.memory_space<vmem>>
        %dma_wait3A_59 = tpu.memref_squeeze %dma_wait3A_58 : memref<1x64xi32, #tpu.memory_space<vmem>> -> memref<64xi32, #tpu.memory_space<vmem>>
        %dma_wait3A_60 = arith.constant 0 : i32
        %dma_wait3A_61 = arith.constant 0 : i32
        %dma_wait3A_62 = tpu.memref_slice %arg3[%dma_wait3A_60, %dma_wait3A_61] : memref<10240x128xf32, #tpu.memory_space<hbm>> -> memref<10240x128xf32, #tpu.memory_space<hbm>>
        tpu.wait_indirect_dma semaphore(%arg16 : memref<!tpu.dma_semaphore, #tpu.memory_space<semaphore_mem>>) src(%dma_wait3A_62 : memref<10240x128xf32, #tpu.memory_space<hbm>>) dst(%arg12 : memref<64x128xf32, #tpu.memory_space<vmem>>)
        %run_scoped3A_63 = arith.constant 79 : i32
        "tpu.region"() ({
          %run_scoped3A_64 = tpu.sem_alloc : memref<!tpu.dma_semaphore, #tpu.memory_space<semaphore_mem>>
          %dma_start3A_65 = arith.constant 0 : i32
          %dma_start3A_66 = tpu.memref_slice %arg10[%run_scoped3A_63, %dma_start3A_65] : memref<80x64xi32, #tpu.memory_space<vmem>> -> memref<1x64xi32, #tpu.memory_space<vmem>>
          %dma_start3A_67 = tpu.memref_squeeze %dma_start3A_66 : memref<1x64xi32, #tpu.memory_space<vmem>> -> memref<64xi32, #tpu.memory_space<vmem>>
          %dma_start3A_68 = arith.constant 0 : i32
          %dma_start3A_69 = arith.constant 0 : i32
          %dma_start3A_70 = tpu.memref_slice %arg14[%dma_start3A_68, %dma_start3A_69] : memref<10240x128xf32, #tpu.memory_space<vmem_shared>> -> memref<10240x128xf32, #tpu.memory_space<vmem_shared>>
          tpu.enqueue_indirect_dma source(%arg12 : memref<64x128xf32, #tpu.memory_space<vmem>>) target(%dma_start3A_70 : memref<10240x128xf32, #tpu.memory_space<vmem_shared>>) offsets(%dma_start3A_67 : memref<64xi32, #tpu.memory_space<vmem>>) semaphore(%run_scoped3A_64 : memref<!tpu.dma_semaphore, #tpu.memory_space<semaphore_mem>>) {add = true}
          %dma_wait3A_71 = arith.constant 0 : i32
          %dma_wait3A_72 = tpu.memref_slice %arg10[%run_scoped3A_63, %dma_wait3A_71] : memref<80x64xi32, #tpu.memory_space<vmem>> -> memref<1x64xi32, #tpu.memory_space<vmem>>
          %dma_wait3A_73 = tpu.memref_squeeze %dma_wait3A_72 : memref<1x64xi32, #tpu.memory_space<vmem>> -> memref<64xi32, #tpu.memory_space<vmem>>
          %dma_wait3A_74 = arith.constant 0 : i32
          %dma_wait3A_75 = arith.constant 0 : i32
          %dma_wait3A_76 = tpu.memref_slice %arg14[%dma_wait3A_74, %dma_wait3A_75] : memref<10240x128xf32, #tpu.memory_space<vmem_shared>> -> memref<10240x128xf32, #tpu.memory_space<vmem_shared>>
          tpu.wait_indirect_dma semaphore(%run_scoped3A_64 : memref<!tpu.dma_semaphore, #tpu.memory_space<semaphore_mem>>) src(%arg12 : memref<64x128xf32, #tpu.memory_space<vmem>>) dst(%dma_wait3A_76 : memref<10240x128xf32, #tpu.memory_space<vmem_shared>>)
          tpu.yield
        }) : () -> ()
      }
      %scan3A_22 = arith.constant 2 : i32
    } else {
    }
    %barrier3A_8 = arith.constant 0 : index
    tpu.barrier barrier_id(%barrier3A_8)
    %eq3A_9 = arith.constant 0 : i32
    %eq3A_10 = arith.cmpi eq, %arg0, %eq3A_9 : i32
    %convert_element_type3A_11 = arith.extui %eq3A_10 : i1 to i32
    %cond3A_12 = arith.constant 0 : i32
    %cond3A_13 = arith.cmpi ne, %convert_element_type3A_11, %cond3A_12 : i32
    scf.if %cond3A_13 {
      "tpu.region"() ({
        %run_scoped3A = tpu.sem_alloc : memref<!tpu.dma_semaphore, #tpu.memory_space<semaphore_mem>>
        %dma_start3A = arith.constant 0 : i32
        %dma_start3A_19 = tpu.memref_slice %arg7[%mul3A_0, %dma_start3A] : memref<10240x128xf32, #tpu.memory_space<hbm>> -> memref<640x128xf32, #tpu.memory_space<hbm>>
        %dma_start3A_20 = arith.constant 0 : i32
        %dma_start3A_21 = tpu.memref_slice %arg14[%mul3A_0, %dma_start3A_20] : memref<10240x128xf32, #tpu.memory_space<vmem_shared>> -> memref<640x128xf32, #tpu.memory_space<vmem_shared>>
        tpu.enqueue_dma source(%dma_start3A_21 : memref<640x128xf32, #tpu.memory_space<vmem_shared>>) target(%dma_start3A_19 : memref<640x128xf32, #tpu.memory_space<hbm>>) target_semaphore(%run_scoped3A : memref<!tpu.dma_semaphore, #tpu.memory_space<semaphore_mem>>)
        %dma_wait3A = arith.constant 0 : i32
        %dma_wait3A_22 = tpu.memref_slice %arg7[%mul3A_0, %dma_wait3A] : memref<10240x128xf32, #tpu.memory_space<hbm>> -> memref<640x128xf32, #tpu.memory_space<hbm>>
        %dma_wait3A_23 = arith.constant 0 : i32
        %dma_wait3A_24 = tpu.memref_slice %arg14[%mul3A_0, %dma_wait3A_23] : memref<10240x128xf32, #tpu.memory_space<vmem_shared>> -> memref<640x128xf32, #tpu.memory_space<vmem_shared>>
        tpu.wait_dma2 semaphore(%run_scoped3A : memref<!tpu.dma_semaphore, #tpu.memory_space<semaphore_mem>>) src(%dma_wait3A_24 : memref<640x128xf32, #tpu.memory_space<vmem_shared>>) dst(%dma_wait3A_22 : memref<640x128xf32, #tpu.memory_space<hbm>>)
        tpu.yield
      }) : () -> ()
    } else {
    }
    %eq3A_14 = arith.constant 1 : i32
    %eq3A_15 = arith.cmpi eq, %arg0, %eq3A_14 : i32
    %convert_element_type3A_16 = arith.extui %eq3A_15 : i1 to i32
    %cond3A_17 = arith.constant 0 : i32
    %cond3A_18 = arith.cmpi ne, %convert_element_type3A_16, %cond3A_17 : i32
    scf.if %cond3A_18 {
      "tpu.region"() ({
        %run_scoped3A = tpu.sem_alloc : memref<!tpu.dma_semaphore, #tpu.memory_space<semaphore_mem>>
        %dma_start3A = arith.constant 0 : i32
        %dma_start3A_19 = tpu.memref_slice %arg8[%mul3A_0, %dma_start3A] : memref<10240x128xf32, #tpu.memory_space<hbm>> -> memref<640x128xf32, #tpu.memory_space<hbm>>
        %dma_start3A_20 = arith.constant 0 : i32
        %dma_start3A_21 = tpu.memref_slice %arg14[%mul3A_0, %dma_start3A_20] : memref<10240x128xf32, #tpu.memory_space<vmem_shared>> -> memref<640x128xf32, #tpu.memory_space<vmem_shared>>
        tpu.enqueue_dma source(%dma_start3A_21 : memref<640x128xf32, #tpu.memory_space<vmem_shared>>) target(%dma_start3A_19 : memref<640x128xf32, #tpu.memory_space<hbm>>) target_semaphore(%run_scoped3A : memref<!tpu.dma_semaphore, #tpu.memory_space<semaphore_mem>>)
        %dma_wait3A = arith.constant 0 : i32
        %dma_wait3A_22 = tpu.memref_slice %arg8[%mul3A_0, %dma_wait3A] : memref<10240x128xf32, #tpu.memory_space<hbm>> -> memref<640x128xf32, #tpu.memory_space<hbm>>
        %dma_wait3A_23 = arith.constant 0 : i32
        %dma_wait3A_24 = tpu.memref_slice %arg14[%mul3A_0, %dma_wait3A_23] : memref<10240x128xf32, #tpu.memory_space<vmem_shared>> -> memref<640x128xf32, #tpu.memory_space<vmem_shared>>
        tpu.wait_dma2 semaphore(%run_scoped3A : memref<!tpu.dma_semaphore, #tpu.memory_space<semaphore_mem>>) src(%dma_wait3A_24 : memref<640x128xf32, #tpu.memory_space<vmem_shared>>) dst(%dma_wait3A_22 : memref<640x128xf32, #tpu.memory_space<hbm>>)
        tpu.yield
      }) : () -> ()
    } else {
    }
    return
  }
}

module attributes {stable_mosaic.version = 14 : i64} {
  func.func @_dinv_body(%arg0: memref<10240x128xf32, #tpu.memory_space<vmem>>, %arg1: memref<10240x128xf32, #tpu.memory_space<vmem>>, %arg2: memref<10240xf32, #tpu.memory_space<vmem>>) attributes {dimension_semantics = [], scalar_prefetch = 0 : i64, scratch_operands = 0 : i64, tpu.core_type = #tpu.core_type<tc>} {
    %get3A = arith.constant 0 : index
    %get3A_0 = arith.constant 0 : index
    %get3A_1 = vector.load %arg0[%get3A, %get3A_0] : memref<10240x128xf32, #tpu.memory_space<vmem>>, vector<10240x128xf32>
    %reduce_sum3A = arith.constant dense<0.000000e+00> : vector<10240xf32>
    %reduce_sum3A_2 = vector.multi_reduction <add>, %get3A_1, %reduce_sum3A [1] : vector<10240x128xf32> to vector<10240xf32>
    %get3A_3 = arith.constant 0 : index
    %get3A_4 = arith.constant 0 : index
    %get3A_5 = vector.load %arg1[%get3A_3, %get3A_4] : memref<10240x128xf32, #tpu.memory_space<vmem>>, vector<10240x128xf32>
    %reduce_sum3A_6 = arith.constant dense<0.000000e+00> : vector<10240xf32>
    %reduce_sum3A_7 = vector.multi_reduction <add>, %get3A_5, %reduce_sum3A_6 [1] : vector<10240x128xf32> to vector<10240xf32>
    %add3A = arith.addf %reduce_sum3A_2, %reduce_sum3A_7 : vector<10240xf32>
    %mul3A = arith.constant 7.812500e-03 : f32
    %mul3A_8 = vector.broadcast %mul3A : f32 to vector<10240xf32>
    %mul3A_9 = arith.mulf %add3A, %mul3A_8 : vector<10240xf32>
    %add3A_10 = arith.constant 1.000000e+00 : f32
    %add3A_11 = vector.broadcast %add3A_10 : f32 to vector<10240xf32>
    %add3A_12 = arith.addf %add3A_11, %mul3A_9 : vector<10240xf32>
    %rsqrt3A = math.rsqrt %add3A_12 : vector<10240xf32>
    %swap3A = arith.constant 0 : index
    %swap3A_13 = vector.load %arg2[%swap3A] : memref<10240xf32, #tpu.memory_space<vmem>>, vector<10240xf32>
    tpu.vector_store %arg2[%swap3A], %rsqrt3A {strides = array<i32>} : memref<10240xf32, #tpu.memory_space<vmem>>, vector<10240xf32>,
    return
  }
}

module attributes {stable_mosaic.version = 14 : i64} {
  func.func @_ta_body(%arg0: i32, %arg1: memref<512x256xf32, #tpu.memory_space<vmem>>, %arg2: memref<256x256xf32, #tpu.memory_space<vmem>>, %arg3: memref<256x10xf32, #tpu.memory_space<vmem>>, %arg4: memref<512xf32, #tpu.memory_space<vmem>>, %arg5: memref<512x128xf32, #tpu.memory_space<vmem>>, %arg6: memref<512x128xf32, #tpu.memory_space<vmem>>, %arg7: memref<512x10xf32, #tpu.memory_space<vmem>>) attributes {dimension_semantics = [#tpu.dimension_semantics<arbitrary>], iteration_bounds = array<i64: 20>, scalar_prefetch = 0 : i64, scratch_operands = 0 : i64, tpu.core_type = #tpu.core_type<tc>, window_params = [{transform_indices = @transform_0, window_bounds = array<i64: 512, 256>}, {pipeline_mode = #tpu.pipeline_mode<synchronous>, transform_indices = @transform_1, window_bounds = array<i64: 256, 256>}, {pipeline_mode = #tpu.pipeline_mode<synchronous>, transform_indices = @transform_2, window_bounds = array<i64: 256, 10>}, {transform_indices = @transform_3, window_bounds = array<i64: 512>}, {transform_indices = @transform_4, window_bounds = array<i64: 512, 128>}, {transform_indices = @transform_5, window_bounds = array<i64: 512, 128>}, {transform_indices = @transform_6, window_bounds = array<i64: 512, 10>}]} {
    %get3A = arith.constant 0 : index
    %get3A_0 = arith.constant 0 : index
    %get3A_1 = vector.load %arg1[%get3A, %get3A_0] : memref<512x256xf32, #tpu.memory_space<vmem>>, vector<512x256xf32>
    %get3A_2 = arith.constant 0 : index
    %get3A_3 = arith.constant 0 : index
    %get3A_4 = vector.load %arg2[%get3A_2, %get3A_3] : memref<256x256xf32, #tpu.memory_space<vmem>>, vector<256x256xf32>
    %dot_general3A = arith.constant dense<0.000000e+00> : vector<512x256xf32>
    %dot_general3A_5 = tpu.matmul %get3A_1, %get3A_4, %dot_general3A {dimension_numbers = #tpu.dot_dimension_numbers<[1], [0], [0], [1], [0, 0, 1, 1], [], []>, precision = #tpu.contract_precision<fp32>, transpose_lhs_hint = false} : vector<512x256xf32>, vector<256x256xf32>, vector<512x256xf32> -> vector<512x256xf32>
    %get3A_6 = arith.constant 0 : index
    %get3A_7 = vector.load %arg4[%get3A_6] : memref<512xf32, #tpu.memory_space<vmem>>, vector<512xf32>
    %broadcast_in_dim3A = vector.shape_cast %get3A_7 : vector<512xf32> to vector<512x1xf32>
    %mul3A = vector.broadcast %broadcast_in_dim3A : vector<512x1xf32> to vector<512x256xf32>
    %mul3A_8 = arith.mulf %dot_general3A_5, %mul3A : vector<512x256xf32>
    %slice3A = vector.extract_strided_slice %mul3A_8 {offsets = [0, 0], sizes = [512, 128], strides = [1, 1]} : vector<512x256xf32> to vector<512x128xf32>
    %swap3A = arith.constant 0 : index
    %swap3A_9 = arith.constant 0 : index
    %swap3A_10 = vector.load %arg5[%swap3A, %swap3A_9] : memref<512x128xf32, #tpu.memory_space<vmem>>, vector<512x128xf32>
    tpu.vector_store %arg5[%swap3A, %swap3A_9], %slice3A {strides = array<i32>} : memref<512x128xf32, #tpu.memory_space<vmem>>, vector<512x128xf32>,
    %slice3A_11 = vector.extract_strided_slice %mul3A_8 {offsets = [0, 128], sizes = [512, 128], strides = [1, 1]} : vector<512x256xf32> to vector<512x128xf32>
    %swap3A_12 = arith.constant 0 : index
    %swap3A_13 = arith.constant 0 : index
    %swap3A_14 = vector.load %arg6[%swap3A_12, %swap3A_13] : memref<512x128xf32, #tpu.memory_space<vmem>>, vector<512x128xf32>
    tpu.vector_store %arg6[%swap3A_12, %swap3A_13], %slice3A_11 {strides = array<i32>} : memref<512x128xf32, #tpu.memory_space<vmem>>, vector<512x128xf32>,
    %get3A_15 = arith.constant 0 : index
    %get3A_16 = arith.constant 0 : index
    %get3A_17 = vector.load %arg3[%get3A_15, %get3A_16] : memref<256x10xf32, #tpu.memory_space<vmem>>, vector<256x10xf32>
    %dot_general3A_18 = arith.constant dense<0.000000e+00> : vector<512x10xf32>
    %dot_general3A_19 = tpu.matmul %get3A_1, %get3A_17, %dot_general3A_18 {dimension_numbers = #tpu.dot_dimension_numbers<[1], [0], [0], [1], [0, 0, 1, 1], [], []>, precision = #tpu.contract_precision<fp32>, transpose_lhs_hint = false} : vector<512x256xf32>, vector<256x10xf32>, vector<512x10xf32> -> vector<512x10xf32>
    %swap3A_20 = arith.constant 0 : index
    %swap3A_21 = arith.constant 0 : index
    %swap3A_22 = vector.load %arg7[%swap3A_20, %swap3A_21] : memref<512x10xf32, #tpu.memory_space<vmem>>, vector<512x10xf32>
    tpu.vector_store %arg7[%swap3A_20, %swap3A_21], %dot_general3A_19 {strides = array<i32>} : memref<512x10xf32, #tpu.memory_space<vmem>>, vector<512x10xf32>,
    return
  }
  func.func @transform_0(%arg0: i32) -> (i32, i32) {
    %c0_i32 = arith.constant 0 : i32
    %c0_i32_0 = arith.constant 0 : i32
    return %arg0, %c0_i32 : i32, i32
  }
  func.func @transform_1(%arg0: i32) -> (i32, i32) {
    %c0_i32 = arith.constant 0 : i32
    %c0_i32_0 = arith.constant 0 : i32
    %c0_i32_1 = arith.constant 0 : i32
    return %c0_i32, %c0_i32_0 : i32, i32
  }
  func.func @transform_2(%arg0: i32) -> (i32, i32) {
    %c0_i32 = arith.constant 0 : i32
    %c0_i32_0 = arith.constant 0 : i32
    %c0_i32_1 = arith.constant 0 : i32
    return %c0_i32, %c0_i32_0 : i32, i32
  }
  func.func @transform_3(%arg0: i32) -> i32 {
    %c0_i32 = arith.constant 0 : i32
    return %arg0 : i32
  }
  func.func @transform_4(%arg0: i32) -> (i32, i32) {
    %c0_i32 = arith.constant 0 : i32
    %c0_i32_0 = arith.constant 0 : i32
    return %arg0, %c0_i32 : i32, i32
  }
  func.func @transform_5(%arg0: i32) -> (i32, i32) {
    %c0_i32 = arith.constant 0 : i32
    %c0_i32_0 = arith.constant 0 : i32
    return %arg0, %c0_i32 : i32, i32
  }
  func.func @transform_6(%arg0: i32) -> (i32, i32) {
    %c0_i32 = arith.constant 0 : i32
    %c0_i32_0 = arith.constant 0 : i32
    return %arg0, %c0_i32 : i32, i32
  }
}

module attributes {stable_mosaic.version = 14 : i64} {
  func.func @_tb_body(%arg0: i32, %arg1: memref<512x128xf32, #tpu.memory_space<vmem>>, %arg2: memref<512x128xf32, #tpu.memory_space<vmem>>, %arg3: memref<512x128xf32, #tpu.memory_space<vmem>>, %arg4: memref<512x128xf32, #tpu.memory_space<vmem>>, %arg5: memref<512xf32, #tpu.memory_space<vmem>>, %arg6: memref<256xf32, #tpu.memory_space<vmem>>, %arg7: memref<512x256xf32, #tpu.memory_space<vmem>>, %arg8: memref<2x256xf32, #tpu.memory_space<vmem>>) attributes {dimension_semantics = [#tpu.dimension_semantics<arbitrary>], iteration_bounds = array<i64: 20>, scalar_prefetch = 0 : i64, scratch_operands = 0 : i64, tpu.core_type = #tpu.core_type<tc>, window_params = [{transform_indices = @transform_0, window_bounds = array<i64: 512, 128>}, {transform_indices = @transform_1, window_bounds = array<i64: 512, 128>}, {transform_indices = @transform_2, window_bounds = array<i64: 512, 128>}, {transform_indices = @transform_3, window_bounds = array<i64: 512, 128>}, {transform_indices = @transform_4, window_bounds = array<i64: 512>}, {pipeline_mode = #tpu.pipeline_mode<synchronous>, transform_indices = @transform_5, window_bounds = array<i64: 256>}, {transform_indices = @transform_6, window_bounds = array<i64: 512, 256>}, {pipeline_mode = #tpu.pipeline_mode<synchronous>, transform_indices = @transform_7, window_bounds = array<i64: 2, 256>}]} {
    %get3A = arith.constant 0 : index
    %get3A_0 = arith.constant 0 : index
    %get3A_1 = vector.load %arg1[%get3A, %get3A_0] : memref<512x128xf32, #tpu.memory_space<vmem>>, vector<512x128xf32>
    %get3A_2 = arith.constant 0 : index
    %get3A_3 = arith.constant 0 : index
    %get3A_4 = vector.load %arg3[%get3A_2, %get3A_3] : memref<512x128xf32, #tpu.memory_space<vmem>>, vector<512x128xf32>
    %add3A = arith.addf %get3A_1, %get3A_4 : vector<512x128xf32>
    %get3A_5 = arith.constant 0 : index
    %get3A_6 = arith.constant 0 : index
    %get3A_7 = vector.load %arg2[%get3A_5, %get3A_6] : memref<512x128xf32, #tpu.memory_space<vmem>>, vector<512x128xf32>
    %get3A_8 = arith.constant 0 : index
    %get3A_9 = arith.constant 0 : index
    %get3A_10 = vector.load %arg4[%get3A_8, %get3A_9] : memref<512x128xf32, #tpu.memory_space<vmem>>, vector<512x128xf32>
    %add3A_11 = arith.addf %get3A_7, %get3A_10 : vector<512x128xf32>
    %concatenate3A = tpu.concatenate %add3A, %add3A_11 in 1 : vector<512x128xf32>, vector<512x128xf32> -> vector<512x256xf32>
    %get3A_12 = arith.constant 0 : index
    %get3A_13 = vector.load %arg5[%get3A_12] : memref<512xf32, #tpu.memory_space<vmem>>, vector<512xf32>
    %broadcast_in_dim3A = vector.shape_cast %get3A_13 : vector<512xf32> to vector<512x1xf32>
    %mul3A = vector.broadcast %broadcast_in_dim3A : vector<512x1xf32> to vector<512x256xf32>
    %mul3A_14 = arith.mulf %concatenate3A, %mul3A : vector<512x256xf32>
    %get3A_15 = arith.constant 0 : index
    %get3A_16 = vector.load %arg6[%get3A_15] : memref<256xf32, #tpu.memory_space<vmem>>, vector<256xf32>
    %broadcast_in_dim3A_17 = vector.shape_cast %get3A_16 : vector<256xf32> to vector<1x256xf32>
    %add3A_18 = vector.broadcast %broadcast_in_dim3A_17 : vector<1x256xf32> to vector<512x256xf32>
    %add3A_19 = arith.addf %mul3A_14, %add3A_18 : vector<512x256xf32>
    %iota3A = tpu.iota {dimensions = array<i32: 0>} : vector<512x1xi32>
    %mul3A_20 = arith.constant 512 : i32
    %mul3A_21 = arith.muli %arg0, %mul3A_20 : i32
    %add3A_22 = vector.broadcast %mul3A_21 : i32 to vector<512x1xi32>
    %add3A_23 = arith.addi %iota3A, %add3A_22 : vector<512x1xi32>
    %lt3A = arith.constant 10000 : i32
    %lt3A_24 = vector.broadcast %lt3A : i32 to vector<512x1xi32>
    %lt3A_25 = arith.cmpi slt, %add3A_23, %lt3A_24 : vector<512x1xi32>
    %jit3A = arith.constant 0.000000e+00 : f32
    %broadcast_in_dim3A_26 = vector.shape_cast %lt3A_25 : vector<512x1xi1> to vector<512x1xi1>
    %broadcast_in_dim3A_27 = vector.broadcast %broadcast_in_dim3A_26 : vector<512x1xi1> to vector<512x256xi1>
    %broadcast_in_dim3A_28 = vector.broadcast %jit3A : f32 to vector<512x256xf32>
    %select_n3A = arith.select %broadcast_in_dim3A_27, %add3A_19, %broadcast_in_dim3A_28 : vector<512x256xi1>, vector<512x256xf32>
    %swap3A = arith.constant 0 : index
    %swap3A_29 = arith.constant 0 : index
    %swap3A_30 = vector.load %arg7[%swap3A, %swap3A_29] : memref<512x256xf32, #tpu.memory_space<vmem>>, vector<512x256xf32>
    tpu.vector_store %arg7[%swap3A, %swap3A_29], %select_n3A {strides = array<i32>} : memref<512x256xf32, #tpu.memory_space<vmem>>, vector<512x256xf32>,
    %eq3A = arith.constant 0 : i32
    %eq3A_31 = arith.cmpi eq, %arg0, %eq3A : i32
    %convert_element_type3A = arith.extui %eq3A_31 : i1 to i32
    %cond3A = arith.constant 0 : i32
    %cond3A_32 = arith.cmpi ne, %convert_element_type3A, %cond3A : i32
    scf.if %cond3A_32 {
      %broadcast_in_dim3A_46 = arith.constant 0.000000e+00 : f32
      %broadcast_in_dim3A_47 = vector.broadcast %broadcast_in_dim3A_46 : f32 to vector<2x256xf32>
      %swap3A_48 = arith.constant 0 : index
      %swap3A_49 = arith.constant 0 : index
      %swap3A_50 = vector.load %arg8[%swap3A_48, %swap3A_49] : memref<2x256xf32, #tpu.memory_space<vmem>>, vector<2x256xf32>
      tpu.vector_store %arg8[%swap3A_48, %swap3A_49], %broadcast_in_dim3A_47 {strides = array<i32>} : memref<2x256xf32, #tpu.memory_space<vmem>>, vector<2x256xf32>,
    } else {
    }
    %get3A_33 = arith.constant 0 : index
    %get3A_34 = arith.constant 0 : index
    %get3A_35 = vector.load %arg8[%get3A_33, %get3A_34] : memref<2x256xf32, #tpu.memory_space<vmem>>, vector<2x256xf32>
    %reduce_sum3A = arith.constant dense<0.000000e+00> : vector<256xf32>
    %reduce_sum3A_36 = vector.multi_reduction <add>, %select_n3A, %reduce_sum3A [0] : vector<512x256xf32> to vector<256xf32>
    %mul3A_37 = arith.mulf %select_n3A, %select_n3A : vector<512x256xf32>
    %reduce_sum3A_38 = arith.constant dense<0.000000e+00> : vector<256xf32>
    %reduce_sum3A_39 = vector.multi_reduction <add>, %mul3A_37, %reduce_sum3A_38 [0] : vector<512x256xf32> to vector<256xf32>
    %stack3A = vector.shape_cast %reduce_sum3A_36 : vector<256xf32> to vector<1x256xf32>
    %stack3A_40 = vector.shape_cast %reduce_sum3A_39 : vector<256xf32> to vector<1x256xf32>
    %stack3A_41 = tpu.concatenate %stack3A, %stack3A_40 in 0 : vector<1x256xf32>, vector<1x256xf32> -> vector<2x256xf32>
    %add3A_42 = arith.addf %get3A_35, %stack3A_41 : vector<2x256xf32>
    %swap3A_43 = arith.constant 0 : index
    %swap3A_44 = arith.constant 0 : index
    %swap3A_45 = vector.load %arg8[%swap3A_43, %swap3A_44] : memref<2x256xf32, #tpu.memory_space<vmem>>, vector<2x256xf32>
    tpu.vector_store %arg8[%swap3A_43, %swap3A_44], %add3A_42 {strides = array<i32>} : memref<2x256xf32, #tpu.memory_space<vmem>>, vector<2x256xf32>,
    return
  }
  func.func @transform_0(%arg0: i32) -> (i32, i32) {
    %c0_i32 = arith.constant 0 : i32
    %c0_i32_0 = arith.constant 0 : i32
    return %arg0, %c0_i32 : i32, i32
  }
  func.func @transform_1(%arg0: i32) -> (i32, i32) {
    %c0_i32 = arith.constant 0 : i32
    %c0_i32_0 = arith.constant 0 : i32
    return %arg0, %c0_i32 : i32, i32
  }
  func.func @transform_2(%arg0: i32) -> (i32, i32) {
    %c0_i32 = arith.constant 0 : i32
    %c0_i32_0 = arith.constant 0 : i32
    return %arg0, %c0_i32 : i32, i32
  }
  func.func @transform_3(%arg0: i32) -> (i32, i32) {
    %c0_i32 = arith.constant 0 : i32
    %c0_i32_0 = arith.constant 0 : i32
    return %arg0, %c0_i32 : i32, i32
  }
  func.func @transform_4(%arg0: i32) -> i32 {
    %c0_i32 = arith.constant 0 : i32
    return %arg0 : i32
  }
  func.func @transform_5(%arg0: i32) -> i32 {
    %c0_i32 = arith.constant 0 : i32
    %c0_i32_0 = arith.constant 0 : i32
    return %c0_i32 : i32
  }
  func.func @transform_6(%arg0: i32) -> (i32, i32) {
    %c0_i32 = arith.constant 0 : i32
    %c0_i32_0 = arith.constant 0 : i32
    return %arg0, %c0_i32 : i32, i32
  }
  func.func @transform_7(%arg0: i32) -> (i32, i32) {
    %c0_i32 = arith.constant 0 : i32
    %c0_i32_0 = arith.constant 0 : i32
    %c0_i32_1 = arith.constant 0 : i32
    return %c0_i32, %c0_i32_0 : i32, i32
  }
}

module attributes {stable_mosaic.version = 14 : i64} {
  func.func @_tcz_body(%arg0: i32, %arg1: memref<512x256xf32, #tpu.memory_space<vmem>>, %arg2: memref<2x256xf32, #tpu.memory_space<vmem>>, %arg3: memref<256xf32, #tpu.memory_space<vmem>>, %arg4: memref<256xf32, #tpu.memory_space<vmem>>, %arg5: memref<256x256xf32, #tpu.memory_space<vmem>>, %arg6: memref<256x10xf32, #tpu.memory_space<vmem>>, %arg7: memref<512x10xf32, #tpu.memory_space<vmem>>, %arg8: memref<512xf32, #tpu.memory_space<vmem>>, %arg9: memref<512x128xf32, #tpu.memory_space<vmem>>, %arg10: memref<512x128xf32, #tpu.memory_space<vmem>>, %arg11: memref<512x10xf32, #tpu.memory_space<vmem>>) attributes {dimension_semantics = [#tpu.dimension_semantics<arbitrary>], iteration_bounds = array<i64: 20>, scalar_prefetch = 0 : i64, scratch_operands = 0 : i64, tpu.core_type = #tpu.core_type<tc>, window_params = [{transform_indices = @transform_0, window_bounds = array<i64: 512, 256>}, {pipeline_mode = #tpu.pipeline_mode<synchronous>, transform_indices = @transform_1, window_bounds = array<i64: 2, 256>}, {pipeline_mode = #tpu.pipeline_mode<synchronous>, transform_indices = @transform_2, window_bounds = array<i64: 256>}, {pipeline_mode = #tpu.pipeline_mode<synchronous>, transform_indices = @transform_3, window_bounds = array<i64: 256>}, {pipeline_mode = #tpu.pipeline_mode<synchronous>, transform_indices = @transform_4, window_bounds = array<i64: 256, 256>}, {pipeline_mode = #tpu.pipeline_mode<synchronous>, transform_indices = @transform_5, window_bounds = array<i64: 256, 10>}, {transform_indices = @transform_6, window_bounds = array<i64: 512, 10>}, {transform_indices = @transform_7, window_bounds = array<i64: 512>}, {transform_indices = @transform_8, window_bounds = array<i64: 512, 128>}, {transform_indices = @transform_9, window_bounds = array<i64: 512, 128>}, {transform_indices = @transform_10, window_bounds = array<i64: 512, 10>}]} {
    %get3A = arith.constant 0 : index
    %get3A_0 = arith.constant 0 : index
    %get3A_1 = vector.load %arg1[%get3A, %get3A_0] : memref<512x256xf32, #tpu.memory_space<vmem>>, vector<512x256xf32>
    %get3A_2 = arith.constant 0 : index
    %get3A_3 = arith.constant 0 : index
    %get3A_4 = vector.load %arg2[%get3A_2, %get3A_3] : memref<2x256xf32, #tpu.memory_space<vmem>>, vector<2x256xf32>
    %get3A_5 = arith.constant 0 : index
    %get3A_6 = vector.load %arg3[%get3A_5] : memref<256xf32, #tpu.memory_space<vmem>>, vector<256xf32>
    %get3A_7 = arith.constant 0 : index
    %get3A_8 = vector.load %arg4[%get3A_7] : memref<256xf32, #tpu.memory_space<vmem>>, vector<256xf32>
    %slice3A = vector.extract_strided_slice %get3A_4 {offsets = [0, 0], sizes = [1, 256], strides = [1, 1]} : vector<2x256xf32> to vector<1x256xf32>
    %squeeze3A = vector.shape_cast %slice3A : vector<1x256xf32> to vector<256xf32>
    %mul3A = arith.constant 9.99999974E-5 : f32
    %mul3A_9 = vector.broadcast %mul3A : f32 to vector<256xf32>
    %mul3A_10 = arith.mulf %squeeze3A, %mul3A_9 : vector<256xf32>
    %slice3A_11 = vector.extract_strided_slice %get3A_4 {offsets = [1, 0], sizes = [1, 256], strides = [1, 1]} : vector<2x256xf32> to vector<1x256xf32>
    %squeeze3A_12 = vector.shape_cast %slice3A_11 : vector<1x256xf32> to vector<256xf32>
    %mul3A_13 = arith.constant 9.99999974E-5 : f32
    %mul3A_14 = vector.broadcast %mul3A_13 : f32 to vector<256xf32>
    %mul3A_15 = arith.mulf %squeeze3A_12, %mul3A_14 : vector<256xf32>
    %mul3A_16 = arith.mulf %mul3A_10, %mul3A_10 : vector<256xf32>
    %sub3A = arith.subf %mul3A_15, %mul3A_16 : vector<256xf32>
    %add3A = arith.constant 9.99999974E-6 : f32
    %add3A_17 = vector.broadcast %add3A : f32 to vector<256xf32>
    %add3A_18 = arith.addf %sub3A, %add3A_17 : vector<256xf32>
    %rsqrt3A = math.rsqrt %add3A_18 : vector<256xf32>
    %mul3A_19 = arith.mulf %get3A_6, %rsqrt3A : vector<256xf32>
    %mul3A_20 = arith.mulf %mul3A_10, %mul3A_19 : vector<256xf32>
    %sub3A_21 = arith.subf %get3A_8, %mul3A_20 : vector<256xf32>
    %broadcast_in_dim3A = vector.shape_cast %mul3A_19 : vector<256xf32> to vector<1x256xf32>
    %mul3A_22 = vector.broadcast %broadcast_in_dim3A : vector<1x256xf32> to vector<512x256xf32>
    %mul3A_23 = arith.mulf %get3A_1, %mul3A_22 : vector<512x256xf32>
    %broadcast_in_dim3A_24 = vector.shape_cast %sub3A_21 : vector<256xf32> to vector<1x256xf32>
    %add3A_25 = vector.broadcast %broadcast_in_dim3A_24 : vector<1x256xf32> to vector<512x256xf32>
    %add3A_26 = arith.addf %mul3A_23, %add3A_25 : vector<512x256xf32>
    %max3A = arith.constant 0.000000e+00 : f32
    %max3A_27 = vector.broadcast %max3A : f32 to vector<512x256xf32>
    %max3A_28 = arith.maximumf %add3A_26, %max3A_27 : vector<512x256xf32>
    %iota3A = tpu.iota {dimensions = array<i32: 0>} : vector<512x1xi32>
    %mul3A_29 = arith.constant 512 : i32
    %mul3A_30 = arith.muli %arg0, %mul3A_29 : i32
    %add3A_31 = vector.broadcast %mul3A_30 : i32 to vector<512x1xi32>
    %add3A_32 = arith.addi %iota3A, %add3A_31 : vector<512x1xi32>
    %lt3A = arith.constant 10000 : i32
    %lt3A_33 = vector.broadcast %lt3A : i32 to vector<512x1xi32>
    %lt3A_34 = arith.cmpi slt, %add3A_32, %lt3A_33 : vector<512x1xi32>
    %jit3A = arith.constant 0.000000e+00 : f32
    %broadcast_in_dim3A_35 = vector.shape_cast %lt3A_34 : vector<512x1xi1> to vector<512x1xi1>
    %broadcast_in_dim3A_36 = vector.broadcast %broadcast_in_dim3A_35 : vector<512x1xi1> to vector<512x256xi1>
    %broadcast_in_dim3A_37 = vector.broadcast %jit3A : f32 to vector<512x256xf32>
    %select_n3A = arith.select %broadcast_in_dim3A_36, %max3A_28, %broadcast_in_dim3A_37 : vector<512x256xi1>, vector<512x256xf32>
    %get3A_38 = arith.constant 0 : index
    %get3A_39 = arith.constant 0 : index
    %get3A_40 = vector.load %arg5[%get3A_38, %get3A_39] : memref<256x256xf32, #tpu.memory_space<vmem>>, vector<256x256xf32>
    %dot_general3A = arith.constant dense<0.000000e+00> : vector<512x256xf32>
    %dot_general3A_41 = tpu.matmul %select_n3A, %get3A_40, %dot_general3A {dimension_numbers = #tpu.dot_dimension_numbers<[1], [0], [0], [1], [0, 0, 1, 1], [], []>, precision = #tpu.contract_precision<fp32>, transpose_lhs_hint = false} : vector<512x256xf32>, vector<256x256xf32>, vector<512x256xf32> -> vector<512x256xf32>
    %get3A_42 = arith.constant 0 : index
    %get3A_43 = vector.load %arg8[%get3A_42] : memref<512xf32, #tpu.memory_space<vmem>>, vector<512xf32>
    %broadcast_in_dim3A_44 = vector.shape_cast %get3A_43 : vector<512xf32> to vector<512x1xf32>
    %mul3A_45 = vector.broadcast %broadcast_in_dim3A_44 : vector<512x1xf32> to vector<512x256xf32>
    %mul3A_46 = arith.mulf %dot_general3A_41, %mul3A_45 : vector<512x256xf32>
    %slice3A_47 = vector.extract_strided_slice %mul3A_46 {offsets = [0, 0], sizes = [512, 128], strides = [1, 1]} : vector<512x256xf32> to vector<512x128xf32>
    %swap3A = arith.constant 0 : index
    %swap3A_48 = arith.constant 0 : index
    %swap3A_49 = vector.load %arg9[%swap3A, %swap3A_48] : memref<512x128xf32, #tpu.memory_space<vmem>>, vector<512x128xf32>
    tpu.vector_store %arg9[%swap3A, %swap3A_48], %slice3A_47 {strides = array<i32>} : memref<512x128xf32, #tpu.memory_space<vmem>>, vector<512x128xf32>,
    %slice3A_50 = vector.extract_strided_slice %mul3A_46 {offsets = [0, 128], sizes = [512, 128], strides = [1, 1]} : vector<512x256xf32> to vector<512x128xf32>
    %swap3A_51 = arith.constant 0 : index
    %swap3A_52 = arith.constant 0 : index
    %swap3A_53 = vector.load %arg10[%swap3A_51, %swap3A_52] : memref<512x128xf32, #tpu.memory_space<vmem>>, vector<512x128xf32>
    tpu.vector_store %arg10[%swap3A_51, %swap3A_52], %slice3A_50 {strides = array<i32>} : memref<512x128xf32, #tpu.memory_space<vmem>>, vector<512x128xf32>,
    %get3A_54 = arith.constant 0 : index
    %get3A_55 = arith.constant 0 : index
    %get3A_56 = vector.load %arg7[%get3A_54, %get3A_55] : memref<512x10xf32, #tpu.memory_space<vmem>>, vector<512x10xf32>
    %get3A_57 = arith.constant 0 : index
    %get3A_58 = arith.constant 0 : index
    %get3A_59 = vector.load %arg6[%get3A_57, %get3A_58] : memref<256x10xf32, #tpu.memory_space<vmem>>, vector<256x10xf32>
    %dot_general3A_60 = arith.constant dense<0.000000e+00> : vector<512x10xf32>
    %dot_general3A_61 = tpu.matmul %select_n3A, %get3A_59, %dot_general3A_60 {dimension_numbers = #tpu.dot_dimension_numbers<[1], [0], [0], [1], [0, 0, 1, 1], [], []>, precision = #tpu.contract_precision<fp32>, transpose_lhs_hint = false} : vector<512x256xf32>, vector<256x10xf32>, vector<512x10xf32> -> vector<512x10xf32>
    %add3A_62 = arith.addf %get3A_56, %dot_general3A_61 : vector<512x10xf32>
    %swap3A_63 = arith.constant 0 : index
    %swap3A_64 = arith.constant 0 : index
    %swap3A_65 = vector.load %arg11[%swap3A_63, %swap3A_64] : memref<512x10xf32, #tpu.memory_space<vmem>>, vector<512x10xf32>
    tpu.vector_store %arg11[%swap3A_63, %swap3A_64], %add3A_62 {strides = array<i32>} : memref<512x10xf32, #tpu.memory_space<vmem>>, vector<512x10xf32>,
    return
  }
  func.func @transform_0(%arg0: i32) -> (i32, i32) {
    %c0_i32 = arith.constant 0 : i32
    %c0_i32_0 = arith.constant 0 : i32
    return %arg0, %c0_i32 : i32, i32
  }
  func.func @transform_1(%arg0: i32) -> (i32, i32) {
    %c0_i32 = arith.constant 0 : i32
    %c0_i32_0 = arith.constant 0 : i32
    %c0_i32_1 = arith.constant 0 : i32
    return %c0_i32, %c0_i32_0 : i32, i32
  }
  func.func @transform_2(%arg0: i32) -> i32 {
    %c0_i32 = arith.constant 0 : i32
    %c0_i32_0 = arith.constant 0 : i32
    return %c0_i32 : i32
  }
  func.func @transform_3(%arg0: i32) -> i32 {
    %c0_i32 = arith.constant 0 : i32
    %c0_i32_0 = arith.constant 0 : i32
    return %c0_i32 : i32
  }
  func.func @transform_4(%arg0: i32) -> (i32, i32) {
    %c0_i32 = arith.constant 0 : i32
    %c0_i32_0 = arith.constant 0 : i32
    %c0_i32_1 = arith.constant 0 : i32
    return %c0_i32, %c0_i32_0 : i32, i32
  }
  func.func @transform_5(%arg0: i32) -> (i32, i32) {
    %c0_i32 = arith.constant 0 : i32
    %c0_i32_0 = arith.constant 0 : i32
    %c0_i32_1 = arith.constant 0 : i32
    return %c0_i32, %c0_i32_0 : i32, i32
  }
  func.func @transform_6(%arg0: i32) -> (i32, i32) {
    %c0_i32 = arith.constant 0 : i32
    %c0_i32_0 = arith.constant 0 : i32
    return %arg0, %c0_i32 : i32, i32
  }
  func.func @transform_7(%arg0: i32) -> i32 {
    %c0_i32 = arith.constant 0 : i32
    return %arg0 : i32
  }
  func.func @transform_8(%arg0: i32) -> (i32, i32) {
    %c0_i32 = arith.constant 0 : i32
    %c0_i32_0 = arith.constant 0 : i32
    return %arg0, %c0_i32 : i32, i32
  }
  func.func @transform_9(%arg0: i32) -> (i32, i32) {
    %c0_i32 = arith.constant 0 : i32
    %c0_i32_0 = arith.constant 0 : i32
    return %arg0, %c0_i32 : i32, i32
  }
  func.func @transform_10(%arg0: i32) -> (i32, i32) {
    %c0_i32 = arith.constant 0 : i32
    %c0_i32_0 = arith.constant 0 : i32
    return %arg0, %c0_i32 : i32, i32
  }
}

module attributes {stable_mosaic.version = 14 : i64} {
  func.func @_tcf_body(%arg0: i32, %arg1: memref<512x256xf32, #tpu.memory_space<vmem>>, %arg2: memref<2x256xf32, #tpu.memory_space<vmem>>, %arg3: memref<256xf32, #tpu.memory_space<vmem>>, %arg4: memref<256xf32, #tpu.memory_space<vmem>>, %arg5: memref<256x10xf32, #tpu.memory_space<vmem>>, %arg6: memref<512x10xf32, #tpu.memory_space<vmem>>, %arg7: memref<512x10xf32, #tpu.memory_space<vmem>>) attributes {dimension_semantics = [#tpu.dimension_semantics<arbitrary>], iteration_bounds = array<i64: 20>, scalar_prefetch = 0 : i64, scratch_operands = 0 : i64, tpu.core_type = #tpu.core_type<tc>, window_params = [{transform_indices = @transform_0, window_bounds = array<i64: 512, 256>}, {pipeline_mode = #tpu.pipeline_mode<synchronous>, transform_indices = @transform_1, window_bounds = array<i64: 2, 256>}, {pipeline_mode = #tpu.pipeline_mode<synchronous>, transform_indices = @transform_2, window_bounds = array<i64: 256>}, {pipeline_mode = #tpu.pipeline_mode<synchronous>, transform_indices = @transform_3, window_bounds = array<i64: 256>}, {pipeline_mode = #tpu.pipeline_mode<synchronous>, transform_indices = @transform_4, window_bounds = array<i64: 256, 10>}, {transform_indices = @transform_5, window_bounds = array<i64: 512, 10>}, {transform_indices = @transform_6, window_bounds = array<i64: 512, 10>}]} {
    %get3A = arith.constant 0 : index
    %get3A_0 = arith.constant 0 : index
    %get3A_1 = vector.load %arg1[%get3A, %get3A_0] : memref<512x256xf32, #tpu.memory_space<vmem>>, vector<512x256xf32>
    %get3A_2 = arith.constant 0 : index
    %get3A_3 = arith.constant 0 : index
    %get3A_4 = vector.load %arg2[%get3A_2, %get3A_3] : memref<2x256xf32, #tpu.memory_space<vmem>>, vector<2x256xf32>
    %get3A_5 = arith.constant 0 : index
    %get3A_6 = vector.load %arg3[%get3A_5] : memref<256xf32, #tpu.memory_space<vmem>>, vector<256xf32>
    %get3A_7 = arith.constant 0 : index
    %get3A_8 = vector.load %arg4[%get3A_7] : memref<256xf32, #tpu.memory_space<vmem>>, vector<256xf32>
    %slice3A = vector.extract_strided_slice %get3A_4 {offsets = [0, 0], sizes = [1, 256], strides = [1, 1]} : vector<2x256xf32> to vector<1x256xf32>
    %squeeze3A = vector.shape_cast %slice3A : vector<1x256xf32> to vector<256xf32>
    %mul3A = arith.constant 9.99999974E-5 : f32
    %mul3A_9 = vector.broadcast %mul3A : f32 to vector<256xf32>
    %mul3A_10 = arith.mulf %squeeze3A, %mul3A_9 : vector<256xf32>
    %slice3A_11 = vector.extract_strided_slice %get3A_4 {offsets = [1, 0], sizes = [1, 256], strides = [1, 1]} : vector<2x256xf32> to vector<1x256xf32>
    %squeeze3A_12 = vector.shape_cast %slice3A_11 : vector<1x256xf32> to vector<256xf32>
    %mul3A_13 = arith.constant 9.99999974E-5 : f32
    %mul3A_14 = vector.broadcast %mul3A_13 : f32 to vector<256xf32>
    %mul3A_15 = arith.mulf %squeeze3A_12, %mul3A_14 : vector<256xf32>
    %mul3A_16 = arith.mulf %mul3A_10, %mul3A_10 : vector<256xf32>
    %sub3A = arith.subf %mul3A_15, %mul3A_16 : vector<256xf32>
    %add3A = arith.constant 9.99999974E-6 : f32
    %add3A_17 = vector.broadcast %add3A : f32 to vector<256xf32>
    %add3A_18 = arith.addf %sub3A, %add3A_17 : vector<256xf32>
    %rsqrt3A = math.rsqrt %add3A_18 : vector<256xf32>
    %mul3A_19 = arith.mulf %get3A_6, %rsqrt3A : vector<256xf32>
    %mul3A_20 = arith.mulf %mul3A_10, %mul3A_19 : vector<256xf32>
    %sub3A_21 = arith.subf %get3A_8, %mul3A_20 : vector<256xf32>
    %broadcast_in_dim3A = vector.shape_cast %mul3A_19 : vector<256xf32> to vector<1x256xf32>
    %mul3A_22 = vector.broadcast %broadcast_in_dim3A : vector<1x256xf32> to vector<512x256xf32>
    %mul3A_23 = arith.mulf %get3A_1, %mul3A_22 : vector<512x256xf32>
    %broadcast_in_dim3A_24 = vector.shape_cast %sub3A_21 : vector<256xf32> to vector<1x256xf32>
    %add3A_25 = vector.broadcast %broadcast_in_dim3A_24 : vector<1x256xf32> to vector<512x256xf32>
    %add3A_26 = arith.addf %mul3A_23, %add3A_25 : vector<512x256xf32>
    %max3A = arith.constant 0.000000e+00 : f32
    %max3A_27 = vector.broadcast %max3A : f32 to vector<512x256xf32>
    %max3A_28 = arith.maximumf %add3A_26, %max3A_27 : vector<512x256xf32>
    %iota3A = tpu.iota {dimensions = array<i32: 0>} : vector<512x1xi32>
    %mul3A_29 = arith.constant 512 : i32
    %mul3A_30 = arith.muli %arg0, %mul3A_29 : i32
    %add3A_31 = vector.broadcast %mul3A_30 : i32 to vector<512x1xi32>
    %add3A_32 = arith.addi %iota3A, %add3A_31 : vector<512x1xi32>
    %lt3A = arith.constant 10000 : i32
    %lt3A_33 = vector.broadcast %lt3A : i32 to vector<512x1xi32>
    %lt3A_34 = arith.cmpi slt, %add3A_32, %lt3A_33 : vector<512x1xi32>
    %jit3A = arith.constant 0.000000e+00 : f32
    %broadcast_in_dim3A_35 = vector.shape_cast %lt3A_34 : vector<512x1xi1> to vector<512x1xi1>
    %broadcast_in_dim3A_36 = vector.broadcast %broadcast_in_dim3A_35 : vector<512x1xi1> to vector<512x256xi1>
    %broadcast_in_dim3A_37 = vector.broadcast %jit3A : f32 to vector<512x256xf32>
    %select_n3A = arith.select %broadcast_in_dim3A_36, %max3A_28, %broadcast_in_dim3A_37 : vector<512x256xi1>, vector<512x256xf32>
    %get3A_38 = arith.constant 0 : index
    %get3A_39 = arith.constant 0 : index
    %get3A_40 = vector.load %arg6[%get3A_38, %get3A_39] : memref<512x10xf32, #tpu.memory_space<vmem>>, vector<512x10xf32>
    %get3A_41 = arith.constant 0 : index
    %get3A_42 = arith.constant 0 : index
    %get3A_43 = vector.load %arg5[%get3A_41, %get3A_42] : memref<256x10xf32, #tpu.memory_space<vmem>>, vector<256x10xf32>
    %dot_general3A = arith.constant dense<0.000000e+00> : vector<512x10xf32>
    %dot_general3A_44 = tpu.matmul %select_n3A, %get3A_43, %dot_general3A {dimension_numbers = #tpu.dot_dimension_numbers<[1], [0], [0], [1], [0, 0, 1, 1], [], []>, precision = #tpu.contract_precision<fp32>, transpose_lhs_hint = false} : vector<512x256xf32>, vector<256x10xf32>, vector<512x10xf32> -> vector<512x10xf32>
    %add3A_45 = arith.addf %get3A_40, %dot_general3A_44 : vector<512x10xf32>
    %swap3A = arith.constant 0 : index
    %swap3A_46 = arith.constant 0 : index
    %swap3A_47 = vector.load %arg7[%swap3A, %swap3A_46] : memref<512x10xf32, #tpu.memory_space<vmem>>, vector<512x10xf32>
    tpu.vector_store %arg7[%swap3A, %swap3A_46], %add3A_45 {strides = array<i32>} : memref<512x10xf32, #tpu.memory_space<vmem>>, vector<512x10xf32>,
    return
  }
  func.func @transform_0(%arg0: i32) -> (i32, i32) {
    %c0_i32 = arith.constant 0 : i32
    %c0_i32_0 = arith.constant 0 : i32
    return %arg0, %c0_i32 : i32, i32
  }
  func.func @transform_1(%arg0: i32) -> (i32, i32) {
    %c0_i32 = arith.constant 0 : i32
    %c0_i32_0 = arith.constant 0 : i32
    %c0_i32_1 = arith.constant 0 : i32
    return %c0_i32, %c0_i32_0 : i32, i32
  }
  func.func @transform_2(%arg0: i32) -> i32 {
    %c0_i32 = arith.constant 0 : i32
    %c0_i32_0 = arith.constant 0 : i32
    return %c0_i32 : i32
  }
  func.func @transform_3(%arg0: i32) -> i32 {
    %c0_i32 = arith.constant 0 : i32
    %c0_i32_0 = arith.constant 0 : i32
    return %c0_i32 : i32
  }
  func.func @transform_4(%arg0: i32) -> (i32, i32) {
    %c0_i32 = arith.constant 0 : i32
    %c0_i32_0 = arith.constant 0 : i32
    %c0_i32_1 = arith.constant 0 : i32
    return %c0_i32, %c0_i32_0 : i32, i32
  }
  func.func @transform_5(%arg0: i32) -> (i32, i32) {
    %c0_i32 = arith.constant 0 : i32
    %c0_i32_0 = arith.constant 0 : i32
    return %arg0, %c0_i32 : i32, i32
  }
  func.func @transform_6(%arg0: i32) -> (i32, i32) {
    %c0_i32 = arith.constant 0 : i32
    %c0_i32_0 = arith.constant 0 : i32
    return %arg0, %c0_i32 : i32, i32
  }
}

module attributes {stable_mosaic.version = 14 : i64} {
  func.func @_tf_body(%arg0: i32, %arg1: memref<512x10xf32, #tpu.memory_space<vmem>>, %arg2: memref<512xi32, #tpu.memory_space<vmem>>, %arg3: memref<5x10xf32, #tpu.memory_space<vmem>>, %arg4: memref<128x10xf32, #tpu.memory_space<vmem>>) attributes {dimension_semantics = [#tpu.dimension_semantics<arbitrary>], iteration_bounds = array<i64: 20>, scalar_prefetch = 0 : i64, scratch_operands = 0 : i64, tpu.core_type = #tpu.core_type<tc>, window_params = [{transform_indices = @transform_0, window_bounds = array<i64: 512, 10>}, {transform_indices = @transform_1, window_bounds = array<i64: 512>}, {pipeline_mode = #tpu.pipeline_mode<synchronous>, transform_indices = @transform_2, window_bounds = array<i64: 5, 10>}, {pipeline_mode = #tpu.pipeline_mode<synchronous>, transform_indices = @transform_3, window_bounds = array<i64: 128, 10>}]} {
    %iota3A = tpu.iota {dimensions = array<i32: 0>} : vector<128x512xi32>
    %get3A = arith.constant 0 : index
    %get3A_0 = vector.load %arg2[%get3A] : memref<512xi32, #tpu.memory_space<vmem>>, vector<512xi32>
    %broadcast_in_dim3A = vector.shape_cast %get3A_0 : vector<512xi32> to vector<1x512xi32>
    %eq3A = vector.broadcast %broadcast_in_dim3A : vector<1x512xi32> to vector<128x512xi32>
    %eq3A_1 = arith.cmpi eq, %iota3A, %eq3A : vector<128x512xi32>
    %convert_element_type3A = arith.extui %eq3A_1 : vector<128x512xi1> to vector<128x512xi32>
    %convert_element_type3A_2 = arith.sitofp %convert_element_type3A : vector<128x512xi32> to vector<128x512xf32>
    %get3A_3 = arith.constant 0 : index
    %get3A_4 = arith.constant 0 : index
    %get3A_5 = vector.load %arg1[%get3A_3, %get3A_4] : memref<512x10xf32, #tpu.memory_space<vmem>>, vector<512x10xf32>
    %dot_general3A = arith.constant dense<0.000000e+00> : vector<128x10xf32>
    %dot_general3A_6 = tpu.matmul %convert_element_type3A_2, %get3A_5, %dot_general3A {dimension_numbers = #tpu.dot_dimension_numbers<[1], [0], [0], [1], [0, 0, 1, 1], [], []>, precision = #tpu.contract_precision<fp32>, transpose_lhs_hint = false} : vector<128x512xf32>, vector<512x10xf32>, vector<128x10xf32> -> vector<128x10xf32>
    %eq3A_7 = arith.constant 0 : i32
    %eq3A_8 = arith.cmpi eq, %arg0, %eq3A_7 : i32
    %convert_element_type3A_9 = arith.extui %eq3A_8 : i1 to i32
    %cond3A = arith.constant 0 : i32
    %cond3A_10 = arith.cmpi ne, %convert_element_type3A_9, %cond3A : i32
    scf.if %cond3A_10 {
      %broadcast_in_dim3A_21 = arith.constant 0.000000e+00 : f32
      %broadcast_in_dim3A_22 = vector.broadcast %broadcast_in_dim3A_21 : f32 to vector<128x10xf32>
      %swap3A_23 = arith.constant 0 : index
      %swap3A_24 = arith.constant 0 : index
      %swap3A_25 = vector.load %arg4[%swap3A_23, %swap3A_24] : memref<128x10xf32, #tpu.memory_space<vmem>>, vector<128x10xf32>
      tpu.vector_store %arg4[%swap3A_23, %swap3A_24], %broadcast_in_dim3A_22 {strides = array<i32>} : memref<128x10xf32, #tpu.memory_space<vmem>>, vector<128x10xf32>,
    } else {
    }
    %get3A_11 = arith.constant 0 : index
    %get3A_12 = arith.constant 0 : index
    %get3A_13 = vector.load %arg4[%get3A_11, %get3A_12] : memref<128x10xf32, #tpu.memory_space<vmem>>, vector<128x10xf32>
    %add3A = arith.addf %get3A_13, %dot_general3A_6 : vector<128x10xf32>
    %swap3A = arith.constant 0 : index
    %swap3A_14 = arith.constant 0 : index
    %swap3A_15 = vector.load %arg4[%swap3A, %swap3A_14] : memref<128x10xf32, #tpu.memory_space<vmem>>, vector<128x10xf32>
    tpu.vector_store %arg4[%swap3A, %swap3A_14], %add3A {strides = array<i32>} : memref<128x10xf32, #tpu.memory_space<vmem>>, vector<128x10xf32>,
    %eq3A_16 = arith.constant 19 : i32
    %eq3A_17 = arith.cmpi eq, %arg0, %eq3A_16 : i32
    %convert_element_type3A_18 = arith.extui %eq3A_17 : i1 to i32
    %cond3A_19 = arith.constant 0 : i32
    %cond3A_20 = arith.cmpi ne, %convert_element_type3A_18, %cond3A_19 : i32
    scf.if %cond3A_20 {
      %get3A_21 = arith.constant 0 : index
      %get3A_22 = arith.constant 0 : index
      %get3A_23 = vector.load %arg4[%get3A_21, %get3A_22] : memref<128x10xf32, #tpu.memory_space<vmem>>, vector<128x10xf32>
      %get3A_24 = arith.constant 0 : index
      %get3A_25 = arith.constant 0 : index
      %get3A_26 = vector.load %arg3[%get3A_24, %get3A_25] : memref<5x10xf32, #tpu.memory_space<vmem>>, vector<5x10xf32>
      %reduce_sum3A = arith.constant dense<0.000000e+00> : vector<10xf32>
      %reduce_sum3A_27 = vector.multi_reduction <add>, %get3A_26, %reduce_sum3A [0] : vector<5x10xf32> to vector<10xf32>
      %broadcast_in_dim3A_28 = vector.shape_cast %reduce_sum3A_27 : vector<10xf32> to vector<1x10xf32>
      %add3A_29 = vector.broadcast %broadcast_in_dim3A_28 : vector<1x10xf32> to vector<128x10xf32>
      %add3A_30 = arith.addf %get3A_23, %add3A_29 : vector<128x10xf32>
      %reduce_max3A = arith.constant dense<0xFF800000> : vector<128xf32>
      %reduce_max3A_31 = vector.multi_reduction <maximumf>, %add3A_30, %reduce_max3A [1] : vector<128x10xf32> to vector<128xf32>
      %broadcast_in_dim3A_32 = vector.shape_cast %reduce_max3A_31 : vector<128xf32> to vector<128x1xf32>
      %sub3A = vector.broadcast %broadcast_in_dim3A_32 : vector<128x1xf32> to vector<128x10xf32>
      %sub3A_33 = arith.subf %add3A_30, %sub3A : vector<128x10xf32>
      %exp3A = math.exp %sub3A_33 : vector<128x10xf32>
      %reduce_sum3A_34 = arith.constant dense<0.000000e+00> : vector<128xf32>
      %reduce_sum3A_35 = vector.multi_reduction <add>, %exp3A, %reduce_sum3A_34 [1] : vector<128x10xf32> to vector<128xf32>
      %broadcast_in_dim3A_36 = vector.shape_cast %reduce_sum3A_35 : vector<128xf32> to vector<128x1xf32>
      %log3A = math.log %broadcast_in_dim3A_36 : vector<128x1xf32>
      %sub3A_37 = vector.broadcast %broadcast_in_dim3A_32 : vector<128x1xf32> to vector<128x10xf32>
      %sub3A_38 = arith.subf %add3A_30, %sub3A_37 : vector<128x10xf32>
      %sub3A_39 = vector.broadcast %log3A : vector<128x1xf32> to vector<128x10xf32>
      %sub3A_40 = arith.subf %sub3A_38, %sub3A_39 : vector<128x10xf32>
      %swap3A_41 = arith.constant 0 : index
      %swap3A_42 = arith.constant 0 : index
      %swap3A_43 = vector.load %arg4[%swap3A_41, %swap3A_42] : memref<128x10xf32, #tpu.memory_space<vmem>>, vector<128x10xf32>
      tpu.vector_store %arg4[%swap3A_41, %swap3A_42], %sub3A_40 {strides = array<i32>} : memref<128x10xf32, #tpu.memory_space<vmem>>, vector<128x10xf32>,
    } else {
    }
    return
  }
  func.func @transform_0(%arg0: i32) -> (i32, i32) {
    %c0_i32 = arith.constant 0 : i32
    %c0_i32_0 = arith.constant 0 : i32
    return %arg0, %c0_i32 : i32, i32
  }
  func.func @transform_1(%arg0: i32) -> i32 {
    %c0_i32 = arith.constant 0 : i32
    return %arg0 : i32
  }
  func.func @transform_2(%arg0: i32) -> (i32, i32) {
    %c0_i32 = arith.constant 0 : i32
    %c0_i32_0 = arith.constant 0 : i32
    %c0_i32_1 = arith.constant 0 : i32
    return %c0_i32, %c0_i32_0 : i32, i32
  }
  func.func @transform_3(%arg0: i32) -> (i32, i32) {
    %c0_i32 = arith.constant 0 : i32
    %c0_i32_0 = arith.constant 0 : i32
    %c0_i32_1 = arith.constant 0 : i32
    return %c0_i32, %c0_i32_0 : i32, i32
  }
}

</mosaic_0001>

<sc_bundles>
// kernel: kernel.18.cloned.1.call-start
scs
__scs_entry_jumppad:
0x0: {  	(pc) =	sbr.rel $0x88, $3  }
0x1: {  	(tag) =	ssettag $0x0;
	lr =	simm.s32 $0x1  }
0x2: {  	[smem:$0x3F98] =	sst lr;
	_ =	strace $0xD0000000  }
0x3: {  	_ = 	snop  }
0x4: {  	_ = 	snop  }
0x5: {  	_ = 	snop  }
0x6: {  	_ = 	snop  }
0x7: {  	_ = 	snop  }
__scs_overlays_trampoline_lowered:
0x8: {  	[smem:$0x3FA7] =	sst s0  }
0x9: {  	[smem:$0x3FA8] =	sst s1  }
0xa: {  	[smem:$0x3FA9] =	sst s2  }
0xb: {  	[smem:$0x3FAA] =	sst s3  }
0xc: {  	[smem:$0x3FAB] =	sst s4  }
0xd: {  	[smem:$0x3FAC] =	sst s5  }
0xe: {  	[smem:$0x3FAD] =	sst s6  }
0xf: {  	[smem:$0x3FAE] =	sst s7  }
0x10: {  	[smem:$0x3FAF] =	sst s8  }
0x11: {  	[smem:$0x3FB0] =	sst s9;
	s0 =	simm.s32 @!p0 $0x0  }
0x12: {  	s1 =	sld [smem:$0x3F96];
	s0 =	simm.s32 @p0 $0x1  }
0x13: {  	[smem:$0x3FB1] =	sst s0;
	s0 =	simm.s32 @!p1 $0x0  }
0x14: {  	s2 =	sld [smem:$0x3F95];
	s0 =	simm.s32 @p1 $0x1  }
0x15: {  	[smem:$0x3FB2] =	sst s0;
	s0 =	simm.s32 @!p2 $0x0  }
0x16: {  	s3 =	sld [smem:$0x3FDB];
	s0 =	simm.s32 @p2 $0x1  }
0x17: {  	s4 =	simm.s32 $0x1BF5;
	[smem:$0x3FB4] =	sst s0  }
0x18: {  	s0 =	sld [smem:$0x3F97];
	_ =	swait.ge [sflag:s4], $0x0  }
0x19: {  	s7 =	sld [smem:$0x3F98]  }
0x1a: {  	s8 =	sadd.s32 $0xFFFFE003, lr  }
0x1b: {  	s9 =	sadd.s32 $0xFFFFFEF7, lr;
	s5 =	simm.s32 $0xFFFFFFFF;
	p2 =	slt.u32 s8, $0xFFFFF086  }
0x1c: {  	p1 =	slt.u32 s9, $0xF7A;
	s5 =	simm.s32 @!p2 $0x0  }
0x1d: {  	s5 =	simm.s32 @p1 $0x1;
	p0 =	seq.s32 s7, s2  }
0x1e: {  	s7 =	smul.u32 @!p0 $0xF7A, s2;
	p2 =	seq.s32 @!p0 s5, $0x0  }
0x1f: {  	s9 =	smul.u32 $0xF7A, s1;
	s8 =	simm.s32 @!p0 $0x1BF5;
	p2 =	por !p2, p0  }
0x20: {  	[sflag:s8] =	ssyncset.s32 @!p0 $0xFFFFF086;
	s6 =	sadd.s32 @!p0 s3, s7;
	s7 =	simm.s32 @!p0 $0x108  }
0x21: {  	s3 =	sadd.s32 s3, s9;
	s6 =	sadd.s32 @!p0 $0x88, s6;
	s7 =	simm.s32 @p2 $0x1082  }
0x22: {  	[simem:s7], [sflag:s8] =	dma.local @!p0 [hbm:s6], $0xF7A  }
0x23: {  	s9 =	sor.u32 $0xD0000000, s2;
	s6 =	simm.s32 $0x108;
	_ =	swait.ge @!p0 [sflag:s8], $0x0  }
0x24: {  	s3 =	sadd.s32 $0x88, s3;
	s6 =	simm.s32 @!p1 $0x1082;
	[sflag:s4] =	ssyncset.s32 $0xFFFFF086  }
0x25: {  	[simem:s6], [sflag:s4] =	dma.local [hbm:s3], $0xF7A  }
0x26: {  	[smem:$0x3F98] =	sst s1;
	(tag) =	ssettag s2;
	_ =	strace s9  }
0x27: {  	s1 =	sld [smem:$0x3FA8]  }
0x28: {  	s2 =	sld [smem:$0x3FA9]  }
0x29: {  	s4 =	sld [smem:$0x3FAB]  }
0x2a: {  	p0 =	seq.s32 s5, $0x0;
	s5 =	sld [smem:$0x3FAC]  }
0x2b: {  	s6 =	sld [smem:$0x3FAD]  }
0x2c: {  	s7 =	sld [smem:$0x3FAE]  }
0x2d: {  	s3 =	simm.s32 $0x108;
	s8 =	sld [smem:$0x3FAF]  }
0x2e: {  	s3 =	simm.s32 @!p0 $0x1082;
	s9 =	sld [smem:$0x3FB0]  }
0x2f: {  	lr =	sadd.s32 s0, s3;
	s0 =	sld [smem:$0x3FA7]  }
0x30: {  	s3 =	sld [smem:$0x3FAA]  }
0x31: {  	[smem:$0x3FB3] =	sst s10  }
0x32: {  	s10 =	sld [smem:$0x3FB1];
	_ =	sdelay $0x3  }
0x33: {  	p0 =	seq.s32 s10, $0x1;
	s10 =	sld [smem:$0x3FB3];
	_ =	sdelay $0x3  }
0x34: {  	[smem:$0x3FB3] =	sst s10  }
0x35: {  	s10 =	sld [smem:$0x3FB2];
	_ =	sdelay $0x3  }
0x36: {  	p1 =	seq.s32 s10, $0x1;
	s10 =	sld [smem:$0x3FB3];
	_ =	sdelay $0x3  }
0x37: {  	[smem:$0x3FB3] =	sst s10  }
0x38: {  	s10 =	sld [smem:$0x3FB4]  }
0x39: {  	_ = 	snop;
	(pc) =	sbr.ind lr, $3  }
0x3a: {  	_ = 	snop  }
0x3b: {  	_ = 	snop  }
0x3c: {  	p2 =	seq.s32 s10, $0x1;
	s10 =	sld [smem:$0x3FB3]  }
0x3d: {  	_ =	shalt  }
0x3e: {  	_ =	shalt  }
0x3f: {  	_ =	shalt  }
0x40: {  	_ =	shalt  }
0x41: {  	_ =	shalt  }
0x42: {  	_ =	shalt  }
0x43: {  	_ =	shalt  }
0x44: {  	_ =	shalt  }
0x45: {  	_ =	shalt  }
0x46: {  	_ =	shalt  }
0x47: {  	_ =	shalt  }
0x48: {  	_ =	shalt  }
0x49: {  	_ =	shalt  }
0x4a: {  	_ =	shalt  }
0x4b: {  	_ =	shalt  }
0x4c: {  	_ =	shalt  }
0x4d: {  	_ =	shalt  }
0x4e: {  	_ =	shalt  }
0x4f: {  	_ =	shalt  }
0x50: {  	_ =	shalt  }
0x51: {  	_ =	shalt  }
0x52: {  	_ =	shalt  }
0x53: {  	_ =	shalt  }
0x54: {  	_ =	shalt  }
0x55: {  	_ =	shalt  }
0x56: {  	_ =	shalt  }
0x57: {  	_ =	shalt  }
0x58: {  	_ =	shalt  }
0x59: {  	_ =	shalt  }
0x5a: {  	_ =	shalt  }
0x5b: {  	_ =	shalt  }
0x5c: {  	_ =	shalt  }
0x5d: {  	_ =	shalt  }
0x5e: {  	_ =	shalt  }
0x5f: {  	_ =	shalt  }
0x60: {  	_ =	shalt  }
0x61: {  	_ =	shalt  }
0x62: {  	_ =	shalt  }
0x63: {  	_ =	shalt  }
0x64: {  	_ =	shalt  }
0x65: {  	_ =	shalt  }
0x66: {  	_ =	shalt  }
0x67: {  	_ =	shalt  }
0x68: {  	_ =	shalt  }
0x69: {  	_ =	shalt  }
0x6a: {  	_ =	shalt  }
0x6b: {  	_ =	shalt  }
0x6c: {  	_ =	shalt  }
0x6d: {  	_ =	shalt  }
0x6e: {  	_ =	shalt  }
0x6f: {  	_ =	shalt  }
0x70: {  	_ =	shalt  }
0x71: {  	_ =	shalt  }
0x72: {  	_ =	shalt  }
0x73: {  	_ =	shalt  }
0x74: {  	_ =	shalt  }
0x75: {  	_ =	shalt  }
0x76: {  	_ =	shalt  }
0x77: {  	_ =	shalt  }
0x78: {  	_ =	shalt  }
0x79: {  	_ =	shalt  }
0x7a: {  	_ =	shalt  }
0x7b: {  	_ =	shalt  }
0x7c: {  	_ =	shalt  }
0x7d: {  	_ =	shalt  }
0x7e: {  	_ =	shalt  }
0x7f: {  	_ =	shalt  }
0x80: {  	_ =	shalt  }
0x81: {  	_ =	shalt  }
0x82: {  	_ =	shalt  }
0x83: {  	_ =	shalt  }
0x84: {  	_ =	shalt  }
0x85: {  	_ =	shalt  }
0x86: {  	_ =	shalt  }
0x87: {  	_ =	shalt  }
.Lfunc_end0:
.L_simem_size_0:
called_computation_lowered:
.L_overlay_start_0:
0x88: {  	s2 =	sld [smem:$0x3FD9]  }
0x89: {  	s3 =	sld [smem:$0x3FFE];
	_ =	sdelay $0x1  }
0x8a: {  	s1 =	srdreg.scid  }
0x8b: {  	s0 =	sand.u32 $0x1, s1  }
0x8c: {  	s16 =	sshll.u32 s0, $0xA;
	s2 =	sadd.s32 s3, s2  }
0x8d: {  	s2 =	sadd.s32 s2, s16  }
0x8e: {  	[smem:$0x3FBF] =	sst s2  }
0x8f: {  	_ = 	snop  }
0x90: {  	(tm) =	ssettm $0x1  }
0x91: {  	s17 =	sld [smem:$0x3FFB];
	_ =	sdelay $0x3  }
0x92: {  	_ =	strace s17  }
0x93: {  	s2 =	sld [smem:$0x3FFC];
	_ =	sdelay $0x3  }
0x94: {  	_ =	strace s2  }
0x95: {  	s2 =	sld [smem:$0x3FFD];
	_ =	sdelay $0x3  }
0x96: {  	_ =	strace s2  }
0x97: {  	_ =	strace $0x8FFFFFFF  }
0x98: {  	s18 =	sld [smem:$0x3FDB];
	_ =	sdelay $0x1  }
0x99: {  	s19 =	simm.s32 $_scs_section_size  }
0x9a: {  	s4 =	simm.s32 $_size__tile_overlayer_lowered;
	s5 =	simm.s32 $_tile_overlayer_lowered  }
0x9b: {  	s22 =	simm.s32 $0x1BFF;
	s21 =	sshll.u32 s5, $0x1;
	s2 =	sadd.s32 s19, s18  }
0x9c: {  	s6 =	simm.s32 $0x0;
	s20 =	sshll.u32 s4, $0x1;
	s4 =	sadd.s32 s21, s2  }
0x9d: {  	[timem:s6], [sflag:s22] =	dma.local [hbm:s4], s20  }
0x9e: {  	_ =	swait.ge [sflag:s22], s20  }
0x9f: {  	s3 =	ssub.s32 $0x0, s20;
	[sflag:s22] =	ssyncset.done $0x0  }
0xa0: {  	[sflag:s22] =	ssyncadd.s32 s3;
	_ =	sdelay $0x1  }
0xa1: {  	s23 =	simm.s32 $0x1B8B  }
0xa2: {  	_ =	swait.ge [sflag:s23], $0x1  }
0xa3: {  	[sflag:s23] =	ssyncset.done $0x0  }
0xa4: {  	s25 =	simm.s32 $0x1B8E;
	s24 =	sld [smem:$0x3FFE];
	[sflag:s23] =	ssyncadd.s32 $0xFFFFFFFF  }
0xa5: {  	s26 =	simm.s32 $execute0_lowered;
	[smem:$0x3FD2] =	sst s25  }
0xa6: {  	s4 =	sshll.u32 s26, $0x1;
	_ =	strace $0x80000046;
	[dreg:$0x1] =	wrdreg $0xFFFFFFFF  }
0xa7: {  	s28 =	simm.s32 $_size_execute0_lowered;
	s2 =	sadd.s32 s2, s4;
	[dreg:$0x0] =	wrdreg $0x0  }
0xa8: {  	s4 =	sshll.u32 s28, $0x1;
	[dreg:$0x2] =	wrdreg s2  }
0xa9: {  	[dreg:$0x3] =	wrdreg s4  }
0xaa: {  	[dreg:$0x4] =	wrdreg $0xC0  }
0xab: {  	_ =	task [dreg:s6], $0x5FFFF  }
0xac: {  	[dreg:$0x1] =	wrdreg $0xFFFFFFFF  }
0xad: {  	[dreg:$0x0] =	wrdreg $0x60  }
0xae: {  	[dreg:$0x2] =	wrdreg s24  }
0xaf: {  	[dreg:$0x3] =	wrdreg $0x54000  }
0xb0: {  	[dreg:$0x4] =	wrdreg $0x9  }
0xb1: {  	_ =	task.clear_ibuf [dreg:s6], $0x5FFFF;
	_ =	strace $0x90000046  }
0xb2: {  	s29 =	simm.s32 $0x9;
	_ =	strace $0x80000048  }
0xb3: {  	_ =	swait.ge [sflag:s29], $0x1  }
0xb4: {  	[sflag:s29] =	ssyncadd.s32 $0xFFFFFFFF  }
0xb5: {  	_ =	strace $0x90000048  }
0xb6: {  	_ =	sfence  }
0xb7: {  	s30 =	sld [smem:$0x0];
	_ =	sdelay $0x2  }
0xb8: {  	s31 =	sshll.u32 s1, $0xD;
	s1 =	sshrl.u32 s1, $0x2  }
0xb9: {  	s3 =	sand.u32 $0x4000, s31;
	s1 =	sadd.s32 s1, s30  }
0xba: {  	s0 =	sor.u32 s3, s0;
	s1 =	sshll.u32 s1, $0x11  }
0xbb: {  	s0 =	sor.u32 s1, s0  }
0xbc: {  	s0 =	sadd.s32 $0x8F2B, s0  }
0xbd: {  	[sflag:s0] =	ssyncadd.remote.s32 $0x1  }
0xbe: {  	_ =	sfence.sel $0xFFFF  }
0xbf: {  	[dreg:$0x0] =	wrdreg $0xFFFFFFFF;
	(pc) =	sbr.abs _section_cstart, $3  }
0xc0: {  	[dreg:$0x1] =	wrdreg $0xFFFFFFFF  }
0xc1: {  	_ =	task.clear_ibuf [dreg:s6], $0x2FFFF;
	_ =	strace $0x9FFFFFFF  }
0xc2: {  	(tm) =	ssettm $0x7FFFFFFF  }
0xc3: {  	_ =	shalt  }
tec
execute0_lowered:
.L_overlay_start_1:
0x0: {  	(tag) =	ssettag $0x1  }
0x1: {  	s9 =	rddreg [dreg:$0x0]  }
0x2: {  	s0 =	srdreg.scid;
	s2 =	rddreg [dreg:$0x1]  }
0x3: {  	s3 =	simm.s32 $0x0;
	s12 =	simm.s32 $0x38000;
	s13 =	simm.s32 $0x80  }
0x4: {  	s14 =	simm.s32 $0x0;
	s6 =	sand.u32 $0x1, s0;
	s0 =	stileid.u32  }
0x5: {  	[smem:$0x7FF] =	sst s3;
	s1 =	sshll.u32 s6, $0x4;
	s5 =	smul.u32 $0x50000, s0  }
0x6: {  	s8 =	ssub.s32 $0x2, s6;
	s30 =	sshll.u32 s0, $0x6;
	p0 =	seq.s32 s6, $0x1  }
0x7: {  	s31 =	smul.u32 $0x2800, s0;
	s4 =	sor.u32 s0, s1;
	s1 =	rddreg [dreg:$0x2]  }
0x8: {  	_ =	strace $0x80000047;
	s10 =	sshrl.u32 s8, $0x1;
	s6 =	sor.u32 $0x1C01, s30  }
0x9: {  	s12 =	simm.s32 @!p0 $0x10000;
	s4 =	smul.u32 $0x280, s4;
	s11 =	sshrl.u32 s5, $0x2  }
0xa: {  	s5 =	sadd.s32 $0xD000, s9;
	s8 =	ssub.s32 s8, s10;
	s29 =	sadd.s32 s11, s2  }
0xb: {  	s8 =	smax.u32 s8, $0x1;
	s11 =	simm.s32 $0x1;
	s7 =	sadd.s32 s4, s9  }
0xc: {  	s4 =	sadd.s32 $0xF800, s9;
	s9 =	sadd.s32 s12, s9;
	s10 =	sshrl.u32 s29, $0x3  }
0xd: {  	s12 =	simm.s32 $0x1400;
	s7 =	sadd.s32 $0x8000, s7;
	s9 =	sadd.s32 s9, s31  }
.LBB2_1:
0xe: {  	[spmem:s10], [sflag:s6] =	dma.local [hbm:s5], $0x2800  }
0xf: {  	_ =	swait.ge [sflag:s11], $0x2800  }
0x10: {  	[sflag:s11] =	ssyncset.done $0x0  }
0x11: {  	[sflag:s11] =	ssyncadd.s32 $0xFFFFD800  }
0x12: {  	[tilespmem:s3], [sflag:$0x1] =	stream.linear.gather [hbm4b:s7+s3], $0x1400, $0x38;
	[tilespmem:$0x19400] =	vst v63  }
0x13: {  	_ =	swait.ge [sflag:s11], $0x1400  }
0x14: {  	[sflag:s11] =	ssyncset.done $0x0  }
0x15: {  	[sflag:s11] =	ssyncadd.s32 $0xFFFFEC00  }
0x16: {  	[tilespmem:s12], [sflag:$0x1] =	stream.linear.gather [hbm4b:s4+s3], $0x4000, $0x38;
	[tilespmem:$0x19400] =	vst v63  }
0x17: {  	_ =	swait.ge [sflag:s11], $0x4000  }
0x18: {  	[sflag:s11] =	ssyncset.done $0x0  }
0x19: {  	[sflag:s11] =	ssyncadd.s32 $0xFFFFC000  }
0x1a: {  	s15 =	simm.s32 $0x0;
	[bflag:$0x0] =	sbarrier.arrive $0xFFFF  }
0x1b: {  	[spmem:s2] =	stream.indirect.scatter.add.f32 [tilespmem:s12], [sflag:$0x1], $0x80, s15, s13, $0xb8;
	[tilespmem:$0x19400] =	vst v63  }
0x1c: {  	_ =	swait.ge [sflag:s11], $0x4000  }
0x1d: {  	s15 =	simm.s32 $0x200;
	[sflag:s11] =	ssyncset.done $0x0  }
.LBB2_2:
0x1e: {  	s16 =	sshra.s32 s15, $0x2;
	[sflag:s11] =	ssyncadd.s32 $0xFFFFC000;
	p0 =	sne.s32 s15, $0x4E00  }
0x1f: {  	[spmem:s2] =	stream.indirect.scatter.add.f32 [tilespmem:s12], [sflag:$0x1], $0x80, s16, s13, $0xb8;
	[tilespmem:$0x19400] =	vst v63  }
.Ltmp0:
0x20: {  	_ = 	snop;
	(pc) =	sbr.rel @p0 .LBB2_2-.Ltmp0, $4  }
0x21: {  	_ = 	snop  }
0x22: {  	s15 =	sadd.s32 $0x200, s15  }
0x23: {  	_ =	swait.ge [sflag:s11], $0x4000  }
0x24: {  	[sflag:s11] =	ssyncset.done $0x0  }
0x25: {  	s14 =	sadd.s32 $0x1, s14  }
0x26: {  	[sflag:s11] =	ssyncadd.s32 $0xFFFFC000;
	p0 =	sne.s32 s14, s8  }
.Ltmp1:
0x27: {  	[bflag:$0x0] =	sbarrier.arrive $0xFFFF;
	(pc) =	sbr.rel @p0 .LBB2_1-.Ltmp1, $4  }
0x28: {  	[hbm:s9], [sflag:s6] =	dma.local [spmem:s10], $0x2800  }
0x29: {  	_ =	swait.ge [sflag:s11], $0x2800  }
0x2a: {  	[sflag:s11] =	ssyncset.done $0x0  }
0x2b: {  	[sflag:s11] =	ssyncadd.s32 $0xFFFFD800  }
0x2c: {  	_ =	sfence.sel $0x180000  }
0x2d: {  	[bflag:$0x0] =	sbarrier.arrive $0xFFFF  }
0x2e: {  	p0 =	sne.s32 s0, $0x0;
	_ =	strace $0x90000047  }
0x2f: {  	s0 =	sadd.s32 @!p0 $0x100000, s1;
	[bflag:$0x2] =	sbarrier.arrive $0xFFFF  }
0x30: {  	[sflag:s0] =	ssyncadd.tile.s32 @!p0 $0x1;
	_ =	shalt  }
.Lfunc_end2:
_tile_overlayer_lowered:
.L_overlay_start_2:
0x31: {  	(tag) =	ssettag $0x2  }
0x32: {  	s0 =	rddreg [dreg:$0x0];
	s2 =	stileid.u32  }
0x33: {  	s1 =	rddreg [dreg:$0x1];
	p0 =	sne.s32 s2, $0x0  }
0x34: {  	s3 =	rddreg [dreg:$0x2];
	[bflag:$0x3] =	sbarrier.arrive $0xFFFF;
	s2 =	simm.s32 @!p0 $0x1C01  }
0x35: {  	[timem:s3], [sflag:s2] =	dma.local @!p0 [hbm:s0], s1  }
0x36: {  	s0 =	simm.s32 @!p0 $0x1  }
0x37: {  	_ =	swait.ge @!p0 [sflag:s0], s1  }
0x38: {  	s1 =	ssub.s32 @!p0 $0x0, s1;
	[sflag:s0] =	ssyncset.done @!p0 $0x0  }
0x39: {  	[sflag:s0] =	ssyncadd.s32 @!p0 s1  }
0x3a: {  	[bflag:$0x3] =	sbarrier.arrive $0xFFFF  }
0x3b: {  	_ =	shalt  }

// kernel: kernel.21.cloned.1.call-start
scs
__scs_entry_jumppad:
0x0: {  	(pc) =	sbr.rel $0x88, $3  }
0x1: {  	(tag) =	ssettag $0x0;
	lr =	simm.s32 $0x1  }
0x2: {  	[smem:$0x3F98] =	sst lr;
	_ =	strace $0xD0000000  }
0x3: {  	_ = 	snop  }
0x4: {  	_ = 	snop  }
0x5: {  	_ = 	snop  }
0x6: {  	_ = 	snop  }
0x7: {  	_ = 	snop  }
__scs_overlays_trampoline_lowered:
0x8: {  	[smem:$0x3FA7] =	sst s0  }
0x9: {  	[smem:$0x3FA8] =	sst s1  }
0xa: {  	[smem:$0x3FA9] =	sst s2  }
0xb: {  	[smem:$0x3FAA] =	sst s3  }
0xc: {  	[smem:$0x3FAB] =	sst s4  }
0xd: {  	[smem:$0x3FAC] =	sst s5  }
0xe: {  	[smem:$0x3FAD] =	sst s6  }
0xf: {  	[smem:$0x3FAE] =	sst s7  }
0x10: {  	[smem:$0x3FAF] =	sst s8  }
0x11: {  	[smem:$0x3FB0] =	sst s9;
	s0 =	simm.s32 @!p0 $0x0  }
0x12: {  	s1 =	sld [smem:$0x3F96];
	s0 =	simm.s32 @p0 $0x1  }
0x13: {  	[smem:$0x3FB1] =	sst s0;
	s0 =	simm.s32 @!p1 $0x0  }
0x14: {  	s2 =	sld [smem:$0x3F95];
	s0 =	simm.s32 @p1 $0x1  }
0x15: {  	[smem:$0x3FB2] =	sst s0;
	s0 =	simm.s32 @!p2 $0x0  }
0x16: {  	s3 =	sld [smem:$0x3FDB];
	s0 =	simm.s32 @p2 $0x1  }
0x17: {  	s4 =	simm.s32 $0x1BF5;
	[smem:$0x3FB4] =	sst s0  }
0x18: {  	s0 =	sld [smem:$0x3F97];
	_ =	swait.ge [sflag:s4], $0x0  }
0x19: {  	s7 =	sld [smem:$0x3F98]  }
0x1a: {  	s8 =	sadd.s32 $0xFFFFE003, lr  }
0x1b: {  	s9 =	sadd.s32 $0xFFFFFEF7, lr;
	s5 =	simm.s32 $0xFFFFFFFF;
	p2 =	slt.u32 s8, $0xFFFFF086  }
0x1c: {  	p1 =	slt.u32 s9, $0xF7A;
	s5 =	simm.s32 @!p2 $0x0  }
0x1d: {  	s5 =	simm.s32 @p1 $0x1;
	p0 =	seq.s32 s7, s2  }
0x1e: {  	s7 =	smul.u32 @!p0 $0xF7A, s2;
	p2 =	seq.s32 @!p0 s5, $0x0  }
0x1f: {  	s9 =	smul.u32 $0xF7A, s1;
	s8 =	simm.s32 @!p0 $0x1BF5;
	p2 =	por !p2, p0  }
0x20: {  	[sflag:s8] =	ssyncset.s32 @!p0 $0xFFFFF086;
	s6 =	sadd.s32 @!p0 s3, s7;
	s7 =	simm.s32 @!p0 $0x108  }
0x21: {  	s3 =	sadd.s32 s3, s9;
	s6 =	sadd.s32 @!p0 $0x88, s6;
	s7 =	simm.s32 @p2 $0x1082  }
0x22: {  	[simem:s7], [sflag:s8] =	dma.local @!p0 [hbm:s6], $0xF7A  }
0x23: {  	s9 =	sor.u32 $0xD0000000, s2;
	s6 =	simm.s32 $0x108;
	_ =	swait.ge @!p0 [sflag:s8], $0x0  }
0x24: {  	s3 =	sadd.s32 $0x88, s3;
	s6 =	simm.s32 @!p1 $0x1082;
	[sflag:s4] =	ssyncset.s32 $0xFFFFF086  }
0x25: {  	[simem:s6], [sflag:s4] =	dma.local [hbm:s3], $0xF7A  }
0x26: {  	[smem:$0x3F98] =	sst s1;
	(tag) =	ssettag s2;
	_ =	strace s9  }
0x27: {  	s1 =	sld [smem:$0x3FA8]  }
0x28: {  	s2 =	sld [smem:$0x3FA9]  }
0x29: {  	s4 =	sld [smem:$0x3FAB]  }
0x2a: {  	p0 =	seq.s32 s5, $0x0;
	s5 =	sld [smem:$0x3FAC]  }
0x2b: {  	s6 =	sld [smem:$0x3FAD]  }
0x2c: {  	s7 =	sld [smem:$0x3FAE]  }
0x2d: {  	s3 =	simm.s32 $0x108;
	s8 =	sld [smem:$0x3FAF]  }
0x2e: {  	s3 =	simm.s32 @!p0 $0x1082;
	s9 =	sld [smem:$0x3FB0]  }
0x2f: {  	lr =	sadd.s32 s0, s3;
	s0 =	sld [smem:$0x3FA7]  }
0x30: {  	s3 =	sld [smem:$0x3FAA]  }
0x31: {  	[smem:$0x3FB3] =	sst s10  }
0x32: {  	s10 =	sld [smem:$0x3FB1];
	_ =	sdelay $0x3  }
0x33: {  	p0 =	seq.s32 s10, $0x1;
	s10 =	sld [smem:$0x3FB3];
	_ =	sdelay $0x3  }
0x34: {  	[smem:$0x3FB3] =	sst s10  }
0x35: {  	s10 =	sld [smem:$0x3FB2];
	_ =	sdelay $0x3  }
0x36: {  	p1 =	seq.s32 s10, $0x1;
	s10 =	sld [smem:$0x3FB3];
	_ =	sdelay $0x3  }
0x37: {  	[smem:$0x3FB3] =	sst s10  }
0x38: {  	s10 =	sld [smem:$0x3FB4]  }
0x39: {  	_ = 	snop;
	(pc) =	sbr.ind lr, $3  }
0x3a: {  	_ = 	snop  }
0x3b: {  	_ = 	snop  }
0x3c: {  	p2 =	seq.s32 s10, $0x1;
	s10 =	sld [smem:$0x3FB3]  }
0x3d: {  	_ =	shalt  }
0x3e: {  	_ =	shalt  }
0x3f: {  	_ =	shalt  }
0x40: {  	_ =	shalt  }
0x41: {  	_ =	shalt  }
0x42: {  	_ =	shalt  }
0x43: {  	_ =	shalt  }
0x44: {  	_ =	shalt  }
0x45: {  	_ =	shalt  }
0x46: {  	_ =	shalt  }
0x47: {  	_ =	shalt  }
0x48: {  	_ =	shalt  }
0x49: {  	_ =	shalt  }
0x4a: {  	_ =	shalt  }
0x4b: {  	_ =	shalt  }
0x4c: {  	_ =	shalt  }
0x4d: {  	_ =	shalt  }
0x4e: {  	_ =	shalt  }
0x4f: {  	_ =	shalt  }
0x50: {  	_ =	shalt  }
0x51: {  	_ =	shalt  }
0x52: {  	_ =	shalt  }
0x53: {  	_ =	shalt  }
0x54: {  	_ =	shalt  }
0x55: {  	_ =	shalt  }
0x56: {  	_ =	shalt  }
0x57: {  	_ =	shalt  }
0x58: {  	_ =	shalt  }
0x59: {  	_ =	shalt  }
0x5a: {  	_ =	shalt  }
0x5b: {  	_ =	shalt  }
0x5c: {  	_ =	shalt  }
0x5d: {  	_ =	shalt  }
0x5e: {  	_ =	shalt  }
0x5f: {  	_ =	shalt  }
0x60: {  	_ =	shalt  }
0x61: {  	_ =	shalt  }
0x62: {  	_ =	shalt  }
0x63: {  	_ =	shalt  }
0x64: {  	_ =	shalt  }
0x65: {  	_ =	shalt  }
0x66: {  	_ =	shalt  }
0x67: {  	_ =	shalt  }
0x68: {  	_ =	shalt  }
0x69: {  	_ =	shalt  }
0x6a: {  	_ =	shalt  }
0x6b: {  	_ =	shalt  }
0x6c: {  	_ =	shalt  }
0x6d: {  	_ =	shalt  }
0x6e: {  	_ =	shalt  }
0x6f: {  	_ =	shalt  }
0x70: {  	_ =	shalt  }
0x71: {  	_ =	shalt  }
0x72: {  	_ =	shalt  }
0x73: {  	_ =	shalt  }
0x74: {  	_ =	shalt  }
0x75: {  	_ =	shalt  }
0x76: {  	_ =	shalt  }
0x77: {  	_ =	shalt  }
0x78: {  	_ =	shalt  }
0x79: {  	_ =	shalt  }
0x7a: {  	_ =	shalt  }
0x7b: {  	_ =	shalt  }
0x7c: {  	_ =	shalt  }
0x7d: {  	_ =	shalt  }
0x7e: {  	_ =	shalt  }
0x7f: {  	_ =	shalt  }
0x80: {  	_ =	shalt  }
0x81: {  	_ =	shalt  }
0x82: {  	_ =	shalt  }
0x83: {  	_ =	shalt  }
0x84: {  	_ =	shalt  }
0x85: {  	_ =	shalt  }
0x86: {  	_ =	shalt  }
0x87: {  	_ =	shalt  }
.Lfunc_end0:
.L_simem_size_0:
called_computation.1_lowered:
.L_overlay_start_0:
0x88: {  	s2 =	sld [smem:$0x3FD9]  }
0x89: {  	s3 =	sld [smem:$0x3FFE];
	_ =	sdelay $0x1  }
0x8a: {  	s1 =	srdreg.scid  }
0x8b: {  	s0 =	sand.u32 $0x1, s1  }
0x8c: {  	s16 =	sshll.u32 s0, $0xA;
	s2 =	sadd.s32 s3, s2  }
0x8d: {  	s2 =	sadd.s32 s2, s16  }
0x8e: {  	[smem:$0x3FBF] =	sst s2  }
0x8f: {  	_ = 	snop  }
0x90: {  	(tm) =	ssettm $0x1  }
0x91: {  	s17 =	sld [smem:$0x3FFB];
	_ =	sdelay $0x3  }
0x92: {  	_ =	strace s17  }
0x93: {  	s2 =	sld [smem:$0x3FFC];
	_ =	sdelay $0x3  }
0x94: {  	_ =	strace s2  }
0x95: {  	s2 =	sld [smem:$0x3FFD];
	_ =	sdelay $0x3  }
0x96: {  	_ =	strace s2  }
0x97: {  	_ =	strace $0x8FFFFFFF  }
0x98: {  	s18 =	sld [smem:$0x3FDB];
	_ =	sdelay $0x1  }
0x99: {  	s19 =	simm.s32 $_scs_section_size  }
0x9a: {  	s4 =	simm.s32 $_size__tile_overlayer_lowered;
	s5 =	simm.s32 $_tile_overlayer_lowered  }
0x9b: {  	s22 =	simm.s32 $0x1BFF;
	s21 =	sshll.u32 s5, $0x1;
	s2 =	sadd.s32 s19, s18  }
0x9c: {  	s6 =	simm.s32 $0x0;
	s20 =	sshll.u32 s4, $0x1;
	s4 =	sadd.s32 s21, s2  }
0x9d: {  	[timem:s6], [sflag:s22] =	dma.local [hbm:s4], s20  }
0x9e: {  	_ =	swait.ge [sflag:s22], s20  }
0x9f: {  	s3 =	ssub.s32 $0x0, s20;
	[sflag:s22] =	ssyncset.done $0x0  }
0xa0: {  	[sflag:s22] =	ssyncadd.s32 s3;
	_ =	sdelay $0x1  }
0xa1: {  	s23 =	simm.s32 $0x1B8B  }
0xa2: {  	_ =	swait.ge [sflag:s23], $0x1  }
0xa3: {  	[sflag:s23] =	ssyncset.done $0x0  }
0xa4: {  	s25 =	simm.s32 $0x1B8E;
	s24 =	sld [smem:$0x3FFE];
	[sflag:s23] =	ssyncadd.s32 $0xFFFFFFFF  }
0xa5: {  	s26 =	simm.s32 $execute0_lowered;
	[smem:$0x3FD2] =	sst s25  }
0xa6: {  	s4 =	sshll.u32 s26, $0x1;
	_ =	strace $0x80000049;
	[dreg:$0x1] =	wrdreg $0xFFFFFFFF  }
0xa7: {  	s28 =	simm.s32 $_size_execute0_lowered;
	s2 =	sadd.s32 s2, s4;
	[dreg:$0x0] =	wrdreg $0x0  }
0xa8: {  	s4 =	sshll.u32 s28, $0x1;
	[dreg:$0x2] =	wrdreg s2  }
0xa9: {  	[dreg:$0x3] =	wrdreg s4  }
0xaa: {  	[dreg:$0x4] =	wrdreg $0xC0  }
0xab: {  	_ =	task [dreg:s6], $0x5FFFF  }
0xac: {  	[dreg:$0x1] =	wrdreg $0xFFFFFFFF  }
0xad: {  	[dreg:$0x0] =	wrdreg $0x60  }
0xae: {  	[dreg:$0x2] =	wrdreg s24  }
0xaf: {  	[dreg:$0x3] =	wrdreg $0xB0000  }
0xb0: {  	[dreg:$0x4] =	wrdreg $0x9  }
0xb1: {  	_ =	task.clear_ibuf [dreg:s6], $0x5FFFF;
	_ =	strace $0x90000049  }
0xb2: {  	s29 =	simm.s32 $0x9;
	_ =	strace $0x8000004B  }
0xb3: {  	_ =	swait.ge [sflag:s29], $0x1  }
0xb4: {  	[sflag:s29] =	ssyncadd.s32 $0xFFFFFFFF  }
0xb5: {  	_ =	strace $0x9000004B  }
0xb6: {  	_ =	sfence  }
0xb7: {  	s30 =	sld [smem:$0x0];
	_ =	sdelay $0x2  }
0xb8: {  	s31 =	sshll.u32 s1, $0xD;
	s1 =	sshrl.u32 s1, $0x2  }
0xb9: {  	s3 =	sand.u32 $0x4000, s31;
	s1 =	sadd.s32 s1, s30  }
0xba: {  	s0 =	sor.u32 s3, s0;
	s1 =	sshll.u32 s1, $0x11  }
0xbb: {  	s0 =	sor.u32 s1, s0  }
0xbc: {  	s0 =	sadd.s32 $0x8F2B, s0  }
0xbd: {  	[sflag:s0] =	ssyncadd.remote.s32 $0x1  }
0xbe: {  	_ =	sfence.sel $0xFFFF  }
0xbf: {  	[dreg:$0x0] =	wrdreg $0xFFFFFFFF;
	(pc) =	sbr.abs _section_cstart, $3  }
0xc0: {  	[dreg:$0x1] =	wrdreg $0xFFFFFFFF  }
0xc1: {  	_ =	task.clear_ibuf [dreg:s6], $0x2FFFF;
	_ =	strace $0x9FFFFFFF  }
0xc2: {  	(tm) =	ssettm $0x7FFFFFFF  }
0xc3: {  	_ =	shalt  }
tec
execute0_lowered:
.L_overlay_start_1:
0x0: {  	(tag) =	ssettag $0x1  }
0x1: {  	s8 =	rddreg [dreg:$0x0]  }
0x2: {  	s1 =	rddreg [dreg:$0x1];
	s2 =	simm.s32 $0x0;
	s6 =	srdreg.scid  }
0x3: {  	s4 =	stileid.u32;
	s19 =	simm.s32 $0x40;
	s20 =	simm.s32 $0x5000  }
0x4: {  	s21 =	simm.s32 $0x80;
	s22 =	simm.s32 $0x7000;
	s23 =	simm.s32 $0x1  }
0x5: {  	s24 =	simm.s32 $0x9000;
	s25 =	simm.s32 $0x2;
	s26 =	simm.s32 $0x3  }
0x6: {  	s28 =	simm.s32 $0x4F00;
	s29 =	simm.s32 $0x4F80;
	[smem:$0x7FF] =	sst s2  }
0x7: {  	s3 =	sadd.s32 $0xF800, s8;
	s5 =	sadd.s32 $0x37800, s8;
	s14 =	sadd.s32 $0xBA000, s8  }
0x8: {  	s15 =	sadd.s32 $0xB0000, s8;
	s16 =	sand.u32 $0x1, s6;
	s6 =	sadd.s32 $0xD000, s8  }
0x9: {  	s10 =	smul.u32 $0x50000, s4;
	s7 =	sadd.s32 $0x5F800, s8;
	s8 =	sadd.s32 $0x87800, s8  }
0xa: {  	s12 =	sshll.u32 s4, $0x6;
	s13 =	smul.u32 $0xA00, s4;
	s9 =	ssub.s32 $0x2, s16  }
0xb: {  	_ =	strace $0x8000004A;
	p0 =	seq.s32 s16, $0x0;
	s11 =	sshrl.u32 s9, $0x1  }
.Ltmp0:
0xc: {  	s10 =	sshrl.u32 s10, $0x2;
	s18 =	sadd.s32 $0x500, s13;
	(pc) =	sbr.rel .LBB2_1-.Ltmp0, $4  }
0xd: {  	s11 =	ssub.s32 s9, s11;
	s17 =	sadd.s32 s10, s1;
	s9 =	sor.u32 $0x1C04, s12  }
0xe: {  	s10 =	smul.u32 $0x2800, s4;
	s12 =	sadd.s32 s14, s13;
	s13 =	sadd.s32 s15, s13  }
0xf: {  	s14 =	sadd.s32 s14, s18;
	s15 =	sadd.s32 s15, s18;
	s18 =	simm.s32 $0x2800  }
0x10: {  	s11 =	smax.u32 s11, $0x1;
	s16 =	sshrl.u32 s17, $0x3;
	s17 =	simm.s32 $0x4  }
.LBB2_11:
0x11: {  	[sflag:s17] =	ssyncadd.s32 $0xFFFFE000;
	s30 =	smov.u32 s7  }
.LBB2_12:
0x12: {  	_ =	swait.ge [sflag:s23], $0x2000  }
0x13: {  	[sflag:s23] =	ssyncset.done $0x0  }
0x14: {  	[sflag:s23] =	ssyncadd.s32 $0xFFFFE000  }
0x15: {  	[spmem:s1] =	stream.indirect.scatter.add.f32 [tilespmem:s20], [sflag:$0x4], $0x80, s28, s19, $0xb8;
	[tilespmem:$0x1F000] =	vst v63  }
0x16: {  	_ =	swait.ge [sflag:s17], $0x2000  }
0x17: {  	[sflag:s17] =	ssyncset.done $0x0  }
0x18: {  	[sflag:s17] =	ssyncadd.s32 $0xFFFFE000  }
0x19: {  	_ =	swait.ge [sflag:s25], $0x2000  }
0x1a: {  	[sflag:s25] =	ssyncset.done $0x0  }
0x1b: {  	[sflag:s25] =	ssyncadd.s32 $0xFFFFE000  }
0x1c: {  	[spmem:s1] =	stream.indirect.scatter.add.f32 [tilespmem:s22], [sflag:$0x4], $0x80, s29, s19, $0xb8;
	[tilespmem:$0x1F000] =	vst v63  }
0x1d: {  	_ =	swait.ge [sflag:s17], $0x2000  }
0x1e: {  	s2 =	sadd.s32 $0x1, s2;
	[sflag:s17] =	ssyncset.done $0x0  }
0x1f: {  	p1 =	sne.s32 s2, s11;
	[sflag:s17] =	ssyncadd.s32 $0xFFFFE000  }
.Ltmp1:
0x20: {  	s0 =	sadd.s32 s30, s10;
	[bflag:$0x0] =	sbarrier.arrive $0xFFFF;
	(pc) =	sbr.rel @!p1 .LBB2_13-.Ltmp1, $4  }
0x21: {  	[hbm:s0], [sflag:s9] =	dma.local [spmem:s16], $0x2800  }
0x22: {  	_ =	swait.ge [sflag:s17], $0x2800  }
0x23: {  	[sflag:s17] =	ssyncset.done $0x0  }
0x24: {  	[sflag:s17] =	ssyncadd.s32 $0xFFFFD800  }
.LBB2_1:
0x25: {  	[spmem:s16], [sflag:s9] =	dma.local [hbm:s6], $0x2800  }
.Ltmp2:
0x26: {  	_ =	swait.ge [sflag:s17], $0x2800;
	(pc) =	sbr.rel @!p0 .LBB2_2-.Ltmp2, $4  }
0x27: {  	[sflag:s17] =	ssyncset.done $0x0  }
0x28: {  	[sflag:s17] =	ssyncadd.s32 $0xFFFFD800  }
0x29: {  	[bflag:$0x0] =	sbarrier.arrive $0xFFFF  }
0x2a: {  	s30 =	simm.s32 $0x0  }
0x2b: {  	[tilespmem:s30], [sflag:$0x4] =	stream.linear.gather [hbm4b:s12+s30], $0x2800, $0x38;
	[tilespmem:$0x1F000] =	vst v63  }
0x2c: {  	_ =	swait.ge [sflag:s17], $0x2800  }
0x2d: {  	[sflag:s17] =	ssyncset.done $0x0  }
0x2e: {  	[sflag:s17] =	ssyncadd.s32 $0xFFFFD800  }
0x2f: {  	[tilespmem:s18], [sflag:$0x4] =	stream.linear.gather [hbm4b:s13+s30], $0x2800, $0x38;
	[tilespmem:$0x1F000] =	vst v63  }
0x30: {  	_ =	swait.ge [sflag:s17], $0x2800  }
0x31: {  	[sflag:s17] =	ssyncset.done $0x0  }
0x32: {  	[sflag:s17] =	ssyncadd.s32 $0xFFFFD800  }
0x33: {  	[tilespmem:s20], [sflag:$0x1] =	stream.indirect.gather [hbm4b:s3+s19], $0x80, s30, s19, $0xb8;
	[tilespmem:$0x1F000] =	vst v63  }
0x34: {  	_ = 	snop  }
0x35: {  	[tilespmem:s22], [sflag:$0x2] =	stream.indirect.gather [hbm4b:s3+s19], $0x80, s21, s19, $0xb8;
	[tilespmem:$0x1F000] =	vst v63  }
0x36: {  	_ =	swait.ge [sflag:s23], $0x2000  }
0x37: {  	[sflag:s23] =	ssyncset.done $0x0  }
0x38: {  	s30 =	simm.s32 $0x100;
	[sflag:s23] =	ssyncadd.s32 $0xFFFFE000  }
0x39: {  	[tilespmem:s24], [sflag:$0x3] =	stream.indirect.gather [hbm4b:s3+s19], $0x80, s30, s19, $0xb8;
	[tilespmem:$0x1F000] =	vst v63  }
0x3a: {  	s30 =	simm.s32 $0x2800  }
0x3b: {  	[spmem:s1] =	stream.indirect.scatter.add.f32 [tilespmem:s20], [sflag:$0x4], $0x80, s30, s19, $0xb8;
	[tilespmem:$0x1F000] =	vst v63  }
0x3c: {  	_ =	swait.ge [sflag:s17], $0x2000  }
0x3d: {  	[sflag:s17] =	ssyncset.done $0x0  }
0x3e: {  	[sflag:s17] =	ssyncadd.s32 $0xFFFFE000  }
0x3f: {  	_ =	swait.ge [sflag:s25], $0x2000  }
0x40: {  	[sflag:s25] =	ssyncset.done $0x0  }
0x41: {  	s30 =	simm.s32 $0x180;
	[sflag:s25] =	ssyncadd.s32 $0xFFFFE000  }
0x42: {  	[tilespmem:s20], [sflag:$0x1] =	stream.indirect.gather [hbm4b:s3+s19], $0x80, s30, s19, $0xb8;
	[tilespmem:$0x1F000] =	vst v63  }
0x43: {  	s30 =	simm.s32 $0x2880  }
0x44: {  	[spmem:s1] =	stream.indirect.scatter.add.f32 [tilespmem:s22], [sflag:$0x4], $0x80, s30, s19, $0xb8;
	[tilespmem:$0x1F000] =	vst v63  }
0x45: {  	_ =	swait.ge [sflag:s17], $0x2000  }
0x46: {  	[sflag:s17] =	ssyncset.done $0x0  }
0x47: {  	[sflag:s17] =	ssyncadd.s32 $0xFFFFE000  }
0x48: {  	_ =	swait.ge [sflag:s26], $0x2000  }
0x49: {  	[sflag:s26] =	ssyncset.done $0x0  }
0x4a: {  	s30 =	simm.s32 $0x200;
	[sflag:s26] =	ssyncadd.s32 $0xFFFFE000  }
0x4b: {  	[tilespmem:s22], [sflag:$0x2] =	stream.indirect.gather [hbm4b:s3+s19], $0x80, s30, s19, $0xb8;
	[tilespmem:$0x1F000] =	vst v63  }
0x4c: {  	s30 =	simm.s32 $0x2900  }
0x4d: {  	[spmem:s1] =	stream.indirect.scatter.add.f32 [tilespmem:s24], [sflag:$0x4], $0x80, s30, s19, $0xb8;
	[tilespmem:$0x1F000] =	vst v63  }
0x4e: {  	_ =	swait.ge [sflag:s17], $0x2000  }
0x4f: {  	s30 =	simm.s32 $0x600;
	[sflag:s17] =	ssyncset.done $0x0  }
.LBB2_8:
0x50: {  	p1 =	sne.s32 s30, $0x9600  }
0x51: {  	[sflag:s17] =	ssyncadd.s32 $0xFFFFE000;
	s31 =	smov.u32 s30;
	s30 =	sadd.s32 $0x600, s30  }
0x52: {  	_ = 	snop  }
0x53: {  	_ =	swait.ge [sflag:s23], $0x2000  }
0x54: {  	s31 =	sshra.s32 s31, $0x2;
	[sflag:s23] =	ssyncset.done $0x0  }
0x55: {  	s0 =	sadd.s32 $0x100, s31;
	[sflag:s23] =	ssyncadd.s32 $0xFFFFE000  }
0x56: {  	[tilespmem:s24], [sflag:$0x3] =	stream.indirect.gather [hbm4b:s3+s19], $0x80, s0, s19, $0xb8;
	[tilespmem:$0x1F000] =	vst v63  }
0x57: {  	s0 =	sadd.s32 $0x2800, s31  }
0x58: {  	[spmem:s1] =	stream.indirect.scatter.add.f32 [tilespmem:s20], [sflag:$0x4], $0x80, s0, s19, $0xb8;
	[tilespmem:$0x1F000] =	vst v63  }
0x59: {  	_ =	swait.ge [sflag:s17], $0x2000  }
0x5a: {  	[sflag:s17] =	ssyncset.done $0x0  }
0x5b: {  	[sflag:s17] =	ssyncadd.s32 $0xFFFFE000  }
0x5c: {  	_ =	swait.ge [sflag:s25], $0x2000  }
0x5d: {  	[sflag:s25] =	ssyncset.done $0x0  }
0x5e: {  	s0 =	sadd.s32 $0x180, s31;
	[sflag:s25] =	ssyncadd.s32 $0xFFFFE000  }
0x5f: {  	[tilespmem:s20], [sflag:$0x1] =	stream.indirect.gather [hbm4b:s3+s19], $0x80, s0, s19, $0xb8;
	[tilespmem:$0x1F000] =	vst v63  }
0x60: {  	s0 =	sadd.s32 $0x2880, s31  }
0x61: {  	[spmem:s1] =	stream.indirect.scatter.add.f32 [tilespmem:s22], [sflag:$0x4], $0x80, s0, s19, $0xb8;
	[tilespmem:$0x1F000] =	vst v63  }
0x62: {  	_ =	swait.ge [sflag:s17], $0x2000  }
0x63: {  	[sflag:s17] =	ssyncset.done $0x0  }
0x64: {  	[sflag:s17] =	ssyncadd.s32 $0xFFFFE000  }
0x65: {  	_ =	swait.ge [sflag:s26], $0x2000  }
0x66: {  	[sflag:s26] =	ssyncset.done $0x0  }
0x67: {  	s0 =	sadd.s32 $0x200, s31;
	[sflag:s26] =	ssyncadd.s32 $0xFFFFE000  }
0x68: {  	[tilespmem:s22], [sflag:$0x2] =	stream.indirect.gather [hbm4b:s3+s19], $0x80, s0, s19, $0xb8;
	[tilespmem:$0x1F000] =	vst v63  }
.Ltmp3:
0x69: {  	_ = 	snop;
	(pc) =	sbr.rel @p1 .LBB2_8-.Ltmp3, $4  }
0x6a: {  	s0 =	sadd.s32 $0x2900, s31  }
0x6b: {  	[spmem:s1] =	stream.indirect.scatter.add.f32 [tilespmem:s24], [sflag:$0x4], $0x80, s0, s19, $0xb8;
	[tilespmem:$0x1F000] =	vst v63  }
0x6c: {  	_ =	swait.ge [sflag:s17], $0x2000  }
0x6d: {  	[sflag:s17] =	ssyncset.done $0x0  }
0x6e: {  	[sflag:s17] =	ssyncadd.s32 $0xFFFFE000  }
0x6f: {  	_ =	swait.ge [sflag:s23], $0x2000  }
0x70: {  	[sflag:s23] =	ssyncset.done $0x0  }
0x71: {  	[sflag:s23] =	ssyncadd.s32 $0xFFFFE000  }
0x72: {  	[spmem:s1] =	stream.indirect.scatter.add.f32 [tilespmem:s20], [sflag:$0x4], $0x80, s28, s19, $0xb8;
	[tilespmem:$0x1F000] =	vst v63  }
0x73: {  	_ =	swait.ge [sflag:s17], $0x2000  }
0x74: {  	[sflag:s17] =	ssyncset.done $0x0  }
0x75: {  	[sflag:s17] =	ssyncadd.s32 $0xFFFFE000  }
0x76: {  	_ =	swait.ge [sflag:s25], $0x2000  }
0x77: {  	[sflag:s25] =	ssyncset.done $0x0  }
0x78: {  	[sflag:s25] =	ssyncadd.s32 $0xFFFFE000  }
0x79: {  	[spmem:s1] =	stream.indirect.scatter.add.f32 [tilespmem:s22], [sflag:$0x4], $0x80, s29, s19, $0xb8;
	[tilespmem:$0x1F000] =	vst v63  }
0x7a: {  	_ =	swait.ge [sflag:s17], $0x2000  }
0x7b: {  	[sflag:s17] =	ssyncset.done $0x0  }
0x7c: {  	s0 =	simm.s32 $0x0;
	[sflag:s17] =	ssyncadd.s32 $0xFFFFE000  }
0x7d: {  	[tilespmem:s0], [sflag:$0x4] =	stream.linear.gather [hbm4b:s14+s0], $0x2800, $0x38;
	[tilespmem:$0x1F000] =	vst v63  }
0x7e: {  	_ =	swait.ge [sflag:s17], $0x2800  }
0x7f: {  	[sflag:s17] =	ssyncset.done $0x0  }
0x80: {  	[sflag:s17] =	ssyncadd.s32 $0xFFFFD800  }
0x81: {  	[tilespmem:s18], [sflag:$0x4] =	stream.linear.gather [hbm4b:s15+s0], $0x2800, $0x38;
	[tilespmem:$0x1F000] =	vst v63  }
0x82: {  	_ =	swait.ge [sflag:s17], $0x2800  }
0x83: {  	[sflag:s17] =	ssyncset.done $0x0  }
0x84: {  	[sflag:s17] =	ssyncadd.s32 $0xFFFFD800  }
0x85: {  	[tilespmem:s20], [sflag:$0x1] =	stream.indirect.gather [hbm4b:s3+s19], $0x80, s0, s19, $0xb8;
	[tilespmem:$0x1F000] =	vst v63  }
0x86: {  	_ = 	snop  }
0x87: {  	[tilespmem:s22], [sflag:$0x2] =	stream.indirect.gather [hbm4b:s3+s19], $0x80, s21, s19, $0xb8;
	[tilespmem:$0x1F000] =	vst v63  }
0x88: {  	_ =	swait.ge [sflag:s23], $0x2000  }
0x89: {  	[sflag:s23] =	ssyncset.done $0x0  }
0x8a: {  	s31 =	simm.s32 $0x100;
	[sflag:s23] =	ssyncadd.s32 $0xFFFFE000  }
0x8b: {  	[tilespmem:s24], [sflag:$0x3] =	stream.indirect.gather [hbm4b:s3+s19], $0x80, s31, s19, $0xb8;
	[tilespmem:$0x1F000] =	vst v63  }
0x8c: {  	s31 =	simm.s32 $0x2800  }
0x8d: {  	[spmem:s1] =	stream.indirect.scatter.add.f32 [tilespmem:s20], [sflag:$0x4], $0x80, s31, s19, $0xb8;
	[tilespmem:$0x1F000] =	vst v63  }
0x8e: {  	_ =	swait.ge [sflag:s17], $0x2000  }
0x8f: {  	[sflag:s17] =	ssyncset.done $0x0  }
0x90: {  	[sflag:s17] =	ssyncadd.s32 $0xFFFFE000  }
0x91: {  	_ =	swait.ge [sflag:s25], $0x2000  }
0x92: {  	[sflag:s25] =	ssyncset.done $0x0  }
0x93: {  	s31 =	simm.s32 $0x180;
	[sflag:s25] =	ssyncadd.s32 $0xFFFFE000  }
0x94: {  	[tilespmem:s20], [sflag:$0x1] =	stream.indirect.gather [hbm4b:s3+s19], $0x80, s31, s19, $0xb8;
	[tilespmem:$0x1F000] =	vst v63  }
0x95: {  	s31 =	simm.s32 $0x2880  }
0x96: {  	[spmem:s1] =	stream.indirect.scatter.add.f32 [tilespmem:s22], [sflag:$0x4], $0x80, s31, s19, $0xb8;
	[tilespmem:$0x1F000] =	vst v63  }
0x97: {  	_ =	swait.ge [sflag:s17], $0x2000  }
0x98: {  	[sflag:s17] =	ssyncset.done $0x0  }
0x99: {  	[sflag:s17] =	ssyncadd.s32 $0xFFFFE000  }
0x9a: {  	_ =	swait.ge [sflag:s26], $0x2000  }
0x9b: {  	[sflag:s26] =	ssyncset.done $0x0  }
0x9c: {  	s31 =	simm.s32 $0x200;
	[sflag:s26] =	ssyncadd.s32 $0xFFFFE000  }
0x9d: {  	[tilespmem:s22], [sflag:$0x2] =	stream.indirect.gather [hbm4b:s3+s19], $0x80, s31, s19, $0xb8;
	[tilespmem:$0x1F000] =	vst v63  }
0x9e: {  	s31 =	simm.s32 $0x2900  }
0x9f: {  	[spmem:s1] =	stream.indirect.scatter.add.f32 [tilespmem:s24], [sflag:$0x4], $0x80, s31, s19, $0xb8;
	[tilespmem:$0x1F000] =	vst v63  }
0xa0: {  	_ =	swait.ge [sflag:s17], $0x2000  }
0xa1: {  	s30 =	simm.s32 $0x600;
	[sflag:s17] =	ssyncset.done $0x0  }
.LBB2_10:
0xa2: {  	p1 =	seq.s32 s30, $0x9600  }
0xa3: {  	[sflag:s17] =	ssyncadd.s32 $0xFFFFE000;
	s0 =	smov.u32 s30;
	s30 =	sadd.s32 $0x600, s30  }
0xa4: {  	_ = 	snop  }
0xa5: {  	_ =	swait.ge [sflag:s23], $0x2000  }
0xa6: {  	s0 =	sshra.s32 s0, $0x2;
	[sflag:s23] =	ssyncset.done $0x0  }
0xa7: {  	s31 =	sadd.s32 $0x100, s0;
	[sflag:s23] =	ssyncadd.s32 $0xFFFFE000  }
0xa8: {  	[tilespmem:s24], [sflag:$0x3] =	stream.indirect.gather [hbm4b:s3+s19], $0x80, s31, s19, $0xb8;
	[tilespmem:$0x1F000] =	vst v63  }
0xa9: {  	s31 =	sadd.s32 $0x2800, s0  }
0xaa: {  	[spmem:s1] =	stream.indirect.scatter.add.f32 [tilespmem:s20], [sflag:$0x4], $0x80, s31, s19, $0xb8;
	[tilespmem:$0x1F000] =	vst v63  }
0xab: {  	_ =	swait.ge [sflag:s17], $0x2000  }
0xac: {  	[sflag:s17] =	ssyncset.done $0x0  }
0xad: {  	[sflag:s17] =	ssyncadd.s32 $0xFFFFE000  }
0xae: {  	_ =	swait.ge [sflag:s25], $0x2000  }
0xaf: {  	[sflag:s25] =	ssyncset.done $0x0  }
0xb0: {  	s31 =	sadd.s32 $0x180, s0;
	[sflag:s25] =	ssyncadd.s32 $0xFFFFE000  }
0xb1: {  	[tilespmem:s20], [sflag:$0x1] =	stream.indirect.gather [hbm4b:s3+s19], $0x80, s31, s19, $0xb8;
	[tilespmem:$0x1F000] =	vst v63  }
0xb2: {  	s31 =	sadd.s32 $0x2880, s0  }
0xb3: {  	[spmem:s1] =	stream.indirect.scatter.add.f32 [tilespmem:s22], [sflag:$0x4], $0x80, s31, s19, $0xb8;
	[tilespmem:$0x1F000] =	vst v63  }
0xb4: {  	_ =	swait.ge [sflag:s17], $0x2000  }
0xb5: {  	[sflag:s17] =	ssyncset.done $0x0  }
0xb6: {  	[sflag:s17] =	ssyncadd.s32 $0xFFFFE000  }
0xb7: {  	_ =	swait.ge [sflag:s26], $0x2000  }
0xb8: {  	[sflag:s26] =	ssyncset.done $0x0  }
0xb9: {  	s31 =	sadd.s32 $0x200, s0;
	[sflag:s26] =	ssyncadd.s32 $0xFFFFE000  }
0xba: {  	[tilespmem:s22], [sflag:$0x2] =	stream.indirect.gather [hbm4b:s3+s19], $0x80, s31, s19, $0xb8;
	[tilespmem:$0x1F000] =	vst v63  }
.Ltmp4:
0xbb: {  	_ = 	snop;
	(pc) =	sbr.rel @!p1 .LBB2_10-.Ltmp4, $4  }
0xbc: {  	s0 =	sadd.s32 $0x2900, s0  }
0xbd: {  	[spmem:s1] =	stream.indirect.scatter.add.f32 [tilespmem:s24], [sflag:$0x4], $0x80, s0, s19, $0xb8;
	[tilespmem:$0x1F000] =	vst v63  }
0xbe: {  	_ =	swait.ge [sflag:s17], $0x2000  }
0xbf: {  	[sflag:s17] =	ssyncset.done $0x0  }
.Ltmp5:
0xc0: {  	_ = 	snop;
	(pc) =	sbr.rel .LBB2_11-.Ltmp5, $1  }
0xc1: {  	_ =	sdelay $0x3  }
.LBB2_2:
0xc2: {  	[tilespmem:s30], [sflag:$0x4] =	stream.linear.gather [hbm4b:s12+s30], $0x2800, $0x38;
	[tilespmem:$0x1F000] =	vst v63  }
0xc3: {  	_ =	swait.ge [sflag:s17], $0x2800  }
0xc4: {  	[sflag:s17] =	ssyncset.done $0x0  }
0xc5: {  	[sflag:s17] =	ssyncadd.s32 $0xFFFFD800  }
0xc6: {  	[tilespmem:s18], [sflag:$0x4] =	stream.linear.gather [hbm4b:s13+s30], $0x2800, $0x38;
	[tilespmem:$0x1F000] =	vst v63  }
0xc7: {  	_ =	swait.ge [sflag:s17], $0x2800  }
0xc8: {  	[sflag:s17] =	ssyncset.done $0x0  }
0xc9: {  	[sflag:s17] =	ssyncadd.s32 $0xFFFFD800  }
0xca: {  	[tilespmem:s20], [sflag:$0x1] =	stream.indirect.gather [hbm4b:s5+s19], $0x80, s30, s19, $0xb8;
	[tilespmem:$0x1F000] =	vst v63  }
0xcb: {  	_ = 	snop  }
0xcc: {  	[tilespmem:s22], [sflag:$0x2] =	stream.indirect.gather [hbm4b:s5+s19], $0x80, s21, s19, $0xb8;
	[tilespmem:$0x1F000] =	vst v63  }
0xcd: {  	_ =	swait.ge [sflag:s23], $0x2000  }
0xce: {  	[sflag:s23] =	ssyncset.done $0x0  }
0xcf: {  	s0 =	simm.s32 $0x100;
	[sflag:s23] =	ssyncadd.s32 $0xFFFFE000  }
0xd0: {  	[tilespmem:s24], [sflag:$0x3] =	stream.indirect.gather [hbm4b:s5+s19], $0x80, s0, s19, $0xb8;
	[tilespmem:$0x1F000] =	vst v63  }
0xd1: {  	s31 =	simm.s32 $0x2800  }
0xd2: {  	[spmem:s1] =	stream.indirect.scatter.add.f32 [tilespmem:s20], [sflag:$0x4], $0x80, s31, s19, $0xb8;
	[tilespmem:$0x1F000] =	vst v63  }
0xd3: {  	_ =	swait.ge [sflag:s17], $0x2000  }
0xd4: {  	[sflag:s17] =	ssyncset.done $0x0  }
0xd5: {  	[sflag:s17] =	ssyncadd.s32 $0xFFFFE000  }
0xd6: {  	_ =	swait.ge [sflag:s25], $0x2000  }
0xd7: {  	[sflag:s25] =	ssyncset.done $0x0  }
0xd8: {  	s31 =	simm.s32 $0x180;
	[sflag:s25] =	ssyncadd.s32 $0xFFFFE000  }
0xd9: {  	[tilespmem:s20], [sflag:$0x1] =	stream.indirect.gather [hbm4b:s5+s19], $0x80, s31, s19, $0xb8;
	[tilespmem:$0x1F000] =	vst v63  }
0xda: {  	s31 =	simm.s32 $0x2880  }
0xdb: {  	[spmem:s1] =	stream.indirect.scatter.add.f32 [tilespmem:s22], [sflag:$0x4], $0x80, s31, s19, $0xb8;
	[tilespmem:$0x1F000] =	vst v63  }
0xdc: {  	_ =	swait.ge [sflag:s17], $0x2000  }
0xdd: {  	[sflag:s17] =	ssyncset.done $0x0  }
0xde: {  	[sflag:s17] =	ssyncadd.s32 $0xFFFFE000  }
0xdf: {  	_ =	swait.ge [sflag:s26], $0x2000  }
0xe0: {  	[sflag:s26] =	ssyncset.done $0x0  }
0xe1: {  	s31 =	simm.s32 $0x200;
	[sflag:s26] =	ssyncadd.s32 $0xFFFFE000  }
0xe2: {  	[tilespmem:s22], [sflag:$0x2] =	stream.indirect.gather [hbm4b:s5+s19], $0x80, s31, s19, $0xb8;
	[tilespmem:$0x1F000] =	vst v63  }
0xe3: {  	s31 =	simm.s32 $0x2900  }
0xe4: {  	[spmem:s1] =	stream.indirect.scatter.add.f32 [tilespmem:s24], [sflag:$0x4], $0x80, s31, s19, $0xb8;
	[tilespmem:$0x1F000] =	vst v63  }
0xe5: {  	_ =	swait.ge [sflag:s17], $0x2000  }
0xe6: {  	s30 =	simm.s32 $0x600;
	[sflag:s17] =	ssyncset.done $0x0  }
.LBB2_3:
0xe7: {  	p1 =	sne.s32 s30, $0x9600  }
0xe8: {  	[sflag:s17] =	ssyncadd.s32 $0xFFFFE000;
	s0 =	smov.u32 s30;
	s30 =	sadd.s32 $0x600, s30  }
0xe9: {  	_ = 	snop  }
0xea: {  	_ =	swait.ge [sflag:s23], $0x2000  }
0xeb: {  	s0 =	sshra.s32 s0, $0x2;
	[sflag:s23] =	ssyncset.done $0x0  }
0xec: {  	s31 =	sadd.s32 $0x100, s0;
	[sflag:s23] =	ssyncadd.s32 $0xFFFFE000  }
0xed: {  	[tilespmem:s24], [sflag:$0x3] =	stream.indirect.gather [hbm4b:s5+s19], $0x80, s31, s19, $0xb8;
	[tilespmem:$0x1F000] =	vst v63  }
0xee: {  	s31 =	sadd.s32 $0x2800, s0  }
0xef: {  	[spmem:s1] =	stream.indirect.scatter.add.f32 [tilespmem:s20], [sflag:$0x4], $0x80, s31, s19, $0xb8;
	[tilespmem:$0x1F000] =	vst v63  }
0xf0: {  	_ =	swait.ge [sflag:s17], $0x2000  }
0xf1: {  	[sflag:s17] =	ssyncset.done $0x0  }
0xf2: {  	[sflag:s17] =	ssyncadd.s32 $0xFFFFE000  }
0xf3: {  	_ =	swait.ge [sflag:s25], $0x2000  }
0xf4: {  	[sflag:s25] =	ssyncset.done $0x0  }
0xf5: {  	s31 =	sadd.s32 $0x180, s0;
	[sflag:s25] =	ssyncadd.s32 $0xFFFFE000  }
0xf6: {  	[tilespmem:s20], [sflag:$0x1] =	stream.indirect.gather [hbm4b:s5+s19], $0x80, s31, s19, $0xb8;
	[tilespmem:$0x1F000] =	vst v63  }
0xf7: {  	s31 =	sadd.s32 $0x2880, s0  }
0xf8: {  	[spmem:s1] =	stream.indirect.scatter.add.f32 [tilespmem:s22], [sflag:$0x4], $0x80, s31, s19, $0xb8;
	[tilespmem:$0x1F000] =	vst v63  }
0xf9: {  	_ =	swait.ge [sflag:s17], $0x2000  }
0xfa: {  	[sflag:s17] =	ssyncset.done $0x0  }
0xfb: {  	[sflag:s17] =	ssyncadd.s32 $0xFFFFE000  }
0xfc: {  	_ =	swait.ge [sflag:s26], $0x2000  }
0xfd: {  	[sflag:s26] =	ssyncset.done $0x0  }
0xfe: {  	s31 =	sadd.s32 $0x200, s0;
	[sflag:s26] =	ssyncadd.s32 $0xFFFFE000  }
0xff: {  	[tilespmem:s22], [sflag:$0x2] =	stream.indirect.gather [hbm4b:s5+s19], $0x80, s31, s19, $0xb8;
	[tilespmem:$0x1F000] =	vst v63  }
.Ltmp6:
0x100: {  	_ = 	snop;
	(pc) =	sbr.rel @p1 .LBB2_3-.Ltmp6, $4  }
0x101: {  	s0 =	sadd.s32 $0x2900, s0  }
0x102: {  	[spmem:s1] =	stream.indirect.scatter.add.f32 [tilespmem:s24], [sflag:$0x4], $0x80, s0, s19, $0xb8;
	[tilespmem:$0x1F000] =	vst v63  }
0x103: {  	_ =	swait.ge [sflag:s17], $0x2000  }
0x104: {  	[sflag:s17] =	ssyncset.done $0x0  }
0x105: {  	[sflag:s17] =	ssyncadd.s32 $0xFFFFE000  }
0x106: {  	_ =	swait.ge [sflag:s23], $0x2000  }
0x107: {  	[sflag:s23] =	ssyncset.done $0x0  }
0x108: {  	[sflag:s23] =	ssyncadd.s32 $0xFFFFE000  }
0x109: {  	[spmem:s1] =	stream.indirect.scatter.add.f32 [tilespmem:s20], [sflag:$0x4], $0x80, s28, s19, $0xb8;
	[tilespmem:$0x1F000] =	vst v63  }
0x10a: {  	_ =	swait.ge [sflag:s17], $0x2000  }
0x10b: {  	[sflag:s17] =	ssyncset.done $0x0  }
0x10c: {  	[sflag:s17] =	ssyncadd.s32 $0xFFFFE000  }
0x10d: {  	_ =	swait.ge [sflag:s25], $0x2000  }
0x10e: {  	[sflag:s25] =	ssyncset.done $0x0  }
0x10f: {  	[sflag:s25] =	ssyncadd.s32 $0xFFFFE000  }
0x110: {  	[spmem:s1] =	stream.indirect.scatter.add.f32 [tilespmem:s22], [sflag:$0x4], $0x80, s29, s19, $0xb8;
	[tilespmem:$0x1F000] =	vst v63  }
0x111: {  	_ =	swait.ge [sflag:s17], $0x2000  }
0x112: {  	[sflag:s17] =	ssyncset.done $0x0  }
0x113: {  	s0 =	simm.s32 $0x0;
	[sflag:s17] =	ssyncadd.s32 $0xFFFFE000  }
0x114: {  	[tilespmem:s0], [sflag:$0x4] =	stream.linear.gather [hbm4b:s14+s0], $0x2800, $0x38;
	[tilespmem:$0x1F000] =	vst v63  }
0x115: {  	_ =	swait.ge [sflag:s17], $0x2800  }
0x116: {  	[sflag:s17] =	ssyncset.done $0x0  }
0x117: {  	[sflag:s17] =	ssyncadd.s32 $0xFFFFD800  }
0x118: {  	[tilespmem:s18], [sflag:$0x4] =	stream.linear.gather [hbm4b:s15+s0], $0x2800, $0x38;
	[tilespmem:$0x1F000] =	vst v63  }
0x119: {  	_ =	swait.ge [sflag:s17], $0x2800  }
0x11a: {  	[sflag:s17] =	ssyncset.done $0x0  }
0x11b: {  	[sflag:s17] =	ssyncadd.s32 $0xFFFFD800  }
0x11c: {  	[tilespmem:s20], [sflag:$0x1] =	stream.indirect.gather [hbm4b:s5+s19], $0x80, s0, s19, $0xb8;
	[tilespmem:$0x1F000] =	vst v63  }
0x11d: {  	_ = 	snop  }
0x11e: {  	[tilespmem:s22], [sflag:$0x2] =	stream.indirect.gather [hbm4b:s5+s19], $0x80, s21, s19, $0xb8;
	[tilespmem:$0x1F000] =	vst v63  }
0x11f: {  	_ =	swait.ge [sflag:s23], $0x2000  }
0x120: {  	[sflag:s23] =	ssyncset.done $0x0  }
0x121: {  	s31 =	simm.s32 $0x100;
	[sflag:s23] =	ssyncadd.s32 $0xFFFFE000  }
0x122: {  	[tilespmem:s24], [sflag:$0x3] =	stream.indirect.gather [hbm4b:s5+s19], $0x80, s31, s19, $0xb8;
	[tilespmem:$0x1F000] =	vst v63  }
0x123: {  	s31 =	simm.s32 $0x2800  }
0x124: {  	[spmem:s1] =	stream.indirect.scatter.add.f32 [tilespmem:s20], [sflag:$0x4], $0x80, s31, s19, $0xb8;
	[tilespmem:$0x1F000] =	vst v63  }
0x125: {  	_ =	swait.ge [sflag:s17], $0x2000  }
0x126: {  	[sflag:s17] =	ssyncset.done $0x0  }
0x127: {  	[sflag:s17] =	ssyncadd.s32 $0xFFFFE000  }
0x128: {  	_ =	swait.ge [sflag:s25], $0x2000  }
0x129: {  	[sflag:s25] =	ssyncset.done $0x0  }
0x12a: {  	s31 =	simm.s32 $0x180;
	[sflag:s25] =	ssyncadd.s32 $0xFFFFE000  }
0x12b: {  	[tilespmem:s20], [sflag:$0x1] =	stream.indirect.gather [hbm4b:s5+s19], $0x80, s31, s19, $0xb8;
	[tilespmem:$0x1F000] =	vst v63  }
0x12c: {  	s31 =	simm.s32 $0x2880  }
0x12d: {  	[spmem:s1] =	stream.indirect.scatter.add.f32 [tilespmem:s22], [sflag:$0x4], $0x80, s31, s19, $0xb8;
	[tilespmem:$0x1F000] =	vst v63  }
0x12e: {  	_ =	swait.ge [sflag:s17], $0x2000  }
0x12f: {  	[sflag:s17] =	ssyncset.done $0x0  }
0x130: {  	[sflag:s17] =	ssyncadd.s32 $0xFFFFE000  }
0x131: {  	_ =	swait.ge [sflag:s26], $0x2000  }
0x132: {  	[sflag:s26] =	ssyncset.done $0x0  }
0x133: {  	s31 =	simm.s32 $0x200;
	[sflag:s26] =	ssyncadd.s32 $0xFFFFE000  }
0x134: {  	[tilespmem:s22], [sflag:$0x2] =	stream.indirect.gather [hbm4b:s5+s19], $0x80, s31, s19, $0xb8;
	[tilespmem:$0x1F000] =	vst v63  }
0x135: {  	s31 =	simm.s32 $0x2900  }
0x136: {  	[spmem:s1] =	stream.indirect.scatter.add.f32 [tilespmem:s24], [sflag:$0x4], $0x80, s31, s19, $0xb8;
	[tilespmem:$0x1F000] =	vst v63  }
0x137: {  	_ =	swait.ge [sflag:s17], $0x2000  }
0x138: {  	s30 =	simm.s32 $0x600;
	[sflag:s17] =	ssyncset.done $0x0  }
.LBB2_5:
0x139: {  	p1 =	sne.s32 s30, $0x9600  }
0x13a: {  	[sflag:s17] =	ssyncadd.s32 $0xFFFFE000;
	s0 =	smov.u32 s30;
	s30 =	sadd.s32 $0x600, s30  }
0x13b: {  	_ = 	snop  }
0x13c: {  	_ =	swait.ge [sflag:s23], $0x2000  }
0x13d: {  	s0 =	sshra.s32 s0, $0x2;
	[sflag:s23] =	ssyncset.done $0x0  }
0x13e: {  	s31 =	sadd.s32 $0x100, s0;
	[sflag:s23] =	ssyncadd.s32 $0xFFFFE000  }
0x13f: {  	[tilespmem:s24], [sflag:$0x3] =	stream.indirect.gather [hbm4b:s5+s19], $0x80, s31, s19, $0xb8;
	[tilespmem:$0x1F000] =	vst v63  }
0x140: {  	s31 =	sadd.s32 $0x2800, s0  }
0x141: {  	[spmem:s1] =	stream.indirect.scatter.add.f32 [tilespmem:s20], [sflag:$0x4], $0x80, s31, s19, $0xb8;
	[tilespmem:$0x1F000] =	vst v63  }
0x142: {  	_ =	swait.ge [sflag:s17], $0x2000  }
0x143: {  	[sflag:s17] =	ssyncset.done $0x0  }
0x144: {  	[sflag:s17] =	ssyncadd.s32 $0xFFFFE000  }
0x145: {  	_ =	swait.ge [sflag:s25], $0x2000  }
0x146: {  	[sflag:s25] =	ssyncset.done $0x0  }
0x147: {  	s31 =	sadd.s32 $0x180, s0;
	[sflag:s25] =	ssyncadd.s32 $0xFFFFE000  }
0x148: {  	[tilespmem:s20], [sflag:$0x1] =	stream.indirect.gather [hbm4b:s5+s19], $0x80, s31, s19, $0xb8;
	[tilespmem:$0x1F000] =	vst v63  }
0x149: {  	s31 =	sadd.s32 $0x2880, s0  }
0x14a: {  	[spmem:s1] =	stream.indirect.scatter.add.f32 [tilespmem:s22], [sflag:$0x4], $0x80, s31, s19, $0xb8;
	[tilespmem:$0x1F000] =	vst v63  }
0x14b: {  	_ =	swait.ge [sflag:s17], $0x2000  }
0x14c: {  	[sflag:s17] =	ssyncset.done $0x0  }
0x14d: {  	[sflag:s17] =	ssyncadd.s32 $0xFFFFE000  }
0x14e: {  	_ =	swait.ge [sflag:s26], $0x2000  }
0x14f: {  	[sflag:s26] =	ssyncset.done $0x0  }
0x150: {  	s31 =	sadd.s32 $0x200, s0;
	[sflag:s26] =	ssyncadd.s32 $0xFFFFE000  }
0x151: {  	[tilespmem:s22], [sflag:$0x2] =	stream.indirect.gather [hbm4b:s5+s19], $0x80, s31, s19, $0xb8;
	[tilespmem:$0x1F000] =	vst v63  }
.Ltmp7:
0x152: {  	_ = 	snop;
	(pc) =	sbr.rel @p1 .LBB2_5-.Ltmp7, $4  }
0x153: {  	s0 =	sadd.s32 $0x2900, s0  }
0x154: {  	[spmem:s1] =	stream.indirect.scatter.add.f32 [tilespmem:s24], [sflag:$0x4], $0x80, s0, s19, $0xb8;
	[tilespmem:$0x1F000] =	vst v63  }
0x155: {  	_ =	swait.ge [sflag:s17], $0x2000  }
0x156: {  	[sflag:s17] =	ssyncset.done $0x0  }
.Ltmp8:
0x157: {  	(pc) =	sbr.rel .LBB2_12-.Ltmp8, $2  }
0x158: {  	_ =	sdelay $0x2  }
0x159: {  	[sflag:s17] =	ssyncadd.s32 $0xFFFFE000;
	s30 =	smov.u32 s8  }
.LBB2_13:
0x15a: {  	_ =	sfence.sel $0x180000  }
0x15b: {  	[bflag:$0x0] =	sbarrier.arrive $0xFFFF  }
0x15c: {  	_ =	strace $0x9000004A  }
0x15d: {  	[bflag:$0x2] =	sbarrier.arrive $0xFFFF  }
0x15e: {  	p0 =	sne.s32 s4, $0x0;
	s0 =	rddreg [dreg:$0x2]  }
0x15f: {  	s0 =	sadd.s32 @!p0 $0x100000, s0  }
0x160: {  	[sflag:s0] =	ssyncadd.tile.s32 @!p0 $0x1;
	_ =	shalt  }
.Lfunc_end2:
_tile_overlayer_lowered:
.L_overlay_start_2:
0x161: {  	(tag) =	ssettag $0x2  }
0x162: {  	s0 =	rddreg [dreg:$0x0];
	s2 =	stileid.u32  }
0x163: {  	s1 =	rddreg [dreg:$0x1];
	p0 =	sne.s32 s2, $0x0  }
0x164: {  	s3 =	rddreg [dreg:$0x2];
	[bflag:$0x3] =	sbarrier.arrive $0xFFFF;
	s2 =	simm.s32 @!p0 $0x1C04  }
0x165: {  	[timem:s3], [sflag:s2] =	dma.local @!p0 [hbm:s0], s1  }
0x166: {  	s0 =	simm.s32 @!p0 $0x4  }
0x167: {  	_ =	swait.ge @!p0 [sflag:s0], s1  }
0x168: {  	s1 =	ssub.s32 @!p0 $0x0, s1;
	[sflag:s0] =	ssyncset.done @!p0 $0x0  }
0x169: {  	[sflag:s0] =	ssyncadd.s32 @!p0 s1  }
0x16a: {  	[bflag:$0x3] =	sbarrier.arrive $0xFFFF  }
0x16b: {  	_ =	shalt  }

// kernel: kernel.24.cloned.1.call-start
scs
__scs_entry_jumppad:
0x0: {  	(pc) =	sbr.rel $0x88, $3  }
0x1: {  	(tag) =	ssettag $0x0;
	lr =	simm.s32 $0x1  }
0x2: {  	[smem:$0x3F98] =	sst lr;
	_ =	strace $0xD0000000  }
0x3: {  	_ = 	snop  }
0x4: {  	_ = 	snop  }
0x5: {  	_ = 	snop  }
0x6: {  	_ = 	snop  }
0x7: {  	_ = 	snop  }
__scs_overlays_trampoline_lowered:
0x8: {  	[smem:$0x3FA7] =	sst s0  }
0x9: {  	[smem:$0x3FA8] =	sst s1  }
0xa: {  	[smem:$0x3FA9] =	sst s2  }
0xb: {  	[smem:$0x3FAA] =	sst s3  }
0xc: {  	[smem:$0x3FAB] =	sst s4  }
0xd: {  	[smem:$0x3FAC] =	sst s5  }
0xe: {  	[smem:$0x3FAD] =	sst s6  }
0xf: {  	[smem:$0x3FAE] =	sst s7  }
0x10: {  	[smem:$0x3FAF] =	sst s8  }
0x11: {  	[smem:$0x3FB0] =	sst s9;
	s0 =	simm.s32 @!p0 $0x0  }
0x12: {  	s1 =	sld [smem:$0x3F96];
	s0 =	simm.s32 @p0 $0x1  }
0x13: {  	[smem:$0x3FB1] =	sst s0;
	s0 =	simm.s32 @!p1 $0x0  }
0x14: {  	s2 =	sld [smem:$0x3F95];
	s0 =	simm.s32 @p1 $0x1  }
0x15: {  	[smem:$0x3FB2] =	sst s0;
	s0 =	simm.s32 @!p2 $0x0  }
0x16: {  	s3 =	sld [smem:$0x3FDB];
	s0 =	simm.s32 @p2 $0x1  }
0x17: {  	s4 =	simm.s32 $0x1BF5;
	[smem:$0x3FB4] =	sst s0  }
0x18: {  	s0 =	sld [smem:$0x3F97];
	_ =	swait.ge [sflag:s4], $0x0  }
0x19: {  	s7 =	sld [smem:$0x3F98]  }
0x1a: {  	s8 =	sadd.s32 $0xFFFFE003, lr  }
0x1b: {  	s9 =	sadd.s32 $0xFFFFFEF7, lr;
	s5 =	simm.s32 $0xFFFFFFFF;
	p2 =	slt.u32 s8, $0xFFFFF086  }
0x1c: {  	p1 =	slt.u32 s9, $0xF7A;
	s5 =	simm.s32 @!p2 $0x0  }
0x1d: {  	s5 =	simm.s32 @p1 $0x1;
	p0 =	seq.s32 s7, s2  }
0x1e: {  	s7 =	smul.u32 @!p0 $0xF7A, s2;
	p2 =	seq.s32 @!p0 s5, $0x0  }
0x1f: {  	s9 =	smul.u32 $0xF7A, s1;
	s8 =	simm.s32 @!p0 $0x1BF5;
	p2 =	por !p2, p0  }
0x20: {  	[sflag:s8] =	ssyncset.s32 @!p0 $0xFFFFF086;
	s6 =	sadd.s32 @!p0 s3, s7;
	s7 =	simm.s32 @!p0 $0x108  }
0x21: {  	s3 =	sadd.s32 s3, s9;
	s6 =	sadd.s32 @!p0 $0x88, s6;
	s7 =	simm.s32 @p2 $0x1082  }
0x22: {  	[simem:s7], [sflag:s8] =	dma.local @!p0 [hbm:s6], $0xF7A  }
0x23: {  	s9 =	sor.u32 $0xD0000000, s2;
	s6 =	simm.s32 $0x108;
	_ =	swait.ge @!p0 [sflag:s8], $0x0  }
0x24: {  	s3 =	sadd.s32 $0x88, s3;
	s6 =	simm.s32 @!p1 $0x1082;
	[sflag:s4] =	ssyncset.s32 $0xFFFFF086  }
0x25: {  	[simem:s6], [sflag:s4] =	dma.local [hbm:s3], $0xF7A  }
0x26: {  	[smem:$0x3F98] =	sst s1;
	(tag) =	ssettag s2;
	_ =	strace s9  }
0x27: {  	s1 =	sld [smem:$0x3FA8]  }
0x28: {  	s2 =	sld [smem:$0x3FA9]  }
0x29: {  	s4 =	sld [smem:$0x3FAB]  }
0x2a: {  	p0 =	seq.s32 s5, $0x0;
	s5 =	sld [smem:$0x3FAC]  }
0x2b: {  	s6 =	sld [smem:$0x3FAD]  }
0x2c: {  	s7 =	sld [smem:$0x3FAE]  }
0x2d: {  	s3 =	simm.s32 $0x108;
	s8 =	sld [smem:$0x3FAF]  }
0x2e: {  	s3 =	simm.s32 @!p0 $0x1082;
	s9 =	sld [smem:$0x3FB0]  }
0x2f: {  	lr =	sadd.s32 s0, s3;
	s0 =	sld [smem:$0x3FA7]  }
0x30: {  	s3 =	sld [smem:$0x3FAA]  }
0x31: {  	[smem:$0x3FB3] =	sst s10  }
0x32: {  	s10 =	sld [smem:$0x3FB1];
	_ =	sdelay $0x3  }
0x33: {  	p0 =	seq.s32 s10, $0x1;
	s10 =	sld [smem:$0x3FB3];
	_ =	sdelay $0x3  }
0x34: {  	[smem:$0x3FB3] =	sst s10  }
0x35: {  	s10 =	sld [smem:$0x3FB2];
	_ =	sdelay $0x3  }
0x36: {  	p1 =	seq.s32 s10, $0x1;
	s10 =	sld [smem:$0x3FB3];
	_ =	sdelay $0x3  }
0x37: {  	[smem:$0x3FB3] =	sst s10  }
0x38: {  	s10 =	sld [smem:$0x3FB4]  }
0x39: {  	_ = 	snop;
	(pc) =	sbr.ind lr, $3  }
0x3a: {  	_ = 	snop  }
0x3b: {  	_ = 	snop  }
0x3c: {  	p2 =	seq.s32 s10, $0x1;
	s10 =	sld [smem:$0x3FB3]  }
0x3d: {  	_ =	shalt  }
0x3e: {  	_ =	shalt  }
0x3f: {  	_ =	shalt  }
0x40: {  	_ =	shalt  }
0x41: {  	_ =	shalt  }
0x42: {  	_ =	shalt  }
0x43: {  	_ =	shalt  }
0x44: {  	_ =	shalt  }
0x45: {  	_ =	shalt  }
0x46: {  	_ =	shalt  }
0x47: {  	_ =	shalt  }
0x48: {  	_ =	shalt  }
0x49: {  	_ =	shalt  }
0x4a: {  	_ =	shalt  }
0x4b: {  	_ =	shalt  }
0x4c: {  	_ =	shalt  }
0x4d: {  	_ =	shalt  }
0x4e: {  	_ =	shalt  }
0x4f: {  	_ =	shalt  }
0x50: {  	_ =	shalt  }
0x51: {  	_ =	shalt  }
0x52: {  	_ =	shalt  }
0x53: {  	_ =	shalt  }
0x54: {  	_ =	shalt  }
0x55: {  	_ =	shalt  }
0x56: {  	_ =	shalt  }
0x57: {  	_ =	shalt  }
0x58: {  	_ =	shalt  }
0x59: {  	_ =	shalt  }
0x5a: {  	_ =	shalt  }
0x5b: {  	_ =	shalt  }
0x5c: {  	_ =	shalt  }
0x5d: {  	_ =	shalt  }
0x5e: {  	_ =	shalt  }
0x5f: {  	_ =	shalt  }
0x60: {  	_ =	shalt  }
0x61: {  	_ =	shalt  }
0x62: {  	_ =	shalt  }
0x63: {  	_ =	shalt  }
0x64: {  	_ =	shalt  }
0x65: {  	_ =	shalt  }
0x66: {  	_ =	shalt  }
0x67: {  	_ =	shalt  }
0x68: {  	_ =	shalt  }
0x69: {  	_ =	shalt  }
0x6a: {  	_ =	shalt  }
0x6b: {  	_ =	shalt  }
0x6c: {  	_ =	shalt  }
0x6d: {  	_ =	shalt  }
0x6e: {  	_ =	shalt  }
0x6f: {  	_ =	shalt  }
0x70: {  	_ =	shalt  }
0x71: {  	_ =	shalt  }
0x72: {  	_ =	shalt  }
0x73: {  	_ =	shalt  }
0x74: {  	_ =	shalt  }
0x75: {  	_ =	shalt  }
0x76: {  	_ =	shalt  }
0x77: {  	_ =	shalt  }
0x78: {  	_ =	shalt  }
0x79: {  	_ =	shalt  }
0x7a: {  	_ =	shalt  }
0x7b: {  	_ =	shalt  }
0x7c: {  	_ =	shalt  }
0x7d: {  	_ =	shalt  }
0x7e: {  	_ =	shalt  }
0x7f: {  	_ =	shalt  }
0x80: {  	_ =	shalt  }
0x81: {  	_ =	shalt  }
0x82: {  	_ =	shalt  }
0x83: {  	_ =	shalt  }
0x84: {  	_ =	shalt  }
0x85: {  	_ =	shalt  }
0x86: {  	_ =	shalt  }
0x87: {  	_ =	shalt  }
.Lfunc_end0:
.L_simem_size_0:
called_computation.2_lowered:
.L_overlay_start_0:
0x88: {  	s2 =	sld [smem:$0x3FD9]  }
0x89: {  	s3 =	sld [smem:$0x3FFE];
	_ =	sdelay $0x1  }
0x8a: {  	s1 =	srdreg.scid  }
0x8b: {  	s0 =	sand.u32 $0x1, s1  }
0x8c: {  	s16 =	sshll.u32 s0, $0xA;
	s2 =	sadd.s32 s3, s2  }
0x8d: {  	s2 =	sadd.s32 s2, s16  }
0x8e: {  	[smem:$0x3FBF] =	sst s2  }
0x8f: {  	_ = 	snop  }
0x90: {  	(tm) =	ssettm $0x1  }
0x91: {  	s17 =	sld [smem:$0x3FFB];
	_ =	sdelay $0x3  }
0x92: {  	_ =	strace s17  }
0x93: {  	s2 =	sld [smem:$0x3FFC];
	_ =	sdelay $0x3  }
0x94: {  	_ =	strace s2  }
0x95: {  	s2 =	sld [smem:$0x3FFD];
	_ =	sdelay $0x3  }
0x96: {  	_ =	strace s2  }
0x97: {  	_ =	strace $0x8FFFFFFF  }
0x98: {  	s18 =	sld [smem:$0x3FDB];
	_ =	sdelay $0x1  }
0x99: {  	s19 =	simm.s32 $_scs_section_size  }
0x9a: {  	s4 =	simm.s32 $_size__tile_overlayer_lowered;
	s5 =	simm.s32 $_tile_overlayer_lowered  }
0x9b: {  	s22 =	simm.s32 $0x1BFF;
	s21 =	sshll.u32 s5, $0x1;
	s2 =	sadd.s32 s19, s18  }
0x9c: {  	s6 =	simm.s32 $0x0;
	s20 =	sshll.u32 s4, $0x1;
	s4 =	sadd.s32 s21, s2  }
0x9d: {  	[timem:s6], [sflag:s22] =	dma.local [hbm:s4], s20  }
0x9e: {  	_ =	swait.ge [sflag:s22], s20  }
0x9f: {  	s3 =	ssub.s32 $0x0, s20;
	[sflag:s22] =	ssyncset.done $0x0  }
0xa0: {  	[sflag:s22] =	ssyncadd.s32 s3;
	_ =	sdelay $0x1  }
0xa1: {  	s23 =	simm.s32 $0x1B8B  }
0xa2: {  	_ =	swait.ge [sflag:s23], $0x1  }
0xa3: {  	[sflag:s23] =	ssyncset.done $0x0  }
0xa4: {  	s25 =	simm.s32 $0x1B8E;
	s24 =	sld [smem:$0x3FFE];
	[sflag:s23] =	ssyncadd.s32 $0xFFFFFFFF  }
0xa5: {  	s26 =	simm.s32 $execute0_lowered;
	[smem:$0x3FD2] =	sst s25  }
0xa6: {  	s4 =	sshll.u32 s26, $0x1;
	_ =	strace $0x8000004C;
	[dreg:$0x1] =	wrdreg $0xFFFFFFFF  }
0xa7: {  	s28 =	simm.s32 $_size_execute0_lowered;
	s2 =	sadd.s32 s2, s4;
	[dreg:$0x0] =	wrdreg $0x0  }
0xa8: {  	s4 =	sshll.u32 s28, $0x1;
	[dreg:$0x2] =	wrdreg s2  }
0xa9: {  	[dreg:$0x3] =	wrdreg s4  }
0xaa: {  	[dreg:$0x4] =	wrdreg $0xC0  }
0xab: {  	_ =	task [dreg:s6], $0x5FFFF  }
0xac: {  	[dreg:$0x1] =	wrdreg $0xFFFFFFFF  }
0xad: {  	[dreg:$0x0] =	wrdreg $0x60  }
0xae: {  	[dreg:$0x2] =	wrdreg s24  }
0xaf: {  	[dreg:$0x3] =	wrdreg $0xB0000  }
0xb0: {  	[dreg:$0x4] =	wrdreg $0x9  }
0xb1: {  	_ =	task.clear_ibuf [dreg:s6], $0x5FFFF;
	_ =	strace $0x9000004C  }
0xb2: {  	s29 =	simm.s32 $0x9;
	_ =	strace $0x8000004E  }
0xb3: {  	_ =	swait.ge [sflag:s29], $0x1  }
0xb4: {  	[sflag:s29] =	ssyncadd.s32 $0xFFFFFFFF  }
0xb5: {  	_ =	strace $0x9000004E  }
0xb6: {  	_ =	sfence  }
0xb7: {  	s30 =	sld [smem:$0x0];
	_ =	sdelay $0x2  }
0xb8: {  	s31 =	sshll.u32 s1, $0xD;
	s1 =	sshrl.u32 s1, $0x2  }
0xb9: {  	s3 =	sand.u32 $0x4000, s31;
	s1 =	sadd.s32 s1, s30  }
0xba: {  	s0 =	sor.u32 s3, s0;
	s1 =	sshll.u32 s1, $0x11  }
0xbb: {  	s0 =	sor.u32 s1, s0  }
0xbc: {  	s0 =	sadd.s32 $0x8F2B, s0  }
0xbd: {  	[sflag:s0] =	ssyncadd.remote.s32 $0x1  }
0xbe: {  	_ =	sfence.sel $0xFFFF  }
0xbf: {  	[dreg:$0x0] =	wrdreg $0xFFFFFFFF;
	(pc) =	sbr.abs _section_cstart, $3  }
0xc0: {  	[dreg:$0x1] =	wrdreg $0xFFFFFFFF  }
0xc1: {  	_ =	task.clear_ibuf [dreg:s6], $0x2FFFF;
	_ =	strace $0x9FFFFFFF  }
0xc2: {  	(tm) =	ssettm $0x7FFFFFFF  }
0xc3: {  	_ =	shalt  }
tec
execute0_lowered:
.L_overlay_start_1:
0x0: {  	(tag) =	ssettag $0x1  }
0x1: {  	s8 =	rddreg [dreg:$0x0]  }
0x2: {  	s1 =	rddreg [dreg:$0x1];
	s2 =	simm.s32 $0x0;
	s6 =	srdreg.scid  }
0x3: {  	s4 =	stileid.u32;
	s19 =	simm.s32 $0x40;
	s20 =	simm.s32 $0x5000  }
0x4: {  	s21 =	simm.s32 $0x80;
	s22 =	simm.s32 $0x7000;
	s23 =	simm.s32 $0x1  }
0x5: {  	s24 =	simm.s32 $0x9000;
	s25 =	simm.s32 $0x2;
	s26 =	simm.s32 $0x3  }
0x6: {  	s28 =	simm.s32 $0x4F00;
	s29 =	simm.s32 $0x4F80;
	[smem:$0x7FF] =	sst s2  }
0x7: {  	s3 =	sadd.s32 $0xF800, s8;
	s5 =	sadd.s32 $0x37800, s8;
	s14 =	sadd.s32 $0xBA000, s8  }
0x8: {  	s15 =	sadd.s32 $0xB0000, s8;
	s16 =	sand.u32 $0x1, s6;
	s6 =	sadd.s32 $0xD000, s8  }
0x9: {  	s10 =	smul.u32 $0x50000, s4;
	s7 =	sadd.s32 $0x5F800, s8;
	s8 =	sadd.s32 $0x87800, s8  }
0xa: {  	s12 =	sshll.u32 s4, $0x6;
	s13 =	smul.u32 $0xA00, s4;
	s9 =	ssub.s32 $0x2, s16  }
0xb: {  	_ =	strace $0x8000004D;
	p0 =	seq.s32 s16, $0x0;
	s11 =	sshrl.u32 s9, $0x1  }
.Ltmp0:
0xc: {  	s10 =	sshrl.u32 s10, $0x2;
	s18 =	sadd.s32 $0x500, s13;
	(pc) =	sbr.rel .LBB2_1-.Ltmp0, $4  }
0xd: {  	s11 =	ssub.s32 s9, s11;
	s17 =	sadd.s32 s10, s1;
	s9 =	sor.u32 $0x1C04, s12  }
0xe: {  	s10 =	smul.u32 $0x2800, s4;
	s12 =	sadd.s32 s14, s13;
	s13 =	sadd.s32 s15, s13  }
0xf: {  	s14 =	sadd.s32 s14, s18;
	s15 =	sadd.s32 s15, s18;
	s18 =	simm.s32 $0x2800  }
0x10: {  	s11 =	smax.u32 s11, $0x1;
	s16 =	sshrl.u32 s17, $0x3;
	s17 =	simm.s32 $0x4  }
.LBB2_11:
0x11: {  	[sflag:s17] =	ssyncadd.s32 $0xFFFFE000;
	s30 =	smov.u32 s7  }
.LBB2_12:
0x12: {  	_ =	swait.ge [sflag:s23], $0x2000  }
0x13: {  	[sflag:s23] =	ssyncset.done $0x0  }
0x14: {  	[sflag:s23] =	ssyncadd.s32 $0xFFFFE000  }
0x15: {  	[spmem:s1] =	stream.indirect.scatter.add.f32 [tilespmem:s20], [sflag:$0x4], $0x80, s28, s19, $0xb8;
	[tilespmem:$0x1F000] =	vst v63  }
0x16: {  	_ =	swait.ge [sflag:s17], $0x2000  }
0x17: {  	[sflag:s17] =	ssyncset.done $0x0  }
0x18: {  	[sflag:s17] =	ssyncadd.s32 $0xFFFFE000  }
0x19: {  	_ =	swait.ge [sflag:s25], $0x2000  }
0x1a: {  	[sflag:s25] =	ssyncset.done $0x0  }
0x1b: {  	[sflag:s25] =	ssyncadd.s32 $0xFFFFE000  }
0x1c: {  	[spmem:s1] =	stream.indirect.scatter.add.f32 [tilespmem:s22], [sflag:$0x4], $0x80, s29, s19, $0xb8;
	[tilespmem:$0x1F000] =	vst v63  }
0x1d: {  	_ =	swait.ge [sflag:s17], $0x2000  }
0x1e: {  	s2 =	sadd.s32 $0x1, s2;
	[sflag:s17] =	ssyncset.done $0x0  }
0x1f: {  	p1 =	sne.s32 s2, s11;
	[sflag:s17] =	ssyncadd.s32 $0xFFFFE000  }
.Ltmp1:
0x20: {  	s0 =	sadd.s32 s30, s10;
	[bflag:$0x0] =	sbarrier.arrive $0xFFFF;
	(pc) =	sbr.rel @!p1 .LBB2_13-.Ltmp1, $4  }
0x21: {  	[hbm:s0], [sflag:s9] =	dma.local [spmem:s16], $0x2800  }
0x22: {  	_ =	swait.ge [sflag:s17], $0x2800  }
0x23: {  	[sflag:s17] =	ssyncset.done $0x0  }
0x24: {  	[sflag:s17] =	ssyncadd.s32 $0xFFFFD800  }
.LBB2_1:
0x25: {  	[spmem:s16], [sflag:s9] =	dma.local [hbm:s6], $0x2800  }
.Ltmp2:
0x26: {  	_ =	swait.ge [sflag:s17], $0x2800;
	(pc) =	sbr.rel @!p0 .LBB2_2-.Ltmp2, $4  }
0x27: {  	[sflag:s17] =	ssyncset.done $0x0  }
0x28: {  	[sflag:s17] =	ssyncadd.s32 $0xFFFFD800  }
0x29: {  	[bflag:$0x0] =	sbarrier.arrive $0xFFFF  }
0x2a: {  	s30 =	simm.s32 $0x0  }
0x2b: {  	[tilespmem:s30], [sflag:$0x4] =	stream.linear.gather [hbm4b:s12+s30], $0x2800, $0x38;
	[tilespmem:$0x1F000] =	vst v63  }
0x2c: {  	_ =	swait.ge [sflag:s17], $0x2800  }
0x2d: {  	[sflag:s17] =	ssyncset.done $0x0  }
0x2e: {  	[sflag:s17] =	ssyncadd.s32 $0xFFFFD800  }
0x2f: {  	[tilespmem:s18], [sflag:$0x4] =	stream.linear.gather [hbm4b:s13+s30], $0x2800, $0x38;
	[tilespmem:$0x1F000] =	vst v63  }
0x30: {  	_ =	swait.ge [sflag:s17], $0x2800  }
0x31: {  	[sflag:s17] =	ssyncset.done $0x0  }
0x32: {  	[sflag:s17] =	ssyncadd.s32 $0xFFFFD800  }
0x33: {  	[tilespmem:s20], [sflag:$0x1] =	stream.indirect.gather [hbm4b:s3+s19], $0x80, s30, s19, $0xb8;
	[tilespmem:$0x1F000] =	vst v63  }
0x34: {  	_ = 	snop  }
0x35: {  	[tilespmem:s22], [sflag:$0x2] =	stream.indirect.gather [hbm4b:s3+s19], $0x80, s21, s19, $0xb8;
	[tilespmem:$0x1F000] =	vst v63  }
0x36: {  	_ =	swait.ge [sflag:s23], $0x2000  }
0x37: {  	[sflag:s23] =	ssyncset.done $0x0  }
0x38: {  	s30 =	simm.s32 $0x100;
	[sflag:s23] =	ssyncadd.s32 $0xFFFFE000  }
0x39: {  	[tilespmem:s24], [sflag:$0x3] =	stream.indirect.gather [hbm4b:s3+s19], $0x80, s30, s19, $0xb8;
	[tilespmem:$0x1F000] =	vst v63  }
0x3a: {  	s30 =	simm.s32 $0x2800  }
0x3b: {  	[spmem:s1] =	stream.indirect.scatter.add.f32 [tilespmem:s20], [sflag:$0x4], $0x80, s30, s19, $0xb8;
	[tilespmem:$0x1F000] =	vst v63  }
0x3c: {  	_ =	swait.ge [sflag:s17], $0x2000  }
0x3d: {  	[sflag:s17] =	ssyncset.done $0x0  }
0x3e: {  	[sflag:s17] =	ssyncadd.s32 $0xFFFFE000  }
0x3f: {  	_ =	swait.ge [sflag:s25], $0x2000  }
0x40: {  	[sflag:s25] =	ssyncset.done $0x0  }
0x41: {  	s30 =	simm.s32 $0x180;
	[sflag:s25] =	ssyncadd.s32 $0xFFFFE000  }
0x42: {  	[tilespmem:s20], [sflag:$0x1] =	stream.indirect.gather [hbm4b:s3+s19], $0x80, s30, s19, $0xb8;
	[tilespmem:$0x1F000] =	vst v63  }
0x43: {  	s30 =	simm.s32 $0x2880  }
0x44: {  	[spmem:s1] =	stream.indirect.scatter.add.f32 [tilespmem:s22], [sflag:$0x4], $0x80, s30, s19, $0xb8;
	[tilespmem:$0x1F000] =	vst v63  }
0x45: {  	_ =	swait.ge [sflag:s17], $0x2000  }
0x46: {  	[sflag:s17] =	ssyncset.done $0x0  }
0x47: {  	[sflag:s17] =	ssyncadd.s32 $0xFFFFE000  }
0x48: {  	_ =	swait.ge [sflag:s26], $0x2000  }
0x49: {  	[sflag:s26] =	ssyncset.done $0x0  }
0x4a: {  	s30 =	simm.s32 $0x200;
	[sflag:s26] =	ssyncadd.s32 $0xFFFFE000  }
0x4b: {  	[tilespmem:s22], [sflag:$0x2] =	stream.indirect.gather [hbm4b:s3+s19], $0x80, s30, s19, $0xb8;
	[tilespmem:$0x1F000] =	vst v63  }
0x4c: {  	s30 =	simm.s32 $0x2900  }
0x4d: {  	[spmem:s1] =	stream.indirect.scatter.add.f32 [tilespmem:s24], [sflag:$0x4], $0x80, s30, s19, $0xb8;
	[tilespmem:$0x1F000] =	vst v63  }
0x4e: {  	_ =	swait.ge [sflag:s17], $0x2000  }
0x4f: {  	s30 =	simm.s32 $0x600;
	[sflag:s17] =	ssyncset.done $0x0  }
.LBB2_8:
0x50: {  	p1 =	sne.s32 s30, $0x9600  }
0x51: {  	[sflag:s17] =	ssyncadd.s32 $0xFFFFE000;
	s31 =	smov.u32 s30;
	s30 =	sadd.s32 $0x600, s30  }
0x52: {  	_ = 	snop  }
0x53: {  	_ =	swait.ge [sflag:s23], $0x2000  }
0x54: {  	s31 =	sshra.s32 s31, $0x2;
	[sflag:s23] =	ssyncset.done $0x0  }
0x55: {  	s0 =	sadd.s32 $0x100, s31;
	[sflag:s23] =	ssyncadd.s32 $0xFFFFE000  }
0x56: {  	[tilespmem:s24], [sflag:$0x3] =	stream.indirect.gather [hbm4b:s3+s19], $0x80, s0, s19, $0xb8;
	[tilespmem:$0x1F000] =	vst v63  }
0x57: {  	s0 =	sadd.s32 $0x2800, s31  }
0x58: {  	[spmem:s1] =	stream.indirect.scatter.add.f32 [tilespmem:s20], [sflag:$0x4], $0x80, s0, s19, $0xb8;
	[tilespmem:$0x1F000] =	vst v63  }
0x59: {  	_ =	swait.ge [sflag:s17], $0x2000  }
0x5a: {  	[sflag:s17] =	ssyncset.done $0x0  }
0x5b: {  	[sflag:s17] =	ssyncadd.s32 $0xFFFFE000  }
0x5c: {  	_ =	swait.ge [sflag:s25], $0x2000  }
0x5d: {  	[sflag:s25] =	ssyncset.done $0x0  }
0x5e: {  	s0 =	sadd.s32 $0x180, s31;
	[sflag:s25] =	ssyncadd.s32 $0xFFFFE000  }
0x5f: {  	[tilespmem:s20], [sflag:$0x1] =	stream.indirect.gather [hbm4b:s3+s19], $0x80, s0, s19, $0xb8;
	[tilespmem:$0x1F000] =	vst v63  }
0x60: {  	s0 =	sadd.s32 $0x2880, s31  }
0x61: {  	[spmem:s1] =	stream.indirect.scatter.add.f32 [tilespmem:s22], [sflag:$0x4], $0x80, s0, s19, $0xb8;
	[tilespmem:$0x1F000] =	vst v63  }
0x62: {  	_ =	swait.ge [sflag:s17], $0x2000  }
0x63: {  	[sflag:s17] =	ssyncset.done $0x0  }
0x64: {  	[sflag:s17] =	ssyncadd.s32 $0xFFFFE000  }
0x65: {  	_ =	swait.ge [sflag:s26], $0x2000  }
0x66: {  	[sflag:s26] =	ssyncset.done $0x0  }
0x67: {  	s0 =	sadd.s32 $0x200, s31;
	[sflag:s26] =	ssyncadd.s32 $0xFFFFE000  }
0x68: {  	[tilespmem:s22], [sflag:$0x2] =	stream.indirect.gather [hbm4b:s3+s19], $0x80, s0, s19, $0xb8;
	[tilespmem:$0x1F000] =	vst v63  }
.Ltmp3:
0x69: {  	_ = 	snop;
	(pc) =	sbr.rel @p1 .LBB2_8-.Ltmp3, $4  }
0x6a: {  	s0 =	sadd.s32 $0x2900, s31  }
0x6b: {  	[spmem:s1] =	stream.indirect.scatter.add.f32 [tilespmem:s24], [sflag:$0x4], $0x80, s0, s19, $0xb8;
	[tilespmem:$0x1F000] =	vst v63  }
0x6c: {  	_ =	swait.ge [sflag:s17], $0x2000  }
0x6d: {  	[sflag:s17] =	ssyncset.done $0x0  }
0x6e: {  	[sflag:s17] =	ssyncadd.s32 $0xFFFFE000  }
0x6f: {  	_ =	swait.ge [sflag:s23], $0x2000  }
0x70: {  	[sflag:s23] =	ssyncset.done $0x0  }
0x71: {  	[sflag:s23] =	ssyncadd.s32 $0xFFFFE000  }
0x72: {  	[spmem:s1] =	stream.indirect.scatter.add.f32 [tilespmem:s20], [sflag:$0x4], $0x80, s28, s19, $0xb8;
	[tilespmem:$0x1F000] =	vst v63  }
0x73: {  	_ =	swait.ge [sflag:s17], $0x2000  }
0x74: {  	[sflag:s17] =	ssyncset.done $0x0  }
0x75: {  	[sflag:s17] =	ssyncadd.s32 $0xFFFFE000  }
0x76: {  	_ =	swait.ge [sflag:s25], $0x2000  }
0x77: {  	[sflag:s25] =	ssyncset.done $0x0  }
0x78: {  	[sflag:s25] =	ssyncadd.s32 $0xFFFFE000  }
0x79: {  	[spmem:s1] =	stream.indirect.scatter.add.f32 [tilespmem:s22], [sflag:$0x4], $0x80, s29, s19, $0xb8;
	[tilespmem:$0x1F000] =	vst v63  }
0x7a: {  	_ =	swait.ge [sflag:s17], $0x2000  }
0x7b: {  	[sflag:s17] =	ssyncset.done $0x0  }
0x7c: {  	s0 =	simm.s32 $0x0;
	[sflag:s17] =	ssyncadd.s32 $0xFFFFE000  }
0x7d: {  	[tilespmem:s0], [sflag:$0x4] =	stream.linear.gather [hbm4b:s14+s0], $0x2800, $0x38;
	[tilespmem:$0x1F000] =	vst v63  }
0x7e: {  	_ =	swait.ge [sflag:s17], $0x2800  }
0x7f: {  	[sflag:s17] =	ssyncset.done $0x0  }
0x80: {  	[sflag:s17] =	ssyncadd.s32 $0xFFFFD800  }
0x81: {  	[tilespmem:s18], [sflag:$0x4] =	stream.linear.gather [hbm4b:s15+s0], $0x2800, $0x38;
	[tilespmem:$0x1F000] =	vst v63  }
0x82: {  	_ =	swait.ge [sflag:s17], $0x2800  }
0x83: {  	[sflag:s17] =	ssyncset.done $0x0  }
0x84: {  	[sflag:s17] =	ssyncadd.s32 $0xFFFFD800  }
0x85: {  	[tilespmem:s20], [sflag:$0x1] =	stream.indirect.gather [hbm4b:s3+s19], $0x80, s0, s19, $0xb8;
	[tilespmem:$0x1F000] =	vst v63  }
0x86: {  	_ = 	snop  }
0x87: {  	[tilespmem:s22], [sflag:$0x2] =	stream.indirect.gather [hbm4b:s3+s19], $0x80, s21, s19, $0xb8;
	[tilespmem:$0x1F000] =	vst v63  }
0x88: {  	_ =	swait.ge [sflag:s23], $0x2000  }
0x89: {  	[sflag:s23] =	ssyncset.done $0x0  }
0x8a: {  	s31 =	simm.s32 $0x100;
	[sflag:s23] =	ssyncadd.s32 $0xFFFFE000  }
0x8b: {  	[tilespmem:s24], [sflag:$0x3] =	stream.indirect.gather [hbm4b:s3+s19], $0x80, s31, s19, $0xb8;
	[tilespmem:$0x1F000] =	vst v63  }
0x8c: {  	s31 =	simm.s32 $0x2800  }
0x8d: {  	[spmem:s1] =	stream.indirect.scatter.add.f32 [tilespmem:s20], [sflag:$0x4], $0x80, s31, s19, $0xb8;
	[tilespmem:$0x1F000] =	vst v63  }
0x8e: {  	_ =	swait.ge [sflag:s17], $0x2000  }
0x8f: {  	[sflag:s17] =	ssyncset.done $0x0  }
0x90: {  	[sflag:s17] =	ssyncadd.s32 $0xFFFFE000  }
0x91: {  	_ =	swait.ge [sflag:s25], $0x2000  }
0x92: {  	[sflag:s25] =	ssyncset.done $0x0  }
0x93: {  	s31 =	simm.s32 $0x180;
	[sflag:s25] =	ssyncadd.s32 $0xFFFFE000  }
0x94: {  	[tilespmem:s20], [sflag:$0x1] =	stream.indirect.gather [hbm4b:s3+s19], $0x80, s31, s19, $0xb8;
	[tilespmem:$0x1F000] =	vst v63  }
0x95: {  	s31 =	simm.s32 $0x2880  }
0x96: {  	[spmem:s1] =	stream.indirect.scatter.add.f32 [tilespmem:s22], [sflag:$0x4], $0x80, s31, s19, $0xb8;
	[tilespmem:$0x1F000] =	vst v63  }
0x97: {  	_ =	swait.ge [sflag:s17], $0x2000  }
0x98: {  	[sflag:s17] =	ssyncset.done $0x0  }
0x99: {  	[sflag:s17] =	ssyncadd.s32 $0xFFFFE000  }
0x9a: {  	_ =	swait.ge [sflag:s26], $0x2000  }
0x9b: {  	[sflag:s26] =	ssyncset.done $0x0  }
0x9c: {  	s31 =	simm.s32 $0x200;
	[sflag:s26] =	ssyncadd.s32 $0xFFFFE000  }
0x9d: {  	[tilespmem:s22], [sflag:$0x2] =	stream.indirect.gather [hbm4b:s3+s19], $0x80, s31, s19, $0xb8;
	[tilespmem:$0x1F000] =	vst v63  }
0x9e: {  	s31 =	simm.s32 $0x2900  }
0x9f: {  	[spmem:s1] =	stream.indirect.scatter.add.f32 [tilespmem:s24], [sflag:$0x4], $0x80, s31, s19, $0xb8;
	[tilespmem:$0x1F000] =	vst v63  }
0xa0: {  	_ =	swait.ge [sflag:s17], $0x2000  }
0xa1: {  	s30 =	simm.s32 $0x600;
	[sflag:s17] =	ssyncset.done $0x0  }
.LBB2_10:
0xa2: {  	p1 =	seq.s32 s30, $0x9600  }
0xa3: {  	[sflag:s17] =	ssyncadd.s32 $0xFFFFE000;
	s0 =	smov.u32 s30;
	s30 =	sadd.s32 $0x600, s30  }
0xa4: {  	_ = 	snop  }
0xa5: {  	_ =	swait.ge [sflag:s23], $0x2000  }
0xa6: {  	s0 =	sshra.s32 s0, $0x2;
	[sflag:s23] =	ssyncset.done $0x0  }
0xa7: {  	s31 =	sadd.s32 $0x100, s0;
	[sflag:s23] =	ssyncadd.s32 $0xFFFFE000  }
0xa8: {  	[tilespmem:s24], [sflag:$0x3] =	stream.indirect.gather [hbm4b:s3+s19], $0x80, s31, s19, $0xb8;
	[tilespmem:$0x1F000] =	vst v63  }
0xa9: {  	s31 =	sadd.s32 $0x2800, s0  }
0xaa: {  	[spmem:s1] =	stream.indirect.scatter.add.f32 [tilespmem:s20], [sflag:$0x4], $0x80, s31, s19, $0xb8;
	[tilespmem:$0x1F000] =	vst v63  }
0xab: {  	_ =	swait.ge [sflag:s17], $0x2000  }
0xac: {  	[sflag:s17] =	ssyncset.done $0x0  }
0xad: {  	[sflag:s17] =	ssyncadd.s32 $0xFFFFE000  }
0xae: {  	_ =	swait.ge [sflag:s25], $0x2000  }
0xaf: {  	[sflag:s25] =	ssyncset.done $0x0  }
0xb0: {  	s31 =	sadd.s32 $0x180, s0;
	[sflag:s25] =	ssyncadd.s32 $0xFFFFE000  }
0xb1: {  	[tilespmem:s20], [sflag:$0x1] =	stream.indirect.gather [hbm4b:s3+s19], $0x80, s31, s19, $0xb8;
	[tilespmem:$0x1F000] =	vst v63  }
0xb2: {  	s31 =	sadd.s32 $0x2880, s0  }
0xb3: {  	[spmem:s1] =	stream.indirect.scatter.add.f32 [tilespmem:s22], [sflag:$0x4], $0x80, s31, s19, $0xb8;
	[tilespmem:$0x1F000] =	vst v63  }
0xb4: {  	_ =	swait.ge [sflag:s17], $0x2000  }
0xb5: {  	[sflag:s17] =	ssyncset.done $0x0  }
0xb6: {  	[sflag:s17] =	ssyncadd.s32 $0xFFFFE000  }
0xb7: {  	_ =	swait.ge [sflag:s26], $0x2000  }
0xb8: {  	[sflag:s26] =	ssyncset.done $0x0  }
0xb9: {  	s31 =	sadd.s32 $0x200, s0;
	[sflag:s26] =	ssyncadd.s32 $0xFFFFE000  }
0xba: {  	[tilespmem:s22], [sflag:$0x2] =	stream.indirect.gather [hbm4b:s3+s19], $0x80, s31, s19, $0xb8;
	[tilespmem:$0x1F000] =	vst v63  }
.Ltmp4:
0xbb: {  	_ = 	snop;
	(pc) =	sbr.rel @!p1 .LBB2_10-.Ltmp4, $4  }
0xbc: {  	s0 =	sadd.s32 $0x2900, s0  }
0xbd: {  	[spmem:s1] =	stream.indirect.scatter.add.f32 [tilespmem:s24], [sflag:$0x4], $0x80, s0, s19, $0xb8;
	[tilespmem:$0x1F000] =	vst v63  }
0xbe: {  	_ =	swait.ge [sflag:s17], $0x2000  }
0xbf: {  	[sflag:s17] =	ssyncset.done $0x0  }
.Ltmp5:
0xc0: {  	_ = 	snop;
	(pc) =	sbr.rel .LBB2_11-.Ltmp5, $1  }
0xc1: {  	_ =	sdelay $0x3  }
.LBB2_2:
0xc2: {  	[tilespmem:s30], [sflag:$0x4] =	stream.linear.gather [hbm4b:s12+s30], $0x2800, $0x38;
	[tilespmem:$0x1F000] =	vst v63  }
0xc3: {  	_ =	swait.ge [sflag:s17], $0x2800  }
0xc4: {  	[sflag:s17] =	ssyncset.done $0x0  }
0xc5: {  	[sflag:s17] =	ssyncadd.s32 $0xFFFFD800  }
0xc6: {  	[tilespmem:s18], [sflag:$0x4] =	stream.linear.gather [hbm4b:s13+s30], $0x2800, $0x38;
	[tilespmem:$0x1F000] =	vst v63  }
0xc7: {  	_ =	swait.ge [sflag:s17], $0x2800  }
0xc8: {  	[sflag:s17] =	ssyncset.done $0x0  }
0xc9: {  	[sflag:s17] =	ssyncadd.s32 $0xFFFFD800  }
0xca: {  	[tilespmem:s20], [sflag:$0x1] =	stream.indirect.gather [hbm4b:s5+s19], $0x80, s30, s19, $0xb8;
	[tilespmem:$0x1F000] =	vst v63  }
0xcb: {  	_ = 	snop  }
0xcc: {  	[tilespmem:s22], [sflag:$0x2] =	stream.indirect.gather [hbm4b:s5+s19], $0x80, s21, s19, $0xb8;
	[tilespmem:$0x1F000] =	vst v63  }
0xcd: {  	_ =	swait.ge [sflag:s23], $0x2000  }
0xce: {  	[sflag:s23] =	ssyncset.done $0x0  }
0xcf: {  	s0 =	simm.s32 $0x100;
	[sflag:s23] =	ssyncadd.s32 $0xFFFFE000  }
0xd0: {  	[tilespmem:s24], [sflag:$0x3] =	stream.indirect.gather [hbm4b:s5+s19], $0x80, s0, s19, $0xb8;
	[tilespmem:$0x1F000] =	vst v63  }
0xd1: {  	s31 =	simm.s32 $0x2800  }
0xd2: {  	[spmem:s1] =	stream.indirect.scatter.add.f32 [tilespmem:s20], [sflag:$0x4], $0x80, s31, s19, $0xb8;
	[tilespmem:$0x1F000] =	vst v63  }
0xd3: {  	_ =	swait.ge [sflag:s17], $0x2000  }
0xd4: {  	[sflag:s17] =	ssyncset.done $0x0  }
0xd5: {  	[sflag:s17] =	ssyncadd.s32 $0xFFFFE000  }
0xd6: {  	_ =	swait.ge [sflag:s25], $0x2000  }
0xd7: {  	[sflag:s25] =	ssyncset.done $0x0  }
0xd8: {  	s31 =	simm.s32 $0x180;
	[sflag:s25] =	ssyncadd.s32 $0xFFFFE000  }
0xd9: {  	[tilespmem:s20], [sflag:$0x1] =	stream.indirect.gather [hbm4b:s5+s19], $0x80, s31, s19, $0xb8;
	[tilespmem:$0x1F000] =	vst v63  }
0xda: {  	s31 =	simm.s32 $0x2880  }
0xdb: {  	[spmem:s1] =	stream.indirect.scatter.add.f32 [tilespmem:s22], [sflag:$0x4], $0x80, s31, s19, $0xb8;
	[tilespmem:$0x1F000] =	vst v63  }
0xdc: {  	_ =	swait.ge [sflag:s17], $0x2000  }
0xdd: {  	[sflag:s17] =	ssyncset.done $0x0  }
0xde: {  	[sflag:s17] =	ssyncadd.s32 $0xFFFFE000  }
0xdf: {  	_ =	swait.ge [sflag:s26], $0x2000  }
0xe0: {  	[sflag:s26] =	ssyncset.done $0x0  }
0xe1: {  	s31 =	simm.s32 $0x200;
	[sflag:s26] =	ssyncadd.s32 $0xFFFFE000  }
0xe2: {  	[tilespmem:s22], [sflag:$0x2] =	stream.indirect.gather [hbm4b:s5+s19], $0x80, s31, s19, $0xb8;
	[tilespmem:$0x1F000] =	vst v63  }
0xe3: {  	s31 =	simm.s32 $0x2900  }
0xe4: {  	[spmem:s1] =	stream.indirect.scatter.add.f32 [tilespmem:s24], [sflag:$0x4], $0x80, s31, s19, $0xb8;
	[tilespmem:$0x1F000] =	vst v63  }
0xe5: {  	_ =	swait.ge [sflag:s17], $0x2000  }
0xe6: {  	s30 =	simm.s32 $0x600;
	[sflag:s17] =	ssyncset.done $0x0  }
.LBB2_3:
0xe7: {  	p1 =	sne.s32 s30, $0x9600  }
0xe8: {  	[sflag:s17] =	ssyncadd.s32 $0xFFFFE000;
	s0 =	smov.u32 s30;
	s30 =	sadd.s32 $0x600, s30  }
0xe9: {  	_ = 	snop  }
0xea: {  	_ =	swait.ge [sflag:s23], $0x2000  }
0xeb: {  	s0 =	sshra.s32 s0, $0x2;
	[sflag:s23] =	ssyncset.done $0x0  }
0xec: {  	s31 =	sadd.s32 $0x100, s0;
	[sflag:s23] =	ssyncadd.s32 $0xFFFFE000  }
0xed: {  	[tilespmem:s24], [sflag:$0x3] =	stream.indirect.gather [hbm4b:s5+s19], $0x80, s31, s19, $0xb8;
	[tilespmem:$0x1F000] =	vst v63  }
0xee: {  	s31 =	sadd.s32 $0x2800, s0  }
0xef: {  	[spmem:s1] =	stream.indirect.scatter.add.f32 [tilespmem:s20], [sflag:$0x4], $0x80, s31, s19, $0xb8;
	[tilespmem:$0x1F000] =	vst v63  }
0xf0: {  	_ =	swait.ge [sflag:s17], $0x2000  }
0xf1: {  	[sflag:s17] =	ssyncset.done $0x0  }
0xf2: {  	[sflag:s17] =	ssyncadd.s32 $0xFFFFE000  }
0xf3: {  	_ =	swait.ge [sflag:s25], $0x2000  }
0xf4: {  	[sflag:s25] =	ssyncset.done $0x0  }
0xf5: {  	s31 =	sadd.s32 $0x180, s0;
	[sflag:s25] =	ssyncadd.s32 $0xFFFFE000  }
0xf6: {  	[tilespmem:s20], [sflag:$0x1] =	stream.indirect.gather [hbm4b:s5+s19], $0x80, s31, s19, $0xb8;
	[tilespmem:$0x1F000] =	vst v63  }
0xf7: {  	s31 =	sadd.s32 $0x2880, s0  }
0xf8: {  	[spmem:s1] =	stream.indirect.scatter.add.f32 [tilespmem:s22], [sflag:$0x4], $0x80, s31, s19, $0xb8;
	[tilespmem:$0x1F000] =	vst v63  }
0xf9: {  	_ =	swait.ge [sflag:s17], $0x2000  }
0xfa: {  	[sflag:s17] =	ssyncset.done $0x0  }
0xfb: {  	[sflag:s17] =	ssyncadd.s32 $0xFFFFE000  }
0xfc: {  	_ =	swait.ge [sflag:s26], $0x2000  }
0xfd: {  	[sflag:s26] =	ssyncset.done $0x0  }
0xfe: {  	s31 =	sadd.s32 $0x200, s0;
	[sflag:s26] =	ssyncadd.s32 $0xFFFFE000  }
0xff: {  	[tilespmem:s22], [sflag:$0x2] =	stream.indirect.gather [hbm4b:s5+s19], $0x80, s31, s19, $0xb8;
	[tilespmem:$0x1F000] =	vst v63  }
.Ltmp6:
0x100: {  	_ = 	snop;
	(pc) =	sbr.rel @p1 .LBB2_3-.Ltmp6, $4  }
0x101: {  	s0 =	sadd.s32 $0x2900, s0  }
0x102: {  	[spmem:s1] =	stream.indirect.scatter.add.f32 [tilespmem:s24], [sflag:$0x4], $0x80, s0, s19, $0xb8;
	[tilespmem:$0x1F000] =	vst v63  }
0x103: {  	_ =	swait.ge [sflag:s17], $0x2000  }
0x104: {  	[sflag:s17] =	ssyncset.done $0x0  }
0x105: {  	[sflag:s17] =	ssyncadd.s32 $0xFFFFE000  }
0x106: {  	_ =	swait.ge [sflag:s23], $0x2000  }
0x107: {  	[sflag:s23] =	ssyncset.done $0x0  }
0x108: {  	[sflag:s23] =	ssyncadd.s32 $0xFFFFE000  }
0x109: {  	[spmem:s1] =	stream.indirect.scatter.add.f32 [tilespmem:s20], [sflag:$0x4], $0x80, s28, s19, $0xb8;
	[tilespmem:$0x1F000] =	vst v63  }
0x10a: {  	_ =	swait.ge [sflag:s17], $0x2000  }
0x10b: {  	[sflag:s17] =	ssyncset.done $0x0  }
0x10c: {  	[sflag:s17] =	ssyncadd.s32 $0xFFFFE000  }
0x10d: {  	_ =	swait.ge [sflag:s25], $0x2000  }
0x10e: {  	[sflag:s25] =	ssyncset.done $0x0  }
0x10f: {  	[sflag:s25] =	ssyncadd.s32 $0xFFFFE000  }
0x110: {  	[spmem:s1] =	stream.indirect.scatter.add.f32 [tilespmem:s22], [sflag:$0x4], $0x80, s29, s19, $0xb8;
	[tilespmem:$0x1F000] =	vst v63  }
0x111: {  	_ =	swait.ge [sflag:s17], $0x2000  }
0x112: {  	[sflag:s17] =	ssyncset.done $0x0  }
0x113: {  	s0 =	simm.s32 $0x0;
	[sflag:s17] =	ssyncadd.s32 $0xFFFFE000  }
0x114: {  	[tilespmem:s0], [sflag:$0x4] =	stream.linear.gather [hbm4b:s14+s0], $0x2800, $0x38;
	[tilespmem:$0x1F000] =	vst v63  }
0x115: {  	_ =	swait.ge [sflag:s17], $0x2800  }
0x116: {  	[sflag:s17] =	ssyncset.done $0x0  }
0x117: {  	[sflag:s17] =	ssyncadd.s32 $0xFFFFD800  }
0x118: {  	[tilespmem:s18], [sflag:$0x4] =	stream.linear.gather [hbm4b:s15+s0], $0x2800, $0x38;
	[tilespmem:$0x1F000] =	vst v63  }
0x119: {  	_ =	swait.ge [sflag:s17], $0x2800  }
0x11a: {  	[sflag:s17] =	ssyncset.done $0x0  }
0x11b: {  	[sflag:s17] =	ssyncadd.s32 $0xFFFFD800  }
0x11c: {  	[tilespmem:s20], [sflag:$0x1] =	stream.indirect.gather [hbm4b:s5+s19], $0x80, s0, s19, $0xb8;
	[tilespmem:$0x1F000] =	vst v63  }
0x11d: {  	_ = 	snop  }
0x11e: {  	[tilespmem:s22], [sflag:$0x2] =	stream.indirect.gather [hbm4b:s5+s19], $0x80, s21, s19, $0xb8;
	[tilespmem:$0x1F000] =	vst v63  }
0x11f: {  	_ =	swait.ge [sflag:s23], $0x2000  }
0x120: {  	[sflag:s23] =	ssyncset.done $0x0  }
0x121: {  	s31 =	simm.s32 $0x100;
	[sflag:s23] =	ssyncadd.s32 $0xFFFFE000  }
0x122: {  	[tilespmem:s24], [sflag:$0x3] =	stream.indirect.gather [hbm4b:s5+s19], $0x80, s31, s19, $0xb8;
	[tilespmem:$0x1F000] =	vst v63  }
0x123: {  	s31 =	simm.s32 $0x2800  }
0x124: {  	[spmem:s1] =	stream.indirect.scatter.add.f32 [tilespmem:s20], [sflag:$0x4], $0x80, s31, s19, $0xb8;
	[tilespmem:$0x1F000] =	vst v63  }
0x125: {  	_ =	swait.ge [sflag:s17], $0x2000  }
0x126: {  	[sflag:s17] =	ssyncset.done $0x0  }
0x127: {  	[sflag:s17] =	ssyncadd.s32 $0xFFFFE000  }
0x128: {  	_ =	swait.ge [sflag:s25], $0x2000  }
0x129: {  	[sflag:s25] =	ssyncset.done $0x0  }
0x12a: {  	s31 =	simm.s32 $0x180;
	[sflag:s25] =	ssyncadd.s32 $0xFFFFE000  }
0x12b: {  	[tilespmem:s20], [sflag:$0x1] =	stream.indirect.gather [hbm4b:s5+s19], $0x80, s31, s19, $0xb8;
	[tilespmem:$0x1F000] =	vst v63  }
0x12c: {  	s31 =	simm.s32 $0x2880  }
0x12d: {  	[spmem:s1] =	stream.indirect.scatter.add.f32 [tilespmem:s22], [sflag:$0x4], $0x80, s31, s19, $0xb8;
	[tilespmem:$0x1F000] =	vst v63  }
0x12e: {  	_ =	swait.ge [sflag:s17], $0x2000  }
0x12f: {  	[sflag:s17] =	ssyncset.done $0x0  }
0x130: {  	[sflag:s17] =	ssyncadd.s32 $0xFFFFE000  }
0x131: {  	_ =	swait.ge [sflag:s26], $0x2000  }
0x132: {  	[sflag:s26] =	ssyncset.done $0x0  }
0x133: {  	s31 =	simm.s32 $0x200;
	[sflag:s26] =	ssyncadd.s32 $0xFFFFE000  }
0x134: {  	[tilespmem:s22], [sflag:$0x2] =	stream.indirect.gather [hbm4b:s5+s19], $0x80, s31, s19, $0xb8;
	[tilespmem:$0x1F000] =	vst v63  }
0x135: {  	s31 =	simm.s32 $0x2900  }
0x136: {  	[spmem:s1] =	stream.indirect.scatter.add.f32 [tilespmem:s24], [sflag:$0x4], $0x80, s31, s19, $0xb8;
	[tilespmem:$0x1F000] =	vst v63  }
0x137: {  	_ =	swait.ge [sflag:s17], $0x2000  }
0x138: {  	s30 =	simm.s32 $0x600;
	[sflag:s17] =	ssyncset.done $0x0  }
.LBB2_5:
0x139: {  	p1 =	sne.s32 s30, $0x9600  }
0x13a: {  	[sflag:s17] =	ssyncadd.s32 $0xFFFFE000;
	s0 =	smov.u32 s30;
	s30 =	sadd.s32 $0x600, s30  }
0x13b: {  	_ = 	snop  }
0x13c: {  	_ =	swait.ge [sflag:s23], $0x2000  }
0x13d: {  	s0 =	sshra.s32 s0, $0x2;
	[sflag:s23] =	ssyncset.done $0x0  }
0x13e: {  	s31 =	sadd.s32 $0x100, s0;
	[sflag:s23] =	ssyncadd.s32 $0xFFFFE000  }
0x13f: {  	[tilespmem:s24], [sflag:$0x3] =	stream.indirect.gather [hbm4b:s5+s19], $0x80, s31, s19, $0xb8;
	[tilespmem:$0x1F000] =	vst v63  }
0x140: {  	s31 =	sadd.s32 $0x2800, s0  }
0x141: {  	[spmem:s1] =	stream.indirect.scatter.add.f32 [tilespmem:s20], [sflag:$0x4], $0x80, s31, s19, $0xb8;
	[tilespmem:$0x1F000] =	vst v63  }
0x142: {  	_ =	swait.ge [sflag:s17], $0x2000  }
0x143: {  	[sflag:s17] =	ssyncset.done $0x0  }
0x144: {  	[sflag:s17] =	ssyncadd.s32 $0xFFFFE000  }
0x145: {  	_ =	swait.ge [sflag:s25], $0x2000  }
0x146: {  	[sflag:s25] =	ssyncset.done $0x0  }
0x147: {  	s31 =	sadd.s32 $0x180, s0;
	[sflag:s25] =	ssyncadd.s32 $0xFFFFE000  }
0x148: {  	[tilespmem:s20], [sflag:$0x1] =	stream.indirect.gather [hbm4b:s5+s19], $0x80, s31, s19, $0xb8;
	[tilespmem:$0x1F000] =	vst v63  }
0x149: {  	s31 =	sadd.s32 $0x2880, s0  }
0x14a: {  	[spmem:s1] =	stream.indirect.scatter.add.f32 [tilespmem:s22], [sflag:$0x4], $0x80, s31, s19, $0xb8;
	[tilespmem:$0x1F000] =	vst v63  }
0x14b: {  	_ =	swait.ge [sflag:s17], $0x2000  }
0x14c: {  	[sflag:s17] =	ssyncset.done $0x0  }
0x14d: {  	[sflag:s17] =	ssyncadd.s32 $0xFFFFE000  }
0x14e: {  	_ =	swait.ge [sflag:s26], $0x2000  }
0x14f: {  	[sflag:s26] =	ssyncset.done $0x0  }
0x150: {  	s31 =	sadd.s32 $0x200, s0;
	[sflag:s26] =	ssyncadd.s32 $0xFFFFE000  }
0x151: {  	[tilespmem:s22], [sflag:$0x2] =	stream.indirect.gather [hbm4b:s5+s19], $0x80, s31, s19, $0xb8;
	[tilespmem:$0x1F000] =	vst v63  }
.Ltmp7:
0x152: {  	_ = 	snop;
	(pc) =	sbr.rel @p1 .LBB2_5-.Ltmp7, $4  }
0x153: {  	s0 =	sadd.s32 $0x2900, s0  }
0x154: {  	[spmem:s1] =	stream.indirect.scatter.add.f32 [tilespmem:s24], [sflag:$0x4], $0x80, s0, s19, $0xb8;
	[tilespmem:$0x1F000] =	vst v63  }
0x155: {  	_ =	swait.ge [sflag:s17], $0x2000  }
0x156: {  	[sflag:s17] =	ssyncset.done $0x0  }
.Ltmp8:
0x157: {  	(pc) =	sbr.rel .LBB2_12-.Ltmp8, $2  }
0x158: {  	_ =	sdelay $0x2  }
0x159: {  	[sflag:s17] =	ssyncadd.s32 $0xFFFFE000;
	s30 =	smov.u32 s8  }
.LBB2_13:
0x15a: {  	_ =	sfence.sel $0x180000  }
0x15b: {  	[bflag:$0x0] =	sbarrier.arrive $0xFFFF  }
0x15c: {  	_ =	strace $0x9000004D  }
0x15d: {  	[bflag:$0x2] =	sbarrier.arrive $0xFFFF  }
0x15e: {  	p0 =	sne.s32 s4, $0x0;
	s0 =	rddreg [dreg:$0x2]  }
0x15f: {  	s0 =	sadd.s32 @!p0 $0x100000, s0  }
0x160: {  	[sflag:s0] =	ssyncadd.tile.s32 @!p0 $0x1;
	_ =	shalt  }
.Lfunc_end2:
_tile_overlayer_lowered:
.L_overlay_start_2:
0x161: {  	(tag) =	ssettag $0x2  }
0x162: {  	s0 =	rddreg [dreg:$0x0];
	s2 =	stileid.u32  }
0x163: {  	s1 =	rddreg [dreg:$0x1];
	p0 =	sne.s32 s2, $0x0  }
0x164: {  	s3 =	rddreg [dreg:$0x2];
	[bflag:$0x3] =	sbarrier.arrive $0xFFFF;
	s2 =	simm.s32 @!p0 $0x1C04  }
0x165: {  	[timem:s3], [sflag:s2] =	dma.local @!p0 [hbm:s0], s1  }
0x166: {  	s0 =	simm.s32 @!p0 $0x4  }
0x167: {  	_ =	swait.ge @!p0 [sflag:s0], s1  }
0x168: {  	s1 =	ssub.s32 @!p0 $0x0, s1;
	[sflag:s0] =	ssyncset.done @!p0 $0x0  }
0x169: {  	[sflag:s0] =	ssyncadd.s32 @!p0 s1  }
0x16a: {  	[bflag:$0x3] =	sbarrier.arrive $0xFFFF  }
0x16b: {  	_ =	shalt  }

// kernel: kernel.27.cloned.1.call-start
scs
__scs_entry_jumppad:
0x0: {  	(pc) =	sbr.rel $0x88, $3  }
0x1: {  	(tag) =	ssettag $0x0;
	lr =	simm.s32 $0x1  }
0x2: {  	[smem:$0x3F98] =	sst lr;
	_ =	strace $0xD0000000  }
0x3: {  	_ = 	snop  }
0x4: {  	_ = 	snop  }
0x5: {  	_ = 	snop  }
0x6: {  	_ = 	snop  }
0x7: {  	_ = 	snop  }
__scs_overlays_trampoline_lowered:
0x8: {  	[smem:$0x3FA7] =	sst s0  }
0x9: {  	[smem:$0x3FA8] =	sst s1  }
0xa: {  	[smem:$0x3FA9] =	sst s2  }
0xb: {  	[smem:$0x3FAA] =	sst s3  }
0xc: {  	[smem:$0x3FAB] =	sst s4  }
0xd: {  	[smem:$0x3FAC] =	sst s5  }
0xe: {  	[smem:$0x3FAD] =	sst s6  }
0xf: {  	[smem:$0x3FAE] =	sst s7  }
0x10: {  	[smem:$0x3FAF] =	sst s8  }
0x11: {  	[smem:$0x3FB0] =	sst s9;
	s0 =	simm.s32 @!p0 $0x0  }
0x12: {  	s1 =	sld [smem:$0x3F96];
	s0 =	simm.s32 @p0 $0x1  }
0x13: {  	[smem:$0x3FB1] =	sst s0;
	s0 =	simm.s32 @!p1 $0x0  }
0x14: {  	s2 =	sld [smem:$0x3F95];
	s0 =	simm.s32 @p1 $0x1  }
0x15: {  	[smem:$0x3FB2] =	sst s0;
	s0 =	simm.s32 @!p2 $0x0  }
0x16: {  	s3 =	sld [smem:$0x3FDB];
	s0 =	simm.s32 @p2 $0x1  }
0x17: {  	s4 =	simm.s32 $0x1BF5;
	[smem:$0x3FB4] =	sst s0  }
0x18: {  	s0 =	sld [smem:$0x3F97];
	_ =	swait.ge [sflag:s4], $0x0  }
0x19: {  	s7 =	sld [smem:$0x3F98]  }
0x1a: {  	s8 =	sadd.s32 $0xFFFFE003, lr  }
0x1b: {  	s9 =	sadd.s32 $0xFFFFFEF7, lr;
	s5 =	simm.s32 $0xFFFFFFFF;
	p2 =	slt.u32 s8, $0xFFFFF086  }
0x1c: {  	p1 =	slt.u32 s9, $0xF7A;
	s5 =	simm.s32 @!p2 $0x0  }
0x1d: {  	s5 =	simm.s32 @p1 $0x1;
	p0 =	seq.s32 s7, s2  }
0x1e: {  	s7 =	smul.u32 @!p0 $0xF7A, s2;
	p2 =	seq.s32 @!p0 s5, $0x0  }
0x1f: {  	s9 =	smul.u32 $0xF7A, s1;
	s8 =	simm.s32 @!p0 $0x1BF5;
	p2 =	por !p2, p0  }
0x20: {  	[sflag:s8] =	ssyncset.s32 @!p0 $0xFFFFF086;
	s6 =	sadd.s32 @!p0 s3, s7;
	s7 =	simm.s32 @!p0 $0x108  }
0x21: {  	s3 =	sadd.s32 s3, s9;
	s6 =	sadd.s32 @!p0 $0x88, s6;
	s7 =	simm.s32 @p2 $0x1082  }
0x22: {  	[simem:s7], [sflag:s8] =	dma.local @!p0 [hbm:s6], $0xF7A  }
0x23: {  	s9 =	sor.u32 $0xD0000000, s2;
	s6 =	simm.s32 $0x108;
	_ =	swait.ge @!p0 [sflag:s8], $0x0  }
0x24: {  	s3 =	sadd.s32 $0x88, s3;
	s6 =	simm.s32 @!p1 $0x1082;
	[sflag:s4] =	ssyncset.s32 $0xFFFFF086  }
0x25: {  	[simem:s6], [sflag:s4] =	dma.local [hbm:s3], $0xF7A  }
0x26: {  	[smem:$0x3F98] =	sst s1;
	(tag) =	ssettag s2;
	_ =	strace s9  }
0x27: {  	s1 =	sld [smem:$0x3FA8]  }
0x28: {  	s2 =	sld [smem:$0x3FA9]  }
0x29: {  	s4 =	sld [smem:$0x3FAB]  }
0x2a: {  	p0 =	seq.s32 s5, $0x0;
	s5 =	sld [smem:$0x3FAC]  }
0x2b: {  	s6 =	sld [smem:$0x3FAD]  }
0x2c: {  	s7 =	sld [smem:$0x3FAE]  }
0x2d: {  	s3 =	simm.s32 $0x108;
	s8 =	sld [smem:$0x3FAF]  }
0x2e: {  	s3 =	simm.s32 @!p0 $0x1082;
	s9 =	sld [smem:$0x3FB0]  }
0x2f: {  	lr =	sadd.s32 s0, s3;
	s0 =	sld [smem:$0x3FA7]  }
0x30: {  	s3 =	sld [smem:$0x3FAA]  }
0x31: {  	[smem:$0x3FB3] =	sst s10  }
0x32: {  	s10 =	sld [smem:$0x3FB1];
	_ =	sdelay $0x3  }
0x33: {  	p0 =	seq.s32 s10, $0x1;
	s10 =	sld [smem:$0x3FB3];
	_ =	sdelay $0x3  }
0x34: {  	[smem:$0x3FB3] =	sst s10  }
0x35: {  	s10 =	sld [smem:$0x3FB2];
	_ =	sdelay $0x3  }
0x36: {  	p1 =	seq.s32 s10, $0x1;
	s10 =	sld [smem:$0x3FB3];
	_ =	sdelay $0x3  }
0x37: {  	[smem:$0x3FB3] =	sst s10  }
0x38: {  	s10 =	sld [smem:$0x3FB4]  }
0x39: {  	_ = 	snop;
	(pc) =	sbr.ind lr, $3  }
0x3a: {  	_ = 	snop  }
0x3b: {  	_ = 	snop  }
0x3c: {  	p2 =	seq.s32 s10, $0x1;
	s10 =	sld [smem:$0x3FB3]  }
0x3d: {  	_ =	shalt  }
0x3e: {  	_ =	shalt  }
0x3f: {  	_ =	shalt  }
0x40: {  	_ =	shalt  }
0x41: {  	_ =	shalt  }
0x42: {  	_ =	shalt  }
0x43: {  	_ =	shalt  }
0x44: {  	_ =	shalt  }
0x45: {  	_ =	shalt  }
0x46: {  	_ =	shalt  }
0x47: {  	_ =	shalt  }
0x48: {  	_ =	shalt  }
0x49: {  	_ =	shalt  }
0x4a: {  	_ =	shalt  }
0x4b: {  	_ =	shalt  }
0x4c: {  	_ =	shalt  }
0x4d: {  	_ =	shalt  }
0x4e: {  	_ =	shalt  }
0x4f: {  	_ =	shalt  }
0x50: {  	_ =	shalt  }
0x51: {  	_ =	shalt  }
0x52: {  	_ =	shalt  }
0x53: {  	_ =	shalt  }
0x54: {  	_ =	shalt  }
0x55: {  	_ =	shalt  }
0x56: {  	_ =	shalt  }
0x57: {  	_ =	shalt  }
0x58: {  	_ =	shalt  }
0x59: {  	_ =	shalt  }
0x5a: {  	_ =	shalt  }
0x5b: {  	_ =	shalt  }
0x5c: {  	_ =	shalt  }
0x5d: {  	_ =	shalt  }
0x5e: {  	_ =	shalt  }
0x5f: {  	_ =	shalt  }
0x60: {  	_ =	shalt  }
0x61: {  	_ =	shalt  }
0x62: {  	_ =	shalt  }
0x63: {  	_ =	shalt  }
0x64: {  	_ =	shalt  }
0x65: {  	_ =	shalt  }
0x66: {  	_ =	shalt  }
0x67: {  	_ =	shalt  }
0x68: {  	_ =	shalt  }
0x69: {  	_ =	shalt  }
0x6a: {  	_ =	shalt  }
0x6b: {  	_ =	shalt  }
0x6c: {  	_ =	shalt  }
0x6d: {  	_ =	shalt  }
0x6e: {  	_ =	shalt  }
0x6f: {  	_ =	shalt  }
0x70: {  	_ =	shalt  }
0x71: {  	_ =	shalt  }
0x72: {  	_ =	shalt  }
0x73: {  	_ =	shalt  }
0x74: {  	_ =	shalt  }
0x75: {  	_ =	shalt  }
0x76: {  	_ =	shalt  }
0x77: {  	_ =	shalt  }
0x78: {  	_ =	shalt  }
0x79: {  	_ =	shalt  }
0x7a: {  	_ =	shalt  }
0x7b: {  	_ =	shalt  }
0x7c: {  	_ =	shalt  }
0x7d: {  	_ =	shalt  }
0x7e: {  	_ =	shalt  }
0x7f: {  	_ =	shalt  }
0x80: {  	_ =	shalt  }
0x81: {  	_ =	shalt  }
0x82: {  	_ =	shalt  }
0x83: {  	_ =	shalt  }
0x84: {  	_ =	shalt  }
0x85: {  	_ =	shalt  }
0x86: {  	_ =	shalt  }
0x87: {  	_ =	shalt  }
.Lfunc_end0:
.L_simem_size_0:
called_computation.3_lowered:
.L_overlay_start_0:
0x88: {  	s2 =	sld [smem:$0x3FD9]  }
0x89: {  	s3 =	sld [smem:$0x3FFE];
	_ =	sdelay $0x1  }
0x8a: {  	s1 =	srdreg.scid  }
0x8b: {  	s0 =	sand.u32 $0x1, s1  }
0x8c: {  	s16 =	sshll.u32 s0, $0xA;
	s2 =	sadd.s32 s3, s2  }
0x8d: {  	s2 =	sadd.s32 s2, s16  }
0x8e: {  	[smem:$0x3FBF] =	sst s2  }
0x8f: {  	_ = 	snop  }
0x90: {  	(tm) =	ssettm $0x1  }
0x91: {  	s17 =	sld [smem:$0x3FFB];
	_ =	sdelay $0x3  }
0x92: {  	_ =	strace s17  }
0x93: {  	s2 =	sld [smem:$0x3FFC];
	_ =	sdelay $0x3  }
0x94: {  	_ =	strace s2  }
0x95: {  	s2 =	sld [smem:$0x3FFD];
	_ =	sdelay $0x3  }
0x96: {  	_ =	strace s2  }
0x97: {  	_ =	strace $0x8FFFFFFF  }
0x98: {  	s18 =	sld [smem:$0x3FDB];
	_ =	sdelay $0x1  }
0x99: {  	s19 =	simm.s32 $_scs_section_size  }
0x9a: {  	s4 =	simm.s32 $_size__tile_overlayer_lowered;
	s5 =	simm.s32 $_tile_overlayer_lowered  }
0x9b: {  	s22 =	simm.s32 $0x1BFF;
	s21 =	sshll.u32 s5, $0x1;
	s2 =	sadd.s32 s19, s18  }
0x9c: {  	s6 =	simm.s32 $0x0;
	s20 =	sshll.u32 s4, $0x1;
	s4 =	sadd.s32 s21, s2  }
0x9d: {  	[timem:s6], [sflag:s22] =	dma.local [hbm:s4], s20  }
0x9e: {  	_ =	swait.ge [sflag:s22], s20  }
0x9f: {  	s3 =	ssub.s32 $0x0, s20;
	[sflag:s22] =	ssyncset.done $0x0  }
0xa0: {  	[sflag:s22] =	ssyncadd.s32 s3;
	_ =	sdelay $0x1  }
0xa1: {  	s23 =	simm.s32 $0x1B8B  }
0xa2: {  	_ =	swait.ge [sflag:s23], $0x1  }
0xa3: {  	[sflag:s23] =	ssyncset.done $0x0  }
0xa4: {  	s25 =	simm.s32 $0x1B8E;
	s24 =	sld [smem:$0x3FFE];
	[sflag:s23] =	ssyncadd.s32 $0xFFFFFFFF  }
0xa5: {  	s26 =	simm.s32 $execute0_lowered;
	[smem:$0x3FD2] =	sst s25  }
0xa6: {  	s4 =	sshll.u32 s26, $0x1;
	_ =	strace $0x8000004F;
	[dreg:$0x1] =	wrdreg $0xFFFFFFFF  }
0xa7: {  	s28 =	simm.s32 $_size_execute0_lowered;
	s2 =	sadd.s32 s2, s4;
	[dreg:$0x0] =	wrdreg $0x0  }
0xa8: {  	s4 =	sshll.u32 s28, $0x1;
	[dreg:$0x2] =	wrdreg s2  }
0xa9: {  	[dreg:$0x3] =	wrdreg s4  }
0xaa: {  	[dreg:$0x4] =	wrdreg $0xC0  }
0xab: {  	_ =	task [dreg:s6], $0x5FFFF  }
0xac: {  	[dreg:$0x1] =	wrdreg $0xFFFFFFFF  }
0xad: {  	[dreg:$0x0] =	wrdreg $0x60  }
0xae: {  	[dreg:$0x2] =	wrdreg s24  }
0xaf: {  	[dreg:$0x3] =	wrdreg $0xB0000  }
0xb0: {  	[dreg:$0x4] =	wrdreg $0x9  }
0xb1: {  	_ =	task.clear_ibuf [dreg:s6], $0x5FFFF;
	_ =	strace $0x9000004F  }
0xb2: {  	s29 =	simm.s32 $0x9;
	_ =	strace $0x80000051  }
0xb3: {  	_ =	swait.ge [sflag:s29], $0x1  }
0xb4: {  	[sflag:s29] =	ssyncadd.s32 $0xFFFFFFFF  }
0xb5: {  	_ =	strace $0x90000051  }
0xb6: {  	_ =	sfence  }
0xb7: {  	s30 =	sld [smem:$0x0];
	_ =	sdelay $0x2  }
0xb8: {  	s31 =	sshll.u32 s1, $0xD;
	s1 =	sshrl.u32 s1, $0x2  }
0xb9: {  	s3 =	sand.u32 $0x4000, s31;
	s1 =	sadd.s32 s1, s30  }
0xba: {  	s0 =	sor.u32 s3, s0;
	s1 =	sshll.u32 s1, $0x11  }
0xbb: {  	s0 =	sor.u32 s1, s0  }
0xbc: {  	s0 =	sadd.s32 $0x8F2B, s0  }
0xbd: {  	[sflag:s0] =	ssyncadd.remote.s32 $0x1  }
0xbe: {  	_ =	sfence.sel $0xFFFF  }
0xbf: {  	[dreg:$0x0] =	wrdreg $0xFFFFFFFF;
	(pc) =	sbr.abs _section_cstart, $3  }
0xc0: {  	[dreg:$0x1] =	wrdreg $0xFFFFFFFF  }
0xc1: {  	_ =	task.clear_ibuf [dreg:s6], $0x2FFFF;
	_ =	strace $0x9FFFFFFF  }
0xc2: {  	(tm) =	ssettm $0x7FFFFFFF  }
0xc3: {  	_ =	shalt  }
tec
execute0_lowered:
.L_overlay_start_1:
0x0: {  	(tag) =	ssettag $0x1  }
0x1: {  	s8 =	rddreg [dreg:$0x0]  }
0x2: {  	s1 =	rddreg [dreg:$0x1];
	s2 =	simm.s32 $0x0;
	s6 =	srdreg.scid  }
0x3: {  	s4 =	stileid.u32;
	s19 =	simm.s32 $0x40;
	s20 =	simm.s32 $0x5000  }
0x4: {  	s21 =	simm.s32 $0x80;
	s22 =	simm.s32 $0x7000;
	s23 =	simm.s32 $0x1  }
0x5: {  	s24 =	simm.s32 $0x9000;
	s25 =	simm.s32 $0x2;
	s26 =	simm.s32 $0x3  }
0x6: {  	s28 =	simm.s32 $0x4F00;
	s29 =	simm.s32 $0x4F80;
	[smem:$0x7FF] =	sst s2  }
0x7: {  	s3 =	sadd.s32 $0xF800, s8;
	s5 =	sadd.s32 $0x37800, s8;
	s14 =	sadd.s32 $0xBA000, s8  }
0x8: {  	s15 =	sadd.s32 $0xB0000, s8;
	s16 =	sand.u32 $0x1, s6;
	s6 =	sadd.s32 $0xD000, s8  }
0x9: {  	s10 =	smul.u32 $0x50000, s4;
	s7 =	sadd.s32 $0x5F800, s8;
	s8 =	sadd.s32 $0x87800, s8  }
0xa: {  	s12 =	sshll.u32 s4, $0x6;
	s13 =	smul.u32 $0xA00, s4;
	s9 =	ssub.s32 $0x2, s16  }
0xb: {  	_ =	strace $0x80000050;
	p0 =	seq.s32 s16, $0x0;
	s11 =	sshrl.u32 s9, $0x1  }
.Ltmp0:
0xc: {  	s10 =	sshrl.u32 s10, $0x2;
	s18 =	sadd.s32 $0x500, s13;
	(pc) =	sbr.rel .LBB2_1-.Ltmp0, $4  }
0xd: {  	s11 =	ssub.s32 s9, s11;
	s17 =	sadd.s32 s10, s1;
	s9 =	sor.u32 $0x1C04, s12  }
0xe: {  	s10 =	smul.u32 $0x2800, s4;
	s12 =	sadd.s32 s14, s13;
	s13 =	sadd.s32 s15, s13  }
0xf: {  	s14 =	sadd.s32 s14, s18;
	s15 =	sadd.s32 s15, s18;
	s18 =	simm.s32 $0x2800  }
0x10: {  	s11 =	smax.u32 s11, $0x1;
	s16 =	sshrl.u32 s17, $0x3;
	s17 =	simm.s32 $0x4  }
.LBB2_11:
0x11: {  	[sflag:s17] =	ssyncadd.s32 $0xFFFFE000;
	s30 =	smov.u32 s7  }
.LBB2_12:
0x12: {  	_ =	swait.ge [sflag:s23], $0x2000  }
0x13: {  	[sflag:s23] =	ssyncset.done $0x0  }
0x14: {  	[sflag:s23] =	ssyncadd.s32 $0xFFFFE000  }
0x15: {  	[spmem:s1] =	stream.indirect.scatter.add.f32 [tilespmem:s20], [sflag:$0x4], $0x80, s28, s19, $0xb8;
	[tilespmem:$0x1F000] =	vst v63  }
0x16: {  	_ =	swait.ge [sflag:s17], $0x2000  }
0x17: {  	[sflag:s17] =	ssyncset.done $0x0  }
0x18: {  	[sflag:s17] =	ssyncadd.s32 $0xFFFFE000  }
0x19: {  	_ =	swait.ge [sflag:s25], $0x2000  }
0x1a: {  	[sflag:s25] =	ssyncset.done $0x0  }
0x1b: {  	[sflag:s25] =	ssyncadd.s32 $0xFFFFE000  }
0x1c: {  	[spmem:s1] =	stream.indirect.scatter.add.f32 [tilespmem:s22], [sflag:$0x4], $0x80, s29, s19, $0xb8;
	[tilespmem:$0x1F000] =	vst v63  }
0x1d: {  	_ =	swait.ge [sflag:s17], $0x2000  }
0x1e: {  	s2 =	sadd.s32 $0x1, s2;
	[sflag:s17] =	ssyncset.done $0x0  }
0x1f: {  	p1 =	sne.s32 s2, s11;
	[sflag:s17] =	ssyncadd.s32 $0xFFFFE000  }
.Ltmp1:
0x20: {  	s0 =	sadd.s32 s30, s10;
	[bflag:$0x0] =	sbarrier.arrive $0xFFFF;
	(pc) =	sbr.rel @!p1 .LBB2_13-.Ltmp1, $4  }
0x21: {  	[hbm:s0], [sflag:s9] =	dma.local [spmem:s16], $0x2800  }
0x22: {  	_ =	swait.ge [sflag:s17], $0x2800  }
0x23: {  	[sflag:s17] =	ssyncset.done $0x0  }
0x24: {  	[sflag:s17] =	ssyncadd.s32 $0xFFFFD800  }
.LBB2_1:
0x25: {  	[spmem:s16], [sflag:s9] =	dma.local [hbm:s6], $0x2800  }
.Ltmp2:
0x26: {  	_ =	swait.ge [sflag:s17], $0x2800;
	(pc) =	sbr.rel @!p0 .LBB2_2-.Ltmp2, $4  }
0x27: {  	[sflag:s17] =	ssyncset.done $0x0  }
0x28: {  	[sflag:s17] =	ssyncadd.s32 $0xFFFFD800  }
0x29: {  	[bflag:$0x0] =	sbarrier.arrive $0xFFFF  }
0x2a: {  	s30 =	simm.s32 $0x0  }
0x2b: {  	[tilespmem:s30], [sflag:$0x4] =	stream.linear.gather [hbm4b:s12+s30], $0x2800, $0x38;
	[tilespmem:$0x1F000] =	vst v63  }
0x2c: {  	_ =	swait.ge [sflag:s17], $0x2800  }
0x2d: {  	[sflag:s17] =	ssyncset.done $0x0  }
0x2e: {  	[sflag:s17] =	ssyncadd.s32 $0xFFFFD800  }
0x2f: {  	[tilespmem:s18], [sflag:$0x4] =	stream.linear.gather [hbm4b:s13+s30], $0x2800, $0x38;
	[tilespmem:$0x1F000] =	vst v63  }
0x30: {  	_ =	swait.ge [sflag:s17], $0x2800  }
0x31: {  	[sflag:s17] =	ssyncset.done $0x0  }
0x32: {  	[sflag:s17] =	ssyncadd.s32 $0xFFFFD800  }
0x33: {  	[tilespmem:s20], [sflag:$0x1] =	stream.indirect.gather [hbm4b:s3+s19], $0x80, s30, s19, $0xb8;
	[tilespmem:$0x1F000] =	vst v63  }
0x34: {  	_ = 	snop  }
0x35: {  	[tilespmem:s22], [sflag:$0x2] =	stream.indirect.gather [hbm4b:s3+s19], $0x80, s21, s19, $0xb8;
	[tilespmem:$0x1F000] =	vst v63  }
0x36: {  	_ =	swait.ge [sflag:s23], $0x2000  }
0x37: {  	[sflag:s23] =	ssyncset.done $0x0  }
0x38: {  	s30 =	simm.s32 $0x100;
	[sflag:s23] =	ssyncadd.s32 $0xFFFFE000  }
0x39: {  	[tilespmem:s24], [sflag:$0x3] =	stream.indirect.gather [hbm4b:s3+s19], $0x80, s30, s19, $0xb8;
	[tilespmem:$0x1F000] =	vst v63  }
0x3a: {  	s30 =	simm.s32 $0x2800  }
0x3b: {  	[spmem:s1] =	stream.indirect.scatter.add.f32 [tilespmem:s20], [sflag:$0x4], $0x80, s30, s19, $0xb8;
	[tilespmem:$0x1F000] =	vst v63  }
0x3c: {  	_ =	swait.ge [sflag:s17], $0x2000  }
0x3d: {  	[sflag:s17] =	ssyncset.done $0x0  }
0x3e: {  	[sflag:s17] =	ssyncadd.s32 $0xFFFFE000  }
0x3f: {  	_ =	swait.ge [sflag:s25], $0x2000  }
0x40: {  	[sflag:s25] =	ssyncset.done $0x0  }
0x41: {  	s30 =	simm.s32 $0x180;
	[sflag:s25] =	ssyncadd.s32 $0xFFFFE000  }
0x42: {  	[tilespmem:s20], [sflag:$0x1] =	stream.indirect.gather [hbm4b:s3+s19], $0x80, s30, s19, $0xb8;
	[tilespmem:$0x1F000] =	vst v63  }
0x43: {  	s30 =	simm.s32 $0x2880  }
0x44: {  	[spmem:s1] =	stream.indirect.scatter.add.f32 [tilespmem:s22], [sflag:$0x4], $0x80, s30, s19, $0xb8;
	[tilespmem:$0x1F000] =	vst v63  }
0x45: {  	_ =	swait.ge [sflag:s17], $0x2000  }
0x46: {  	[sflag:s17] =	ssyncset.done $0x0  }
0x47: {  	[sflag:s17] =	ssyncadd.s32 $0xFFFFE000  }
0x48: {  	_ =	swait.ge [sflag:s26], $0x2000  }
0x49: {  	[sflag:s26] =	ssyncset.done $0x0  }
0x4a: {  	s30 =	simm.s32 $0x200;
	[sflag:s26] =	ssyncadd.s32 $0xFFFFE000  }
0x4b: {  	[tilespmem:s22], [sflag:$0x2] =	stream.indirect.gather [hbm4b:s3+s19], $0x80, s30, s19, $0xb8;
	[tilespmem:$0x1F000] =	vst v63  }
0x4c: {  	s30 =	simm.s32 $0x2900  }
0x4d: {  	[spmem:s1] =	stream.indirect.scatter.add.f32 [tilespmem:s24], [sflag:$0x4], $0x80, s30, s19, $0xb8;
	[tilespmem:$0x1F000] =	vst v63  }
0x4e: {  	_ =	swait.ge [sflag:s17], $0x2000  }
0x4f: {  	s30 =	simm.s32 $0x600;
	[sflag:s17] =	ssyncset.done $0x0  }
.LBB2_8:
0x50: {  	p1 =	sne.s32 s30, $0x9600  }
0x51: {  	[sflag:s17] =	ssyncadd.s32 $0xFFFFE000;
	s31 =	smov.u32 s30;
	s30 =	sadd.s32 $0x600, s30  }
0x52: {  	_ = 	snop  }
0x53: {  	_ =	swait.ge [sflag:s23], $0x2000  }
0x54: {  	s31 =	sshra.s32 s31, $0x2;
	[sflag:s23] =	ssyncset.done $0x0  }
0x55: {  	s0 =	sadd.s32 $0x100, s31;
	[sflag:s23] =	ssyncadd.s32 $0xFFFFE000  }
0x56: {  	[tilespmem:s24], [sflag:$0x3] =	stream.indirect.gather [hbm4b:s3+s19], $0x80, s0, s19, $0xb8;
	[tilespmem:$0x1F000] =	vst v63  }
0x57: {  	s0 =	sadd.s32 $0x2800, s31  }
0x58: {  	[spmem:s1] =	stream.indirect.scatter.add.f32 [tilespmem:s20], [sflag:$0x4], $0x80, s0, s19, $0xb8;
	[tilespmem:$0x1F000] =	vst v63  }
0x59: {  	_ =	swait.ge [sflag:s17], $0x2000  }
0x5a: {  	[sflag:s17] =	ssyncset.done $0x0  }
0x5b: {  	[sflag:s17] =	ssyncadd.s32 $0xFFFFE000  }
0x5c: {  	_ =	swait.ge [sflag:s25], $0x2000  }
0x5d: {  	[sflag:s25] =	ssyncset.done $0x0  }
0x5e: {  	s0 =	sadd.s32 $0x180, s31;
	[sflag:s25] =	ssyncadd.s32 $0xFFFFE000  }
0x5f: {  	[tilespmem:s20], [sflag:$0x1] =	stream.indirect.gather [hbm4b:s3+s19], $0x80, s0, s19, $0xb8;
	[tilespmem:$0x1F000] =	vst v63  }
0x60: {  	s0 =	sadd.s32 $0x2880, s31  }
0x61: {  	[spmem:s1] =	stream.indirect.scatter.add.f32 [tilespmem:s22], [sflag:$0x4], $0x80, s0, s19, $0xb8;
	[tilespmem:$0x1F000] =	vst v63  }
0x62: {  	_ =	swait.ge [sflag:s17], $0x2000  }
0x63: {  	[sflag:s17] =	ssyncset.done $0x0  }
0x64: {  	[sflag:s17] =	ssyncadd.s32 $0xFFFFE000  }
0x65: {  	_ =	swait.ge [sflag:s26], $0x2000  }
0x66: {  	[sflag:s26] =	ssyncset.done $0x0  }
0x67: {  	s0 =	sadd.s32 $0x200, s31;
	[sflag:s26] =	ssyncadd.s32 $0xFFFFE000  }
0x68: {  	[tilespmem:s22], [sflag:$0x2] =	stream.indirect.gather [hbm4b:s3+s19], $0x80, s0, s19, $0xb8;
	[tilespmem:$0x1F000] =	vst v63  }
.Ltmp3:
0x69: {  	_ = 	snop;
	(pc) =	sbr.rel @p1 .LBB2_8-.Ltmp3, $4  }
0x6a: {  	s0 =	sadd.s32 $0x2900, s31  }
0x6b: {  	[spmem:s1] =	stream.indirect.scatter.add.f32 [tilespmem:s24], [sflag:$0x4], $0x80, s0, s19, $0xb8;
	[tilespmem:$0x1F000] =	vst v63  }
0x6c: {  	_ =	swait.ge [sflag:s17], $0x2000  }
0x6d: {  	[sflag:s17] =	ssyncset.done $0x0  }
0x6e: {  	[sflag:s17] =	ssyncadd.s32 $0xFFFFE000  }
0x6f: {  	_ =	swait.ge [sflag:s23], $0x2000  }
0x70: {  	[sflag:s23] =	ssyncset.done $0x0  }
0x71: {  	[sflag:s23] =	ssyncadd.s32 $0xFFFFE000  }
0x72: {  	[spmem:s1] =	stream.indirect.scatter.add.f32 [tilespmem:s20], [sflag:$0x4], $0x80, s28, s19, $0xb8;
	[tilespmem:$0x1F000] =	vst v63  }
0x73: {  	_ =	swait.ge [sflag:s17], $0x2000  }
0x74: {  	[sflag:s17] =	ssyncset.done $0x0  }
0x75: {  	[sflag:s17] =	ssyncadd.s32 $0xFFFFE000  }
0x76: {  	_ =	swait.ge [sflag:s25], $0x2000  }
0x77: {  	[sflag:s25] =	ssyncset.done $0x0  }
0x78: {  	[sflag:s25] =	ssyncadd.s32 $0xFFFFE000  }
0x79: {  	[spmem:s1] =	stream.indirect.scatter.add.f32 [tilespmem:s22], [sflag:$0x4], $0x80, s29, s19, $0xb8;
	[tilespmem:$0x1F000] =	vst v63  }
0x7a: {  	_ =	swait.ge [sflag:s17], $0x2000  }
0x7b: {  	[sflag:s17] =	ssyncset.done $0x0  }
0x7c: {  	s0 =	simm.s32 $0x0;
	[sflag:s17] =	ssyncadd.s32 $0xFFFFE000  }
0x7d: {  	[tilespmem:s0], [sflag:$0x4] =	stream.linear.gather [hbm4b:s14+s0], $0x2800, $0x38;
	[tilespmem:$0x1F000] =	vst v63  }
0x7e: {  	_ =	swait.ge [sflag:s17], $0x2800  }
0x7f: {  	[sflag:s17] =	ssyncset.done $0x0  }
0x80: {  	[sflag:s17] =	ssyncadd.s32 $0xFFFFD800  }
0x81: {  	[tilespmem:s18], [sflag:$0x4] =	stream.linear.gather [hbm4b:s15+s0], $0x2800, $0x38;
	[tilespmem:$0x1F000] =	vst v63  }
0x82: {  	_ =	swait.ge [sflag:s17], $0x2800  }
0x83: {  	[sflag:s17] =	ssyncset.done $0x0  }
0x84: {  	[sflag:s17] =	ssyncadd.s32 $0xFFFFD800  }
0x85: {  	[tilespmem:s20], [sflag:$0x1] =	stream.indirect.gather [hbm4b:s3+s19], $0x80, s0, s19, $0xb8;
	[tilespmem:$0x1F000] =	vst v63  }
0x86: {  	_ = 	snop  }
0x87: {  	[tilespmem:s22], [sflag:$0x2] =	stream.indirect.gather [hbm4b:s3+s19], $0x80, s21, s19, $0xb8;
	[tilespmem:$0x1F000] =	vst v63  }
0x88: {  	_ =	swait.ge [sflag:s23], $0x2000  }
0x89: {  	[sflag:s23] =	ssyncset.done $0x0  }
0x8a: {  	s31 =	simm.s32 $0x100;
	[sflag:s23] =	ssyncadd.s32 $0xFFFFE000  }
0x8b: {  	[tilespmem:s24], [sflag:$0x3] =	stream.indirect.gather [hbm4b:s3+s19], $0x80, s31, s19, $0xb8;
	[tilespmem:$0x1F000] =	vst v63  }
0x8c: {  	s31 =	simm.s32 $0x2800  }
0x8d: {  	[spmem:s1] =	stream.indirect.scatter.add.f32 [tilespmem:s20], [sflag:$0x4], $0x80, s31, s19, $0xb8;
	[tilespmem:$0x1F000] =	vst v63  }
0x8e: {  	_ =	swait.ge [sflag:s17], $0x2000  }
0x8f: {  	[sflag:s17] =	ssyncset.done $0x0  }
0x90: {  	[sflag:s17] =	ssyncadd.s32 $0xFFFFE000  }
0x91: {  	_ =	swait.ge [sflag:s25], $0x2000  }
0x92: {  	[sflag:s25] =	ssyncset.done $0x0  }
0x93: {  	s31 =	simm.s32 $0x180;
	[sflag:s25] =	ssyncadd.s32 $0xFFFFE000  }
0x94: {  	[tilespmem:s20], [sflag:$0x1] =	stream.indirect.gather [hbm4b:s3+s19], $0x80, s31, s19, $0xb8;
	[tilespmem:$0x1F000] =	vst v63  }
0x95: {  	s31 =	simm.s32 $0x2880  }
0x96: {  	[spmem:s1] =	stream.indirect.scatter.add.f32 [tilespmem:s22], [sflag:$0x4], $0x80, s31, s19, $0xb8;
	[tilespmem:$0x1F000] =	vst v63  }
0x97: {  	_ =	swait.ge [sflag:s17], $0x2000  }
0x98: {  	[sflag:s17] =	ssyncset.done $0x0  }
0x99: {  	[sflag:s17] =	ssyncadd.s32 $0xFFFFE000  }
0x9a: {  	_ =	swait.ge [sflag:s26], $0x2000  }
0x9b: {  	[sflag:s26] =	ssyncset.done $0x0  }
0x9c: {  	s31 =	simm.s32 $0x200;
	[sflag:s26] =	ssyncadd.s32 $0xFFFFE000  }
0x9d: {  	[tilespmem:s22], [sflag:$0x2] =	stream.indirect.gather [hbm4b:s3+s19], $0x80, s31, s19, $0xb8;
	[tilespmem:$0x1F000] =	vst v63  }
0x9e: {  	s31 =	simm.s32 $0x2900  }
0x9f: {  	[spmem:s1] =	stream.indirect.scatter.add.f32 [tilespmem:s24], [sflag:$0x4], $0x80, s31, s19, $0xb8;
	[tilespmem:$0x1F000] =	vst v63  }
0xa0: {  	_ =	swait.ge [sflag:s17], $0x2000  }
0xa1: {  	s30 =	simm.s32 $0x600;
	[sflag:s17] =	ssyncset.done $0x0  }
.LBB2_10:
0xa2: {  	p1 =	seq.s32 s30, $0x9600  }
0xa3: {  	[sflag:s17] =	ssyncadd.s32 $0xFFFFE000;
	s0 =	smov.u32 s30;
	s30 =	sadd.s32 $0x600, s30  }
0xa4: {  	_ = 	snop  }
0xa5: {  	_ =	swait.ge [sflag:s23], $0x2000  }
0xa6: {  	s0 =	sshra.s32 s0, $0x2;
	[sflag:s23] =	ssyncset.done $0x0  }
0xa7: {  	s31 =	sadd.s32 $0x100, s0;
	[sflag:s23] =	ssyncadd.s32 $0xFFFFE000  }
0xa8: {  	[tilespmem:s24], [sflag:$0x3] =	stream.indirect.gather [hbm4b:s3+s19], $0x80, s31, s19, $0xb8;
	[tilespmem:$0x1F000] =	vst v63  }
0xa9: {  	s31 =	sadd.s32 $0x2800, s0  }
0xaa: {  	[spmem:s1] =	stream.indirect.scatter.add.f32 [tilespmem:s20], [sflag:$0x4], $0x80, s31, s19, $0xb8;
	[tilespmem:$0x1F000] =	vst v63  }
0xab: {  	_ =	swait.ge [sflag:s17], $0x2000  }
0xac: {  	[sflag:s17] =	ssyncset.done $0x0  }
0xad: {  	[sflag:s17] =	ssyncadd.s32 $0xFFFFE000  }
0xae: {  	_ =	swait.ge [sflag:s25], $0x2000  }
0xaf: {  	[sflag:s25] =	ssyncset.done $0x0  }
0xb0: {  	s31 =	sadd.s32 $0x180, s0;
	[sflag:s25] =	ssyncadd.s32 $0xFFFFE000  }
0xb1: {  	[tilespmem:s20], [sflag:$0x1] =	stream.indirect.gather [hbm4b:s3+s19], $0x80, s31, s19, $0xb8;
	[tilespmem:$0x1F000] =	vst v63  }
0xb2: {  	s31 =	sadd.s32 $0x2880, s0  }
0xb3: {  	[spmem:s1] =	stream.indirect.scatter.add.f32 [tilespmem:s22], [sflag:$0x4], $0x80, s31, s19, $0xb8;
	[tilespmem:$0x1F000] =	vst v63  }
0xb4: {  	_ =	swait.ge [sflag:s17], $0x2000  }
0xb5: {  	[sflag:s17] =	ssyncset.done $0x0  }
0xb6: {  	[sflag:s17] =	ssyncadd.s32 $0xFFFFE000  }
0xb7: {  	_ =	swait.ge [sflag:s26], $0x2000  }
0xb8: {  	[sflag:s26] =	ssyncset.done $0x0  }
0xb9: {  	s31 =	sadd.s32 $0x200, s0;
	[sflag:s26] =	ssyncadd.s32 $0xFFFFE000  }
0xba: {  	[tilespmem:s22], [sflag:$0x2] =	stream.indirect.gather [hbm4b:s3+s19], $0x80, s31, s19, $0xb8;
	[tilespmem:$0x1F000] =	vst v63  }
.Ltmp4:
0xbb: {  	_ = 	snop;
	(pc) =	sbr.rel @!p1 .LBB2_10-.Ltmp4, $4  }
0xbc: {  	s0 =	sadd.s32 $0x2900, s0  }
0xbd: {  	[spmem:s1] =	stream.indirect.scatter.add.f32 [tilespmem:s24], [sflag:$0x4], $0x80, s0, s19, $0xb8;
	[tilespmem:$0x1F000] =	vst v63  }
0xbe: {  	_ =	swait.ge [sflag:s17], $0x2000  }
0xbf: {  	[sflag:s17] =	ssyncset.done $0x0  }
.Ltmp5:
0xc0: {  	_ = 	snop;
	(pc) =	sbr.rel .LBB2_11-.Ltmp5, $1  }
0xc1: {  	_ =	sdelay $0x3  }
.LBB2_2:
0xc2: {  	[tilespmem:s30], [sflag:$0x4] =	stream.linear.gather [hbm4b:s12+s30], $0x2800, $0x38;
	[tilespmem:$0x1F000] =	vst v63  }
0xc3: {  	_ =	swait.ge [sflag:s17], $0x2800  }
0xc4: {  	[sflag:s17] =	ssyncset.done $0x0  }
0xc5: {  	[sflag:s17] =	ssyncadd.s32 $0xFFFFD800  }
0xc6: {  	[tilespmem:s18], [sflag:$0x4] =	stream.linear.gather [hbm4b:s13+s30], $0x2800, $0x38;
	[tilespmem:$0x1F000] =	vst v63  }
0xc7: {  	_ =	swait.ge [sflag:s17], $0x2800  }
0xc8: {  	[sflag:s17] =	ssyncset.done $0x0  }
0xc9: {  	[sflag:s17] =	ssyncadd.s32 $0xFFFFD800  }
0xca: {  	[tilespmem:s20], [sflag:$0x1] =	stream.indirect.gather [hbm4b:s5+s19], $0x80, s30, s19, $0xb8;
	[tilespmem:$0x1F000] =	vst v63  }
0xcb: {  	_ = 	snop  }
0xcc: {  	[tilespmem:s22], [sflag:$0x2] =	stream.indirect.gather [hbm4b:s5+s19], $0x80, s21, s19, $0xb8;
	[tilespmem:$0x1F000] =	vst v63  }
0xcd: {  	_ =	swait.ge [sflag:s23], $0x2000  }
0xce: {  	[sflag:s23] =	ssyncset.done $0x0  }
0xcf: {  	s0 =	simm.s32 $0x100;
	[sflag:s23] =	ssyncadd.s32 $0xFFFFE000  }
0xd0: {  	[tilespmem:s24], [sflag:$0x3] =	stream.indirect.gather [hbm4b:s5+s19], $0x80, s0, s19, $0xb8;
	[tilespmem:$0x1F000] =	vst v63  }
0xd1: {  	s31 =	simm.s32 $0x2800  }
0xd2: {  	[spmem:s1] =	stream.indirect.scatter.add.f32 [tilespmem:s20], [sflag:$0x4], $0x80, s31, s19, $0xb8;
	[tilespmem:$0x1F000] =	vst v63  }
0xd3: {  	_ =	swait.ge [sflag:s17], $0x2000  }
0xd4: {  	[sflag:s17] =	ssyncset.done $0x0  }
0xd5: {  	[sflag:s17] =	ssyncadd.s32 $0xFFFFE000  }
0xd6: {  	_ =	swait.ge [sflag:s25], $0x2000  }
0xd7: {  	[sflag:s25] =	ssyncset.done $0x0  }
0xd8: {  	s31 =	simm.s32 $0x180;
	[sflag:s25] =	ssyncadd.s32 $0xFFFFE000  }
0xd9: {  	[tilespmem:s20], [sflag:$0x1] =	stream.indirect.gather [hbm4b:s5+s19], $0x80, s31, s19, $0xb8;
	[tilespmem:$0x1F000] =	vst v63  }
0xda: {  	s31 =	simm.s32 $0x2880  }
0xdb: {  	[spmem:s1] =	stream.indirect.scatter.add.f32 [tilespmem:s22], [sflag:$0x4], $0x80, s31, s19, $0xb8;
	[tilespmem:$0x1F000] =	vst v63  }
0xdc: {  	_ =	swait.ge [sflag:s17], $0x2000  }
0xdd: {  	[sflag:s17] =	ssyncset.done $0x0  }
0xde: {  	[sflag:s17] =	ssyncadd.s32 $0xFFFFE000  }
0xdf: {  	_ =	swait.ge [sflag:s26], $0x2000  }
0xe0: {  	[sflag:s26] =	ssyncset.done $0x0  }
0xe1: {  	s31 =	simm.s32 $0x200;
	[sflag:s26] =	ssyncadd.s32 $0xFFFFE000  }
0xe2: {  	[tilespmem:s22], [sflag:$0x2] =	stream.indirect.gather [hbm4b:s5+s19], $0x80, s31, s19, $0xb8;
	[tilespmem:$0x1F000] =	vst v63  }
0xe3: {  	s31 =	simm.s32 $0x2900  }
0xe4: {  	[spmem:s1] =	stream.indirect.scatter.add.f32 [tilespmem:s24], [sflag:$0x4], $0x80, s31, s19, $0xb8;
	[tilespmem:$0x1F000] =	vst v63  }
0xe5: {  	_ =	swait.ge [sflag:s17], $0x2000  }
0xe6: {  	s30 =	simm.s32 $0x600;
	[sflag:s17] =	ssyncset.done $0x0  }
.LBB2_3:
0xe7: {  	p1 =	sne.s32 s30, $0x9600  }
0xe8: {  	[sflag:s17] =	ssyncadd.s32 $0xFFFFE000;
	s0 =	smov.u32 s30;
	s30 =	sadd.s32 $0x600, s30  }
0xe9: {  	_ = 	snop  }
0xea: {  	_ =	swait.ge [sflag:s23], $0x2000  }
0xeb: {  	s0 =	sshra.s32 s0, $0x2;
	[sflag:s23] =	ssyncset.done $0x0  }
0xec: {  	s31 =	sadd.s32 $0x100, s0;
	[sflag:s23] =	ssyncadd.s32 $0xFFFFE000  }
0xed: {  	[tilespmem:s24], [sflag:$0x3] =	stream.indirect.gather [hbm4b:s5+s19], $0x80, s31, s19, $0xb8;
	[tilespmem:$0x1F000] =	vst v63  }
0xee: {  	s31 =	sadd.s32 $0x2800, s0  }
0xef: {  	[spmem:s1] =	stream.indirect.scatter.add.f32 [tilespmem:s20], [sflag:$0x4], $0x80, s31, s19, $0xb8;
	[tilespmem:$0x1F000] =	vst v63  }
0xf0: {  	_ =	swait.ge [sflag:s17], $0x2000  }
0xf1: {  	[sflag:s17] =	ssyncset.done $0x0  }
0xf2: {  	[sflag:s17] =	ssyncadd.s32 $0xFFFFE000  }
0xf3: {  	_ =	swait.ge [sflag:s25], $0x2000  }
0xf4: {  	[sflag:s25] =	ssyncset.done $0x0  }
0xf5: {  	s31 =	sadd.s32 $0x180, s0;
	[sflag:s25] =	ssyncadd.s32 $0xFFFFE000  }
0xf6: {  	[tilespmem:s20], [sflag:$0x1] =	stream.indirect.gather [hbm4b:s5+s19], $0x80, s31, s19, $0xb8;
	[tilespmem:$0x1F000] =	vst v63  }
0xf7: {  	s31 =	sadd.s32 $0x2880, s0  }
0xf8: {  	[spmem:s1] =	stream.indirect.scatter.add.f32 [tilespmem:s22], [sflag:$0x4], $0x80, s31, s19, $0xb8;
	[tilespmem:$0x1F000] =	vst v63  }
0xf9: {  	_ =	swait.ge [sflag:s17], $0x2000  }
0xfa: {  	[sflag:s17] =	ssyncset.done $0x0  }
0xfb: {  	[sflag:s17] =	ssyncadd.s32 $0xFFFFE000  }
0xfc: {  	_ =	swait.ge [sflag:s26], $0x2000  }
0xfd: {  	[sflag:s26] =	ssyncset.done $0x0  }
0xfe: {  	s31 =	sadd.s32 $0x200, s0;
	[sflag:s26] =	ssyncadd.s32 $0xFFFFE000  }
0xff: {  	[tilespmem:s22], [sflag:$0x2] =	stream.indirect.gather [hbm4b:s5+s19], $0x80, s31, s19, $0xb8;
	[tilespmem:$0x1F000] =	vst v63  }
.Ltmp6:
0x100: {  	_ = 	snop;
	(pc) =	sbr.rel @p1 .LBB2_3-.Ltmp6, $4  }
0x101: {  	s0 =	sadd.s32 $0x2900, s0  }
0x102: {  	[spmem:s1] =	stream.indirect.scatter.add.f32 [tilespmem:s24], [sflag:$0x4], $0x80, s0, s19, $0xb8;
	[tilespmem:$0x1F000] =	vst v63  }
0x103: {  	_ =	swait.ge [sflag:s17], $0x2000  }
0x104: {  	[sflag:s17] =	ssyncset.done $0x0  }
0x105: {  	[sflag:s17] =	ssyncadd.s32 $0xFFFFE000  }
0x106: {  	_ =	swait.ge [sflag:s23], $0x2000  }
0x107: {  	[sflag:s23] =	ssyncset.done $0x0  }
0x108: {  	[sflag:s23] =	ssyncadd.s32 $0xFFFFE000  }
0x109: {  	[spmem:s1] =	stream.indirect.scatter.add.f32 [tilespmem:s20], [sflag:$0x4], $0x80, s28, s19, $0xb8;
	[tilespmem:$0x1F000] =	vst v63  }
0x10a: {  	_ =	swait.ge [sflag:s17], $0x2000  }
0x10b: {  	[sflag:s17] =	ssyncset.done $0x0  }
0x10c: {  	[sflag:s17] =	ssyncadd.s32 $0xFFFFE000  }
0x10d: {  	_ =	swait.ge [sflag:s25], $0x2000  }
0x10e: {  	[sflag:s25] =	ssyncset.done $0x0  }
0x10f: {  	[sflag:s25] =	ssyncadd.s32 $0xFFFFE000  }
0x110: {  	[spmem:s1] =	stream.indirect.scatter.add.f32 [tilespmem:s22], [sflag:$0x4], $0x80, s29, s19, $0xb8;
	[tilespmem:$0x1F000] =	vst v63  }
0x111: {  	_ =	swait.ge [sflag:s17], $0x2000  }
0x112: {  	[sflag:s17] =	ssyncset.done $0x0  }
0x113: {  	s0 =	simm.s32 $0x0;
	[sflag:s17] =	ssyncadd.s32 $0xFFFFE000  }
0x114: {  	[tilespmem:s0], [sflag:$0x4] =	stream.linear.gather [hbm4b:s14+s0], $0x2800, $0x38;
	[tilespmem:$0x1F000] =	vst v63  }
0x115: {  	_ =	swait.ge [sflag:s17], $0x2800  }
0x116: {  	[sflag:s17] =	ssyncset.done $0x0  }
0x117: {  	[sflag:s17] =	ssyncadd.s32 $0xFFFFD800  }
0x118: {  	[tilespmem:s18], [sflag:$0x4] =	stream.linear.gather [hbm4b:s15+s0], $0x2800, $0x38;
	[tilespmem:$0x1F000] =	vst v63  }
0x119: {  	_ =	swait.ge [sflag:s17], $0x2800  }
0x11a: {  	[sflag:s17] =	ssyncset.done $0x0  }
0x11b: {  	[sflag:s17] =	ssyncadd.s32 $0xFFFFD800  }
0x11c: {  	[tilespmem:s20], [sflag:$0x1] =	stream.indirect.gather [hbm4b:s5+s19], $0x80, s0, s19, $0xb8;
	[tilespmem:$0x1F000] =	vst v63  }
0x11d: {  	_ = 	snop  }
0x11e: {  	[tilespmem:s22], [sflag:$0x2] =	stream.indirect.gather [hbm4b:s5+s19], $0x80, s21, s19, $0xb8;
	[tilespmem:$0x1F000] =	vst v63  }
0x11f: {  	_ =	swait.ge [sflag:s23], $0x2000  }
0x120: {  	[sflag:s23] =	ssyncset.done $0x0  }
0x121: {  	s31 =	simm.s32 $0x100;
	[sflag:s23] =	ssyncadd.s32 $0xFFFFE000  }
0x122: {  	[tilespmem:s24], [sflag:$0x3] =	stream.indirect.gather [hbm4b:s5+s19], $0x80, s31, s19, $0xb8;
	[tilespmem:$0x1F000] =	vst v63  }
0x123: {  	s31 =	simm.s32 $0x2800  }
0x124: {  	[spmem:s1] =	stream.indirect.scatter.add.f32 [tilespmem:s20], [sflag:$0x4], $0x80, s31, s19, $0xb8;
	[tilespmem:$0x1F000] =	vst v63  }
0x125: {  	_ =	swait.ge [sflag:s17], $0x2000  }
0x126: {  	[sflag:s17] =	ssyncset.done $0x0  }
0x127: {  	[sflag:s17] =	ssyncadd.s32 $0xFFFFE000  }
0x128: {  	_ =	swait.ge [sflag:s25], $0x2000  }
0x129: {  	[sflag:s25] =	ssyncset.done $0x0  }
0x12a: {  	s31 =	simm.s32 $0x180;
	[sflag:s25] =	ssyncadd.s32 $0xFFFFE000  }
0x12b: {  	[tilespmem:s20], [sflag:$0x1] =	stream.indirect.gather [hbm4b:s5+s19], $0x80, s31, s19, $0xb8;
	[tilespmem:$0x1F000] =	vst v63  }
0x12c: {  	s31 =	simm.s32 $0x2880  }
0x12d: {  	[spmem:s1] =	stream.indirect.scatter.add.f32 [tilespmem:s22], [sflag:$0x4], $0x80, s31, s19, $0xb8;
	[tilespmem:$0x1F000] =	vst v63  }
0x12e: {  	_ =	swait.ge [sflag:s17], $0x2000  }
0x12f: {  	[sflag:s17] =	ssyncset.done $0x0  }
0x130: {  	[sflag:s17] =	ssyncadd.s32 $0xFFFFE000  }
0x131: {  	_ =	swait.ge [sflag:s26], $0x2000  }
0x132: {  	[sflag:s26] =	ssyncset.done $0x0  }
0x133: {  	s31 =	simm.s32 $0x200;
	[sflag:s26] =	ssyncadd.s32 $0xFFFFE000  }
0x134: {  	[tilespmem:s22], [sflag:$0x2] =	stream.indirect.gather [hbm4b:s5+s19], $0x80, s31, s19, $0xb8;
	[tilespmem:$0x1F000] =	vst v63  }
0x135: {  	s31 =	simm.s32 $0x2900  }
0x136: {  	[spmem:s1] =	stream.indirect.scatter.add.f32 [tilespmem:s24], [sflag:$0x4], $0x80, s31, s19, $0xb8;
	[tilespmem:$0x1F000] =	vst v63  }
0x137: {  	_ =	swait.ge [sflag:s17], $0x2000  }
0x138: {  	s30 =	simm.s32 $0x600;
	[sflag:s17] =	ssyncset.done $0x0  }
.LBB2_5:
0x139: {  	p1 =	sne.s32 s30, $0x9600  }
0x13a: {  	[sflag:s17] =	ssyncadd.s32 $0xFFFFE000;
	s0 =	smov.u32 s30;
	s30 =	sadd.s32 $0x600, s30  }
0x13b: {  	_ = 	snop  }
0x13c: {  	_ =	swait.ge [sflag:s23], $0x2000  }
0x13d: {  	s0 =	sshra.s32 s0, $0x2;
	[sflag:s23] =	ssyncset.done $0x0  }
0x13e: {  	s31 =	sadd.s32 $0x100, s0;
	[sflag:s23] =	ssyncadd.s32 $0xFFFFE000  }
0x13f: {  	[tilespmem:s24], [sflag:$0x3] =	stream.indirect.gather [hbm4b:s5+s19], $0x80, s31, s19, $0xb8;
	[tilespmem:$0x1F000] =	vst v63  }
0x140: {  	s31 =	sadd.s32 $0x2800, s0  }
0x141: {  	[spmem:s1] =	stream.indirect.scatter.add.f32 [tilespmem:s20], [sflag:$0x4], $0x80, s31, s19, $0xb8;
	[tilespmem:$0x1F000] =	vst v63  }
0x142: {  	_ =	swait.ge [sflag:s17], $0x2000  }
0x143: {  	[sflag:s17] =	ssyncset.done $0x0  }
0x144: {  	[sflag:s17] =	ssyncadd.s32 $0xFFFFE000  }
0x145: {  	_ =	swait.ge [sflag:s25], $0x2000  }
0x146: {  	[sflag:s25] =	ssyncset.done $0x0  }
0x147: {  	s31 =	sadd.s32 $0x180, s0;
	[sflag:s25] =	ssyncadd.s32 $0xFFFFE000  }
0x148: {  	[tilespmem:s20], [sflag:$0x1] =	stream.indirect.gather [hbm4b:s5+s19], $0x80, s31, s19, $0xb8;
	[tilespmem:$0x1F000] =	vst v63  }
0x149: {  	s31 =	sadd.s32 $0x2880, s0  }
0x14a: {  	[spmem:s1] =	stream.indirect.scatter.add.f32 [tilespmem:s22], [sflag:$0x4], $0x80, s31, s19, $0xb8;
	[tilespmem:$0x1F000] =	vst v63  }
0x14b: {  	_ =	swait.ge [sflag:s17], $0x2000  }
0x14c: {  	[sflag:s17] =	ssyncset.done $0x0  }
0x14d: {  	[sflag:s17] =	ssyncadd.s32 $0xFFFFE000  }
0x14e: {  	_ =	swait.ge [sflag:s26], $0x2000  }
0x14f: {  	[sflag:s26] =	ssyncset.done $0x0  }
0x150: {  	s31 =	sadd.s32 $0x200, s0;
	[sflag:s26] =	ssyncadd.s32 $0xFFFFE000  }
0x151: {  	[tilespmem:s22], [sflag:$0x2] =	stream.indirect.gather [hbm4b:s5+s19], $0x80, s31, s19, $0xb8;
	[tilespmem:$0x1F000] =	vst v63  }
.Ltmp7:
0x152: {  	_ = 	snop;
	(pc) =	sbr.rel @p1 .LBB2_5-.Ltmp7, $4  }
0x153: {  	s0 =	sadd.s32 $0x2900, s0  }
0x154: {  	[spmem:s1] =	stream.indirect.scatter.add.f32 [tilespmem:s24], [sflag:$0x4], $0x80, s0, s19, $0xb8;
	[tilespmem:$0x1F000] =	vst v63  }
0x155: {  	_ =	swait.ge [sflag:s17], $0x2000  }
0x156: {  	[sflag:s17] =	ssyncset.done $0x0  }
.Ltmp8:
0x157: {  	(pc) =	sbr.rel .LBB2_12-.Ltmp8, $2  }
0x158: {  	_ =	sdelay $0x2  }
0x159: {  	[sflag:s17] =	ssyncadd.s32 $0xFFFFE000;
	s30 =	smov.u32 s8  }
.LBB2_13:
0x15a: {  	_ =	sfence.sel $0x180000  }
0x15b: {  	[bflag:$0x0] =	sbarrier.arrive $0xFFFF  }
0x15c: {  	_ =	strace $0x90000050  }
0x15d: {  	[bflag:$0x2] =	sbarrier.arrive $0xFFFF  }
0x15e: {  	p0 =	sne.s32 s4, $0x0;
	s0 =	rddreg [dreg:$0x2]  }
0x15f: {  	s0 =	sadd.s32 @!p0 $0x100000, s0  }
0x160: {  	[sflag:s0] =	ssyncadd.tile.s32 @!p0 $0x1;
	_ =	shalt  }
.Lfunc_end2:
_tile_overlayer_lowered:
.L_overlay_start_2:
0x161: {  	(tag) =	ssettag $0x2  }
0x162: {  	s0 =	rddreg [dreg:$0x0];
	s2 =	stileid.u32  }
0x163: {  	s1 =	rddreg [dreg:$0x1];
	p0 =	sne.s32 s2, $0x0  }
0x164: {  	s3 =	rddreg [dreg:$0x2];
	[bflag:$0x3] =	sbarrier.arrive $0xFFFF;
	s2 =	simm.s32 @!p0 $0x1C04  }
0x165: {  	[timem:s3], [sflag:s2] =	dma.local @!p0 [hbm:s0], s1  }
0x166: {  	s0 =	simm.s32 @!p0 $0x4  }
0x167: {  	_ =	swait.ge @!p0 [sflag:s0], s1  }
0x168: {  	s1 =	ssub.s32 @!p0 $0x0, s1;
	[sflag:s0] =	ssyncset.done @!p0 $0x0  }
0x169: {  	[sflag:s0] =	ssyncadd.s32 @!p0 s1  }
0x16a: {  	[bflag:$0x3] =	sbarrier.arrive $0xFFFF  }
0x16b: {  	_ =	shalt  }

// kernel: kernel.30.cloned.1.call-start
scs
__scs_entry_jumppad:
0x0: {  	(pc) =	sbr.rel $0x88, $3  }
0x1: {  	(tag) =	ssettag $0x0;
	lr =	simm.s32 $0x1  }
0x2: {  	[smem:$0x3F98] =	sst lr;
	_ =	strace $0xD0000000  }
0x3: {  	_ = 	snop  }
0x4: {  	_ = 	snop  }
0x5: {  	_ = 	snop  }
0x6: {  	_ = 	snop  }
0x7: {  	_ = 	snop  }
__scs_overlays_trampoline_lowered:
0x8: {  	[smem:$0x3FA7] =	sst s0  }
0x9: {  	[smem:$0x3FA8] =	sst s1  }
0xa: {  	[smem:$0x3FA9] =	sst s2  }
0xb: {  	[smem:$0x3FAA] =	sst s3  }
0xc: {  	[smem:$0x3FAB] =	sst s4  }
0xd: {  	[smem:$0x3FAC] =	sst s5  }
0xe: {  	[smem:$0x3FAD] =	sst s6  }
0xf: {  	[smem:$0x3FAE] =	sst s7  }
0x10: {  	[smem:$0x3FAF] =	sst s8  }
0x11: {  	[smem:$0x3FB0] =	sst s9;
	s0 =	simm.s32 @!p0 $0x0  }
0x12: {  	s1 =	sld [smem:$0x3F96];
	s0 =	simm.s32 @p0 $0x1  }
0x13: {  	[smem:$0x3FB1] =	sst s0;
	s0 =	simm.s32 @!p1 $0x0  }
0x14: {  	s2 =	sld [smem:$0x3F95];
	s0 =	simm.s32 @p1 $0x1  }
0x15: {  	[smem:$0x3FB2] =	sst s0;
	s0 =	simm.s32 @!p2 $0x0  }
0x16: {  	s3 =	sld [smem:$0x3FDB];
	s0 =	simm.s32 @p2 $0x1  }
0x17: {  	s4 =	simm.s32 $0x1BF5;
	[smem:$0x3FB4] =	sst s0  }
0x18: {  	s0 =	sld [smem:$0x3F97];
	_ =	swait.ge [sflag:s4], $0x0  }
0x19: {  	s7 =	sld [smem:$0x3F98]  }
0x1a: {  	s8 =	sadd.s32 $0xFFFFE003, lr  }
0x1b: {  	s9 =	sadd.s32 $0xFFFFFEF7, lr;
	s5 =	simm.s32 $0xFFFFFFFF;
	p2 =	slt.u32 s8, $0xFFFFF086  }
0x1c: {  	p1 =	slt.u32 s9, $0xF7A;
	s5 =	simm.s32 @!p2 $0x0  }
0x1d: {  	s5 =	simm.s32 @p1 $0x1;
	p0 =	seq.s32 s7, s2  }
0x1e: {  	s7 =	smul.u32 @!p0 $0xF7A, s2;
	p2 =	seq.s32 @!p0 s5, $0x0  }
0x1f: {  	s9 =	smul.u32 $0xF7A, s1;
	s8 =	simm.s32 @!p0 $0x1BF5;
	p2 =	por !p2, p0  }
0x20: {  	[sflag:s8] =	ssyncset.s32 @!p0 $0xFFFFF086;
	s6 =	sadd.s32 @!p0 s3, s7;
	s7 =	simm.s32 @!p0 $0x108  }
0x21: {  	s3 =	sadd.s32 s3, s9;
	s6 =	sadd.s32 @!p0 $0x88, s6;
	s7 =	simm.s32 @p2 $0x1082  }
0x22: {  	[simem:s7], [sflag:s8] =	dma.local @!p0 [hbm:s6], $0xF7A  }
0x23: {  	s9 =	sor.u32 $0xD0000000, s2;
	s6 =	simm.s32 $0x108;
	_ =	swait.ge @!p0 [sflag:s8], $0x0  }
0x24: {  	s3 =	sadd.s32 $0x88, s3;
	s6 =	simm.s32 @!p1 $0x1082;
	[sflag:s4] =	ssyncset.s32 $0xFFFFF086  }
0x25: {  	[simem:s6], [sflag:s4] =	dma.local [hbm:s3], $0xF7A  }
0x26: {  	[smem:$0x3F98] =	sst s1;
	(tag) =	ssettag s2;
	_ =	strace s9  }
0x27: {  	s1 =	sld [smem:$0x3FA8]  }
0x28: {  	s2 =	sld [smem:$0x3FA9]  }
0x29: {  	s4 =	sld [smem:$0x3FAB]  }
0x2a: {  	p0 =	seq.s32 s5, $0x0;
	s5 =	sld [smem:$0x3FAC]  }
0x2b: {  	s6 =	sld [smem:$0x3FAD]  }
0x2c: {  	s7 =	sld [smem:$0x3FAE]  }
0x2d: {  	s3 =	simm.s32 $0x108;
	s8 =	sld [smem:$0x3FAF]  }
0x2e: {  	s3 =	simm.s32 @!p0 $0x1082;
	s9 =	sld [smem:$0x3FB0]  }
0x2f: {  	lr =	sadd.s32 s0, s3;
	s0 =	sld [smem:$0x3FA7]  }
0x30: {  	s3 =	sld [smem:$0x3FAA]  }
0x31: {  	[smem:$0x3FB3] =	sst s10  }
0x32: {  	s10 =	sld [smem:$0x3FB1];
	_ =	sdelay $0x3  }
0x33: {  	p0 =	seq.s32 s10, $0x1;
	s10 =	sld [smem:$0x3FB3];
	_ =	sdelay $0x3  }
0x34: {  	[smem:$0x3FB3] =	sst s10  }
0x35: {  	s10 =	sld [smem:$0x3FB2];
	_ =	sdelay $0x3  }
0x36: {  	p1 =	seq.s32 s10, $0x1;
	s10 =	sld [smem:$0x3FB3];
	_ =	sdelay $0x3  }
0x37: {  	[smem:$0x3FB3] =	sst s10  }
0x38: {  	s10 =	sld [smem:$0x3FB4]  }
0x39: {  	_ = 	snop;
	(pc) =	sbr.ind lr, $3  }
0x3a: {  	_ = 	snop  }
0x3b: {  	_ = 	snop  }
0x3c: {  	p2 =	seq.s32 s10, $0x1;
	s10 =	sld [smem:$0x3FB3]  }
0x3d: {  	_ =	shalt  }
0x3e: {  	_ =	shalt  }
0x3f: {  	_ =	shalt  }
0x40: {  	_ =	shalt  }
0x41: {  	_ =	shalt  }
0x42: {  	_ =	shalt  }
0x43: {  	_ =	shalt  }
0x44: {  	_ =	shalt  }
0x45: {  	_ =	shalt  }
0x46: {  	_ =	shalt  }
0x47: {  	_ =	shalt  }
0x48: {  	_ =	shalt  }
0x49: {  	_ =	shalt  }
0x4a: {  	_ =	shalt  }
0x4b: {  	_ =	shalt  }
0x4c: {  	_ =	shalt  }
0x4d: {  	_ =	shalt  }
0x4e: {  	_ =	shalt  }
0x4f: {  	_ =	shalt  }
0x50: {  	_ =	shalt  }
0x51: {  	_ =	shalt  }
0x52: {  	_ =	shalt  }
0x53: {  	_ =	shalt  }
0x54: {  	_ =	shalt  }
0x55: {  	_ =	shalt  }
0x56: {  	_ =	shalt  }
0x57: {  	_ =	shalt  }
0x58: {  	_ =	shalt  }
0x59: {  	_ =	shalt  }
0x5a: {  	_ =	shalt  }
0x5b: {  	_ =	shalt  }
0x5c: {  	_ =	shalt  }
0x5d: {  	_ =	shalt  }
0x5e: {  	_ =	shalt  }
0x5f: {  	_ =	shalt  }
0x60: {  	_ =	shalt  }
0x61: {  	_ =	shalt  }
0x62: {  	_ =	shalt  }
0x63: {  	_ =	shalt  }
0x64: {  	_ =	shalt  }
0x65: {  	_ =	shalt  }
0x66: {  	_ =	shalt  }
0x67: {  	_ =	shalt  }
0x68: {  	_ =	shalt  }
0x69: {  	_ =	shalt  }
0x6a: {  	_ =	shalt  }
0x6b: {  	_ =	shalt  }
0x6c: {  	_ =	shalt  }
0x6d: {  	_ =	shalt  }
0x6e: {  	_ =	shalt  }
0x6f: {  	_ =	shalt  }
0x70: {  	_ =	shalt  }
0x71: {  	_ =	shalt  }
0x72: {  	_ =	shalt  }
0x73: {  	_ =	shalt  }
0x74: {  	_ =	shalt  }
0x75: {  	_ =	shalt  }
0x76: {  	_ =	shalt  }
0x77: {  	_ =	shalt  }
0x78: {  	_ =	shalt  }
0x79: {  	_ =	shalt  }
0x7a: {  	_ =	shalt  }
0x7b: {  	_ =	shalt  }
0x7c: {  	_ =	shalt  }
0x7d: {  	_ =	shalt  }
0x7e: {  	_ =	shalt  }
0x7f: {  	_ =	shalt  }
0x80: {  	_ =	shalt  }
0x81: {  	_ =	shalt  }
0x82: {  	_ =	shalt  }
0x83: {  	_ =	shalt  }
0x84: {  	_ =	shalt  }
0x85: {  	_ =	shalt  }
0x86: {  	_ =	shalt  }
0x87: {  	_ =	shalt  }
.Lfunc_end0:
.L_simem_size_0:
called_computation.4_lowered:
.L_overlay_start_0:
0x88: {  	s2 =	sld [smem:$0x3FD9]  }
0x89: {  	s3 =	sld [smem:$0x3FFE];
	_ =	sdelay $0x1  }
0x8a: {  	s1 =	srdreg.scid  }
0x8b: {  	s0 =	sand.u32 $0x1, s1  }
0x8c: {  	s16 =	sshll.u32 s0, $0xA;
	s2 =	sadd.s32 s3, s2  }
0x8d: {  	s2 =	sadd.s32 s2, s16  }
0x8e: {  	[smem:$0x3FBF] =	sst s2  }
0x8f: {  	_ = 	snop  }
0x90: {  	(tm) =	ssettm $0x1  }
0x91: {  	s17 =	sld [smem:$0x3FFB];
	_ =	sdelay $0x3  }
0x92: {  	_ =	strace s17  }
0x93: {  	s2 =	sld [smem:$0x3FFC];
	_ =	sdelay $0x3  }
0x94: {  	_ =	strace s2  }
0x95: {  	s2 =	sld [smem:$0x3FFD];
	_ =	sdelay $0x3  }
0x96: {  	_ =	strace s2  }
0x97: {  	_ =	strace $0x8FFFFFFF  }
0x98: {  	s18 =	sld [smem:$0x3FDB];
	_ =	sdelay $0x1  }
0x99: {  	s19 =	simm.s32 $_scs_section_size  }
0x9a: {  	s4 =	simm.s32 $_size__tile_overlayer_lowered;
	s5 =	simm.s32 $_tile_overlayer_lowered  }
0x9b: {  	s22 =	simm.s32 $0x1BFF;
	s21 =	sshll.u32 s5, $0x1;
	s2 =	sadd.s32 s19, s18  }
0x9c: {  	s6 =	simm.s32 $0x0;
	s20 =	sshll.u32 s4, $0x1;
	s4 =	sadd.s32 s21, s2  }
0x9d: {  	[timem:s6], [sflag:s22] =	dma.local [hbm:s4], s20  }
0x9e: {  	_ =	swait.ge [sflag:s22], s20  }
0x9f: {  	s3 =	ssub.s32 $0x0, s20;
	[sflag:s22] =	ssyncset.done $0x0  }
0xa0: {  	[sflag:s22] =	ssyncadd.s32 s3;
	_ =	sdelay $0x1  }
0xa1: {  	s23 =	simm.s32 $0x1B8B  }
0xa2: {  	_ =	swait.ge [sflag:s23], $0x1  }
0xa3: {  	[sflag:s23] =	ssyncset.done $0x0  }
0xa4: {  	s25 =	simm.s32 $0x1B8E;
	s24 =	sld [smem:$0x3FFE];
	[sflag:s23] =	ssyncadd.s32 $0xFFFFFFFF  }
0xa5: {  	s26 =	simm.s32 $execute0_lowered;
	[smem:$0x3FD2] =	sst s25  }
0xa6: {  	s4 =	sshll.u32 s26, $0x1;
	_ =	strace $0x80000052;
	[dreg:$0x1] =	wrdreg $0xFFFFFFFF  }
0xa7: {  	s28 =	simm.s32 $_size_execute0_lowered;
	s2 =	sadd.s32 s2, s4;
	[dreg:$0x0] =	wrdreg $0x0  }
0xa8: {  	s4 =	sshll.u32 s28, $0x1;
	[dreg:$0x2] =	wrdreg s2  }
0xa9: {  	[dreg:$0x3] =	wrdreg s4  }
0xaa: {  	[dreg:$0x4] =	wrdreg $0xC0  }
0xab: {  	_ =	task [dreg:s6], $0x5FFFF  }
0xac: {  	[dreg:$0x1] =	wrdreg $0xFFFFFFFF  }
0xad: {  	[dreg:$0x0] =	wrdreg $0x60  }
0xae: {  	[dreg:$0x2] =	wrdreg s24  }
0xaf: {  	[dreg:$0x3] =	wrdreg $0xB0000  }
0xb0: {  	[dreg:$0x4] =	wrdreg $0x9  }
0xb1: {  	_ =	task.clear_ibuf [dreg:s6], $0x5FFFF;
	_ =	strace $0x90000052  }
0xb2: {  	s29 =	simm.s32 $0x9;
	_ =	strace $0x80000054  }
0xb3: {  	_ =	swait.ge [sflag:s29], $0x1  }
0xb4: {  	[sflag:s29] =	ssyncadd.s32 $0xFFFFFFFF  }
0xb5: {  	_ =	strace $0x90000054  }
0xb6: {  	_ =	sfence  }
0xb7: {  	s30 =	sld [smem:$0x0];
	_ =	sdelay $0x2  }
0xb8: {  	s31 =	sshll.u32 s1, $0xD;
	s1 =	sshrl.u32 s1, $0x2  }
0xb9: {  	s3 =	sand.u32 $0x4000, s31;
	s1 =	sadd.s32 s1, s30  }
0xba: {  	s0 =	sor.u32 s3, s0;
	s1 =	sshll.u32 s1, $0x11  }
0xbb: {  	s0 =	sor.u32 s1, s0  }
0xbc: {  	s0 =	sadd.s32 $0x8F2B, s0  }
0xbd: {  	[sflag:s0] =	ssyncadd.remote.s32 $0x1  }
0xbe: {  	_ =	sfence.sel $0xFFFF  }
0xbf: {  	[dreg:$0x0] =	wrdreg $0xFFFFFFFF;
	(pc) =	sbr.abs _section_cstart, $3  }
0xc0: {  	[dreg:$0x1] =	wrdreg $0xFFFFFFFF  }
0xc1: {  	_ =	task.clear_ibuf [dreg:s6], $0x2FFFF;
	_ =	strace $0x9FFFFFFF  }
0xc2: {  	(tm) =	ssettm $0x7FFFFFFF  }
0xc3: {  	_ =	shalt  }
tec
execute0_lowered:
.L_overlay_start_1:
0x0: {  	(tag) =	ssettag $0x1  }
0x1: {  	s8 =	rddreg [dreg:$0x0]  }
0x2: {  	s1 =	rddreg [dreg:$0x1];
	s2 =	simm.s32 $0x0;
	s6 =	srdreg.scid  }
0x3: {  	s4 =	stileid.u32;
	s19 =	simm.s32 $0x40;
	s20 =	simm.s32 $0x5000  }
0x4: {  	s21 =	simm.s32 $0x80;
	s22 =	simm.s32 $0x7000;
	s23 =	simm.s32 $0x1  }
0x5: {  	s24 =	simm.s32 $0x9000;
	s25 =	simm.s32 $0x2;
	s26 =	simm.s32 $0x3  }
0x6: {  	s28 =	simm.s32 $0x4F00;
	s29 =	simm.s32 $0x4F80;
	[smem:$0x7FF] =	sst s2  }
0x7: {  	s3 =	sadd.s32 $0xF800, s8;
	s5 =	sadd.s32 $0x37800, s8;
	s14 =	sadd.s32 $0xBA000, s8  }
0x8: {  	s15 =	sadd.s32 $0xB0000, s8;
	s16 =	sand.u32 $0x1, s6;
	s6 =	sadd.s32 $0xD000, s8  }
0x9: {  	s10 =	smul.u32 $0x50000, s4;
	s7 =	sadd.s32 $0x5F800, s8;
	s8 =	sadd.s32 $0x87800, s8  }
0xa: {  	s12 =	sshll.u32 s4, $0x6;
	s13 =	smul.u32 $0xA00, s4;
	s9 =	ssub.s32 $0x2, s16  }
0xb: {  	_ =	strace $0x80000053;
	p0 =	seq.s32 s16, $0x0;
	s11 =	sshrl.u32 s9, $0x1  }
.Ltmp0:
0xc: {  	s10 =	sshrl.u32 s10, $0x2;
	s18 =	sadd.s32 $0x500, s13;
	(pc) =	sbr.rel .LBB2_1-.Ltmp0, $4  }
0xd: {  	s11 =	ssub.s32 s9, s11;
	s17 =	sadd.s32 s10, s1;
	s9 =	sor.u32 $0x1C04, s12  }
0xe: {  	s10 =	smul.u32 $0x2800, s4;
	s12 =	sadd.s32 s14, s13;
	s13 =	sadd.s32 s15, s13  }
0xf: {  	s14 =	sadd.s32 s14, s18;
	s15 =	sadd.s32 s15, s18;
	s18 =	simm.s32 $0x2800  }
0x10: {  	s11 =	smax.u32 s11, $0x1;
	s16 =	sshrl.u32 s17, $0x3;
	s17 =	simm.s32 $0x4  }
.LBB2_11:
0x11: {  	[sflag:s17] =	ssyncadd.s32 $0xFFFFE000;
	s30 =	smov.u32 s7  }
.LBB2_12:
0x12: {  	_ =	swait.ge [sflag:s23], $0x2000  }
0x13: {  	[sflag:s23] =	ssyncset.done $0x0  }
0x14: {  	[sflag:s23] =	ssyncadd.s32 $0xFFFFE000  }
0x15: {  	[spmem:s1] =	stream.indirect.scatter.add.f32 [tilespmem:s20], [sflag:$0x4], $0x80, s28, s19, $0xb8;
	[tilespmem:$0x1F000] =	vst v63  }
0x16: {  	_ =	swait.ge [sflag:s17], $0x2000  }
0x17: {  	[sflag:s17] =	ssyncset.done $0x0  }
0x18: {  	[sflag:s17] =	ssyncadd.s32 $0xFFFFE000  }
0x19: {  	_ =	swait.ge [sflag:s25], $0x2000  }
0x1a: {  	[sflag:s25] =	ssyncset.done $0x0  }
0x1b: {  	[sflag:s25] =	ssyncadd.s32 $0xFFFFE000  }
0x1c: {  	[spmem:s1] =	stream.indirect.scatter.add.f32 [tilespmem:s22], [sflag:$0x4], $0x80, s29, s19, $0xb8;
	[tilespmem:$0x1F000] =	vst v63  }
0x1d: {  	_ =	swait.ge [sflag:s17], $0x2000  }
0x1e: {  	s2 =	sadd.s32 $0x1, s2;
	[sflag:s17] =	ssyncset.done $0x0  }
0x1f: {  	p1 =	sne.s32 s2, s11;
	[sflag:s17] =	ssyncadd.s32 $0xFFFFE000  }
.Ltmp1:
0x20: {  	s0 =	sadd.s32 s30, s10;
	[bflag:$0x0] =	sbarrier.arrive $0xFFFF;
	(pc) =	sbr.rel @!p1 .LBB2_13-.Ltmp1, $4  }
0x21: {  	[hbm:s0], [sflag:s9] =	dma.local [spmem:s16], $0x2800  }
0x22: {  	_ =	swait.ge [sflag:s17], $0x2800  }
0x23: {  	[sflag:s17] =	ssyncset.done $0x0  }
0x24: {  	[sflag:s17] =	ssyncadd.s32 $0xFFFFD800  }
.LBB2_1:
0x25: {  	[spmem:s16], [sflag:s9] =	dma.local [hbm:s6], $0x2800  }
.Ltmp2:
0x26: {  	_ =	swait.ge [sflag:s17], $0x2800;
	(pc) =	sbr.rel @!p0 .LBB2_2-.Ltmp2, $4  }
0x27: {  	[sflag:s17] =	ssyncset.done $0x0  }
0x28: {  	[sflag:s17] =	ssyncadd.s32 $0xFFFFD800  }
0x29: {  	[bflag:$0x0] =	sbarrier.arrive $0xFFFF  }
0x2a: {  	s30 =	simm.s32 $0x0  }
0x2b: {  	[tilespmem:s30], [sflag:$0x4] =	stream.linear.gather [hbm4b:s12+s30], $0x2800, $0x38;
	[tilespmem:$0x1F000] =	vst v63  }
0x2c: {  	_ =	swait.ge [sflag:s17], $0x2800  }
0x2d: {  	[sflag:s17] =	ssyncset.done $0x0  }
0x2e: {  	[sflag:s17] =	ssyncadd.s32 $0xFFFFD800  }
0x2f: {  	[tilespmem:s18], [sflag:$0x4] =	stream.linear.gather [hbm4b:s13+s30], $0x2800, $0x38;
	[tilespmem:$0x1F000] =	vst v63  }
0x30: {  	_ =	swait.ge [sflag:s17], $0x2800  }
0x31: {  	[sflag:s17] =	ssyncset.done $0x0  }
0x32: {  	[sflag:s17] =	ssyncadd.s32 $0xFFFFD800  }
0x33: {  	[tilespmem:s20], [sflag:$0x1] =	stream.indirect.gather [hbm4b:s3+s19], $0x80, s30, s19, $0xb8;
	[tilespmem:$0x1F000] =	vst v63  }
0x34: {  	_ = 	snop  }
0x35: {  	[tilespmem:s22], [sflag:$0x2] =	stream.indirect.gather [hbm4b:s3+s19], $0x80, s21, s19, $0xb8;
	[tilespmem:$0x1F000] =	vst v63  }
0x36: {  	_ =	swait.ge [sflag:s23], $0x2000  }
0x37: {  	[sflag:s23] =	ssyncset.done $0x0  }
0x38: {  	s30 =	simm.s32 $0x100;
	[sflag:s23] =	ssyncadd.s32 $0xFFFFE000  }
0x39: {  	[tilespmem:s24], [sflag:$0x3] =	stream.indirect.gather [hbm4b:s3+s19], $0x80, s30, s19, $0xb8;
	[tilespmem:$0x1F000] =	vst v63  }
0x3a: {  	s30 =	simm.s32 $0x2800  }
0x3b: {  	[spmem:s1] =	stream.indirect.scatter.add.f32 [tilespmem:s20], [sflag:$0x4], $0x80, s30, s19, $0xb8;
	[tilespmem:$0x1F000] =	vst v63  }
0x3c: {  	_ =	swait.ge [sflag:s17], $0x2000  }
0x3d: {  	[sflag:s17] =	ssyncset.done $0x0  }
0x3e: {  	[sflag:s17] =	ssyncadd.s32 $0xFFFFE000  }
0x3f: {  	_ =	swait.ge [sflag:s25], $0x2000  }
0x40: {  	[sflag:s25] =	ssyncset.done $0x0  }
0x41: {  	s30 =	simm.s32 $0x180;
	[sflag:s25] =	ssyncadd.s32 $0xFFFFE000  }
0x42: {  	[tilespmem:s20], [sflag:$0x1] =	stream.indirect.gather [hbm4b:s3+s19], $0x80, s30, s19, $0xb8;
	[tilespmem:$0x1F000] =	vst v63  }
0x43: {  	s30 =	simm.s32 $0x2880  }
0x44: {  	[spmem:s1] =	stream.indirect.scatter.add.f32 [tilespmem:s22], [sflag:$0x4], $0x80, s30, s19, $0xb8;
	[tilespmem:$0x1F000] =	vst v63  }
0x45: {  	_ =	swait.ge [sflag:s17], $0x2000  }
0x46: {  	[sflag:s17] =	ssyncset.done $0x0  }
0x47: {  	[sflag:s17] =	ssyncadd.s32 $0xFFFFE000  }
0x48: {  	_ =	swait.ge [sflag:s26], $0x2000  }
0x49: {  	[sflag:s26] =	ssyncset.done $0x0  }
0x4a: {  	s30 =	simm.s32 $0x200;
	[sflag:s26] =	ssyncadd.s32 $0xFFFFE000  }
0x4b: {  	[tilespmem:s22], [sflag:$0x2] =	stream.indirect.gather [hbm4b:s3+s19], $0x80, s30, s19, $0xb8;
	[tilespmem:$0x1F000] =	vst v63  }
0x4c: {  	s30 =	simm.s32 $0x2900  }
0x4d: {  	[spmem:s1] =	stream.indirect.scatter.add.f32 [tilespmem:s24], [sflag:$0x4], $0x80, s30, s19, $0xb8;
	[tilespmem:$0x1F000] =	vst v63  }
0x4e: {  	_ =	swait.ge [sflag:s17], $0x2000  }
0x4f: {  	s30 =	simm.s32 $0x600;
	[sflag:s17] =	ssyncset.done $0x0  }
.LBB2_8:
0x50: {  	p1 =	sne.s32 s30, $0x9600  }
0x51: {  	[sflag:s17] =	ssyncadd.s32 $0xFFFFE000;
	s31 =	smov.u32 s30;
	s30 =	sadd.s32 $0x600, s30  }
0x52: {  	_ = 	snop  }
0x53: {  	_ =	swait.ge [sflag:s23], $0x2000  }
0x54: {  	s31 =	sshra.s32 s31, $0x2;
	[sflag:s23] =	ssyncset.done $0x0  }
0x55: {  	s0 =	sadd.s32 $0x100, s31;
	[sflag:s23] =	ssyncadd.s32 $0xFFFFE000  }
0x56: {  	[tilespmem:s24], [sflag:$0x3] =	stream.indirect.gather [hbm4b:s3+s19], $0x80, s0, s19, $0xb8;
	[tilespmem:$0x1F000] =	vst v63  }
0x57: {  	s0 =	sadd.s32 $0x2800, s31  }
0x58: {  	[spmem:s1] =	stream.indirect.scatter.add.f32 [tilespmem:s20], [sflag:$0x4], $0x80, s0, s19, $0xb8;
	[tilespmem:$0x1F000] =	vst v63  }
0x59: {  	_ =	swait.ge [sflag:s17], $0x2000  }
0x5a: {  	[sflag:s17] =	ssyncset.done $0x0  }
0x5b: {  	[sflag:s17] =	ssyncadd.s32 $0xFFFFE000  }
0x5c: {  	_ =	swait.ge [sflag:s25], $0x2000  }
0x5d: {  	[sflag:s25] =	ssyncset.done $0x0  }
0x5e: {  	s0 =	sadd.s32 $0x180, s31;
	[sflag:s25] =	ssyncadd.s32 $0xFFFFE000  }
0x5f: {  	[tilespmem:s20], [sflag:$0x1] =	stream.indirect.gather [hbm4b:s3+s19], $0x80, s0, s19, $0xb8;
	[tilespmem:$0x1F000] =	vst v63  }
0x60: {  	s0 =	sadd.s32 $0x2880, s31  }
0x61: {  	[spmem:s1] =	stream.indirect.scatter.add.f32 [tilespmem:s22], [sflag:$0x4], $0x80, s0, s19, $0xb8;
	[tilespmem:$0x1F000] =	vst v63  }
0x62: {  	_ =	swait.ge [sflag:s17], $0x2000  }
0x63: {  	[sflag:s17] =	ssyncset.done $0x0  }
0x64: {  	[sflag:s17] =	ssyncadd.s32 $0xFFFFE000  }
0x65: {  	_ =	swait.ge [sflag:s26], $0x2000  }
0x66: {  	[sflag:s26] =	ssyncset.done $0x0  }
0x67: {  	s0 =	sadd.s32 $0x200, s31;
	[sflag:s26] =	ssyncadd.s32 $0xFFFFE000  }
0x68: {  	[tilespmem:s22], [sflag:$0x2] =	stream.indirect.gather [hbm4b:s3+s19], $0x80, s0, s19, $0xb8;
	[tilespmem:$0x1F000] =	vst v63  }
.Ltmp3:
0x69: {  	_ = 	snop;
	(pc) =	sbr.rel @p1 .LBB2_8-.Ltmp3, $4  }
0x6a: {  	s0 =	sadd.s32 $0x2900, s31  }
0x6b: {  	[spmem:s1] =	stream.indirect.scatter.add.f32 [tilespmem:s24], [sflag:$0x4], $0x80, s0, s19, $0xb8;
	[tilespmem:$0x1F000] =	vst v63  }
0x6c: {  	_ =	swait.ge [sflag:s17], $0x2000  }
0x6d: {  	[sflag:s17] =	ssyncset.done $0x0  }
0x6e: {  	[sflag:s17] =	ssyncadd.s32 $0xFFFFE000  }
0x6f: {  	_ =	swait.ge [sflag:s23], $0x2000  }
0x70: {  	[sflag:s23] =	ssyncset.done $0x0  }
0x71: {  	[sflag:s23] =	ssyncadd.s32 $0xFFFFE000  }
0x72: {  	[spmem:s1] =	stream.indirect.scatter.add.f32 [tilespmem:s20], [sflag:$0x4], $0x80, s28, s19, $0xb8;
	[tilespmem:$0x1F000] =	vst v63  }
0x73: {  	_ =	swait.ge [sflag:s17], $0x2000  }
0x74: {  	[sflag:s17] =	ssyncset.done $0x0  }
0x75: {  	[sflag:s17] =	ssyncadd.s32 $0xFFFFE000  }
0x76: {  	_ =	swait.ge [sflag:s25], $0x2000  }
0x77: {  	[sflag:s25] =	ssyncset.done $0x0  }
0x78: {  	[sflag:s25] =	ssyncadd.s32 $0xFFFFE000  }
0x79: {  	[spmem:s1] =	stream.indirect.scatter.add.f32 [tilespmem:s22], [sflag:$0x4], $0x80, s29, s19, $0xb8;
	[tilespmem:$0x1F000] =	vst v63  }
0x7a: {  	_ =	swait.ge [sflag:s17], $0x2000  }
0x7b: {  	[sflag:s17] =	ssyncset.done $0x0  }
0x7c: {  	s0 =	simm.s32 $0x0;
	[sflag:s17] =	ssyncadd.s32 $0xFFFFE000  }
0x7d: {  	[tilespmem:s0], [sflag:$0x4] =	stream.linear.gather [hbm4b:s14+s0], $0x2800, $0x38;
	[tilespmem:$0x1F000] =	vst v63  }
0x7e: {  	_ =	swait.ge [sflag:s17], $0x2800  }
0x7f: {  	[sflag:s17] =	ssyncset.done $0x0  }
0x80: {  	[sflag:s17] =	ssyncadd.s32 $0xFFFFD800  }
0x81: {  	[tilespmem:s18], [sflag:$0x4] =	stream.linear.gather [hbm4b:s15+s0], $0x2800, $0x38;
	[tilespmem:$0x1F000] =	vst v63  }
0x82: {  	_ =	swait.ge [sflag:s17], $0x2800  }
0x83: {  	[sflag:s17] =	ssyncset.done $0x0  }
0x84: {  	[sflag:s17] =	ssyncadd.s32 $0xFFFFD800  }
0x85: {  	[tilespmem:s20], [sflag:$0x1] =	stream.indirect.gather [hbm4b:s3+s19], $0x80, s0, s19, $0xb8;
	[tilespmem:$0x1F000] =	vst v63  }
0x86: {  	_ = 	snop  }
0x87: {  	[tilespmem:s22], [sflag:$0x2] =	stream.indirect.gather [hbm4b:s3+s19], $0x80, s21, s19, $0xb8;
	[tilespmem:$0x1F000] =	vst v63  }
0x88: {  	_ =	swait.ge [sflag:s23], $0x2000  }
0x89: {  	[sflag:s23] =	ssyncset.done $0x0  }
0x8a: {  	s31 =	simm.s32 $0x100;
	[sflag:s23] =	ssyncadd.s32 $0xFFFFE000  }
0x8b: {  	[tilespmem:s24], [sflag:$0x3] =	stream.indirect.gather [hbm4b:s3+s19], $0x80, s31, s19, $0xb8;
	[tilespmem:$0x1F000] =	vst v63  }
0x8c: {  	s31 =	simm.s32 $0x2800  }
0x8d: {  	[spmem:s1] =	stream.indirect.scatter.add.f32 [tilespmem:s20], [sflag:$0x4], $0x80, s31, s19, $0xb8;
	[tilespmem:$0x1F000] =	vst v63  }
0x8e: {  	_ =	swait.ge [sflag:s17], $0x2000  }
0x8f: {  	[sflag:s17] =	ssyncset.done $0x0  }
0x90: {  	[sflag:s17] =	ssyncadd.s32 $0xFFFFE000  }
0x91: {  	_ =	swait.ge [sflag:s25], $0x2000  }
0x92: {  	[sflag:s25] =	ssyncset.done $0x0  }
0x93: {  	s31 =	simm.s32 $0x180;
	[sflag:s25] =	ssyncadd.s32 $0xFFFFE000  }
0x94: {  	[tilespmem:s20], [sflag:$0x1] =	stream.indirect.gather [hbm4b:s3+s19], $0x80, s31, s19, $0xb8;
	[tilespmem:$0x1F000] =	vst v63  }
0x95: {  	s31 =	simm.s32 $0x2880  }
0x96: {  	[spmem:s1] =	stream.indirect.scatter.add.f32 [tilespmem:s22], [sflag:$0x4], $0x80, s31, s19, $0xb8;
	[tilespmem:$0x1F000] =	vst v63  }
0x97: {  	_ =	swait.ge [sflag:s17], $0x2000  }
0x98: {  	[sflag:s17] =	ssyncset.done $0x0  }
0x99: {  	[sflag:s17] =	ssyncadd.s32 $0xFFFFE000  }
0x9a: {  	_ =	swait.ge [sflag:s26], $0x2000  }
0x9b: {  	[sflag:s26] =	ssyncset.done $0x0  }
0x9c: {  	s31 =	simm.s32 $0x200;
	[sflag:s26] =	ssyncadd.s32 $0xFFFFE000  }
0x9d: {  	[tilespmem:s22], [sflag:$0x2] =	stream.indirect.gather [hbm4b:s3+s19], $0x80, s31, s19, $0xb8;
	[tilespmem:$0x1F000] =	vst v63  }
0x9e: {  	s31 =	simm.s32 $0x2900  }
0x9f: {  	[spmem:s1] =	stream.indirect.scatter.add.f32 [tilespmem:s24], [sflag:$0x4], $0x80, s31, s19, $0xb8;
	[tilespmem:$0x1F000] =	vst v63  }
0xa0: {  	_ =	swait.ge [sflag:s17], $0x2000  }
0xa1: {  	s30 =	simm.s32 $0x600;
	[sflag:s17] =	ssyncset.done $0x0  }
.LBB2_10:
0xa2: {  	p1 =	seq.s32 s30, $0x9600  }
0xa3: {  	[sflag:s17] =	ssyncadd.s32 $0xFFFFE000;
	s0 =	smov.u32 s30;
	s30 =	sadd.s32 $0x600, s30  }
0xa4: {  	_ = 	snop  }
0xa5: {  	_ =	swait.ge [sflag:s23], $0x2000  }
0xa6: {  	s0 =	sshra.s32 s0, $0x2;
	[sflag:s23] =	ssyncset.done $0x0  }
0xa7: {  	s31 =	sadd.s32 $0x100, s0;
	[sflag:s23] =	ssyncadd.s32 $0xFFFFE000  }
0xa8: {  	[tilespmem:s24], [sflag:$0x3] =	stream.indirect.gather [hbm4b:s3+s19], $0x80, s31, s19, $0xb8;
	[tilespmem:$0x1F000] =	vst v63  }
0xa9: {  	s31 =	sadd.s32 $0x2800, s0  }
0xaa: {  	[spmem:s1] =	stream.indirect.scatter.add.f32 [tilespmem:s20], [sflag:$0x4], $0x80, s31, s19, $0xb8;
	[tilespmem:$0x1F000] =	vst v63  }
0xab: {  	_ =	swait.ge [sflag:s17], $0x2000  }
0xac: {  	[sflag:s17] =	ssyncset.done $0x0  }
0xad: {  	[sflag:s17] =	ssyncadd.s32 $0xFFFFE000  }
0xae: {  	_ =	swait.ge [sflag:s25], $0x2000  }
0xaf: {  	[sflag:s25] =	ssyncset.done $0x0  }
0xb0: {  	s31 =	sadd.s32 $0x180, s0;
	[sflag:s25] =	ssyncadd.s32 $0xFFFFE000  }
0xb1: {  	[tilespmem:s20], [sflag:$0x1] =	stream.indirect.gather [hbm4b:s3+s19], $0x80, s31, s19, $0xb8;
	[tilespmem:$0x1F000] =	vst v63  }
0xb2: {  	s31 =	sadd.s32 $0x2880, s0  }
0xb3: {  	[spmem:s1] =	stream.indirect.scatter.add.f32 [tilespmem:s22], [sflag:$0x4], $0x80, s31, s19, $0xb8;
	[tilespmem:$0x1F000] =	vst v63  }
0xb4: {  	_ =	swait.ge [sflag:s17], $0x2000  }
0xb5: {  	[sflag:s17] =	ssyncset.done $0x0  }
0xb6: {  	[sflag:s17] =	ssyncadd.s32 $0xFFFFE000  }
0xb7: {  	_ =	swait.ge [sflag:s26], $0x2000  }
0xb8: {  	[sflag:s26] =	ssyncset.done $0x0  }
0xb9: {  	s31 =	sadd.s32 $0x200, s0;
	[sflag:s26] =	ssyncadd.s32 $0xFFFFE000  }
0xba: {  	[tilespmem:s22], [sflag:$0x2] =	stream.indirect.gather [hbm4b:s3+s19], $0x80, s31, s19, $0xb8;
	[tilespmem:$0x1F000] =	vst v63  }
.Ltmp4:
0xbb: {  	_ = 	snop;
	(pc) =	sbr.rel @!p1 .LBB2_10-.Ltmp4, $4  }
0xbc: {  	s0 =	sadd.s32 $0x2900, s0  }
0xbd: {  	[spmem:s1] =	stream.indirect.scatter.add.f32 [tilespmem:s24], [sflag:$0x4], $0x80, s0, s19, $0xb8;
	[tilespmem:$0x1F000] =	vst v63  }
0xbe: {  	_ =	swait.ge [sflag:s17], $0x2000  }
0xbf: {  	[sflag:s17] =	ssyncset.done $0x0  }
.Ltmp5:
0xc0: {  	_ = 	snop;
	(pc) =	sbr.rel .LBB2_11-.Ltmp5, $1  }
0xc1: {  	_ =	sdelay $0x3  }
.LBB2_2:
0xc2: {  	[tilespmem:s30], [sflag:$0x4] =	stream.linear.gather [hbm4b:s12+s30], $0x2800, $0x38;
	[tilespmem:$0x1F000] =	vst v63  }
0xc3: {  	_ =	swait.ge [sflag:s17], $0x2800  }
0xc4: {  	[sflag:s17] =	ssyncset.done $0x0  }
0xc5: {  	[sflag:s17] =	ssyncadd.s32 $0xFFFFD800  }
0xc6: {  	[tilespmem:s18], [sflag:$0x4] =	stream.linear.gather [hbm4b:s13+s30], $0x2800, $0x38;
	[tilespmem:$0x1F000] =	vst v63  }
0xc7: {  	_ =	swait.ge [sflag:s17], $0x2800  }
0xc8: {  	[sflag:s17] =	ssyncset.done $0x0  }
0xc9: {  	[sflag:s17] =	ssyncadd.s32 $0xFFFFD800  }
0xca: {  	[tilespmem:s20], [sflag:$0x1] =	stream.indirect.gather [hbm4b:s5+s19], $0x80, s30, s19, $0xb8;
	[tilespmem:$0x1F000] =	vst v63  }
0xcb: {  	_ = 	snop  }
0xcc: {  	[tilespmem:s22], [sflag:$0x2] =	stream.indirect.gather [hbm4b:s5+s19], $0x80, s21, s19, $0xb8;
	[tilespmem:$0x1F000] =	vst v63  }
0xcd: {  	_ =	swait.ge [sflag:s23], $0x2000  }
0xce: {  	[sflag:s23] =	ssyncset.done $0x0  }
0xcf: {  	s0 =	simm.s32 $0x100;
	[sflag:s23] =	ssyncadd.s32 $0xFFFFE000  }
0xd0: {  	[tilespmem:s24], [sflag:$0x3] =	stream.indirect.gather [hbm4b:s5+s19], $0x80, s0, s19, $0xb8;
	[tilespmem:$0x1F000] =	vst v63  }
0xd1: {  	s31 =	simm.s32 $0x2800  }
0xd2: {  	[spmem:s1] =	stream.indirect.scatter.add.f32 [tilespmem:s20], [sflag:$0x4], $0x80, s31, s19, $0xb8;
	[tilespmem:$0x1F000] =	vst v63  }
0xd3: {  	_ =	swait.ge [sflag:s17], $0x2000  }
0xd4: {  	[sflag:s17] =	ssyncset.done $0x0  }
0xd5: {  	[sflag:s17] =	ssyncadd.s32 $0xFFFFE000  }
0xd6: {  	_ =	swait.ge [sflag:s25], $0x2000  }
0xd7: {  	[sflag:s25] =	ssyncset.done $0x0  }
0xd8: {  	s31 =	simm.s32 $0x180;
	[sflag:s25] =	ssyncadd.s32 $0xFFFFE000  }
0xd9: {  	[tilespmem:s20], [sflag:$0x1] =	stream.indirect.gather [hbm4b:s5+s19], $0x80, s31, s19, $0xb8;
	[tilespmem:$0x1F000] =	vst v63  }
0xda: {  	s31 =	simm.s32 $0x2880  }
0xdb: {  	[spmem:s1] =	stream.indirect.scatter.add.f32 [tilespmem:s22], [sflag:$0x4], $0x80, s31, s19, $0xb8;
	[tilespmem:$0x1F000] =	vst v63  }
0xdc: {  	_ =	swait.ge [sflag:s17], $0x2000  }
0xdd: {  	[sflag:s17] =	ssyncset.done $0x0  }
0xde: {  	[sflag:s17] =	ssyncadd.s32 $0xFFFFE000  }
0xdf: {  	_ =	swait.ge [sflag:s26], $0x2000  }
0xe0: {  	[sflag:s26] =	ssyncset.done $0x0  }
0xe1: {  	s31 =	simm.s32 $0x200;
	[sflag:s26] =	ssyncadd.s32 $0xFFFFE000  }
0xe2: {  	[tilespmem:s22], [sflag:$0x2] =	stream.indirect.gather [hbm4b:s5+s19], $0x80, s31, s19, $0xb8;
	[tilespmem:$0x1F000] =	vst v63  }
0xe3: {  	s31 =	simm.s32 $0x2900  }
0xe4: {  	[spmem:s1] =	stream.indirect.scatter.add.f32 [tilespmem:s24], [sflag:$0x4], $0x80, s31, s19, $0xb8;
	[tilespmem:$0x1F000] =	vst v63  }
0xe5: {  	_ =	swait.ge [sflag:s17], $0x2000  }
0xe6: {  	s30 =	simm.s32 $0x600;
	[sflag:s17] =	ssyncset.done $0x0  }
.LBB2_3:
0xe7: {  	p1 =	sne.s32 s30, $0x9600  }
0xe8: {  	[sflag:s17] =	ssyncadd.s32 $0xFFFFE000;
	s0 =	smov.u32 s30;
	s30 =	sadd.s32 $0x600, s30  }
0xe9: {  	_ = 	snop  }
0xea: {  	_ =	swait.ge [sflag:s23], $0x2000  }
0xeb: {  	s0 =	sshra.s32 s0, $0x2;
	[sflag:s23] =	ssyncset.done $0x0  }
0xec: {  	s31 =	sadd.s32 $0x100, s0;
	[sflag:s23] =	ssyncadd.s32 $0xFFFFE000  }
0xed: {  	[tilespmem:s24], [sflag:$0x3] =	stream.indirect.gather [hbm4b:s5+s19], $0x80, s31, s19, $0xb8;
	[tilespmem:$0x1F000] =	vst v63  }
0xee: {  	s31 =	sadd.s32 $0x2800, s0  }
0xef: {  	[spmem:s1] =	stream.indirect.scatter.add.f32 [tilespmem:s20], [sflag:$0x4], $0x80, s31, s19, $0xb8;
	[tilespmem:$0x1F000] =	vst v63  }
0xf0: {  	_ =	swait.ge [sflag:s17], $0x2000  }
0xf1: {  	[sflag:s17] =	ssyncset.done $0x0  }
0xf2: {  	[sflag:s17] =	ssyncadd.s32 $0xFFFFE000  }
0xf3: {  	_ =	swait.ge [sflag:s25], $0x2000  }
0xf4: {  	[sflag:s25] =	ssyncset.done $0x0  }
0xf5: {  	s31 =	sadd.s32 $0x180, s0;
	[sflag:s25] =	ssyncadd.s32 $0xFFFFE000  }
0xf6: {  	[tilespmem:s20], [sflag:$0x1] =	stream.indirect.gather [hbm4b:s5+s19], $0x80, s31, s19, $0xb8;
	[tilespmem:$0x1F000] =	vst v63  }
0xf7: {  	s31 =	sadd.s32 $0x2880, s0  }
0xf8: {  	[spmem:s1] =	stream.indirect.scatter.add.f32 [tilespmem:s22], [sflag:$0x4], $0x80, s31, s19, $0xb8;
	[tilespmem:$0x1F000] =	vst v63  }
0xf9: {  	_ =	swait.ge [sflag:s17], $0x2000  }
0xfa: {  	[sflag:s17] =	ssyncset.done $0x0  }
0xfb: {  	[sflag:s17] =	ssyncadd.s32 $0xFFFFE000  }
0xfc: {  	_ =	swait.ge [sflag:s26], $0x2000  }
0xfd: {  	[sflag:s26] =	ssyncset.done $0x0  }
0xfe: {  	s31 =	sadd.s32 $0x200, s0;
	[sflag:s26] =	ssyncadd.s32 $0xFFFFE000  }
0xff: {  	[tilespmem:s22], [sflag:$0x2] =	stream.indirect.gather [hbm4b:s5+s19], $0x80, s31, s19, $0xb8;
	[tilespmem:$0x1F000] =	vst v63  }
.Ltmp6:
0x100: {  	_ = 	snop;
	(pc) =	sbr.rel @p1 .LBB2_3-.Ltmp6, $4  }
0x101: {  	s0 =	sadd.s32 $0x2900, s0  }
0x102: {  	[spmem:s1] =	stream.indirect.scatter.add.f32 [tilespmem:s24], [sflag:$0x4], $0x80, s0, s19, $0xb8;
	[tilespmem:$0x1F000] =	vst v63  }
0x103: {  	_ =	swait.ge [sflag:s17], $0x2000  }
0x104: {  	[sflag:s17] =	ssyncset.done $0x0  }
0x105: {  	[sflag:s17] =	ssyncadd.s32 $0xFFFFE000  }
0x106: {  	_ =	swait.ge [sflag:s23], $0x2000  }
0x107: {  	[sflag:s23] =	ssyncset.done $0x0  }
0x108: {  	[sflag:s23] =	ssyncadd.s32 $0xFFFFE000  }
0x109: {  	[spmem:s1] =	stream.indirect.scatter.add.f32 [tilespmem:s20], [sflag:$0x4], $0x80, s28, s19, $0xb8;
	[tilespmem:$0x1F000] =	vst v63  }
0x10a: {  	_ =	swait.ge [sflag:s17], $0x2000  }
0x10b: {  	[sflag:s17] =	ssyncset.done $0x0  }
0x10c: {  	[sflag:s17] =	ssyncadd.s32 $0xFFFFE000  }
0x10d: {  	_ =	swait.ge [sflag:s25], $0x2000  }
0x10e: {  	[sflag:s25] =	ssyncset.done $0x0  }
0x10f: {  	[sflag:s25] =	ssyncadd.s32 $0xFFFFE000  }
0x110: {  	[spmem:s1] =	stream.indirect.scatter.add.f32 [tilespmem:s22], [sflag:$0x4], $0x80, s29, s19, $0xb8;
	[tilespmem:$0x1F000] =	vst v63  }
0x111: {  	_ =	swait.ge [sflag:s17], $0x2000  }
0x112: {  	[sflag:s17] =	ssyncset.done $0x0  }
0x113: {  	s0 =	simm.s32 $0x0;
	[sflag:s17] =	ssyncadd.s32 $0xFFFFE000  }
0x114: {  	[tilespmem:s0], [sflag:$0x4] =	stream.linear.gather [hbm4b:s14+s0], $0x2800, $0x38;
	[tilespmem:$0x1F000] =	vst v63  }
0x115: {  	_ =	swait.ge [sflag:s17], $0x2800  }
0x116: {  	[sflag:s17] =	ssyncset.done $0x0  }
0x117: {  	[sflag:s17] =	ssyncadd.s32 $0xFFFFD800  }
0x118: {  	[tilespmem:s18], [sflag:$0x4] =	stream.linear.gather [hbm4b:s15+s0], $0x2800, $0x38;
	[tilespmem:$0x1F000] =	vst v63  }
0x119: {  	_ =	swait.ge [sflag:s17], $0x2800  }
0x11a: {  	[sflag:s17] =	ssyncset.done $0x0  }
0x11b: {  	[sflag:s17] =	ssyncadd.s32 $0xFFFFD800  }
0x11c: {  	[tilespmem:s20], [sflag:$0x1] =	stream.indirect.gather [hbm4b:s5+s19], $0x80, s0, s19, $0xb8;
	[tilespmem:$0x1F000] =	vst v63  }
0x11d: {  	_ = 	snop  }
0x11e: {  	[tilespmem:s22], [sflag:$0x2] =	stream.indirect.gather [hbm4b:s5+s19], $0x80, s21, s19, $0xb8;
	[tilespmem:$0x1F000] =	vst v63  }
0x11f: {  	_ =	swait.ge [sflag:s23], $0x2000  }
0x120: {  	[sflag:s23] =	ssyncset.done $0x0  }
0x121: {  	s31 =	simm.s32 $0x100;
	[sflag:s23] =	ssyncadd.s32 $0xFFFFE000  }
0x122: {  	[tilespmem:s24], [sflag:$0x3] =	stream.indirect.gather [hbm4b:s5+s19], $0x80, s31, s19, $0xb8;
	[tilespmem:$0x1F000] =	vst v63  }
0x123: {  	s31 =	simm.s32 $0x2800  }
0x124: {  	[spmem:s1] =	stream.indirect.scatter.add.f32 [tilespmem:s20], [sflag:$0x4], $0x80, s31, s19, $0xb8;
	[tilespmem:$0x1F000] =	vst v63  }
0x125: {  	_ =	swait.ge [sflag:s17], $0x2000  }
0x126: {  	[sflag:s17] =	ssyncset.done $0x0  }
0x127: {  	[sflag:s17] =	ssyncadd.s32 $0xFFFFE000  }
0x128: {  	_ =	swait.ge [sflag:s25], $0x2000  }
0x129: {  	[sflag:s25] =	ssyncset.done $0x0  }
0x12a: {  	s31 =	simm.s32 $0x180;
	[sflag:s25] =	ssyncadd.s32 $0xFFFFE000  }
0x12b: {  	[tilespmem:s20], [sflag:$0x1] =	stream.indirect.gather [hbm4b:s5+s19], $0x80, s31, s19, $0xb8;
	[tilespmem:$0x1F000] =	vst v63  }
0x12c: {  	s31 =	simm.s32 $0x2880  }
0x12d: {  	[spmem:s1] =	stream.indirect.scatter.add.f32 [tilespmem:s22], [sflag:$0x4], $0x80, s31, s19, $0xb8;
	[tilespmem:$0x1F000] =	vst v63  }
0x12e: {  	_ =	swait.ge [sflag:s17], $0x2000  }
0x12f: {  	[sflag:s17] =	ssyncset.done $0x0  }
0x130: {  	[sflag:s17] =	ssyncadd.s32 $0xFFFFE000  }
0x131: {  	_ =	swait.ge [sflag:s26], $0x2000  }
0x132: {  	[sflag:s26] =	ssyncset.done $0x0  }
0x133: {  	s31 =	simm.s32 $0x200;
	[sflag:s26] =	ssyncadd.s32 $0xFFFFE000  }
0x134: {  	[tilespmem:s22], [sflag:$0x2] =	stream.indirect.gather [hbm4b:s5+s19], $0x80, s31, s19, $0xb8;
	[tilespmem:$0x1F000] =	vst v63  }
0x135: {  	s31 =	simm.s32 $0x2900  }
0x136: {  	[spmem:s1] =	stream.indirect.scatter.add.f32 [tilespmem:s24], [sflag:$0x4], $0x80, s31, s19, $0xb8;
	[tilespmem:$0x1F000] =	vst v63  }
0x137: {  	_ =	swait.ge [sflag:s17], $0x2000  }
0x138: {  	s30 =	simm.s32 $0x600;
	[sflag:s17] =	ssyncset.done $0x0  }
.LBB2_5:
0x139: {  	p1 =	sne.s32 s30, $0x9600  }
0x13a: {  	[sflag:s17] =	ssyncadd.s32 $0xFFFFE000;
	s0 =	smov.u32 s30;
	s30 =	sadd.s32 $0x600, s30  }
0x13b: {  	_ = 	snop  }
0x13c: {  	_ =	swait.ge [sflag:s23], $0x2000  }
0x13d: {  	s0 =	sshra.s32 s0, $0x2;
	[sflag:s23] =	ssyncset.done $0x0  }
0x13e: {  	s31 =	sadd.s32 $0x100, s0;
	[sflag:s23] =	ssyncadd.s32 $0xFFFFE000  }
0x13f: {  	[tilespmem:s24], [sflag:$0x3] =	stream.indirect.gather [hbm4b:s5+s19], $0x80, s31, s19, $0xb8;
	[tilespmem:$0x1F000] =	vst v63  }
0x140: {  	s31 =	sadd.s32 $0x2800, s0  }
0x141: {  	[spmem:s1] =	stream.indirect.scatter.add.f32 [tilespmem:s20], [sflag:$0x4], $0x80, s31, s19, $0xb8;
	[tilespmem:$0x1F000] =	vst v63  }
0x142: {  	_ =	swait.ge [sflag:s17], $0x2000  }
0x143: {  	[sflag:s17] =	ssyncset.done $0x0  }
0x144: {  	[sflag:s17] =	ssyncadd.s32 $0xFFFFE000  }
0x145: {  	_ =	swait.ge [sflag:s25], $0x2000  }
0x146: {  	[sflag:s25] =	ssyncset.done $0x0  }
0x147: {  	s31 =	sadd.s32 $0x180, s0;
	[sflag:s25] =	ssyncadd.s32 $0xFFFFE000  }
0x148: {  	[tilespmem:s20], [sflag:$0x1] =	stream.indirect.gather [hbm4b:s5+s19], $0x80, s31, s19, $0xb8;
	[tilespmem:$0x1F000] =	vst v63  }
0x149: {  	s31 =	sadd.s32 $0x2880, s0  }
0x14a: {  	[spmem:s1] =	stream.indirect.scatter.add.f32 [tilespmem:s22], [sflag:$0x4], $0x80, s31, s19, $0xb8;
	[tilespmem:$0x1F000] =	vst v63  }
0x14b: {  	_ =	swait.ge [sflag:s17], $0x2000  }
0x14c: {  	[sflag:s17] =	ssyncset.done $0x0  }
0x14d: {  	[sflag:s17] =	ssyncadd.s32 $0xFFFFE000  }
0x14e: {  	_ =	swait.ge [sflag:s26], $0x2000  }
0x14f: {  	[sflag:s26] =	ssyncset.done $0x0  }
0x150: {  	s31 =	sadd.s32 $0x200, s0;
	[sflag:s26] =	ssyncadd.s32 $0xFFFFE000  }
0x151: {  	[tilespmem:s22], [sflag:$0x2] =	stream.indirect.gather [hbm4b:s5+s19], $0x80, s31, s19, $0xb8;
	[tilespmem:$0x1F000] =	vst v63  }
.Ltmp7:
0x152: {  	_ = 	snop;
	(pc) =	sbr.rel @p1 .LBB2_5-.Ltmp7, $4  }
0x153: {  	s0 =	sadd.s32 $0x2900, s0  }
0x154: {  	[spmem:s1] =	stream.indirect.scatter.add.f32 [tilespmem:s24], [sflag:$0x4], $0x80, s0, s19, $0xb8;
	[tilespmem:$0x1F000] =	vst v63  }
0x155: {  	_ =	swait.ge [sflag:s17], $0x2000  }
0x156: {  	[sflag:s17] =	ssyncset.done $0x0  }
.Ltmp8:
0x157: {  	(pc) =	sbr.rel .LBB2_12-.Ltmp8, $2  }
0x158: {  	_ =	sdelay $0x2  }
0x159: {  	[sflag:s17] =	ssyncadd.s32 $0xFFFFE000;
	s30 =	smov.u32 s8  }
.LBB2_13:
0x15a: {  	_ =	sfence.sel $0x180000  }
0x15b: {  	[bflag:$0x0] =	sbarrier.arrive $0xFFFF  }
0x15c: {  	_ =	strace $0x90000053  }
0x15d: {  	[bflag:$0x2] =	sbarrier.arrive $0xFFFF  }
0x15e: {  	p0 =	sne.s32 s4, $0x0;
	s0 =	rddreg [dreg:$0x2]  }
0x15f: {  	s0 =	sadd.s32 @!p0 $0x100000, s0  }
0x160: {  	[sflag:s0] =	ssyncadd.tile.s32 @!p0 $0x1;
	_ =	shalt  }
.Lfunc_end2:
_tile_overlayer_lowered:
.L_overlay_start_2:
0x161: {  	(tag) =	ssettag $0x2  }
0x162: {  	s0 =	rddreg [dreg:$0x0];
	s2 =	stileid.u32  }
0x163: {  	s1 =	rddreg [dreg:$0x1];
	p0 =	sne.s32 s2, $0x0  }
0x164: {  	s3 =	rddreg [dreg:$0x2];
	[bflag:$0x3] =	sbarrier.arrive $0xFFFF;
	s2 =	simm.s32 @!p0 $0x1C04  }
0x165: {  	[timem:s3], [sflag:s2] =	dma.local @!p0 [hbm:s0], s1  }
0x166: {  	s0 =	simm.s32 @!p0 $0x4  }
0x167: {  	_ =	swait.ge @!p0 [sflag:s0], s1  }
0x168: {  	s1 =	ssub.s32 @!p0 $0x0, s1;
	[sflag:s0] =	ssyncset.done @!p0 $0x0  }
0x169: {  	[sflag:s0] =	ssyncadd.s32 @!p0 s1  }
0x16a: {  	[bflag:$0x3] =	sbarrier.arrive $0xFFFF  }
0x16b: {  	_ =	shalt  }

</sc_bundles>
